<compile_context>
chip_gen: v7x
topology: tpu7x:2x2x1
jax: 0.10.2.dev20260603
libtpu: 0.0.44.dev20260713+nightly
codegen_flags: <defaults>
</compile_context>

<pallas_src>
import functools

import jax
import jax.numpy as jnp
from jax import lax
from jax.experimental import pallas as pl
from jax.experimental.pallas import tpu as pltpu
from jax.experimental.pallas import tpu_sc as plsc

N = 10000
E = 160000
E_PAD = 163840
D_T = 384
BE = 1024
BN = 1000
GW = 128
CH = 128
NP = 10240
SIGMAS = [1.5 ** i for i in range(15)]


def _lrelu(t):
    return jnp.where(t >= 0, t, 0.01 * t)


def _ln(t, g, b):
    m = jnp.mean(t, axis=-1, keepdims=True)
    v = jnp.mean((t - m) ** 2, axis=-1, keepdims=True)
    return (t - m) * jax.lax.rsqrt(v + 1e-5) * g + b


def _dot(a, b):
    return jnp.dot(a, b, preferred_element_type=jnp.float32)


def _prep_body(h_ref, hi_ref, xp_ref, w1a_ref, w1b_ref, eb1_ref, ng_ref,
               nb_ref, wa_ref, wc_ref, wd_ref, nb1_ref, t1_ref, t2_ref,
               c_ref):
    h = h_ref[...]
    xp = xp_ref[...]
    zpad = jnp.zeros((xp.shape[0], D_T - 272), jnp.float32)
    t1_ref[...] = jnp.concatenate(
        [_dot(h, w1a_ref[...]) + eb1_ref[...], xp, zpad], axis=1)
    t2_ref[...] = jnp.concatenate([_dot(h, w1b_ref[...]), xp, zpad], axis=1)
    hn = _ln(h, ng_ref[...], nb_ref[...])
    c_ref[...] = (_dot(hn, wa_ref[...]) + _dot(h, wc_ref[...])
                  + _dot(hi_ref[...], wd_ref[...]) + nb1_ref[...])


def _prep_call(h, h_init, xpad, w1a, w1b, eb1r, ngr, nbr, wa, wc, wd, nb1r):
    row = lambda i: (i, 0)
    full = lambda i: (0, 0)
    return pl.pallas_call(
        _prep_body,
        grid=(N // BN,),
        in_specs=[
            pl.BlockSpec((BN, 256), row),
            pl.BlockSpec((BN, 256), row),
            pl.BlockSpec((BN, 16), row),
            pl.BlockSpec((256, 256), full),
            pl.BlockSpec((256, 256), full),
            pl.BlockSpec((1, 256), full),
            pl.BlockSpec((1, 256), full),
            pl.BlockSpec((1, 256), full),
            pl.BlockSpec((256, 256), full),
            pl.BlockSpec((256, 256), full),
            pl.BlockSpec((256, 256), full),
            pl.BlockSpec((1, 256), full),
        ],
        out_specs=[
            pl.BlockSpec((BN, D_T), row),
            pl.BlockSpec((BN, D_T), row),
            pl.BlockSpec((BN, 256), row),
        ],
        out_shape=[
            jax.ShapeDtypeStruct((N, D_T), jnp.float32),
            jax.ShapeDtypeStruct((N, D_T), jnp.float32),
            jax.ShapeDtypeStruct((N, 256), jnp.float32),
        ],
    )(h, h_init, xpad, w1a, w1b, eb1r, ngr, nbr, wa, wc, wd, nb1r)


def _sc_gather_one(table, idx, dep):
    mesh = plsc.VectorSubcoreMesh(core_axis_name="c", subcore_axis_name="s")

    @functools.partial(
        pl.kernel,
        out_type=jax.ShapeDtypeStruct((E_PAD, D_T), jnp.float32),
        mesh=mesh,
    )
    def k(t_hbm, i_hbm, dep_hbm, g_hbm):
        def body(i1, o1):
            pltpu.sync_copy(t_hbm.at[i1.at[0]], o1)

        pltpu.emit_pipeline(
            body,
            grid=(E_PAD // GW,),
            in_specs=[pl.BlockSpec((1, GW), lambda i: (0, i))],
            out_specs=[pl.BlockSpec((GW, D_T), lambda i: (i, 0))],
            core_axis_name=("c", "s"),
            dimension_semantics=(pltpu.PARALLEL,),
        )(i_hbm, g_hbm)

    return k(table, idx, dep)


def _sc_gather(t1, t2, srcp, dstp):
    g1 = _sc_gather_one(t1, srcp, srcp)
    g2 = _sc_gather_one(t2, dstp, g1)
    return g1, g2


def _edge_body(g1_ref, g2_ref, ea_ref, w1c_ref, w1d_ref, nis_ref, ew2_ref,
               eb2_ref, eg1_ref, ebt1_ref, cw1_ref, cb1_ref, cw2_ref,
               mlo_ref, mhi_ref, t16_ref):
    g1 = g1_ref[...]
    g2 = g2_ref[...]
    a = g1[:, 0:256]
    xs = g1[:, 256:272]
    b = g2[:, 0:256]
    xd = g2[:, 256:272]
    xr = xs - xd
    d2r = jnp.sum(xr * xr, axis=1, keepdims=True)
    nt = jnp.sqrt(d2r) + 1.0
    xr = xr / nt
    d2 = d2r / (nt * nt)
    mag = jnp.exp(d2 * nis_ref[...])
    z = a + b + _dot(ea_ref[...], w1c_ref[...]) + _dot(mag, w1d_ref[...])
    m1 = _ln(_lrelu(z), eg1_ref[...], ebt1_ref[...])
    m = _lrelu(_dot(m1, ew2_ref[...]) + eb2_ref[...])
    cwh = _lrelu(_dot(m, cw1_ref[...]) + cb1_ref[...])
    cw = jnp.sum(cwh * cw2_ref[...], axis=1, keepdims=True)
    eid = jax.lax.broadcasted_iota(jnp.int32, (BE, 1), 0) + pl.program_id(0) * BE
    valid = eid < E
    mv = jnp.where(valid, m, 0.0)
    mlo_ref[...] = mv[:, 0:128]
    mhi_ref[...] = mv[:, 128:256]
    tr = xr * cw
    lane = jax.lax.broadcasted_iota(jnp.int32, (BE, 16), 1)
    tr = jnp.where(lane == 3, 1.0, tr)
    t16_ref[...] = jnp.where(valid, tr, 0.0)


def _edge_call(g1, g2, ea_pad, w1c, w1d, nis, ew2, eb2r, eg1r, ebt1r, cw1,
               cb1r, cw2r):
    row = lambda i: (i, 0)
    full = lambda i: (0, 0)
    return pl.pallas_call(
        _edge_body,
        grid=(E_PAD // BE,),
        in_specs=[
            pl.BlockSpec((BE, D_T), row),
            pl.BlockSpec((BE, D_T), row),
            pl.BlockSpec((BE, 16), row),
            pl.BlockSpec((16, 256), full),
            pl.BlockSpec((16, 256), full),
            pl.BlockSpec((1, 16), full),
            pl.BlockSpec((256, 256), full),
            pl.BlockSpec((1, 256), full),
            pl.BlockSpec((1, 256), full),
            pl.BlockSpec((1, 256), full),
            pl.BlockSpec((256, 256), full),
            pl.BlockSpec((1, 256), full),
            pl.BlockSpec((1, 256), full),
        ],
        out_specs=[
            pl.BlockSpec((BE, 128), row),
            pl.BlockSpec((BE, 128), row),
            pl.BlockSpec((BE, 16), row),
        ],
        out_shape=[
            jax.ShapeDtypeStruct((E_PAD, 128), jnp.float32),
            jax.ShapeDtypeStruct((E_PAD, 128), jnp.float32),
            jax.ShapeDtypeStruct((E_PAD, 16), jnp.float32),
        ],
    )(g1, g2, ea_pad, w1c, w1d, nis, ew2, eb2r, eg1r, ebt1r, cw1, cb1r, cw2r)


GR = 5120
SHM_ROWS = 5248



def _idx_body(d_ref, d0_ref, d1_ref):
    d = d_ref[...]
    d0_ref[...] = jnp.where(d < GR, d, GR)
    d1_ref[...] = jnp.where(d >= GR, d - GR, GR)


def _idx_call(dst2d):
    full = lambda: (0, 0)
    return pl.pallas_call(
        _idx_body,
        grid=(),
        in_specs=[pl.BlockSpec((E_PAD // CH, CH), full)],
        out_specs=[pl.BlockSpec((E_PAD // CH, CH), full),
                   pl.BlockSpec((E_PAD // CH, CH), full)],
        out_shape=[jax.ShapeDtypeStruct((E_PAD // CH, CH), jnp.int32),
                   jax.ShapeDtypeStruct((E_PAD // CH, CH), jnp.int32)],
    )(dst2d)


def _sc_scatter_m(m_lo, m_hi, d0, d1, zeros):
    mesh = plsc.VectorSubcoreMesh(core_axis_name="c", subcore_axis_name="s")
    m_chunks = E_PAD // 16 // CH
    zrows = SHM_ROWS // 16
    wrows = GR // 16

    @functools.partial(
        pl.kernel,
        out_type=jax.ShapeDtypeStruct((2, NP, 128), jnp.float32),
        mesh=mesh,
        scratch_types=[
            pltpu.VMEM((CH,), jnp.int32),
            pltpu.VMEM((CH,), jnp.int32),
            pltpu.VMEM((CH, 128), jnp.float32),
            pltpu.VMEM_SHARED((SHM_ROWS, 128), jnp.float32),
        ],
    )
    def k(mlo_hbm, mhi_hbm, d0_hbm, d1_hbm, z_hbm, s2_hbm, idx_raw, idx2,
          mbuf, sh_m):
        cid = lax.axis_index("c")
        sid = lax.axis_index("s")
        base_m = sid * m_chunks

        for p in range(2):
            lo = p * GR
            z0 = sid * zrows
            pltpu.sync_copy(z_hbm.at[pl.ds(z0, zrows)],
                            sh_m.at[pl.ds(z0, zrows)])
            plsc.subcore_barrier()

            dp_hbm = d0_hbm if p == 0 else d1_hbm

            def m_scan(m_hbm):
                @pl.loop(0, m_chunks)
                def _(c):
                    e0 = (base_m + c) * CH
                    pltpu.sync_copy(dp_hbm.at[pl.ds(e0, CH)], idx2)
                    pltpu.sync_copy(m_hbm.at[pl.ds(e0, CH)], mbuf)
                    pltpu.sync_copy(mbuf, sh_m.at[idx2], add=True)

            @pl.when(cid == 0)
            def _():
                m_scan(mlo_hbm)

            @pl.when(cid == 1)
            def _():
                m_scan(mhi_hbm)

            plsc.subcore_barrier()
            w0 = sid * wrows
            pltpu.sync_copy(sh_m.at[pl.ds(w0, wrows)],
                            s2_hbm.at[cid].at[pl.ds(lo + w0, wrows)])
            plsc.subcore_barrier()

    return k(m_lo, m_hi, d0, d1, zeros)


def _sc_scatter_t(t16, dst1, zeros16, dep):
    mesh = plsc.VectorSubcoreMesh(core_axis_name="c", subcore_axis_name="s")
    t_chunks = E_PAD // 2 // 16 // CH
    trows = NP // 16

    @functools.partial(
        pl.kernel,
        out_type=jax.ShapeDtypeStruct((2, NP, 16), jnp.float32),
        mesh=mesh,
        scratch_types=[
            pltpu.VMEM((CH,), jnp.int32),
            pltpu.VMEM((CH, 16), jnp.float32),
            pltpu.VMEM_SHARED((NP, 16), jnp.float32),
        ],
    )
    def k(t_hbm, d_hbm, z16_hbm, dep_hbm, tp_hbm, idx_raw, tbuf, sh_t):
        cid = lax.axis_index("c")
        sid = lax.axis_index("s")
        base_t = cid * (E_PAD // 2 // CH) + sid * t_chunks
        t0 = sid * trows
        pltpu.sync_copy(z16_hbm.at[pl.ds(t0, trows)], sh_t.at[pl.ds(t0, trows)])
        plsc.subcore_barrier()

        @pl.loop(0, t_chunks)
        def _(c):
            e0 = (base_t + c) * CH
            pltpu.sync_copy(d_hbm.at[pl.ds(e0, CH)], idx_raw)
            pltpu.sync_copy(t_hbm.at[pl.ds(e0, CH)], tbuf)
            pltpu.sync_copy(tbuf, sh_t.at[idx_raw], add=True)

        plsc.subcore_barrier()
        pltpu.sync_copy(sh_t.at[pl.ds(t0, trows)],
                        tp_hbm.at[cid].at[pl.ds(t0, trows)])

    return k(t16, dst1, zeros16, dep)


def _sc_scatter(m_lo, m_hi, t16, dst1, dst2d, zeros, zeros16):
    d0, d1 = _idx_call(dst2d)
    s2 = _sc_scatter_m(m_lo, m_hi, d0.reshape(E_PAD), d1.reshape(E_PAD),
                       zeros)
    tp = _sc_scatter_t(t16, dst1, zeros16, s2)
    return s2, tp


def _node_body(s_ref, c_ref, h_ref, x_ref, tp_ref, wb_ref, nw2_ref, ng1_ref,
               nbt1_ref, nb2_ref, hn_ref, xn_ref):
    agg = _dot(s_ref[0], wb_ref[0:128, :]) + _dot(s_ref[1], wb_ref[128:256, :])
    nm = _lrelu(agg + c_ref[...])
    nm = _ln(nm, ng1_ref[...], nbt1_ref[...])
    hu = _dot(nm, nw2_ref[...]) + nb2_ref[...]
    hn_ref[...] = 0.75 * hu + 0.25 * h_ref[...]
    t = tp_ref[0] + tp_ref[1]
    cnt = jnp.maximum(t[:, 3:4], 1.0)
    xn_ref[...] = x_ref[...] + t[:, 0:3] / cnt


def _node_call(s, c, h, x, tp, wb, nw2, ng1r, nbt1r, nb2r):
    row = lambda i: (i, 0)
    full = lambda i: (0, 0)
    return pl.pallas_call(
        _node_body,
        grid=(N // BN,),
        in_specs=[
            pl.BlockSpec((2, BN, 128), lambda i: (0, i, 0)),
            pl.BlockSpec((BN, 256), row),
            pl.BlockSpec((BN, 256), row),
            pl.BlockSpec((BN, 3), row),
            pl.BlockSpec((2, BN, 16), lambda i: (0, i, 0)),
            pl.BlockSpec((256, 256), full),
            pl.BlockSpec((256, 256), full),
            pl.BlockSpec((1, 256), full),
            pl.BlockSpec((1, 256), full),
            pl.BlockSpec((1, 256), full),
        ],
        out_specs=[
            pl.BlockSpec((BN, 256), row),
            pl.BlockSpec((BN, 3), row),
        ],
        out_shape=[
            jax.ShapeDtypeStruct((N, 256), jnp.float32),
            jax.ShapeDtypeStruct((N, 3), jnp.float32),
        ],
    )(s, c, h, x, tp, wb, nw2, ng1r, nbt1r, nb2r)


def kernel(x, h, h_init, edge_attr, edge_index, ew1, eb1, eg1, ebt1, ew2,
           eb2, ng, nb, nw1, nb1, ng1, nbt1, nw2, nb2, cw1, cb1, cw2):
    f32 = jnp.float32
    xpad = jnp.pad(x, ((0, 0), (0, 13)))
    w1a = ew1[0:256]
    w1b = ew1[256:512]
    w1c = ew1[512:528]
    w1d = jnp.pad(ew1[528:543], ((0, 1), (0, 0)))
    wa = nw1[0:256]
    wb = nw1[256:512]
    wc = nw1[512:768]
    wd = nw1[768:1024]
    nis = jnp.pad(-1.0 / jnp.array(SIGMAS, f32), (0, 1)).reshape(1, 16)
    r = lambda v: v.reshape(1, 256)

    ei = jnp.concatenate(
        [edge_index, jnp.zeros((2, E_PAD - E), jnp.int32)], axis=1)
    srcp = ei[0:1]
    dstp = ei[1:2]
    dst1 = ei[1]
    ea_pad = jnp.pad(edge_attr, ((0, E_PAD - E), (0, 0)))
    zeros = jnp.zeros((NP, 128), f32)
    zeros16 = jnp.zeros((NP, 16), f32)

    t1, t2, c = _prep_call(h, h_init, xpad, w1a, w1b, r(eb1), r(ng), r(nb),
                           wa, wc, wd, r(nb1))
    g1, g2 = _sc_gather(t1, t2, srcp, dstp)
    m_lo, m_hi, t16 = _edge_call(g1, g2, ea_pad, w1c, w1d, nis, ew2, r(eb2),
                                 r(eg1), r(ebt1), cw1, r(cb1),
                                 cw2.reshape(1, 256))
    s_lo = jax.ops.segment_sum(m_lo, dst1, num_segments=NP)
    s_hi = jax.ops.segment_sum(m_hi, dst1, num_segments=NP)
    tsum = jax.ops.segment_sum(t16, dst1, num_segments=NP)
    s = jnp.stack([s_lo, s_hi])
    tp = jnp.stack([tsum, jnp.zeros_like(tsum)])
    h_new, x_new = _node_call(s, c, h, x, tp, wb, nw2, r(ng1), r(nbt1),
                              r(nb2))
    return h_new, x_new

# --- scband reference (transcript-rebuilt; emitter-appended) ---
"""Pipeline reference for scband-iegr-33517924778683 (READ-ONLY COPY).

The authoritative reference and input builder live on the scoring server;
editing this copy changes nothing except your own understanding.
"""

import jax, jax.numpy as jnp
import numpy as np

N = 10000
E = 160000
D_H = 256
D_IN = 256
D_E = 16
D_OUT = 256
SIGMAS = [1.5 ** i for i in range(15)]
SKIP_W = 0.75
X_CONN = 0.0
COORD_NORM_CONST = 1.0


def _lkyrelu(t):
    return jax.nn.leaky_relu(t, 0.01)


def _ln(t, g, b):
    m = t.mean(-1, keepdims=True)
    v = t.var(-1, keepdims=True)
    return (t - m) / jnp.sqrt(v + 1e-5) * g + b


def setup_inputs(seed: int = 0) -> dict:
    key = jax.random.key(seed)
    ks = jax.random.split(key, 24)
    edges_in = 2 * D_H + D_E + len(SIGMAS)  # 543
    nodes_in = D_H + D_OUT + D_H + D_IN  # 1024
    inp = {}
    inp['x'] = jax.random.normal(ks[0], (N, 3), jnp.float32)
    inp['h'] = jax.random.normal(ks[1], (N, D_H), jnp.float32)
    inp['h_init'] = jax.random.normal(ks[2], (N, D_IN), jnp.float32)
    inp['edge_attr'] = jax.random.normal(ks[3], (E, D_E), jnp.float32)
    inp['edge_index'] = jax.random.randint(ks[4], (2, E), 0, N, jnp.int32)
    # edges_mlp params
    inp['ew1'] = jax.random.normal(ks[5], (edges_in, D_OUT), jnp.float32) / np.sqrt(edges_in)
    inp['eb1'] = jnp.zeros((D_OUT,), jnp.float32)
    inp['eg1'] = jnp.ones((D_OUT,), jnp.float32)
    inp['ebt1'] = jnp.zeros((D_OUT,), jnp.float32)
    inp['ew2'] = jax.random.normal(ks[6], (D_OUT, D_OUT), jnp.float32) / np.sqrt(D_OUT)
    inp['eb2'] = jnp.zeros((D_OUT,), jnp.float32)
    # nodes_norm params
    inp['ng'] = jnp.ones((D_H,), jnp.float32)
    inp['nb'] = jnp.zeros((D_H,), jnp.float32)
    # nodes_mlp params
    inp['nw1'] = jax.random.normal(ks[7], (nodes_in, D_H), jnp.float32) / np.sqrt(nodes_in)
    inp['nb1'] = jnp.zeros((D_H,), jnp.float32)
    inp['ng1'] = jnp.ones((D_H,), jnp.float32)
    inp['nbt1'] = jnp.zeros((D_H,), jnp.float32)
    inp['nw2'] = jax.random.normal(ks[8], (D_H, D_OUT), jnp.float32) / np.sqrt(D_H)
    inp['nb2'] = jnp.zeros((D_OUT,), jnp.float32)
    # coords_mlp params (final layer xavier gain=0.001, no bias; layer_norm_coords='0' -> identity)
    inp['cw1'] = jax.random.normal(ks[9], (D_OUT, D_OUT), jnp.float32) / np.sqrt(D_OUT)
    inp['cb1'] = jnp.zeros((D_OUT,), jnp.float32)
    inp['cw2'] = jax.random.normal(ks[10], (D_OUT, 1), jnp.float32) * 0.001
    return inp


def reference(x, h, h_init, edge_attr, edge_index, ew1, eb1, eg1, ebt1, ew2, eb2, ng, nb, nw1, nb1, ng1, nbt1, nw2, nb2, cw1, cb1, cw2):
    src = edge_index[0]
    dst = edge_index[1]
    # build_edge_dists: u_sub_v on latest coords
    x_rel = x[src] - x[dst]
    norm_term = jnp.sqrt(jnp.sum(x_rel ** 2, axis=1, keepdims=True)) + COORD_NORM_CONST
    x_rel = x_rel / norm_term
    d2 = jnp.sum(x_rel ** 2, axis=1, keepdims=True)
    x_rel_mag = jnp.concatenate([jnp.exp(-d2 / s) for s in SIGMAS], axis=-1)
    # edge messages
    m_in = jnp.concatenate([h[src], h[dst], edge_attr, x_rel_mag], axis=-1)
    m = _lkyrelu(m_in @ ew1 + eb1)
    m = _ln(m, eg1, ebt1)
    m = _lkyrelu(m @ ew2 + eb2)
    # equivariant coordinate update (mean aggregation of x_rel * phi(m))
    cwh = _lkyrelu(m @ cw1 + cb1)
    coord_w = cwh @ cw2
    trans = x_rel * coord_w
    sums = jax.ops.segment_sum(trans, dst, num_segments=N)
    cnt = jax.ops.segment_sum(jnp.ones((E, 1), x.dtype), dst, num_segments=N)
    x_update = sums / jnp.maximum(cnt, 1.0)
    x_new = X_CONN * x + (1.0 - X_CONN) * x + x_update
    # node update (sum aggregation of messages)
    aggr_msg = jax.ops.segment_sum(m, dst, num_segments=N)
    h_norm = _ln(h, ng, nb)
    inp2 = jnp.concatenate([h_norm, aggr_msg, h, h_init], axis=-1)
    nm = _lkyrelu(inp2 @ nw1 + nb1)
    nm = _ln(nm, ng1, nbt1)
    node_upd = nm @ nw2 + nb2
    h_new = SKIP_W * node_upd + (1.0 - SKIP_W) * h
    return h_new, x_new

if __name__ == "__main__":
    import jax
    _d = setup_inputs()
    print(jax.jit(kernel)(*tuple(_d.values())))

</pallas_src>

<mosaic_0001>
#map = affine_map<(d0, d1) -> (0, 0)>
module attributes {stable_mosaic.version = 14 : i64} {
  func.func @k(%arg0: i32, %arg1: i32, %arg2: memref<10000x384xf32, #tpu.memory_space<hbm>>, %arg3: memref<1x163840xi32, #tpu.memory_space<hbm>>, %arg4: memref<1x163840xi32, #tpu.memory_space<hbm>>, %arg5: memref<163840x384xf32, #tpu.memory_space<hbm>>) attributes {dimension_semantics = [#tpu.dimension_semantics<core_parallel>, #tpu.dimension_semantics<subcore_parallel>], iteration_bounds = array<i64: 2, 16>, scalar_prefetch = 0 : i64, scratch_operands = 0 : i64, tpu.core_type = #tpu.core_type<sc_vector_subcore>, window_params = [{transform_indices = #map}, {transform_indices = #map}, {transform_indices = #map}, {transform_indices = #map}]} {
    %mul3A = arith.constant 1 : i32
    %mul3A_0 = arith.muli %arg1, %mul3A : i32
    %add3A = arith.constant 0 : i32
    %add3A_1 = arith.addi %add3A, %mul3A_0 : i32
    %mul3A_2 = arith.constant 16 : i32
    %mul3A_3 = arith.muli %arg0, %mul3A_2 : i32
    %add3A_4 = arith.addi %add3A_1, %mul3A_3 : i32
    %mul3A_5 = arith.constant 40 : i32
    %mul3A_6 = arith.muli %add3A_4, %mul3A_5 : i32
    "tpu.region"() ({
      %run_scoped3A = memref.alloca() : memref<2x1x128xi32, #tpu.memory_space<vmem>>
      %run_scoped3A_7 = tpu.sem_alloc : memref<2x!tpu.dma_semaphore, #tpu.memory_space<semaphore_mem>>
      %run_scoped3A_8 = memref.alloca() : memref<2x128x384xf32, #tpu.memory_space<vmem>>
      %run_scoped3A_9 = tpu.sem_alloc : memref<2x!tpu.dma_semaphore, #tpu.memory_space<semaphore_mem>>
      %add3A_10 = arith.constant 0 : i32
      %add3A_11 = arith.addi %add3A_10, %mul3A_6 : i32
      %select_n3A = arith.constant true
      %select_n3A_12 = arith.constant 0 : i32
      %select_n3A_13 = arith.constant -1 : i32
      %select_n3A_14 = arith.select %select_n3A, %select_n3A_13, %select_n3A_12 : i32
      %eq3A = arith.constant -1 : i32
      %eq3A_15 = arith.cmpi eq, %select_n3A_14, %eq3A : i32
      %select_n3A_16 = arith.constant 39 : i32
      %select_n3A_17 = arith.select %eq3A_15, %select_n3A_16, %select_n3A_14 : i32
      %add3A_18 = arith.addi %select_n3A_17, %mul3A_6 : i32
      %select_n3A_19 = arith.constant true
      %select_n3A_20 = arith.constant 0 : i32
      %select_n3A_21 = arith.constant 1 : i32
      %select_n3A_22 = arith.select %select_n3A_19, %select_n3A_21, %select_n3A_20 : i32
      %eq3A_23 = arith.constant 40 : i32
      %eq3A_24 = arith.cmpi eq, %select_n3A_22, %eq3A_23 : i32
      %select_n3A_25 = arith.constant 0 : i32
      %select_n3A_26 = arith.select %eq3A_24, %select_n3A_25, %select_n3A_22 : i32
      %add3A_27 = arith.addi %select_n3A_26, %mul3A_6 : i32
      %add3A_28 = arith.constant 1 : i32
      %add3A_29 = arith.addi %select_n3A_26, %add3A_28 : i32
      %select_n3A_30 = arith.constant true
      %select_n3A_31 = arith.select %select_n3A_30, %add3A_29, %select_n3A_26 : i32
      %eq3A_32 = arith.constant 40 : i32
      %eq3A_33 = arith.cmpi eq, %select_n3A_31, %eq3A_32 : i32
      %select_n3A_34 = arith.constant 0 : i32
      %select_n3A_35 = arith.select %eq3A_33, %select_n3A_34, %select_n3A_31 : i32
      %add3A_36 = arith.addi %select_n3A_35, %mul3A_6 : i32
      "tpu.trace_start"() <{level = 10 : i32, message = "ep_initialize_0"}> : () -> ()
      %rem3A = arith.constant 0 : i32
      %rem3A_37 = arith.constant 2 : i32
      %rem3A_38 = arith.remui %rem3A, %rem3A_37 : i32
      %mul3A_39 = arith.constant 128 : i32
      %mul3A_40 = arith.muli %mul3A_39, %add3A_11 : i32
      %dma_start3A = arith.constant 0 : i32
      %dma_start3A_41 = arith.constant 0 : i32
      %dma_start3A_42 = tpu.memref_slice %run_scoped3A[%rem3A_38, %dma_start3A, %dma_start3A_41] : memref<2x1x128xi32, #tpu.memory_space<vmem>> -> memref<1x1x128xi32, #tpu.memory_space<vmem>>
      %dma_start3A_43 = tpu.memref_squeeze %dma_start3A_42 : memref<1x1x128xi32, #tpu.memory_space<vmem>> -> memref<1x128xi32, #tpu.memory_space<vmem>>
      %dma_start3A_44 = arith.constant 0 : i32
      %dma_start3A_45 = tpu.memref_slice %arg3[%dma_start3A_44, %mul3A_40] : memref<1x163840xi32, #tpu.memory_space<hbm>> -> memref<1x128xi32, #tpu.memory_space<hbm>>
      %dma_start3A_46 = tpu.memref_slice %run_scoped3A_7[%rem3A_38] : memref<2x!tpu.dma_semaphore, #tpu.memory_space<semaphore_mem>> -> memref<1x!tpu.dma_semaphore, #tpu.memory_space<semaphore_mem>>
      %dma_start3A_47 = tpu.memref_squeeze %dma_start3A_46 : memref<1x!tpu.dma_semaphore, #tpu.memory_space<semaphore_mem>> -> memref<!tpu.dma_semaphore, #tpu.memory_space<semaphore_mem>>
      %dma_start3A_48 = arith.constant 0 : i32
      %dma_start3A_49 = arith.constant 0 : i32
      %dma_start3A_50 = tpu.memref_slice %run_scoped3A[%rem3A_38, %dma_start3A_48, %dma_start3A_49] : memref<2x1x128xi32, #tpu.memory_space<vmem>> -> memref<1x1x128xi32, #tpu.memory_space<vmem>>
      %dma_start3A_51 = tpu.memref_squeeze %dma_start3A_50 : memref<1x1x128xi32, #tpu.memory_space<vmem>> -> memref<1x128xi32, #tpu.memory_space<vmem>>
      %dma_start3A_52 = arith.constant 0 : i32
      %dma_start3A_53 = tpu.memref_slice %arg3[%dma_start3A_52, %mul3A_40] : memref<1x163840xi32, #tpu.memory_space<hbm>> -> memref<1x128xi32, #tpu.memory_space<hbm>>
      tpu.enqueue_dma source(%dma_start3A_53 : memref<1x128xi32, #tpu.memory_space<hbm>>) target(%dma_start3A_51 : memref<1x128xi32, #tpu.memory_space<vmem>>) target_semaphore(%dma_start3A_47 : memref<!tpu.dma_semaphore, #tpu.memory_space<semaphore_mem>>)
      %add3A_54 = arith.constant 0 : i32
      %add3A_55 = arith.constant 1 : i32
      %add3A_56 = arith.addi %add3A_54, %add3A_55 : i32
      %select_n3A_57 = arith.constant true
      %select_n3A_58 = arith.constant 0 : i32
      %select_n3A_59 = arith.select %select_n3A_57, %add3A_56, %select_n3A_58 : i32
      "tpu.trace_stop"() : () -> ()
      %scan3A = arith.constant 0 : i32
      %scan3A_60 = arith.constant 0 : i32
      %scan3A_61 = arith.constant 0 : i32
      %scan3A_62 = arith.constant 0 : i32
      %scan3A_63 = arith.constant 0 : i32
      %scan3A_64 = arith.constant 40 : i32
      %scan3A_65 = arith.addi %scan3A_63, %scan3A_64 : i32
      %scan3A_66 = arith.constant 1 : i32
      %scan3A_67:5 = scf.for %scan3A_121 = %scan3A_63 to %scan3A_65 step %scan3A_66 iter_args(%scan3A_122 = %select_n3A_59, %scan3A_123 = %scan3A, %scan3A_124 = %scan3A_60, %scan3A_125 = %scan3A_61, %scan3A_126 = %scan3A_62) -> (i32, i32, i32, i32, i32)  : i32 {
        %eq3A_127 = arith.constant 0 : i32
        %eq3A_128 = arith.cmpi eq, %scan3A_121, %eq3A_127 : i32
        %eq3A_129 = arith.constant 39 : i32
        %eq3A_130 = arith.cmpi eq, %scan3A_121, %eq3A_129 : i32
        %add3A_131 = arith.addi %scan3A_126, %mul3A_6 : i32
        %sub3A_132 = arith.constant 1 : i32
        %sub3A_133 = arith.subi %scan3A_126, %sub3A_132 : i32
        %select_n3A_134 = arith.constant true
        %select_n3A_135 = arith.select %select_n3A_134, %sub3A_133, %scan3A_126 : i32
        %eq3A_136 = arith.constant -1 : i32
        %eq3A_137 = arith.cmpi eq, %select_n3A_135, %eq3A_136 : i32
        %select_n3A_138 = arith.constant 39 : i32
        %select_n3A_139 = arith.select %eq3A_137, %select_n3A_138, %select_n3A_135 : i32
        %add3A_140 = arith.addi %select_n3A_139, %mul3A_6 : i32
        %add3A_141 = arith.constant 1 : i32
        %add3A_142 = arith.addi %scan3A_126, %add3A_141 : i32
        %select_n3A_143 = arith.constant true
        %select_n3A_144 = arith.select %select_n3A_143, %add3A_142, %scan3A_126 : i32
        %eq3A_145 = arith.constant 40 : i32
        %eq3A_146 = arith.cmpi eq, %select_n3A_144, %eq3A_145 : i32
        %select_n3A_147 = arith.constant 0 : i32
        %select_n3A_148 = arith.select %eq3A_146, %select_n3A_147, %select_n3A_144 : i32
        %add3A_149 = arith.addi %select_n3A_148, %mul3A_6 : i32
        %add3A_150 = arith.constant 1 : i32
        %add3A_151 = arith.addi %select_n3A_148, %add3A_150 : i32
        %select_n3A_152 = arith.constant true
        %select_n3A_153 = arith.select %select_n3A_152, %add3A_151, %select_n3A_148 : i32
        %eq3A_154 = arith.constant 40 : i32
        %eq3A_155 = arith.cmpi eq, %select_n3A_153, %eq3A_154 : i32
        %select_n3A_156 = arith.constant 0 : i32
        %select_n3A_157 = arith.select %eq3A_155, %select_n3A_156, %select_n3A_153 : i32
        %add3A_158 = arith.addi %select_n3A_157, %mul3A_6 : i32
        %ne3A = arith.cmpi ne, %add3A_131, %add3A_149 : i32
        %or3A = arith.constant false
        %or3A_159 = arith.ori %or3A, %ne3A : i1
        %ge3A = arith.constant 39 : i32
        %ge3A_160 = arith.cmpi sge, %scan3A_121, %ge3A : i32
        %not3A = arith.constant true
        %not3A_161 = arith.xori %ge3A_160, %not3A : i1
        %and3A = arith.andi %or3A_159, %not3A_161 : i1
        %convert_element_type3A = arith.extui %and3A : i1 to i32
        %cond3A = arith.constant 0 : i32
        %cond3A_162 = arith.cmpi ne, %convert_element_type3A, %cond3A : i32
        scf.if %cond3A_162 {
          "tpu.trace_start"() <{level = 10 : i32, message = "ep_copy_in"}> : () -> ()
          %rem3A_264 = arith.constant 2 : i32
          %rem3A_265 = arith.remui %scan3A_122, %rem3A_264 : i32
          %mul3A_266 = arith.constant 128 : i32
          %mul3A_267 = arith.muli %mul3A_266, %add3A_149 : i32
          %dma_start3A_268 = arith.constant 0 : i32
          %dma_start3A_269 = arith.constant 0 : i32
          %dma_start3A_270 = tpu.memref_slice %run_scoped3A[%rem3A_265, %dma_start3A_268, %dma_start3A_269] : memref<2x1x128xi32, #tpu.memory_space<vmem>> -> memref<1x1x128xi32, #tpu.memory_space<vmem>>
          %dma_start3A_271 = tpu.memref_squeeze %dma_start3A_270 : memref<1x1x128xi32, #tpu.memory_space<vmem>> -> memref<1x128xi32, #tpu.memory_space<vmem>>
          %dma_start3A_272 = arith.constant 0 : i32
          %dma_start3A_273 = tpu.memref_slice %arg3[%dma_start3A_272, %mul3A_267] : memref<1x163840xi32, #tpu.memory_space<hbm>> -> memref<1x128xi32, #tpu.memory_space<hbm>>
          %dma_start3A_274 = tpu.memref_slice %run_scoped3A_7[%rem3A_265] : memref<2x!tpu.dma_semaphore, #tpu.memory_space<semaphore_mem>> -> memref<1x!tpu.dma_semaphore, #tpu.memory_space<semaphore_mem>>
          %dma_start3A_275 = tpu.memref_squeeze %dma_start3A_274 : memref<1x!tpu.dma_semaphore, #tpu.memory_space<semaphore_mem>> -> memref<!tpu.dma_semaphore, #tpu.memory_space<semaphore_mem>>
          %dma_start3A_276 = arith.constant 0 : i32
          %dma_start3A_277 = arith.constant 0 : i32
          %dma_start3A_278 = tpu.memref_slice %run_scoped3A[%rem3A_265, %dma_start3A_276, %dma_start3A_277] : memref<2x1x128xi32, #tpu.memory_space<vmem>> -> memref<1x1x128xi32, #tpu.memory_space<vmem>>
          %dma_start3A_279 = tpu.memref_squeeze %dma_start3A_278 : memref<1x1x128xi32, #tpu.memory_space<vmem>> -> memref<1x128xi32, #tpu.memory_space<vmem>>
          %dma_start3A_280 = arith.constant 0 : i32
          %dma_start3A_281 = tpu.memref_slice %arg3[%dma_start3A_280, %mul3A_267] : memref<1x163840xi32, #tpu.memory_space<hbm>> -> memref<1x128xi32, #tpu.memory_space<hbm>>
          tpu.enqueue_dma source(%dma_start3A_281 : memref<1x128xi32, #tpu.memory_space<hbm>>) target(%dma_start3A_279 : memref<1x128xi32, #tpu.memory_space<vmem>>) target_semaphore(%dma_start3A_275 : memref<!tpu.dma_semaphore, #tpu.memory_space<semaphore_mem>>)
          "tpu.trace_stop"() : () -> ()
        } else {
        }
        %and3A_163 = arith.constant true
        %and3A_164 = arith.andi %and3A, %and3A_163 : i1
        %add3A_165 = arith.constant 1 : i32
        %add3A_166 = arith.addi %scan3A_122, %add3A_165 : i32
        %select_n3A_167 = arith.select %and3A_164, %add3A_166, %scan3A_122 : i32
        %ne3A_168 = arith.cmpi ne, %add3A_131, %add3A_149 : i32
        %or3A_169 = arith.constant false
        %or3A_170 = arith.ori %or3A_169, %ne3A_168 : i1
        %or3A_171 = arith.constant false
        %or3A_172 = arith.ori %or3A_170, %or3A_171 : i1
        %ge3A_173 = arith.constant 39 : i32
        %ge3A_174 = arith.cmpi sge, %scan3A_121, %ge3A_173 : i32
        %not3A_175 = arith.constant true
        %not3A_176 = arith.xori %ge3A_174, %not3A_175 : i1
        %and3A_177 = arith.andi %or3A_172, %not3A_176 : i1
        %ne3A_178 = arith.cmpi ne, %add3A_131, %add3A_140 : i32
        %or3A_179 = arith.constant false
        %or3A_180 = arith.ori %or3A_179, %ne3A_178 : i1
        %or3A_181 = arith.ori %or3A_180, %eq3A_128 : i1
        %convert_element_type3A_182 = arith.extui %or3A_181 : i1 to i32
        %cond3A_183 = arith.constant 0 : i32
        %cond3A_184 = arith.cmpi ne, %convert_element_type3A_182, %cond3A_183 : i32
        scf.if %cond3A_184 {
          "tpu.trace_start"() <{level = 10 : i32, message = "ep_wait_in"}> : () -> ()
          %mul3A_264 = arith.constant 128 : i32
          %mul3A_265 = arith.muli %mul3A_264, %add3A_131 : i32
          %rem3A_266 = arith.constant 2 : i32
          %rem3A_267 = arith.remui %scan3A_123, %rem3A_266 : i32
          %dma_wait3A_268 = arith.constant 0 : i32
          %dma_wait3A_269 = arith.constant 0 : i32
          %dma_wait3A_270 = tpu.memref_slice %run_scoped3A[%rem3A_267, %dma_wait3A_268, %dma_wait3A_269] : memref<2x1x128xi32, #tpu.memory_space<vmem>> -> memref<1x1x128xi32, #tpu.memory_space<vmem>>
          %dma_wait3A_271 = tpu.memref_squeeze %dma_wait3A_270 : memref<1x1x128xi32, #tpu.memory_space<vmem>> -> memref<1x128xi32, #tpu.memory_space<vmem>>
          %dma_wait3A_272 = arith.constant 0 : i32
          %dma_wait3A_273 = tpu.memref_slice %arg3[%dma_wait3A_272, %mul3A_265] : memref<1x163840xi32, #tpu.memory_space<hbm>> -> memref<1x128xi32, #tpu.memory_space<hbm>>
          %dma_wait3A_274 = tpu.memref_slice %run_scoped3A_7[%rem3A_267] : memref<2x!tpu.dma_semaphore, #tpu.memory_space<semaphore_mem>> -> memref<1x!tpu.dma_semaphore, #tpu.memory_space<semaphore_mem>>
          %dma_wait3A_275 = tpu.memref_squeeze %dma_wait3A_274 : memref<1x!tpu.dma_semaphore, #tpu.memory_space<semaphore_mem>> -> memref<!tpu.dma_semaphore, #tpu.memory_space<semaphore_mem>>
          %dma_wait3A_276 = arith.constant 0 : i32
          %dma_wait3A_277 = arith.constant 0 : i32
          %dma_wait3A_278 = tpu.memref_slice %run_scoped3A[%rem3A_267, %dma_wait3A_276, %dma_wait3A_277] : memref<2x1x128xi32, #tpu.memory_space<vmem>> -> memref<1x1x128xi32, #tpu.memory_space<vmem>>
          %dma_wait3A_279 = tpu.memref_squeeze %dma_wait3A_278 : memref<1x1x128xi32, #tpu.memory_space<vmem>> -> memref<1x128xi32, #tpu.memory_space<vmem>>
          %dma_wait3A_280 = arith.constant 0 : i32
          %dma_wait3A_281 = tpu.memref_slice %arg3[%dma_wait3A_280, %mul3A_265] : memref<1x163840xi32, #tpu.memory_space<hbm>> -> memref<1x128xi32, #tpu.memory_space<hbm>>
          tpu.wait_dma2 semaphore(%dma_wait3A_275 : memref<!tpu.dma_semaphore, #tpu.memory_space<semaphore_mem>>) src(%dma_wait3A_281 : memref<1x128xi32, #tpu.memory_space<hbm>>) dst(%dma_wait3A_279 : memref<1x128xi32, #tpu.memory_space<vmem>>)
          "tpu.trace_stop"() : () -> ()
        } else {
        }
        %ne3A_185 = arith.cmpi ne, %add3A_131, %add3A_140 : i32
        %or3A_186 = arith.constant false
        %or3A_187 = arith.ori %or3A_186, %ne3A_185 : i1
        %or3A_188 = arith.constant false
        %or3A_189 = arith.ori %or3A_187, %or3A_188 : i1
        %or3A_190 = arith.ori %or3A_189, %eq3A_128 : i1
        %convert_element_type3A_191 = arith.extui %or3A_190 : i1 to i32
        %cond3A_192 = arith.constant 0 : i32
        %cond3A_193 = arith.cmpi ne, %convert_element_type3A_191, %cond3A_192 : i32
        scf.if %cond3A_193 {
        } else {
        }
        %rem3A_194 = arith.constant 2 : i32
        %rem3A_195 = arith.remui %scan3A_123, %rem3A_194 : i32
        %rem3A_196 = arith.constant 2 : i32
        %rem3A_197 = arith.remui %scan3A_124, %rem3A_196 : i32
        %run_scoped3A_198 = arith.constant 0 : i32
        "tpu.trace_start"() <{level = 10 : i32, message = "ep_run_kernel"}> : () -> ()
        "tpu.region"() ({
          %run_scoped3A_264 = tpu.sem_alloc : memref<!tpu.dma_semaphore, #tpu.memory_space<semaphore_mem>>
          %dma_start3A_265 = arith.constant 0 : i32
          %dma_start3A_266 = arith.constant 0 : i32
          %dma_start3A_267 = tpu.memref_slice %run_scoped3A_8[%rem3A_197, %dma_start3A_265, %dma_start3A_266] : memref<2x128x384xf32, #tpu.memory_space<vmem>> -> memref<1x128x384xf32, #tpu.memory_space<vmem>>
          %dma_start3A_268 = tpu.memref_squeeze %dma_start3A_267 : memref<1x128x384xf32, #tpu.memory_space<vmem>> -> memref<128x384xf32, #tpu.memory_space<vmem>>
          %dma_start3A_269 = arith.constant 0 : i32
          %dma_start3A_270 = arith.constant 0 : i32
          %dma_start3A_271 = tpu.memref_slice %run_scoped3A[%rem3A_195, %dma_start3A_269, %dma_start3A_270] : memref<2x1x128xi32, #tpu.memory_space<vmem>> -> memref<1x1x128xi32, #tpu.memory_space<vmem>>
          %dma_start3A_272 = tpu.memref_squeeze %dma_start3A_271 : memref<1x1x128xi32, #tpu.memory_space<vmem>> -> memref<1x128xi32, #tpu.memory_space<vmem>>
          %dma_start3A_273 = arith.constant 0 : i32
          %dma_start3A_274 = tpu.memref_slice %dma_start3A_272[%run_scoped3A_198, %dma_start3A_273] : memref<1x128xi32, #tpu.memory_space<vmem>> -> memref<1x128xi32, #tpu.memory_space<vmem>>
          %dma_start3A_275 = tpu.memref_squeeze %dma_start3A_274 : memref<1x128xi32, #tpu.memory_space<vmem>> -> memref<128xi32, #tpu.memory_space<vmem>>
          %dma_start3A_276 = arith.constant 0 : i32
          %dma_start3A_277 = arith.constant 0 : i32
          %dma_start3A_278 = tpu.memref_slice %arg2[%dma_start3A_276, %dma_start3A_277] : memref<10000x384xf32, #tpu.memory_space<hbm>> -> memref<10000x384xf32, #tpu.memory_space<hbm>>
          tpu.enqueue_indirect_dma source(%dma_start3A_278 : memref<10000x384xf32, #tpu.memory_space<hbm>>) target(%dma_start3A_268 : memref<128x384xf32, #tpu.memory_space<vmem>>) offsets(%dma_start3A_275 : memref<128xi32, #tpu.memory_space<vmem>>) semaphore(%run_scoped3A_264 : memref<!tpu.dma_semaphore, #tpu.memory_space<semaphore_mem>>)
          %dma_wait3A_279 = arith.constant 0 : i32
          %dma_wait3A_280 = arith.constant 0 : i32
          %dma_wait3A_281 = tpu.memref_slice %run_scoped3A_8[%rem3A_197, %dma_wait3A_279, %dma_wait3A_280] : memref<2x128x384xf32, #tpu.memory_space<vmem>> -> memref<1x128x384xf32, #tpu.memory_space<vmem>>
          %dma_wait3A_282 = tpu.memref_squeeze %dma_wait3A_281 : memref<1x128x384xf32, #tpu.memory_space<vmem>> -> memref<128x384xf32, #tpu.memory_space<vmem>>
          %dma_wait3A_283 = arith.constant 0 : i32
          %dma_wait3A_284 = arith.constant 0 : i32
          %dma_wait3A_285 = tpu.memref_slice %run_scoped3A[%rem3A_195, %dma_wait3A_283, %dma_wait3A_284] : memref<2x1x128xi32, #tpu.memory_space<vmem>> -> memref<1x1x128xi32, #tpu.memory_space<vmem>>
          %dma_wait3A_286 = tpu.memref_squeeze %dma_wait3A_285 : memref<1x1x128xi32, #tpu.memory_space<vmem>> -> memref<1x128xi32, #tpu.memory_space<vmem>>
          %dma_wait3A_287 = arith.constant 0 : i32
          %dma_wait3A_288 = tpu.memref_slice %dma_wait3A_286[%run_scoped3A_198, %dma_wait3A_287] : memref<1x128xi32, #tpu.memory_space<vmem>> -> memref<1x128xi32, #tpu.memory_space<vmem>>
          %dma_wait3A_289 = tpu.memref_squeeze %dma_wait3A_288 : memref<1x128xi32, #tpu.memory_space<vmem>> -> memref<128xi32, #tpu.memory_space<vmem>>
          %dma_wait3A_290 = arith.constant 0 : i32
          %dma_wait3A_291 = arith.constant 0 : i32
          %dma_wait3A_292 = tpu.memref_slice %arg2[%dma_wait3A_290, %dma_wait3A_291] : memref<10000x384xf32, #tpu.memory_space<hbm>> -> memref<10000x384xf32, #tpu.memory_space<hbm>>
          tpu.wait_indirect_dma semaphore(%run_scoped3A_264 : memref<!tpu.dma_semaphore, #tpu.memory_space<semaphore_mem>>) src(%dma_wait3A_292 : memref<10000x384xf32, #tpu.memory_space<hbm>>) dst(%dma_wait3A_282 : memref<128x384xf32, #tpu.memory_space<vmem>>)
          tpu.yield
        }) : () -> ()
        "tpu.trace_stop"() : () -> ()
        %ne3A_199 = arith.cmpi ne, %add3A_131, %add3A_149 : i32
        %or3A_200 = arith.constant false
        %or3A_201 = arith.ori %or3A_200, %ne3A_199 : i1
        %or3A_202 = arith.ori %or3A_201, %eq3A_130 : i1
        %convert_element_type3A_203 = arith.extui %or3A_202 : i1 to i32
        %cond3A_204 = arith.constant 0 : i32
        %cond3A_205 = arith.cmpi ne, %convert_element_type3A_203, %cond3A_204 : i32
        scf.if %cond3A_205 {
        } else {
        }
        %and3A_206 = arith.constant false
        %and3A_207 = arith.andi %or3A_202, %and3A_206 : i1
        %ne3A_208 = arith.cmpi ne, %add3A_131, %add3A_149 : i32
        %or3A_209 = arith.constant false
        %or3A_210 = arith.ori %or3A_209, %ne3A_208 : i1
        %or3A_211 = arith.constant false
        %or3A_212 = arith.ori %or3A_210, %or3A_211 : i1
        %or3A_213 = arith.ori %or3A_212, %eq3A_130 : i1
        %convert_element_type3A_214 = arith.extui %or3A_213 : i1 to i32
        %cond3A_215 = arith.constant 0 : i32
        %cond3A_216 = arith.cmpi ne, %convert_element_type3A_214, %cond3A_215 : i32
        scf.if %cond3A_216 {
          "tpu.trace_start"() <{level = 10 : i32, message = "ep_copy_out"}> : () -> ()
          %rem3A_264 = arith.constant 2 : i32
          %rem3A_265 = arith.remui %scan3A_124, %rem3A_264 : i32
          %mul3A_266 = arith.constant 128 : i32
          %mul3A_267 = arith.muli %mul3A_266, %add3A_131 : i32
          %dma_start3A_268 = arith.constant 0 : i32
          %dma_start3A_269 = arith.constant 0 : i32
          %dma_start3A_270 = tpu.memref_slice %run_scoped3A_8[%rem3A_265, %dma_start3A_268, %dma_start3A_269] : memref<2x128x384xf32, #tpu.memory_space<vmem>> -> memref<1x128x384xf32, #tpu.memory_space<vmem>>
          %dma_start3A_271 = tpu.memref_squeeze %dma_start3A_270 : memref<1x128x384xf32, #tpu.memory_space<vmem>> -> memref<128x384xf32, #tpu.memory_space<vmem>>
          %dma_start3A_272 = arith.constant 0 : i32
          %dma_start3A_273 = tpu.memref_slice %arg5[%mul3A_267, %dma_start3A_272] : memref<163840x384xf32, #tpu.memory_space<hbm>> -> memref<128x384xf32, #tpu.memory_space<hbm>>
          %dma_start3A_274 = tpu.memref_slice %run_scoped3A_9[%rem3A_265] : memref<2x!tpu.dma_semaphore, #tpu.memory_space<semaphore_mem>> -> memref<1x!tpu.dma_semaphore, #tpu.memory_space<semaphore_mem>>
          %dma_start3A_275 = tpu.memref_squeeze %dma_start3A_274 : memref<1x!tpu.dma_semaphore, #tpu.memory_space<semaphore_mem>> -> memref<!tpu.dma_semaphore, #tpu.memory_space<semaphore_mem>>
          %dma_start3A_276 = arith.constant 0 : i32
          %dma_start3A_277 = tpu.memref_slice %arg5[%mul3A_267, %dma_start3A_276] : memref<163840x384xf32, #tpu.memory_space<hbm>> -> memref<128x384xf32, #tpu.memory_space<hbm>>
          %dma_start3A_278 = arith.constant 0 : i32
          %dma_start3A_279 = arith.constant 0 : i32
          %dma_start3A_280 = tpu.memref_slice %run_scoped3A_8[%rem3A_265, %dma_start3A_278, %dma_start3A_279] : memref<2x128x384xf32, #tpu.memory_space<vmem>> -> memref<1x128x384xf32, #tpu.memory_space<vmem>>
          %dma_start3A_281 = tpu.memref_squeeze %dma_start3A_280 : memref<1x128x384xf32, #tpu.memory_space<vmem>> -> memref<128x384xf32, #tpu.memory_space<vmem>>
          tpu.enqueue_dma source(%dma_start3A_281 : memref<128x384xf32, #tpu.memory_space<vmem>>) target(%dma_start3A_277 : memref<128x384xf32, #tpu.memory_space<hbm>>) target_semaphore(%dma_start3A_275 : memref<!tpu.dma_semaphore, #tpu.memory_space<semaphore_mem>>)
          "tpu.trace_stop"() : () -> ()
        } else {
        }
        %and3A_217 = arith.constant true
        %and3A_218 = arith.andi %or3A_213, %and3A_217 : i1
        %add3A_219 = arith.constant 1 : i32
        %add3A_220 = arith.addi %scan3A_124, %add3A_219 : i32
        %select_n3A_221 = arith.select %and3A_218, %add3A_220, %scan3A_124 : i32
        %ne3A_222 = arith.cmpi ne, %add3A_131, %add3A_140 : i32
        %or3A_223 = arith.constant false
        %or3A_224 = arith.ori %or3A_223, %ne3A_222 : i1
        %not3A_225 = arith.constant true
        %not3A_226 = arith.xori %eq3A_128, %not3A_225 : i1
        %and3A_227 = arith.andi %or3A_224, %not3A_226 : i1
        %convert_element_type3A_228 = arith.extui %and3A_227 : i1 to i32
        %cond3A_229 = arith.constant 0 : i32
        %cond3A_230 = arith.cmpi ne, %convert_element_type3A_228, %cond3A_229 : i32
        scf.if %cond3A_230 {
        } else {
        }
        %and3A_231 = arith.constant false
        %and3A_232 = arith.andi %and3A_227, %and3A_231 : i1
        %ne3A_233 = arith.cmpi ne, %add3A_131, %add3A_140 : i32
        %or3A_234 = arith.constant false
        %or3A_235 = arith.ori %or3A_234, %ne3A_233 : i1
        %or3A_236 = arith.constant false
        %or3A_237 = arith.ori %or3A_235, %or3A_236 : i1
        %not3A_238 = arith.constant true
        %not3A_239 = arith.xori %eq3A_128, %not3A_238 : i1
        %and3A_240 = arith.andi %or3A_237, %not3A_239 : i1
        %convert_element_type3A_241 = arith.extui %and3A_240 : i1 to i32
        %cond3A_242 = arith.constant 0 : i32
        %cond3A_243 = arith.cmpi ne, %convert_element_type3A_241, %cond3A_242 : i32
        scf.if %cond3A_243 {
          "tpu.trace_start"() <{level = 10 : i32, message = "ep_wait_out"}> : () -> ()
          %rem3A_264 = arith.constant 2 : i32
          %rem3A_265 = arith.remui %scan3A_125, %rem3A_264 : i32
          %mul3A_266 = arith.constant 128 : i32
          %mul3A_267 = arith.muli %mul3A_266, %add3A_140 : i32
          %dma_wait3A_268 = arith.constant 0 : i32
          %dma_wait3A_269 = arith.constant 0 : i32
          %dma_wait3A_270 = tpu.memref_slice %run_scoped3A_8[%rem3A_265, %dma_wait3A_268, %dma_wait3A_269] : memref<2x128x384xf32, #tpu.memory_space<vmem>> -> memref<1x128x384xf32, #tpu.memory_space<vmem>>
          %dma_wait3A_271 = tpu.memref_squeeze %dma_wait3A_270 : memref<1x128x384xf32, #tpu.memory_space<vmem>> -> memref<128x384xf32, #tpu.memory_space<vmem>>
          %dma_wait3A_272 = arith.constant 0 : i32
          %dma_wait3A_273 = tpu.memref_slice %arg5[%mul3A_267, %dma_wait3A_272] : memref<163840x384xf32, #tpu.memory_space<hbm>> -> memref<128x384xf32, #tpu.memory_space<hbm>>
          %dma_wait3A_274 = tpu.memref_slice %run_scoped3A_9[%rem3A_265] : memref<2x!tpu.dma_semaphore, #tpu.memory_space<semaphore_mem>> -> memref<1x!tpu.dma_semaphore, #tpu.memory_space<semaphore_mem>>
          %dma_wait3A_275 = tpu.memref_squeeze %dma_wait3A_274 : memref<1x!tpu.dma_semaphore, #tpu.memory_space<semaphore_mem>> -> memref<!tpu.dma_semaphore, #tpu.memory_space<semaphore_mem>>
          %dma_wait3A_276 = arith.constant 0 : i32
          %dma_wait3A_277 = tpu.memref_slice %arg5[%mul3A_267, %dma_wait3A_276] : memref<163840x384xf32, #tpu.memory_space<hbm>> -> memref<128x384xf32, #tpu.memory_space<hbm>>
          %dma_wait3A_278 = arith.constant 0 : i32
          %dma_wait3A_279 = arith.constant 0 : i32
          %dma_wait3A_280 = tpu.memref_slice %run_scoped3A_8[%rem3A_265, %dma_wait3A_278, %dma_wait3A_279] : memref<2x128x384xf32, #tpu.memory_space<vmem>> -> memref<1x128x384xf32, #tpu.memory_space<vmem>>
          %dma_wait3A_281 = tpu.memref_squeeze %dma_wait3A_280 : memref<1x128x384xf32, #tpu.memory_space<vmem>> -> memref<128x384xf32, #tpu.memory_space<vmem>>
          tpu.wait_dma2 semaphore(%dma_wait3A_275 : memref<!tpu.dma_semaphore, #tpu.memory_space<semaphore_mem>>) src(%dma_wait3A_281 : memref<128x384xf32, #tpu.memory_space<vmem>>) dst(%dma_wait3A_277 : memref<128x384xf32, #tpu.memory_space<hbm>>)
          "tpu.trace_stop"() : () -> ()
        } else {
        }
        %and3A_244 = arith.constant true
        %and3A_245 = arith.andi %and3A_240, %and3A_244 : i1
        %add3A_246 = arith.constant 1 : i32
        %add3A_247 = arith.addi %scan3A_125, %add3A_246 : i32
        %select_n3A_248 = arith.select %and3A_245, %add3A_247, %scan3A_125 : i32
        %ne3A_249 = arith.cmpi ne, %add3A_131, %add3A_149 : i32
        %or3A_250 = arith.constant false
        %or3A_251 = arith.ori %or3A_250, %ne3A_249 : i1
        %or3A_252 = arith.ori %or3A_251, %eq3A_130 : i1
        %add3A_253 = arith.constant 1 : i32
        %add3A_254 = arith.addi %scan3A_123, %add3A_253 : i32
        %select_n3A_255 = arith.select %or3A_252, %add3A_254, %scan3A_123 : i32
        %add3A_256 = arith.constant 1 : i32
        %add3A_257 = arith.addi %scan3A_126, %add3A_256 : i32
        %select_n3A_258 = arith.constant true
        %select_n3A_259 = arith.select %select_n3A_258, %add3A_257, %scan3A_126 : i32
        %eq3A_260 = arith.constant 40 : i32
        %eq3A_261 = arith.cmpi eq, %select_n3A_259, %eq3A_260 : i32
        %select_n3A_262 = arith.constant 0 : i32
        %select_n3A_263 = arith.select %eq3A_261, %select_n3A_262, %select_n3A_259 : i32
        scf.yield %select_n3A_167, %select_n3A_255, %select_n3A_221, %select_n3A_248, %select_n3A_263 : i32, i32, i32, i32, i32
      }
      %scan3A_68 = arith.constant 40 : i32
      %sub3A = arith.constant 1 : i32
      %sub3A_69 = arith.subi %scan3A_67#4, %sub3A : i32
      %select_n3A_70 = arith.constant true
      %select_n3A_71 = arith.select %select_n3A_70, %sub3A_69, %scan3A_67#4 : i32
      %eq3A_72 = arith.constant -1 : i32
      %eq3A_73 = arith.cmpi eq, %select_n3A_71, %eq3A_72 : i32
      %select_n3A_74 = arith.constant 39 : i32
      %select_n3A_75 = arith.select %eq3A_73, %select_n3A_74, %select_n3A_71 : i32
      %add3A_76 = arith.addi %select_n3A_75, %mul3A_6 : i32
      %sub3A_77 = arith.constant 1 : i32
      %sub3A_78 = arith.subi %select_n3A_75, %sub3A_77 : i32
      %select_n3A_79 = arith.constant true
      %select_n3A_80 = arith.select %select_n3A_79, %sub3A_78, %select_n3A_75 : i32
      %eq3A_81 = arith.constant -1 : i32
      %eq3A_82 = arith.cmpi eq, %select_n3A_80, %eq3A_81 : i32
      %select_n3A_83 = arith.constant 39 : i32
      %select_n3A_84 = arith.select %eq3A_82, %select_n3A_83, %select_n3A_80 : i32
      %add3A_85 = arith.addi %select_n3A_84, %mul3A_6 : i32
      %add3A_86 = arith.constant 1 : i32
      %add3A_87 = arith.addi %select_n3A_75, %add3A_86 : i32
      %select_n3A_88 = arith.constant true
      %select_n3A_89 = arith.select %select_n3A_88, %add3A_87, %select_n3A_75 : i32
      %eq3A_90 = arith.constant 40 : i32
      %eq3A_91 = arith.cmpi eq, %select_n3A_89, %eq3A_90 : i32
      %select_n3A_92 = arith.constant 0 : i32
      %select_n3A_93 = arith.select %eq3A_91, %select_n3A_92, %select_n3A_89 : i32
      %add3A_94 = arith.addi %select_n3A_93, %mul3A_6 : i32
      %add3A_95 = arith.constant 1 : i32
      %add3A_96 = arith.addi %select_n3A_93, %add3A_95 : i32
      %select_n3A_97 = arith.constant true
      %select_n3A_98 = arith.select %select_n3A_97, %add3A_96, %select_n3A_93 : i32
      %eq3A_99 = arith.constant 40 : i32
      %eq3A_100 = arith.cmpi eq, %select_n3A_98, %eq3A_99 : i32
      %select_n3A_101 = arith.constant 0 : i32
      %select_n3A_102 = arith.select %eq3A_100, %select_n3A_101, %select_n3A_98 : i32
      %add3A_103 = arith.addi %select_n3A_102, %mul3A_6 : i32
      "tpu.trace_start"() <{level = 10 : i32, message = "ep_finalize"}> : () -> ()
      %rem3A_104 = arith.constant 2 : i32
      %rem3A_105 = arith.remui %scan3A_67#3, %rem3A_104 : i32
      %mul3A_106 = arith.constant 128 : i32
      %mul3A_107 = arith.muli %mul3A_106, %add3A_76 : i32
      %dma_wait3A = arith.constant 0 : i32
      %dma_wait3A_108 = arith.constant 0 : i32
      %dma_wait3A_109 = tpu.memref_slice %run_scoped3A_8[%rem3A_105, %dma_wait3A, %dma_wait3A_108] : memref<2x128x384xf32, #tpu.memory_space<vmem>> -> memref<1x128x384xf32, #tpu.memory_space<vmem>>
      %dma_wait3A_110 = tpu.memref_squeeze %dma_wait3A_109 : memref<1x128x384xf32, #tpu.memory_space<vmem>> -> memref<128x384xf32, #tpu.memory_space<vmem>>
      %dma_wait3A_111 = arith.constant 0 : i32
      %dma_wait3A_112 = tpu.memref_slice %arg5[%mul3A_107, %dma_wait3A_111] : memref<163840x384xf32, #tpu.memory_space<hbm>> -> memref<128x384xf32, #tpu.memory_space<hbm>>
      %dma_wait3A_113 = tpu.memref_slice %run_scoped3A_9[%rem3A_105] : memref<2x!tpu.dma_semaphore, #tpu.memory_space<semaphore_mem>> -> memref<1x!tpu.dma_semaphore, #tpu.memory_space<semaphore_mem>>
      %dma_wait3A_114 = tpu.memref_squeeze %dma_wait3A_113 : memref<1x!tpu.dma_semaphore, #tpu.memory_space<semaphore_mem>> -> memref<!tpu.dma_semaphore, #tpu.memory_space<semaphore_mem>>
      %dma_wait3A_115 = arith.constant 0 : i32
      %dma_wait3A_116 = tpu.memref_slice %arg5[%mul3A_107, %dma_wait3A_115] : memref<163840x384xf32, #tpu.memory_space<hbm>> -> memref<128x384xf32, #tpu.memory_space<hbm>>
      %dma_wait3A_117 = arith.constant 0 : i32
      %dma_wait3A_118 = arith.constant 0 : i32
      %dma_wait3A_119 = tpu.memref_slice %run_scoped3A_8[%rem3A_105, %dma_wait3A_117, %dma_wait3A_118] : memref<2x128x384xf32, #tpu.memory_space<vmem>> -> memref<1x128x384xf32, #tpu.memory_space<vmem>>
      %dma_wait3A_120 = tpu.memref_squeeze %dma_wait3A_119 : memref<1x128x384xf32, #tpu.memory_space<vmem>> -> memref<128x384xf32, #tpu.memory_space<vmem>>
      tpu.wait_dma2 semaphore(%dma_wait3A_114 : memref<!tpu.dma_semaphore, #tpu.memory_space<semaphore_mem>>) src(%dma_wait3A_120 : memref<128x384xf32, #tpu.memory_space<vmem>>) dst(%dma_wait3A_116 : memref<128x384xf32, #tpu.memory_space<hbm>>)
      "tpu.trace_stop"() : () -> ()
      tpu.yield
    }) : () -> ()
    return
  }
}

#map = affine_map<(d0, d1) -> (0, 0)>
module attributes {stable_mosaic.version = 14 : i64} {
  func.func @k(%arg0: i32, %arg1: i32, %arg2: memref<10000x384xf32, #tpu.memory_space<hbm>>, %arg3: memref<1x163840xi32, #tpu.memory_space<hbm>>, %arg4: memref<163840x384xf32, #tpu.memory_space<hbm>>, %arg5: memref<163840x384xf32, #tpu.memory_space<hbm>>) attributes {dimension_semantics = [#tpu.dimension_semantics<core_parallel>, #tpu.dimension_semantics<subcore_parallel>], iteration_bounds = array<i64: 2, 16>, scalar_prefetch = 0 : i64, scratch_operands = 0 : i64, tpu.core_type = #tpu.core_type<sc_vector_subcore>, window_params = [{transform_indices = #map}, {transform_indices = #map}, {transform_indices = #map}, {transform_indices = #map}]} {
    %mul3A = arith.constant 1 : i32
    %mul3A_0 = arith.muli %arg1, %mul3A : i32
    %add3A = arith.constant 0 : i32
    %add3A_1 = arith.addi %add3A, %mul3A_0 : i32
    %mul3A_2 = arith.constant 16 : i32
    %mul3A_3 = arith.muli %arg0, %mul3A_2 : i32
    %add3A_4 = arith.addi %add3A_1, %mul3A_3 : i32
    %mul3A_5 = arith.constant 40 : i32
    %mul3A_6 = arith.muli %add3A_4, %mul3A_5 : i32
    "tpu.region"() ({
      %run_scoped3A = memref.alloca() : memref<2x1x128xi32, #tpu.memory_space<vmem>>
      %run_scoped3A_7 = tpu.sem_alloc : memref<2x!tpu.dma_semaphore, #tpu.memory_space<semaphore_mem>>
      %run_scoped3A_8 = memref.alloca() : memref<2x128x384xf32, #tpu.memory_space<vmem>>
      %run_scoped3A_9 = tpu.sem_alloc : memref<2x!tpu.dma_semaphore, #tpu.memory_space<semaphore_mem>>
      %add3A_10 = arith.constant 0 : i32
      %add3A_11 = arith.addi %add3A_10, %mul3A_6 : i32
      %select_n3A = arith.constant true
      %select_n3A_12 = arith.constant 0 : i32
      %select_n3A_13 = arith.constant -1 : i32
      %select_n3A_14 = arith.select %select_n3A, %select_n3A_13, %select_n3A_12 : i32
      %eq3A = arith.constant -1 : i32
      %eq3A_15 = arith.cmpi eq, %select_n3A_14, %eq3A : i32
      %select_n3A_16 = arith.constant 39 : i32
      %select_n3A_17 = arith.select %eq3A_15, %select_n3A_16, %select_n3A_14 : i32
      %add3A_18 = arith.addi %select_n3A_17, %mul3A_6 : i32
      %select_n3A_19 = arith.constant true
      %select_n3A_20 = arith.constant 0 : i32
      %select_n3A_21 = arith.constant 1 : i32
      %select_n3A_22 = arith.select %select_n3A_19, %select_n3A_21, %select_n3A_20 : i32
      %eq3A_23 = arith.constant 40 : i32
      %eq3A_24 = arith.cmpi eq, %select_n3A_22, %eq3A_23 : i32
      %select_n3A_25 = arith.constant 0 : i32
      %select_n3A_26 = arith.select %eq3A_24, %select_n3A_25, %select_n3A_22 : i32
      %add3A_27 = arith.addi %select_n3A_26, %mul3A_6 : i32
      %add3A_28 = arith.constant 1 : i32
      %add3A_29 = arith.addi %select_n3A_26, %add3A_28 : i32
      %select_n3A_30 = arith.constant true
      %select_n3A_31 = arith.select %select_n3A_30, %add3A_29, %select_n3A_26 : i32
      %eq3A_32 = arith.constant 40 : i32
      %eq3A_33 = arith.cmpi eq, %select_n3A_31, %eq3A_32 : i32
      %select_n3A_34 = arith.constant 0 : i32
      %select_n3A_35 = arith.select %eq3A_33, %select_n3A_34, %select_n3A_31 : i32
      %add3A_36 = arith.addi %select_n3A_35, %mul3A_6 : i32
      "tpu.trace_start"() <{level = 10 : i32, message = "ep_initialize_0"}> : () -> ()
      %rem3A = arith.constant 0 : i32
      %rem3A_37 = arith.constant 2 : i32
      %rem3A_38 = arith.remui %rem3A, %rem3A_37 : i32
      %mul3A_39 = arith.constant 128 : i32
      %mul3A_40 = arith.muli %mul3A_39, %add3A_11 : i32
      %dma_start3A = arith.constant 0 : i32
      %dma_start3A_41 = arith.constant 0 : i32
      %dma_start3A_42 = tpu.memref_slice %run_scoped3A[%rem3A_38, %dma_start3A, %dma_start3A_41] : memref<2x1x128xi32, #tpu.memory_space<vmem>> -> memref<1x1x128xi32, #tpu.memory_space<vmem>>
      %dma_start3A_43 = tpu.memref_squeeze %dma_start3A_42 : memref<1x1x128xi32, #tpu.memory_space<vmem>> -> memref<1x128xi32, #tpu.memory_space<vmem>>
      %dma_start3A_44 = arith.constant 0 : i32
      %dma_start3A_45 = tpu.memref_slice %arg3[%dma_start3A_44, %mul3A_40] : memref<1x163840xi32, #tpu.memory_space<hbm>> -> memref<1x128xi32, #tpu.memory_space<hbm>>
      %dma_start3A_46 = tpu.memref_slice %run_scoped3A_7[%rem3A_38] : memref<2x!tpu.dma_semaphore, #tpu.memory_space<semaphore_mem>> -> memref<1x!tpu.dma_semaphore, #tpu.memory_space<semaphore_mem>>
      %dma_start3A_47 = tpu.memref_squeeze %dma_start3A_46 : memref<1x!tpu.dma_semaphore, #tpu.memory_space<semaphore_mem>> -> memref<!tpu.dma_semaphore, #tpu.memory_space<semaphore_mem>>
      %dma_start3A_48 = arith.constant 0 : i32
      %dma_start3A_49 = arith.constant 0 : i32
      %dma_start3A_50 = tpu.memref_slice %run_scoped3A[%rem3A_38, %dma_start3A_48, %dma_start3A_49] : memref<2x1x128xi32, #tpu.memory_space<vmem>> -> memref<1x1x128xi32, #tpu.memory_space<vmem>>
      %dma_start3A_51 = tpu.memref_squeeze %dma_start3A_50 : memref<1x1x128xi32, #tpu.memory_space<vmem>> -> memref<1x128xi32, #tpu.memory_space<vmem>>
      %dma_start3A_52 = arith.constant 0 : i32
      %dma_start3A_53 = tpu.memref_slice %arg3[%dma_start3A_52, %mul3A_40] : memref<1x163840xi32, #tpu.memory_space<hbm>> -> memref<1x128xi32, #tpu.memory_space<hbm>>
      tpu.enqueue_dma source(%dma_start3A_53 : memref<1x128xi32, #tpu.memory_space<hbm>>) target(%dma_start3A_51 : memref<1x128xi32, #tpu.memory_space<vmem>>) target_semaphore(%dma_start3A_47 : memref<!tpu.dma_semaphore, #tpu.memory_space<semaphore_mem>>)
      %add3A_54 = arith.constant 0 : i32
      %add3A_55 = arith.constant 1 : i32
      %add3A_56 = arith.addi %add3A_54, %add3A_55 : i32
      %select_n3A_57 = arith.constant true
      %select_n3A_58 = arith.constant 0 : i32
      %select_n3A_59 = arith.select %select_n3A_57, %add3A_56, %select_n3A_58 : i32
      "tpu.trace_stop"() : () -> ()
      %scan3A = arith.constant 0 : i32
      %scan3A_60 = arith.constant 0 : i32
      %scan3A_61 = arith.constant 0 : i32
      %scan3A_62 = arith.constant 0 : i32
      %scan3A_63 = arith.constant 0 : i32
      %scan3A_64 = arith.constant 40 : i32
      %scan3A_65 = arith.addi %scan3A_63, %scan3A_64 : i32
      %scan3A_66 = arith.constant 1 : i32
      %scan3A_67:5 = scf.for %scan3A_121 = %scan3A_63 to %scan3A_65 step %scan3A_66 iter_args(%scan3A_122 = %select_n3A_59, %scan3A_123 = %scan3A, %scan3A_124 = %scan3A_60, %scan3A_125 = %scan3A_61, %scan3A_126 = %scan3A_62) -> (i32, i32, i32, i32, i32)  : i32 {
        %eq3A_127 = arith.constant 0 : i32
        %eq3A_128 = arith.cmpi eq, %scan3A_121, %eq3A_127 : i32
        %eq3A_129 = arith.constant 39 : i32
        %eq3A_130 = arith.cmpi eq, %scan3A_121, %eq3A_129 : i32
        %add3A_131 = arith.addi %scan3A_126, %mul3A_6 : i32
        %sub3A_132 = arith.constant 1 : i32
        %sub3A_133 = arith.subi %scan3A_126, %sub3A_132 : i32
        %select_n3A_134 = arith.constant true
        %select_n3A_135 = arith.select %select_n3A_134, %sub3A_133, %scan3A_126 : i32
        %eq3A_136 = arith.constant -1 : i32
        %eq3A_137 = arith.cmpi eq, %select_n3A_135, %eq3A_136 : i32
        %select_n3A_138 = arith.constant 39 : i32
        %select_n3A_139 = arith.select %eq3A_137, %select_n3A_138, %select_n3A_135 : i32
        %add3A_140 = arith.addi %select_n3A_139, %mul3A_6 : i32
        %add3A_141 = arith.constant 1 : i32
        %add3A_142 = arith.addi %scan3A_126, %add3A_141 : i32
        %select_n3A_143 = arith.constant true
        %select_n3A_144 = arith.select %select_n3A_143, %add3A_142, %scan3A_126 : i32
        %eq3A_145 = arith.constant 40 : i32
        %eq3A_146 = arith.cmpi eq, %select_n3A_144, %eq3A_145 : i32
        %select_n3A_147 = arith.constant 0 : i32
        %select_n3A_148 = arith.select %eq3A_146, %select_n3A_147, %select_n3A_144 : i32
        %add3A_149 = arith.addi %select_n3A_148, %mul3A_6 : i32
        %add3A_150 = arith.constant 1 : i32
        %add3A_151 = arith.addi %select_n3A_148, %add3A_150 : i32
        %select_n3A_152 = arith.constant true
        %select_n3A_153 = arith.select %select_n3A_152, %add3A_151, %select_n3A_148 : i32
        %eq3A_154 = arith.constant 40 : i32
        %eq3A_155 = arith.cmpi eq, %select_n3A_153, %eq3A_154 : i32
        %select_n3A_156 = arith.constant 0 : i32
        %select_n3A_157 = arith.select %eq3A_155, %select_n3A_156, %select_n3A_153 : i32
        %add3A_158 = arith.addi %select_n3A_157, %mul3A_6 : i32
        %ne3A = arith.cmpi ne, %add3A_131, %add3A_149 : i32
        %or3A = arith.constant false
        %or3A_159 = arith.ori %or3A, %ne3A : i1
        %ge3A = arith.constant 39 : i32
        %ge3A_160 = arith.cmpi sge, %scan3A_121, %ge3A : i32
        %not3A = arith.constant true
        %not3A_161 = arith.xori %ge3A_160, %not3A : i1
        %and3A = arith.andi %or3A_159, %not3A_161 : i1
        %convert_element_type3A = arith.extui %and3A : i1 to i32
        %cond3A = arith.constant 0 : i32
        %cond3A_162 = arith.cmpi ne, %convert_element_type3A, %cond3A : i32
        scf.if %cond3A_162 {
          "tpu.trace_start"() <{level = 10 : i32, message = "ep_copy_in"}> : () -> ()
          %rem3A_264 = arith.constant 2 : i32
          %rem3A_265 = arith.remui %scan3A_122, %rem3A_264 : i32
          %mul3A_266 = arith.constant 128 : i32
          %mul3A_267 = arith.muli %mul3A_266, %add3A_149 : i32
          %dma_start3A_268 = arith.constant 0 : i32
          %dma_start3A_269 = arith.constant 0 : i32
          %dma_start3A_270 = tpu.memref_slice %run_scoped3A[%rem3A_265, %dma_start3A_268, %dma_start3A_269] : memref<2x1x128xi32, #tpu.memory_space<vmem>> -> memref<1x1x128xi32, #tpu.memory_space<vmem>>
          %dma_start3A_271 = tpu.memref_squeeze %dma_start3A_270 : memref<1x1x128xi32, #tpu.memory_space<vmem>> -> memref<1x128xi32, #tpu.memory_space<vmem>>
          %dma_start3A_272 = arith.constant 0 : i32
          %dma_start3A_273 = tpu.memref_slice %arg3[%dma_start3A_272, %mul3A_267] : memref<1x163840xi32, #tpu.memory_space<hbm>> -> memref<1x128xi32, #tpu.memory_space<hbm>>
          %dma_start3A_274 = tpu.memref_slice %run_scoped3A_7[%rem3A_265] : memref<2x!tpu.dma_semaphore, #tpu.memory_space<semaphore_mem>> -> memref<1x!tpu.dma_semaphore, #tpu.memory_space<semaphore_mem>>
          %dma_start3A_275 = tpu.memref_squeeze %dma_start3A_274 : memref<1x!tpu.dma_semaphore, #tpu.memory_space<semaphore_mem>> -> memref<!tpu.dma_semaphore, #tpu.memory_space<semaphore_mem>>
          %dma_start3A_276 = arith.constant 0 : i32
          %dma_start3A_277 = arith.constant 0 : i32
          %dma_start3A_278 = tpu.memref_slice %run_scoped3A[%rem3A_265, %dma_start3A_276, %dma_start3A_277] : memref<2x1x128xi32, #tpu.memory_space<vmem>> -> memref<1x1x128xi32, #tpu.memory_space<vmem>>
          %dma_start3A_279 = tpu.memref_squeeze %dma_start3A_278 : memref<1x1x128xi32, #tpu.memory_space<vmem>> -> memref<1x128xi32, #tpu.memory_space<vmem>>
          %dma_start3A_280 = arith.constant 0 : i32
          %dma_start3A_281 = tpu.memref_slice %arg3[%dma_start3A_280, %mul3A_267] : memref<1x163840xi32, #tpu.memory_space<hbm>> -> memref<1x128xi32, #tpu.memory_space<hbm>>
          tpu.enqueue_dma source(%dma_start3A_281 : memref<1x128xi32, #tpu.memory_space<hbm>>) target(%dma_start3A_279 : memref<1x128xi32, #tpu.memory_space<vmem>>) target_semaphore(%dma_start3A_275 : memref<!tpu.dma_semaphore, #tpu.memory_space<semaphore_mem>>)
          "tpu.trace_stop"() : () -> ()
        } else {
        }
        %and3A_163 = arith.constant true
        %and3A_164 = arith.andi %and3A, %and3A_163 : i1
        %add3A_165 = arith.constant 1 : i32
        %add3A_166 = arith.addi %scan3A_122, %add3A_165 : i32
        %select_n3A_167 = arith.select %and3A_164, %add3A_166, %scan3A_122 : i32
        %ne3A_168 = arith.cmpi ne, %add3A_131, %add3A_149 : i32
        %or3A_169 = arith.constant false
        %or3A_170 = arith.ori %or3A_169, %ne3A_168 : i1
        %or3A_171 = arith.constant false
        %or3A_172 = arith.ori %or3A_170, %or3A_171 : i1
        %ge3A_173 = arith.constant 39 : i32
        %ge3A_174 = arith.cmpi sge, %scan3A_121, %ge3A_173 : i32
        %not3A_175 = arith.constant true
        %not3A_176 = arith.xori %ge3A_174, %not3A_175 : i1
        %and3A_177 = arith.andi %or3A_172, %not3A_176 : i1
        %ne3A_178 = arith.cmpi ne, %add3A_131, %add3A_140 : i32
        %or3A_179 = arith.constant false
        %or3A_180 = arith.ori %or3A_179, %ne3A_178 : i1
        %or3A_181 = arith.ori %or3A_180, %eq3A_128 : i1
        %convert_element_type3A_182 = arith.extui %or3A_181 : i1 to i32
        %cond3A_183 = arith.constant 0 : i32
        %cond3A_184 = arith.cmpi ne, %convert_element_type3A_182, %cond3A_183 : i32
        scf.if %cond3A_184 {
          "tpu.trace_start"() <{level = 10 : i32, message = "ep_wait_in"}> : () -> ()
          %mul3A_264 = arith.constant 128 : i32
          %mul3A_265 = arith.muli %mul3A_264, %add3A_131 : i32
          %rem3A_266 = arith.constant 2 : i32
          %rem3A_267 = arith.remui %scan3A_123, %rem3A_266 : i32
          %dma_wait3A_268 = arith.constant 0 : i32
          %dma_wait3A_269 = arith.constant 0 : i32
          %dma_wait3A_270 = tpu.memref_slice %run_scoped3A[%rem3A_267, %dma_wait3A_268, %dma_wait3A_269] : memref<2x1x128xi32, #tpu.memory_space<vmem>> -> memref<1x1x128xi32, #tpu.memory_space<vmem>>
          %dma_wait3A_271 = tpu.memref_squeeze %dma_wait3A_270 : memref<1x1x128xi32, #tpu.memory_space<vmem>> -> memref<1x128xi32, #tpu.memory_space<vmem>>
          %dma_wait3A_272 = arith.constant 0 : i32
          %dma_wait3A_273 = tpu.memref_slice %arg3[%dma_wait3A_272, %mul3A_265] : memref<1x163840xi32, #tpu.memory_space<hbm>> -> memref<1x128xi32, #tpu.memory_space<hbm>>
          %dma_wait3A_274 = tpu.memref_slice %run_scoped3A_7[%rem3A_267] : memref<2x!tpu.dma_semaphore, #tpu.memory_space<semaphore_mem>> -> memref<1x!tpu.dma_semaphore, #tpu.memory_space<semaphore_mem>>
          %dma_wait3A_275 = tpu.memref_squeeze %dma_wait3A_274 : memref<1x!tpu.dma_semaphore, #tpu.memory_space<semaphore_mem>> -> memref<!tpu.dma_semaphore, #tpu.memory_space<semaphore_mem>>
          %dma_wait3A_276 = arith.constant 0 : i32
          %dma_wait3A_277 = arith.constant 0 : i32
          %dma_wait3A_278 = tpu.memref_slice %run_scoped3A[%rem3A_267, %dma_wait3A_276, %dma_wait3A_277] : memref<2x1x128xi32, #tpu.memory_space<vmem>> -> memref<1x1x128xi32, #tpu.memory_space<vmem>>
          %dma_wait3A_279 = tpu.memref_squeeze %dma_wait3A_278 : memref<1x1x128xi32, #tpu.memory_space<vmem>> -> memref<1x128xi32, #tpu.memory_space<vmem>>
          %dma_wait3A_280 = arith.constant 0 : i32
          %dma_wait3A_281 = tpu.memref_slice %arg3[%dma_wait3A_280, %mul3A_265] : memref<1x163840xi32, #tpu.memory_space<hbm>> -> memref<1x128xi32, #tpu.memory_space<hbm>>
          tpu.wait_dma2 semaphore(%dma_wait3A_275 : memref<!tpu.dma_semaphore, #tpu.memory_space<semaphore_mem>>) src(%dma_wait3A_281 : memref<1x128xi32, #tpu.memory_space<hbm>>) dst(%dma_wait3A_279 : memref<1x128xi32, #tpu.memory_space<vmem>>)
          "tpu.trace_stop"() : () -> ()
        } else {
        }
        %ne3A_185 = arith.cmpi ne, %add3A_131, %add3A_140 : i32
        %or3A_186 = arith.constant false
        %or3A_187 = arith.ori %or3A_186, %ne3A_185 : i1
        %or3A_188 = arith.constant false
        %or3A_189 = arith.ori %or3A_187, %or3A_188 : i1
        %or3A_190 = arith.ori %or3A_189, %eq3A_128 : i1
        %convert_element_type3A_191 = arith.extui %or3A_190 : i1 to i32
        %cond3A_192 = arith.constant 0 : i32
        %cond3A_193 = arith.cmpi ne, %convert_element_type3A_191, %cond3A_192 : i32
        scf.if %cond3A_193 {
        } else {
        }
        %rem3A_194 = arith.constant 2 : i32
        %rem3A_195 = arith.remui %scan3A_123, %rem3A_194 : i32
        %rem3A_196 = arith.constant 2 : i32
        %rem3A_197 = arith.remui %scan3A_124, %rem3A_196 : i32
        %run_scoped3A_198 = arith.constant 0 : i32
        "tpu.trace_start"() <{level = 10 : i32, message = "ep_run_kernel"}> : () -> ()
        "tpu.region"() ({
          %run_scoped3A_264 = tpu.sem_alloc : memref<!tpu.dma_semaphore, #tpu.memory_space<semaphore_mem>>
          %dma_start3A_265 = arith.constant 0 : i32
          %dma_start3A_266 = arith.constant 0 : i32
          %dma_start3A_267 = tpu.memref_slice %run_scoped3A_8[%rem3A_197, %dma_start3A_265, %dma_start3A_266] : memref<2x128x384xf32, #tpu.memory_space<vmem>> -> memref<1x128x384xf32, #tpu.memory_space<vmem>>
          %dma_start3A_268 = tpu.memref_squeeze %dma_start3A_267 : memref<1x128x384xf32, #tpu.memory_space<vmem>> -> memref<128x384xf32, #tpu.memory_space<vmem>>
          %dma_start3A_269 = arith.constant 0 : i32
          %dma_start3A_270 = arith.constant 0 : i32
          %dma_start3A_271 = tpu.memref_slice %run_scoped3A[%rem3A_195, %dma_start3A_269, %dma_start3A_270] : memref<2x1x128xi32, #tpu.memory_space<vmem>> -> memref<1x1x128xi32, #tpu.memory_space<vmem>>
          %dma_start3A_272 = tpu.memref_squeeze %dma_start3A_271 : memref<1x1x128xi32, #tpu.memory_space<vmem>> -> memref<1x128xi32, #tpu.memory_space<vmem>>
          %dma_start3A_273 = arith.constant 0 : i32
          %dma_start3A_274 = tpu.memref_slice %dma_start3A_272[%run_scoped3A_198, %dma_start3A_273] : memref<1x128xi32, #tpu.memory_space<vmem>> -> memref<1x128xi32, #tpu.memory_space<vmem>>
          %dma_start3A_275 = tpu.memref_squeeze %dma_start3A_274 : memref<1x128xi32, #tpu.memory_space<vmem>> -> memref<128xi32, #tpu.memory_space<vmem>>
          %dma_start3A_276 = arith.constant 0 : i32
          %dma_start3A_277 = arith.constant 0 : i32
          %dma_start3A_278 = tpu.memref_slice %arg2[%dma_start3A_276, %dma_start3A_277] : memref<10000x384xf32, #tpu.memory_space<hbm>> -> memref<10000x384xf32, #tpu.memory_space<hbm>>
          tpu.enqueue_indirect_dma source(%dma_start3A_278 : memref<10000x384xf32, #tpu.memory_space<hbm>>) target(%dma_start3A_268 : memref<128x384xf32, #tpu.memory_space<vmem>>) offsets(%dma_start3A_275 : memref<128xi32, #tpu.memory_space<vmem>>) semaphore(%run_scoped3A_264 : memref<!tpu.dma_semaphore, #tpu.memory_space<semaphore_mem>>)
          %dma_wait3A_279 = arith.constant 0 : i32
          %dma_wait3A_280 = arith.constant 0 : i32
          %dma_wait3A_281 = tpu.memref_slice %run_scoped3A_8[%rem3A_197, %dma_wait3A_279, %dma_wait3A_280] : memref<2x128x384xf32, #tpu.memory_space<vmem>> -> memref<1x128x384xf32, #tpu.memory_space<vmem>>
          %dma_wait3A_282 = tpu.memref_squeeze %dma_wait3A_281 : memref<1x128x384xf32, #tpu.memory_space<vmem>> -> memref<128x384xf32, #tpu.memory_space<vmem>>
          %dma_wait3A_283 = arith.constant 0 : i32
          %dma_wait3A_284 = arith.constant 0 : i32
          %dma_wait3A_285 = tpu.memref_slice %run_scoped3A[%rem3A_195, %dma_wait3A_283, %dma_wait3A_284] : memref<2x1x128xi32, #tpu.memory_space<vmem>> -> memref<1x1x128xi32, #tpu.memory_space<vmem>>
          %dma_wait3A_286 = tpu.memref_squeeze %dma_wait3A_285 : memref<1x1x128xi32, #tpu.memory_space<vmem>> -> memref<1x128xi32, #tpu.memory_space<vmem>>
          %dma_wait3A_287 = arith.constant 0 : i32
          %dma_wait3A_288 = tpu.memref_slice %dma_wait3A_286[%run_scoped3A_198, %dma_wait3A_287] : memref<1x128xi32, #tpu.memory_space<vmem>> -> memref<1x128xi32, #tpu.memory_space<vmem>>
          %dma_wait3A_289 = tpu.memref_squeeze %dma_wait3A_288 : memref<1x128xi32, #tpu.memory_space<vmem>> -> memref<128xi32, #tpu.memory_space<vmem>>
          %dma_wait3A_290 = arith.constant 0 : i32
          %dma_wait3A_291 = arith.constant 0 : i32
          %dma_wait3A_292 = tpu.memref_slice %arg2[%dma_wait3A_290, %dma_wait3A_291] : memref<10000x384xf32, #tpu.memory_space<hbm>> -> memref<10000x384xf32, #tpu.memory_space<hbm>>
          tpu.wait_indirect_dma semaphore(%run_scoped3A_264 : memref<!tpu.dma_semaphore, #tpu.memory_space<semaphore_mem>>) src(%dma_wait3A_292 : memref<10000x384xf32, #tpu.memory_space<hbm>>) dst(%dma_wait3A_282 : memref<128x384xf32, #tpu.memory_space<vmem>>)
          tpu.yield
        }) : () -> ()
        "tpu.trace_stop"() : () -> ()
        %ne3A_199 = arith.cmpi ne, %add3A_131, %add3A_149 : i32
        %or3A_200 = arith.constant false
        %or3A_201 = arith.ori %or3A_200, %ne3A_199 : i1
        %or3A_202 = arith.ori %or3A_201, %eq3A_130 : i1
        %convert_element_type3A_203 = arith.extui %or3A_202 : i1 to i32
        %cond3A_204 = arith.constant 0 : i32
        %cond3A_205 = arith.cmpi ne, %convert_element_type3A_203, %cond3A_204 : i32
        scf.if %cond3A_205 {
        } else {
        }
        %and3A_206 = arith.constant false
        %and3A_207 = arith.andi %or3A_202, %and3A_206 : i1
        %ne3A_208 = arith.cmpi ne, %add3A_131, %add3A_149 : i32
        %or3A_209 = arith.constant false
        %or3A_210 = arith.ori %or3A_209, %ne3A_208 : i1
        %or3A_211 = arith.constant false
        %or3A_212 = arith.ori %or3A_210, %or3A_211 : i1
        %or3A_213 = arith.ori %or3A_212, %eq3A_130 : i1
        %convert_element_type3A_214 = arith.extui %or3A_213 : i1 to i32
        %cond3A_215 = arith.constant 0 : i32
        %cond3A_216 = arith.cmpi ne, %convert_element_type3A_214, %cond3A_215 : i32
        scf.if %cond3A_216 {
          "tpu.trace_start"() <{level = 10 : i32, message = "ep_copy_out"}> : () -> ()
          %rem3A_264 = arith.constant 2 : i32
          %rem3A_265 = arith.remui %scan3A_124, %rem3A_264 : i32
          %mul3A_266 = arith.constant 128 : i32
          %mul3A_267 = arith.muli %mul3A_266, %add3A_131 : i32
          %dma_start3A_268 = arith.constant 0 : i32
          %dma_start3A_269 = arith.constant 0 : i32
          %dma_start3A_270 = tpu.memref_slice %run_scoped3A_8[%rem3A_265, %dma_start3A_268, %dma_start3A_269] : memref<2x128x384xf32, #tpu.memory_space<vmem>> -> memref<1x128x384xf32, #tpu.memory_space<vmem>>
          %dma_start3A_271 = tpu.memref_squeeze %dma_start3A_270 : memref<1x128x384xf32, #tpu.memory_space<vmem>> -> memref<128x384xf32, #tpu.memory_space<vmem>>
          %dma_start3A_272 = arith.constant 0 : i32
          %dma_start3A_273 = tpu.memref_slice %arg5[%mul3A_267, %dma_start3A_272] : memref<163840x384xf32, #tpu.memory_space<hbm>> -> memref<128x384xf32, #tpu.memory_space<hbm>>
          %dma_start3A_274 = tpu.memref_slice %run_scoped3A_9[%rem3A_265] : memref<2x!tpu.dma_semaphore, #tpu.memory_space<semaphore_mem>> -> memref<1x!tpu.dma_semaphore, #tpu.memory_space<semaphore_mem>>
          %dma_start3A_275 = tpu.memref_squeeze %dma_start3A_274 : memref<1x!tpu.dma_semaphore, #tpu.memory_space<semaphore_mem>> -> memref<!tpu.dma_semaphore, #tpu.memory_space<semaphore_mem>>
          %dma_start3A_276 = arith.constant 0 : i32
          %dma_start3A_277 = tpu.memref_slice %arg5[%mul3A_267, %dma_start3A_276] : memref<163840x384xf32, #tpu.memory_space<hbm>> -> memref<128x384xf32, #tpu.memory_space<hbm>>
          %dma_start3A_278 = arith.constant 0 : i32
          %dma_start3A_279 = arith.constant 0 : i32
          %dma_start3A_280 = tpu.memref_slice %run_scoped3A_8[%rem3A_265, %dma_start3A_278, %dma_start3A_279] : memref<2x128x384xf32, #tpu.memory_space<vmem>> -> memref<1x128x384xf32, #tpu.memory_space<vmem>>
          %dma_start3A_281 = tpu.memref_squeeze %dma_start3A_280 : memref<1x128x384xf32, #tpu.memory_space<vmem>> -> memref<128x384xf32, #tpu.memory_space<vmem>>
          tpu.enqueue_dma source(%dma_start3A_281 : memref<128x384xf32, #tpu.memory_space<vmem>>) target(%dma_start3A_277 : memref<128x384xf32, #tpu.memory_space<hbm>>) target_semaphore(%dma_start3A_275 : memref<!tpu.dma_semaphore, #tpu.memory_space<semaphore_mem>>)
          "tpu.trace_stop"() : () -> ()
        } else {
        }
        %and3A_217 = arith.constant true
        %and3A_218 = arith.andi %or3A_213, %and3A_217 : i1
        %add3A_219 = arith.constant 1 : i32
        %add3A_220 = arith.addi %scan3A_124, %add3A_219 : i32
        %select_n3A_221 = arith.select %and3A_218, %add3A_220, %scan3A_124 : i32
        %ne3A_222 = arith.cmpi ne, %add3A_131, %add3A_140 : i32
        %or3A_223 = arith.constant false
        %or3A_224 = arith.ori %or3A_223, %ne3A_222 : i1
        %not3A_225 = arith.constant true
        %not3A_226 = arith.xori %eq3A_128, %not3A_225 : i1
        %and3A_227 = arith.andi %or3A_224, %not3A_226 : i1
        %convert_element_type3A_228 = arith.extui %and3A_227 : i1 to i32
        %cond3A_229 = arith.constant 0 : i32
        %cond3A_230 = arith.cmpi ne, %convert_element_type3A_228, %cond3A_229 : i32
        scf.if %cond3A_230 {
        } else {
        }
        %and3A_231 = arith.constant false
        %and3A_232 = arith.andi %and3A_227, %and3A_231 : i1
        %ne3A_233 = arith.cmpi ne, %add3A_131, %add3A_140 : i32
        %or3A_234 = arith.constant false
        %or3A_235 = arith.ori %or3A_234, %ne3A_233 : i1
        %or3A_236 = arith.constant false
        %or3A_237 = arith.ori %or3A_235, %or3A_236 : i1
        %not3A_238 = arith.constant true
        %not3A_239 = arith.xori %eq3A_128, %not3A_238 : i1
        %and3A_240 = arith.andi %or3A_237, %not3A_239 : i1
        %convert_element_type3A_241 = arith.extui %and3A_240 : i1 to i32
        %cond3A_242 = arith.constant 0 : i32
        %cond3A_243 = arith.cmpi ne, %convert_element_type3A_241, %cond3A_242 : i32
        scf.if %cond3A_243 {
          "tpu.trace_start"() <{level = 10 : i32, message = "ep_wait_out"}> : () -> ()
          %rem3A_264 = arith.constant 2 : i32
          %rem3A_265 = arith.remui %scan3A_125, %rem3A_264 : i32
          %mul3A_266 = arith.constant 128 : i32
          %mul3A_267 = arith.muli %mul3A_266, %add3A_140 : i32
          %dma_wait3A_268 = arith.constant 0 : i32
          %dma_wait3A_269 = arith.constant 0 : i32
          %dma_wait3A_270 = tpu.memref_slice %run_scoped3A_8[%rem3A_265, %dma_wait3A_268, %dma_wait3A_269] : memref<2x128x384xf32, #tpu.memory_space<vmem>> -> memref<1x128x384xf32, #tpu.memory_space<vmem>>
          %dma_wait3A_271 = tpu.memref_squeeze %dma_wait3A_270 : memref<1x128x384xf32, #tpu.memory_space<vmem>> -> memref<128x384xf32, #tpu.memory_space<vmem>>
          %dma_wait3A_272 = arith.constant 0 : i32
          %dma_wait3A_273 = tpu.memref_slice %arg5[%mul3A_267, %dma_wait3A_272] : memref<163840x384xf32, #tpu.memory_space<hbm>> -> memref<128x384xf32, #tpu.memory_space<hbm>>
          %dma_wait3A_274 = tpu.memref_slice %run_scoped3A_9[%rem3A_265] : memref<2x!tpu.dma_semaphore, #tpu.memory_space<semaphore_mem>> -> memref<1x!tpu.dma_semaphore, #tpu.memory_space<semaphore_mem>>
          %dma_wait3A_275 = tpu.memref_squeeze %dma_wait3A_274 : memref<1x!tpu.dma_semaphore, #tpu.memory_space<semaphore_mem>> -> memref<!tpu.dma_semaphore, #tpu.memory_space<semaphore_mem>>
          %dma_wait3A_276 = arith.constant 0 : i32
          %dma_wait3A_277 = tpu.memref_slice %arg5[%mul3A_267, %dma_wait3A_276] : memref<163840x384xf32, #tpu.memory_space<hbm>> -> memref<128x384xf32, #tpu.memory_space<hbm>>
          %dma_wait3A_278 = arith.constant 0 : i32
          %dma_wait3A_279 = arith.constant 0 : i32
          %dma_wait3A_280 = tpu.memref_slice %run_scoped3A_8[%rem3A_265, %dma_wait3A_278, %dma_wait3A_279] : memref<2x128x384xf32, #tpu.memory_space<vmem>> -> memref<1x128x384xf32, #tpu.memory_space<vmem>>
          %dma_wait3A_281 = tpu.memref_squeeze %dma_wait3A_280 : memref<1x128x384xf32, #tpu.memory_space<vmem>> -> memref<128x384xf32, #tpu.memory_space<vmem>>
          tpu.wait_dma2 semaphore(%dma_wait3A_275 : memref<!tpu.dma_semaphore, #tpu.memory_space<semaphore_mem>>) src(%dma_wait3A_281 : memref<128x384xf32, #tpu.memory_space<vmem>>) dst(%dma_wait3A_277 : memref<128x384xf32, #tpu.memory_space<hbm>>)
          "tpu.trace_stop"() : () -> ()
        } else {
        }
        %and3A_244 = arith.constant true
        %and3A_245 = arith.andi %and3A_240, %and3A_244 : i1
        %add3A_246 = arith.constant 1 : i32
        %add3A_247 = arith.addi %scan3A_125, %add3A_246 : i32
        %select_n3A_248 = arith.select %and3A_245, %add3A_247, %scan3A_125 : i32
        %ne3A_249 = arith.cmpi ne, %add3A_131, %add3A_149 : i32
        %or3A_250 = arith.constant false
        %or3A_251 = arith.ori %or3A_250, %ne3A_249 : i1
        %or3A_252 = arith.ori %or3A_251, %eq3A_130 : i1
        %add3A_253 = arith.constant 1 : i32
        %add3A_254 = arith.addi %scan3A_123, %add3A_253 : i32
        %select_n3A_255 = arith.select %or3A_252, %add3A_254, %scan3A_123 : i32
        %add3A_256 = arith.constant 1 : i32
        %add3A_257 = arith.addi %scan3A_126, %add3A_256 : i32
        %select_n3A_258 = arith.constant true
        %select_n3A_259 = arith.select %select_n3A_258, %add3A_257, %scan3A_126 : i32
        %eq3A_260 = arith.constant 40 : i32
        %eq3A_261 = arith.cmpi eq, %select_n3A_259, %eq3A_260 : i32
        %select_n3A_262 = arith.constant 0 : i32
        %select_n3A_263 = arith.select %eq3A_261, %select_n3A_262, %select_n3A_259 : i32
        scf.yield %select_n3A_167, %select_n3A_255, %select_n3A_221, %select_n3A_248, %select_n3A_263 : i32, i32, i32, i32, i32
      }
      %scan3A_68 = arith.constant 40 : i32
      %sub3A = arith.constant 1 : i32
      %sub3A_69 = arith.subi %scan3A_67#4, %sub3A : i32
      %select_n3A_70 = arith.constant true
      %select_n3A_71 = arith.select %select_n3A_70, %sub3A_69, %scan3A_67#4 : i32
      %eq3A_72 = arith.constant -1 : i32
      %eq3A_73 = arith.cmpi eq, %select_n3A_71, %eq3A_72 : i32
      %select_n3A_74 = arith.constant 39 : i32
      %select_n3A_75 = arith.select %eq3A_73, %select_n3A_74, %select_n3A_71 : i32
      %add3A_76 = arith.addi %select_n3A_75, %mul3A_6 : i32
      %sub3A_77 = arith.constant 1 : i32
      %sub3A_78 = arith.subi %select_n3A_75, %sub3A_77 : i32
      %select_n3A_79 = arith.constant true
      %select_n3A_80 = arith.select %select_n3A_79, %sub3A_78, %select_n3A_75 : i32
      %eq3A_81 = arith.constant -1 : i32
      %eq3A_82 = arith.cmpi eq, %select_n3A_80, %eq3A_81 : i32
      %select_n3A_83 = arith.constant 39 : i32
      %select_n3A_84 = arith.select %eq3A_82, %select_n3A_83, %select_n3A_80 : i32
      %add3A_85 = arith.addi %select_n3A_84, %mul3A_6 : i32
      %add3A_86 = arith.constant 1 : i32
      %add3A_87 = arith.addi %select_n3A_75, %add3A_86 : i32
      %select_n3A_88 = arith.constant true
      %select_n3A_89 = arith.select %select_n3A_88, %add3A_87, %select_n3A_75 : i32
      %eq3A_90 = arith.constant 40 : i32
      %eq3A_91 = arith.cmpi eq, %select_n3A_89, %eq3A_90 : i32
      %select_n3A_92 = arith.constant 0 : i32
      %select_n3A_93 = arith.select %eq3A_91, %select_n3A_92, %select_n3A_89 : i32
      %add3A_94 = arith.addi %select_n3A_93, %mul3A_6 : i32
      %add3A_95 = arith.constant 1 : i32
      %add3A_96 = arith.addi %select_n3A_93, %add3A_95 : i32
      %select_n3A_97 = arith.constant true
      %select_n3A_98 = arith.select %select_n3A_97, %add3A_96, %select_n3A_93 : i32
      %eq3A_99 = arith.constant 40 : i32
      %eq3A_100 = arith.cmpi eq, %select_n3A_98, %eq3A_99 : i32
      %select_n3A_101 = arith.constant 0 : i32
      %select_n3A_102 = arith.select %eq3A_100, %select_n3A_101, %select_n3A_98 : i32
      %add3A_103 = arith.addi %select_n3A_102, %mul3A_6 : i32
      "tpu.trace_start"() <{level = 10 : i32, message = "ep_finalize"}> : () -> ()
      %rem3A_104 = arith.constant 2 : i32
      %rem3A_105 = arith.remui %scan3A_67#3, %rem3A_104 : i32
      %mul3A_106 = arith.constant 128 : i32
      %mul3A_107 = arith.muli %mul3A_106, %add3A_76 : i32
      %dma_wait3A = arith.constant 0 : i32
      %dma_wait3A_108 = arith.constant 0 : i32
      %dma_wait3A_109 = tpu.memref_slice %run_scoped3A_8[%rem3A_105, %dma_wait3A, %dma_wait3A_108] : memref<2x128x384xf32, #tpu.memory_space<vmem>> -> memref<1x128x384xf32, #tpu.memory_space<vmem>>
      %dma_wait3A_110 = tpu.memref_squeeze %dma_wait3A_109 : memref<1x128x384xf32, #tpu.memory_space<vmem>> -> memref<128x384xf32, #tpu.memory_space<vmem>>
      %dma_wait3A_111 = arith.constant 0 : i32
      %dma_wait3A_112 = tpu.memref_slice %arg5[%mul3A_107, %dma_wait3A_111] : memref<163840x384xf32, #tpu.memory_space<hbm>> -> memref<128x384xf32, #tpu.memory_space<hbm>>
      %dma_wait3A_113 = tpu.memref_slice %run_scoped3A_9[%rem3A_105] : memref<2x!tpu.dma_semaphore, #tpu.memory_space<semaphore_mem>> -> memref<1x!tpu.dma_semaphore, #tpu.memory_space<semaphore_mem>>
      %dma_wait3A_114 = tpu.memref_squeeze %dma_wait3A_113 : memref<1x!tpu.dma_semaphore, #tpu.memory_space<semaphore_mem>> -> memref<!tpu.dma_semaphore, #tpu.memory_space<semaphore_mem>>
      %dma_wait3A_115 = arith.constant 0 : i32
      %dma_wait3A_116 = tpu.memref_slice %arg5[%mul3A_107, %dma_wait3A_115] : memref<163840x384xf32, #tpu.memory_space<hbm>> -> memref<128x384xf32, #tpu.memory_space<hbm>>
      %dma_wait3A_117 = arith.constant 0 : i32
      %dma_wait3A_118 = arith.constant 0 : i32
      %dma_wait3A_119 = tpu.memref_slice %run_scoped3A_8[%rem3A_105, %dma_wait3A_117, %dma_wait3A_118] : memref<2x128x384xf32, #tpu.memory_space<vmem>> -> memref<1x128x384xf32, #tpu.memory_space<vmem>>
      %dma_wait3A_120 = tpu.memref_squeeze %dma_wait3A_119 : memref<1x128x384xf32, #tpu.memory_space<vmem>> -> memref<128x384xf32, #tpu.memory_space<vmem>>
      tpu.wait_dma2 semaphore(%dma_wait3A_114 : memref<!tpu.dma_semaphore, #tpu.memory_space<semaphore_mem>>) src(%dma_wait3A_120 : memref<128x384xf32, #tpu.memory_space<vmem>>) dst(%dma_wait3A_116 : memref<128x384xf32, #tpu.memory_space<hbm>>)
      "tpu.trace_stop"() : () -> ()
      tpu.yield
    }) : () -> ()
    return
  }
}

module attributes {stable_mosaic.version = 14 : i64} {
  func.func @_prep_body(%arg0: i32, %arg1: memref<1000x256xf32, #tpu.memory_space<vmem>>, %arg2: memref<1000x256xf32, #tpu.memory_space<vmem>>, %arg3: memref<1000x16xf32, #tpu.memory_space<vmem>>, %arg4: memref<256x256xf32, #tpu.memory_space<vmem>>, %arg5: memref<256x256xf32, #tpu.memory_space<vmem>>, %arg6: memref<1x256xf32, #tpu.memory_space<vmem>>, %arg7: memref<1x256xf32, #tpu.memory_space<vmem>>, %arg8: memref<1x256xf32, #tpu.memory_space<vmem>>, %arg9: memref<256x256xf32, #tpu.memory_space<vmem>>, %arg10: memref<256x256xf32, #tpu.memory_space<vmem>>, %arg11: memref<256x256xf32, #tpu.memory_space<vmem>>, %arg12: memref<1x256xf32, #tpu.memory_space<vmem>>, %arg13: memref<1000x384xf32, #tpu.memory_space<vmem>>, %arg14: memref<1000x384xf32, #tpu.memory_space<vmem>>, %arg15: memref<1000x256xf32, #tpu.memory_space<vmem>>) attributes {dimension_semantics = [#tpu.dimension_semantics<arbitrary>], iteration_bounds = array<i64: 10>, scalar_prefetch = 0 : i64, scratch_operands = 0 : i64, tpu.core_type = #tpu.core_type<tc>, window_params = [{transform_indices = @transform_0, window_bounds = array<i64: 1000, 256>}, {transform_indices = @transform_1, window_bounds = array<i64: 1000, 256>}, {transform_indices = @transform_2, window_bounds = array<i64: 1000, 16>}, {pipeline_mode = #tpu.pipeline_mode<synchronous>, transform_indices = @transform_3, window_bounds = array<i64: 256, 256>}, {pipeline_mode = #tpu.pipeline_mode<synchronous>, transform_indices = @transform_4, window_bounds = array<i64: 256, 256>}, {pipeline_mode = #tpu.pipeline_mode<synchronous>, transform_indices = @transform_5, window_bounds = array<i64: 1, 256>}, {pipeline_mode = #tpu.pipeline_mode<synchronous>, transform_indices = @transform_6, window_bounds = array<i64: 1, 256>}, {pipeline_mode = #tpu.pipeline_mode<synchronous>, transform_indices = @transform_7, window_bounds = array<i64: 1, 256>}, {pipeline_mode = #tpu.pipeline_mode<synchronous>, transform_indices = @transform_8, window_bounds = array<i64: 256, 256>}, {pipeline_mode = #tpu.pipeline_mode<synchronous>, transform_indices = @transform_9, window_bounds = array<i64: 256, 256>}, {pipeline_mode = #tpu.pipeline_mode<synchronous>, transform_indices = @transform_10, window_bounds = array<i64: 256, 256>}, {pipeline_mode = #tpu.pipeline_mode<synchronous>, transform_indices = @transform_11, window_bounds = array<i64: 1, 256>}, {transform_indices = @transform_12, window_bounds = array<i64: 1000, 384>}, {transform_indices = @transform_13, window_bounds = array<i64: 1000, 384>}, {transform_indices = @transform_14, window_bounds = array<i64: 1000, 256>}]} {
    %get3A = arith.constant 0 : index
    %get3A_0 = arith.constant 0 : index
    %get3A_1 = vector.load %arg1[%get3A, %get3A_0] : memref<1000x256xf32, #tpu.memory_space<vmem>>, vector<1000x256xf32>
    %get3A_2 = arith.constant 0 : index
    %get3A_3 = arith.constant 0 : index
    %get3A_4 = vector.load %arg3[%get3A_2, %get3A_3] : memref<1000x16xf32, #tpu.memory_space<vmem>>, vector<1000x16xf32>
    %broadcast_in_dim3A = arith.constant 0.000000e+00 : f32
    %broadcast_in_dim3A_5 = vector.broadcast %broadcast_in_dim3A : f32 to vector<1000x112xf32>
    %get3A_6 = arith.constant 0 : index
    %get3A_7 = arith.constant 0 : index
    %get3A_8 = vector.load %arg4[%get3A_6, %get3A_7] : memref<256x256xf32, #tpu.memory_space<vmem>>, vector<256x256xf32>
    %dot_general3A = arith.constant dense<0.000000e+00> : vector<1000x256xf32>
    %dot_general3A_9 = tpu.matmul %get3A_1, %get3A_8, %dot_general3A {dimension_numbers = #tpu.dot_dimension_numbers<[1], [0], [0], [1], [0, 0, 1, 1], [], []>, transpose_lhs_hint = false} : vector<1000x256xf32>, vector<256x256xf32>, vector<1000x256xf32> -> vector<1000x256xf32>
    %get3A_10 = arith.constant 0 : index
    %get3A_11 = arith.constant 0 : index
    %get3A_12 = vector.load %arg6[%get3A_10, %get3A_11] : memref<1x256xf32, #tpu.memory_space<vmem>>, vector<1x256xf32>
    %add3A = vector.broadcast %get3A_12 : vector<1x256xf32> to vector<1000x256xf32>
    %add3A_13 = arith.addf %dot_general3A_9, %add3A : vector<1000x256xf32>
    %concatenate3A = tpu.concatenate %add3A_13, %get3A_4, %broadcast_in_dim3A_5 in 1 : vector<1000x256xf32>, vector<1000x16xf32>, vector<1000x112xf32> -> vector<1000x384xf32>
    %swap3A = arith.constant 0 : index
    %swap3A_14 = arith.constant 0 : index
    %swap3A_15 = vector.load %arg13[%swap3A, %swap3A_14] : memref<1000x384xf32, #tpu.memory_space<vmem>>, vector<1000x384xf32>
    tpu.vector_store %arg13[%swap3A, %swap3A_14], %concatenate3A {strides = array<i32>} : memref<1000x384xf32, #tpu.memory_space<vmem>>, vector<1000x384xf32>,
    %get3A_16 = arith.constant 0 : index
    %get3A_17 = arith.constant 0 : index
    %get3A_18 = vector.load %arg5[%get3A_16, %get3A_17] : memref<256x256xf32, #tpu.memory_space<vmem>>, vector<256x256xf32>
    %dot_general3A_19 = arith.constant dense<0.000000e+00> : vector<1000x256xf32>
    %dot_general3A_20 = tpu.matmul %get3A_1, %get3A_18, %dot_general3A_19 {dimension_numbers = #tpu.dot_dimension_numbers<[1], [0], [0], [1], [0, 0, 1, 1], [], []>, transpose_lhs_hint = false} : vector<1000x256xf32>, vector<256x256xf32>, vector<1000x256xf32> -> vector<1000x256xf32>
    %concatenate3A_21 = tpu.concatenate %dot_general3A_20, %get3A_4, %broadcast_in_dim3A_5 in 1 : vector<1000x256xf32>, vector<1000x16xf32>, vector<1000x112xf32> -> vector<1000x384xf32>
    %swap3A_22 = arith.constant 0 : index
    %swap3A_23 = arith.constant 0 : index
    %swap3A_24 = vector.load %arg14[%swap3A_22, %swap3A_23] : memref<1000x384xf32, #tpu.memory_space<vmem>>, vector<1000x384xf32>
    tpu.vector_store %arg14[%swap3A_22, %swap3A_23], %concatenate3A_21 {strides = array<i32>} : memref<1000x384xf32, #tpu.memory_space<vmem>>, vector<1000x384xf32>,
    %get3A_25 = arith.constant 0 : index
    %get3A_26 = arith.constant 0 : index
    %get3A_27 = vector.load %arg7[%get3A_25, %get3A_26] : memref<1x256xf32, #tpu.memory_space<vmem>>, vector<1x256xf32>
    %get3A_28 = arith.constant 0 : index
    %get3A_29 = arith.constant 0 : index
    %get3A_30 = vector.load %arg8[%get3A_28, %get3A_29] : memref<1x256xf32, #tpu.memory_space<vmem>>, vector<1x256xf32>
    %reduce_sum3A = arith.constant dense<0.000000e+00> : vector<1000xf32>
    %reduce_sum3A_31 = vector.multi_reduction <add>, %get3A_1, %reduce_sum3A [1] : vector<1000x256xf32> to vector<1000xf32>
    %broadcast_in_dim3A_32 = vector.shape_cast %reduce_sum3A_31 : vector<1000xf32> to vector<1000x1xf32>
    %div3A = arith.constant 2.560000e+02 : f32
    %div3A_33 = vector.broadcast %div3A : f32 to vector<1000x1xf32>
    %div3A_34 = arith.divf %broadcast_in_dim3A_32, %div3A_33 : vector<1000x1xf32>
    %jit3A = arith.constant 0 : i32
    %reduce_sum3A_35 = arith.constant dense<0.000000e+00> : vector<1000xf32>
    %reduce_sum3A_36 = vector.multi_reduction <add>, %get3A_1, %reduce_sum3A_35 [1] : vector<1000x256xf32> to vector<1000xf32>
    %broadcast_in_dim3A_37 = vector.shape_cast %reduce_sum3A_36 : vector<1000xf32> to vector<1000x1xf32>
    %div3A_38 = arith.constant 2.560000e+02 : f32
    %div3A_39 = vector.broadcast %div3A_38 : f32 to vector<1000x1xf32>
    %div3A_40 = arith.divf %broadcast_in_dim3A_37, %div3A_39 : vector<1000x1xf32>
    %sub3A = vector.broadcast %div3A_40 : vector<1000x1xf32> to vector<1000x256xf32>
    %sub3A_41 = arith.subf %get3A_1, %sub3A : vector<1000x256xf32>
    %square3A = arith.mulf %sub3A_41, %sub3A_41 : vector<1000x256xf32>
    %convert_element_type3A = arith.sitofp %jit3A : i32 to f32
    %sub3A_42 = arith.constant 2.560000e+02 : f32
    %sub3A_43 = arith.subf %sub3A_42, %convert_element_type3A : f32
    %reduce_sum3A_44 = arith.constant dense<0.000000e+00> : vector<1000xf32>
    %reduce_sum3A_45 = vector.multi_reduction <add>, %square3A, %reduce_sum3A_44 [1] : vector<1000x256xf32> to vector<1000xf32>
    %broadcast_in_dim3A_46 = vector.shape_cast %reduce_sum3A_45 : vector<1000xf32> to vector<1000x1xf32>
    %div3A_47 = vector.broadcast %sub3A_43 : f32 to vector<1000x1xf32>
    %div3A_48 = arith.divf %broadcast_in_dim3A_46, %div3A_47 : vector<1000x1xf32>
    %gt3A = arith.constant 0.000000e+00 : f32
    %gt3A_49 = arith.cmpf ogt, %sub3A_43, %gt3A : f32
    %jit3A_50 = arith.constant 0x7FC00000 : f32
    %broadcast_in_dim3A_51 = vector.broadcast %jit3A_50 : f32 to vector<1000x1xf32>
    %select_n3A = arith.select %gt3A_49, %div3A_48, %broadcast_in_dim3A_51 : vector<1000x1xf32>
    %sub3A_52 = vector.broadcast %div3A_34 : vector<1000x1xf32> to vector<1000x256xf32>
    %sub3A_53 = arith.subf %get3A_1, %sub3A_52 : vector<1000x256xf32>
    %add3A_54 = arith.constant 9.99999974E-6 : f32
    %add3A_55 = vector.broadcast %add3A_54 : f32 to vector<1000x1xf32>
    %add3A_56 = arith.addf %select_n3A, %add3A_55 : vector<1000x1xf32>
    %sqrt3A = math.sqrt %add3A_56 : vector<1000x1xf32>
    %div3A_57 = vector.broadcast %sqrt3A : vector<1000x1xf32> to vector<1000x256xf32>
    %div3A_58 = arith.divf %sub3A_53, %div3A_57 : vector<1000x256xf32>
    %mul3A = vector.broadcast %get3A_27 : vector<1x256xf32> to vector<1000x256xf32>
    %mul3A_59 = arith.mulf %div3A_58, %mul3A : vector<1000x256xf32>
    %add3A_60 = vector.broadcast %get3A_30 : vector<1x256xf32> to vector<1000x256xf32>
    %add3A_61 = arith.addf %mul3A_59, %add3A_60 : vector<1000x256xf32>
    %get3A_62 = arith.constant 0 : index
    %get3A_63 = arith.constant 0 : index
    %get3A_64 = vector.load %arg9[%get3A_62, %get3A_63] : memref<256x256xf32, #tpu.memory_space<vmem>>, vector<256x256xf32>
    %dot_general3A_65 = arith.constant dense<0.000000e+00> : vector<1000x256xf32>
    %dot_general3A_66 = tpu.matmul %add3A_61, %get3A_64, %dot_general3A_65 {dimension_numbers = #tpu.dot_dimension_numbers<[1], [0], [0], [1], [0, 0, 1, 1], [], []>, transpose_lhs_hint = false} : vector<1000x256xf32>, vector<256x256xf32>, vector<1000x256xf32> -> vector<1000x256xf32>
    %get3A_67 = arith.constant 0 : index
    %get3A_68 = arith.constant 0 : index
    %get3A_69 = vector.load %arg10[%get3A_67, %get3A_68] : memref<256x256xf32, #tpu.memory_space<vmem>>, vector<256x256xf32>
    %dot_general3A_70 = arith.constant dense<0.000000e+00> : vector<1000x256xf32>
    %dot_general3A_71 = tpu.matmul %get3A_1, %get3A_69, %dot_general3A_70 {dimension_numbers = #tpu.dot_dimension_numbers<[1], [0], [0], [1], [0, 0, 1, 1], [], []>, transpose_lhs_hint = false} : vector<1000x256xf32>, vector<256x256xf32>, vector<1000x256xf32> -> vector<1000x256xf32>
    %add3A_72 = arith.addf %dot_general3A_66, %dot_general3A_71 : vector<1000x256xf32>
    %get3A_73 = arith.constant 0 : index
    %get3A_74 = arith.constant 0 : index
    %get3A_75 = vector.load %arg2[%get3A_73, %get3A_74] : memref<1000x256xf32, #tpu.memory_space<vmem>>, vector<1000x256xf32>
    %get3A_76 = arith.constant 0 : index
    %get3A_77 = arith.constant 0 : index
    %get3A_78 = vector.load %arg11[%get3A_76, %get3A_77] : memref<256x256xf32, #tpu.memory_space<vmem>>, vector<256x256xf32>
    %dot_general3A_79 = arith.constant dense<0.000000e+00> : vector<1000x256xf32>
    %dot_general3A_80 = tpu.matmul %get3A_75, %get3A_78, %dot_general3A_79 {dimension_numbers = #tpu.dot_dimension_numbers<[1], [0], [0], [1], [0, 0, 1, 1], [], []>, transpose_lhs_hint = false} : vector<1000x256xf32>, vector<256x256xf32>, vector<1000x256xf32> -> vector<1000x256xf32>
    %add3A_81 = arith.addf %add3A_72, %dot_general3A_80 : vector<1000x256xf32>
    %get3A_82 = arith.constant 0 : index
    %get3A_83 = arith.constant 0 : index
    %get3A_84 = vector.load %arg12[%get3A_82, %get3A_83] : memref<1x256xf32, #tpu.memory_space<vmem>>, vector<1x256xf32>
    %add3A_85 = vector.broadcast %get3A_84 : vector<1x256xf32> to vector<1000x256xf32>
    %add3A_86 = arith.addf %add3A_81, %add3A_85 : vector<1000x256xf32>
    %swap3A_87 = arith.constant 0 : index
    %swap3A_88 = arith.constant 0 : index
    %swap3A_89 = vector.load %arg15[%swap3A_87, %swap3A_88] : memref<1000x256xf32, #tpu.memory_space<vmem>>, vector<1000x256xf32>
    tpu.vector_store %arg15[%swap3A_87, %swap3A_88], %add3A_86 {strides = array<i32>} : memref<1000x256xf32, #tpu.memory_space<vmem>>, vector<1000x256xf32>,
    return
  }
  func.func @transform_0(%arg0: i32) -> (i32, i32) {
    %c0_i32 = arith.constant 0 : i32
    %c0_i32_0 = arith.constant 0 : i32
    return %arg0, %c0_i32 : i32, i32
  }
  func.func @transform_1(%arg0: i32) -> (i32, i32) {
    %c0_i32 = arith.constant 0 : i32
    %c0_i32_0 = arith.constant 0 : i32
    return %arg0, %c0_i32 : i32, i32
  }
  func.func @transform_2(%arg0: i32) -> (i32, i32) {
    %c0_i32 = arith.constant 0 : i32
    %c0_i32_0 = arith.constant 0 : i32
    return %arg0, %c0_i32 : i32, i32
  }
  func.func @transform_3(%arg0: i32) -> (i32, i32) {
    %c0_i32 = arith.constant 0 : i32
    %c0_i32_0 = arith.constant 0 : i32
    %c0_i32_1 = arith.constant 0 : i32
    return %c0_i32, %c0_i32_0 : i32, i32
  }
  func.func @transform_4(%arg0: i32) -> (i32, i32) {
    %c0_i32 = arith.constant 0 : i32
    %c0_i32_0 = arith.constant 0 : i32
    %c0_i32_1 = arith.constant 0 : i32
    return %c0_i32, %c0_i32_0 : i32, i32
  }
  func.func @transform_5(%arg0: i32) -> (i32, i32) {
    %c0_i32 = arith.constant 0 : i32
    %c0_i32_0 = arith.constant 0 : i32
    %c0_i32_1 = arith.constant 0 : i32
    return %c0_i32, %c0_i32_0 : i32, i32
  }
  func.func @transform_6(%arg0: i32) -> (i32, i32) {
    %c0_i32 = arith.constant 0 : i32
    %c0_i32_0 = arith.constant 0 : i32
    %c0_i32_1 = arith.constant 0 : i32
    return %c0_i32, %c0_i32_0 : i32, i32
  }
  func.func @transform_7(%arg0: i32) -> (i32, i32) {
    %c0_i32 = arith.constant 0 : i32
    %c0_i32_0 = arith.constant 0 : i32
    %c0_i32_1 = arith.constant 0 : i32
    return %c0_i32, %c0_i32_0 : i32, i32
  }
  func.func @transform_8(%arg0: i32) -> (i32, i32) {
    %c0_i32 = arith.constant 0 : i32
    %c0_i32_0 = arith.constant 0 : i32
    %c0_i32_1 = arith.constant 0 : i32
    return %c0_i32, %c0_i32_0 : i32, i32
  }
  func.func @transform_9(%arg0: i32) -> (i32, i32) {
    %c0_i32 = arith.constant 0 : i32
    %c0_i32_0 = arith.constant 0 : i32
    %c0_i32_1 = arith.constant 0 : i32
    return %c0_i32, %c0_i32_0 : i32, i32
  }
  func.func @transform_10(%arg0: i32) -> (i32, i32) {
    %c0_i32 = arith.constant 0 : i32
    %c0_i32_0 = arith.constant 0 : i32
    %c0_i32_1 = arith.constant 0 : i32
    return %c0_i32, %c0_i32_0 : i32, i32
  }
  func.func @transform_11(%arg0: i32) -> (i32, i32) {
    %c0_i32 = arith.constant 0 : i32
    %c0_i32_0 = arith.constant 0 : i32
    %c0_i32_1 = arith.constant 0 : i32
    return %c0_i32, %c0_i32_0 : i32, i32
  }
  func.func @transform_12(%arg0: i32) -> (i32, i32) {
    %c0_i32 = arith.constant 0 : i32
    %c0_i32_0 = arith.constant 0 : i32
    return %arg0, %c0_i32 : i32, i32
  }
  func.func @transform_13(%arg0: i32) -> (i32, i32) {
    %c0_i32 = arith.constant 0 : i32
    %c0_i32_0 = arith.constant 0 : i32
    return %arg0, %c0_i32 : i32, i32
  }
  func.func @transform_14(%arg0: i32) -> (i32, i32) {
    %c0_i32 = arith.constant 0 : i32
    %c0_i32_0 = arith.constant 0 : i32
    return %arg0, %c0_i32 : i32, i32
  }
}

module attributes {stable_mosaic.version = 14 : i64} {
  func.func @_edge_body(%arg0: i32, %arg1: memref<1024x384xf32, #tpu.memory_space<vmem>>, %arg2: memref<1024x384xf32, #tpu.memory_space<vmem>>, %arg3: memref<1024x16xf32, #tpu.memory_space<vmem>>, %arg4: memref<16x256xf32, #tpu.memory_space<vmem>>, %arg5: memref<16x256xf32, #tpu.memory_space<vmem>>, %arg6: memref<1x16xf32, #tpu.memory_space<vmem>>, %arg7: memref<256x256xf32, #tpu.memory_space<vmem>>, %arg8: memref<1x256xf32, #tpu.memory_space<vmem>>, %arg9: memref<1x256xf32, #tpu.memory_space<vmem>>, %arg10: memref<1x256xf32, #tpu.memory_space<vmem>>, %arg11: memref<256x256xf32, #tpu.memory_space<vmem>>, %arg12: memref<1x256xf32, #tpu.memory_space<vmem>>, %arg13: memref<1x256xf32, #tpu.memory_space<vmem>>, %arg14: memref<1024x128xf32, #tpu.memory_space<vmem>>, %arg15: memref<1024x128xf32, #tpu.memory_space<vmem>>, %arg16: memref<1024x16xf32, #tpu.memory_space<vmem>>) attributes {dimension_semantics = [#tpu.dimension_semantics<arbitrary>], iteration_bounds = array<i64: 160>, scalar_prefetch = 0 : i64, scratch_operands = 0 : i64, tpu.core_type = #tpu.core_type<tc>, window_params = [{transform_indices = @transform_0, window_bounds = array<i64: 1024, 384>}, {transform_indices = @transform_1, window_bounds = array<i64: 1024, 384>}, {transform_indices = @transform_2, window_bounds = array<i64: 1024, 16>}, {pipeline_mode = #tpu.pipeline_mode<synchronous>, transform_indices = @transform_3, window_bounds = array<i64: 16, 256>}, {pipeline_mode = #tpu.pipeline_mode<synchronous>, transform_indices = @transform_4, window_bounds = array<i64: 16, 256>}, {pipeline_mode = #tpu.pipeline_mode<synchronous>, transform_indices = @transform_5, window_bounds = array<i64: 1, 16>}, {pipeline_mode = #tpu.pipeline_mode<synchronous>, transform_indices = @transform_6, window_bounds = array<i64: 256, 256>}, {pipeline_mode = #tpu.pipeline_mode<synchronous>, transform_indices = @transform_7, window_bounds = array<i64: 1, 256>}, {pipeline_mode = #tpu.pipeline_mode<synchronous>, transform_indices = @transform_8, window_bounds = array<i64: 1, 256>}, {pipeline_mode = #tpu.pipeline_mode<synchronous>, transform_indices = @transform_9, window_bounds = array<i64: 1, 256>}, {pipeline_mode = #tpu.pipeline_mode<synchronous>, transform_indices = @transform_10, window_bounds = array<i64: 256, 256>}, {pipeline_mode = #tpu.pipeline_mode<synchronous>, transform_indices = @transform_11, window_bounds = array<i64: 1, 256>}, {pipeline_mode = #tpu.pipeline_mode<synchronous>, transform_indices = @transform_12, window_bounds = array<i64: 1, 256>}, {transform_indices = @transform_13, window_bounds = array<i64: 1024, 128>}, {transform_indices = @transform_14, window_bounds = array<i64: 1024, 128>}, {transform_indices = @transform_15, window_bounds = array<i64: 1024, 16>}]} {
    %get3A = arith.constant 0 : index
    %get3A_0 = arith.constant 0 : index
    %get3A_1 = vector.load %arg1[%get3A, %get3A_0] : memref<1024x384xf32, #tpu.memory_space<vmem>>, vector<1024x384xf32>
    %get3A_2 = arith.constant 0 : index
    %get3A_3 = arith.constant 0 : index
    %get3A_4 = vector.load %arg2[%get3A_2, %get3A_3] : memref<1024x384xf32, #tpu.memory_space<vmem>>, vector<1024x384xf32>
    %slice3A = vector.extract_strided_slice %get3A_1 {offsets = [0, 0], sizes = [1024, 256], strides = [1, 1]} : vector<1024x384xf32> to vector<1024x256xf32>
    %slice3A_5 = vector.extract_strided_slice %get3A_1 {offsets = [0, 256], sizes = [1024, 16], strides = [1, 1]} : vector<1024x384xf32> to vector<1024x16xf32>
    %slice3A_6 = vector.extract_strided_slice %get3A_4 {offsets = [0, 0], sizes = [1024, 256], strides = [1, 1]} : vector<1024x384xf32> to vector<1024x256xf32>
    %slice3A_7 = vector.extract_strided_slice %get3A_4 {offsets = [0, 256], sizes = [1024, 16], strides = [1, 1]} : vector<1024x384xf32> to vector<1024x16xf32>
    %sub3A = arith.subf %slice3A_5, %slice3A_7 : vector<1024x16xf32>
    %mul3A = arith.mulf %sub3A, %sub3A : vector<1024x16xf32>
    %reduce_sum3A = arith.constant dense<0.000000e+00> : vector<1024xf32>
    %reduce_sum3A_8 = vector.multi_reduction <add>, %mul3A, %reduce_sum3A [1] : vector<1024x16xf32> to vector<1024xf32>
    %broadcast_in_dim3A = vector.shape_cast %reduce_sum3A_8 : vector<1024xf32> to vector<1024x1xf32>
    %sqrt3A = math.sqrt %broadcast_in_dim3A : vector<1024x1xf32>
    %add3A = arith.constant 1.000000e+00 : f32
    %add3A_9 = vector.broadcast %add3A : f32 to vector<1024x1xf32>
    %add3A_10 = arith.addf %sqrt3A, %add3A_9 : vector<1024x1xf32>
    %div3A = vector.broadcast %add3A_10 : vector<1024x1xf32> to vector<1024x16xf32>
    %div3A_11 = arith.divf %sub3A, %div3A : vector<1024x16xf32>
    %mul3A_12 = arith.mulf %add3A_10, %add3A_10 : vector<1024x1xf32>
    %div3A_13 = arith.divf %broadcast_in_dim3A, %mul3A_12 : vector<1024x1xf32>
    %get3A_14 = arith.constant 0 : index
    %get3A_15 = arith.constant 0 : index
    %get3A_16 = vector.load %arg6[%get3A_14, %get3A_15] : memref<1x16xf32, #tpu.memory_space<vmem>>, vector<1x16xf32>
    %mul3A_17 = vector.broadcast %div3A_13 : vector<1024x1xf32> to vector<1024x16xf32>
    %mul3A_18 = vector.broadcast %get3A_16 : vector<1x16xf32> to vector<1024x16xf32>
    %mul3A_19 = arith.mulf %mul3A_17, %mul3A_18 : vector<1024x16xf32>
    %exp3A = math.exp %mul3A_19 : vector<1024x16xf32>
    %add3A_20 = arith.addf %slice3A, %slice3A_6 : vector<1024x256xf32>
    %get3A_21 = arith.constant 0 : index
    %get3A_22 = arith.constant 0 : index
    %get3A_23 = vector.load %arg3[%get3A_21, %get3A_22] : memref<1024x16xf32, #tpu.memory_space<vmem>>, vector<1024x16xf32>
    %get3A_24 = arith.constant 0 : index
    %get3A_25 = arith.constant 0 : index
    %get3A_26 = vector.load %arg4[%get3A_24, %get3A_25] : memref<16x256xf32, #tpu.memory_space<vmem>>, vector<16x256xf32>
    %dot_general3A = arith.constant dense<0.000000e+00> : vector<1024x256xf32>
    %dot_general3A_27 = tpu.matmul %get3A_23, %get3A_26, %dot_general3A {dimension_numbers = #tpu.dot_dimension_numbers<[1], [0], [0], [1], [0, 0, 1, 1], [], []>, transpose_lhs_hint = false} : vector<1024x16xf32>, vector<16x256xf32>, vector<1024x256xf32> -> vector<1024x256xf32>
    %add3A_28 = arith.addf %add3A_20, %dot_general3A_27 : vector<1024x256xf32>
    %get3A_29 = arith.constant 0 : index
    %get3A_30 = arith.constant 0 : index
    %get3A_31 = vector.load %arg5[%get3A_29, %get3A_30] : memref<16x256xf32, #tpu.memory_space<vmem>>, vector<16x256xf32>
    %dot_general3A_32 = arith.constant dense<0.000000e+00> : vector<1024x256xf32>
    %dot_general3A_33 = tpu.matmul %exp3A, %get3A_31, %dot_general3A_32 {dimension_numbers = #tpu.dot_dimension_numbers<[1], [0], [0], [1], [0, 0, 1, 1], [], []>, transpose_lhs_hint = false} : vector<1024x16xf32>, vector<16x256xf32>, vector<1024x256xf32> -> vector<1024x256xf32>
    %add3A_34 = arith.addf %add3A_28, %dot_general3A_33 : vector<1024x256xf32>
    %ge3A = arith.constant 0.000000e+00 : f32
    %ge3A_35 = vector.broadcast %ge3A : f32 to vector<1024x256xf32>
    %ge3A_36 = arith.cmpf oge, %add3A_34, %ge3A_35 : vector<1024x256xf32>
    %mul3A_37 = arith.constant 0.00999999977 : f32
    %mul3A_38 = vector.broadcast %mul3A_37 : f32 to vector<1024x256xf32>
    %mul3A_39 = arith.mulf %mul3A_38, %add3A_34 : vector<1024x256xf32>
    %select_n3A = arith.select %ge3A_36, %add3A_34, %mul3A_39 : vector<1024x256xi1>, vector<1024x256xf32>
    %get3A_40 = arith.constant 0 : index
    %get3A_41 = arith.constant 0 : index
    %get3A_42 = vector.load %arg9[%get3A_40, %get3A_41] : memref<1x256xf32, #tpu.memory_space<vmem>>, vector<1x256xf32>
    %get3A_43 = arith.constant 0 : index
    %get3A_44 = arith.constant 0 : index
    %get3A_45 = vector.load %arg10[%get3A_43, %get3A_44] : memref<1x256xf32, #tpu.memory_space<vmem>>, vector<1x256xf32>
    %reduce_sum3A_46 = arith.constant dense<0.000000e+00> : vector<1024xf32>
    %reduce_sum3A_47 = vector.multi_reduction <add>, %select_n3A, %reduce_sum3A_46 [1] : vector<1024x256xf32> to vector<1024xf32>
    %broadcast_in_dim3A_48 = vector.shape_cast %reduce_sum3A_47 : vector<1024xf32> to vector<1024x1xf32>
    %div3A_49 = arith.constant 2.560000e+02 : f32
    %div3A_50 = vector.broadcast %div3A_49 : f32 to vector<1024x1xf32>
    %div3A_51 = arith.divf %broadcast_in_dim3A_48, %div3A_50 : vector<1024x1xf32>
    %jit3A = arith.constant 0 : i32
    %reduce_sum3A_52 = arith.constant dense<0.000000e+00> : vector<1024xf32>
    %reduce_sum3A_53 = vector.multi_reduction <add>, %select_n3A, %reduce_sum3A_52 [1] : vector<1024x256xf32> to vector<1024xf32>
    %broadcast_in_dim3A_54 = vector.shape_cast %reduce_sum3A_53 : vector<1024xf32> to vector<1024x1xf32>
    %div3A_55 = arith.constant 2.560000e+02 : f32
    %div3A_56 = vector.broadcast %div3A_55 : f32 to vector<1024x1xf32>
    %div3A_57 = arith.divf %broadcast_in_dim3A_54, %div3A_56 : vector<1024x1xf32>
    %sub3A_58 = vector.broadcast %div3A_57 : vector<1024x1xf32> to vector<1024x256xf32>
    %sub3A_59 = arith.subf %select_n3A, %sub3A_58 : vector<1024x256xf32>
    %square3A = arith.mulf %sub3A_59, %sub3A_59 : vector<1024x256xf32>
    %convert_element_type3A = arith.sitofp %jit3A : i32 to f32
    %sub3A_60 = arith.constant 2.560000e+02 : f32
    %sub3A_61 = arith.subf %sub3A_60, %convert_element_type3A : f32
    %reduce_sum3A_62 = arith.constant dense<0.000000e+00> : vector<1024xf32>
    %reduce_sum3A_63 = vector.multi_reduction <add>, %square3A, %reduce_sum3A_62 [1] : vector<1024x256xf32> to vector<1024xf32>
    %broadcast_in_dim3A_64 = vector.shape_cast %reduce_sum3A_63 : vector<1024xf32> to vector<1024x1xf32>
    %div3A_65 = vector.broadcast %sub3A_61 : f32 to vector<1024x1xf32>
    %div3A_66 = arith.divf %broadcast_in_dim3A_64, %div3A_65 : vector<1024x1xf32>
    %gt3A = arith.constant 0.000000e+00 : f32
    %gt3A_67 = arith.cmpf ogt, %sub3A_61, %gt3A : f32
    %jit3A_68 = arith.constant 0x7FC00000 : f32
    %broadcast_in_dim3A_69 = vector.broadcast %jit3A_68 : f32 to vector<1024x1xf32>
    %select_n3A_70 = arith.select %gt3A_67, %div3A_66, %broadcast_in_dim3A_69 : vector<1024x1xf32>
    %sub3A_71 = vector.broadcast %div3A_51 : vector<1024x1xf32> to vector<1024x256xf32>
    %sub3A_72 = arith.subf %select_n3A, %sub3A_71 : vector<1024x256xf32>
    %add3A_73 = arith.constant 9.99999974E-6 : f32
    %add3A_74 = vector.broadcast %add3A_73 : f32 to vector<1024x1xf32>
    %add3A_75 = arith.addf %select_n3A_70, %add3A_74 : vector<1024x1xf32>
    %sqrt3A_76 = math.sqrt %add3A_75 : vector<1024x1xf32>
    %div3A_77 = vector.broadcast %sqrt3A_76 : vector<1024x1xf32> to vector<1024x256xf32>
    %div3A_78 = arith.divf %sub3A_72, %div3A_77 : vector<1024x256xf32>
    %mul3A_79 = vector.broadcast %get3A_42 : vector<1x256xf32> to vector<1024x256xf32>
    %mul3A_80 = arith.mulf %div3A_78, %mul3A_79 : vector<1024x256xf32>
    %add3A_81 = vector.broadcast %get3A_45 : vector<1x256xf32> to vector<1024x256xf32>
    %add3A_82 = arith.addf %mul3A_80, %add3A_81 : vector<1024x256xf32>
    %get3A_83 = arith.constant 0 : index
    %get3A_84 = arith.constant 0 : index
    %get3A_85 = vector.load %arg7[%get3A_83, %get3A_84] : memref<256x256xf32, #tpu.memory_space<vmem>>, vector<256x256xf32>
    %dot_general3A_86 = arith.constant dense<0.000000e+00> : vector<1024x256xf32>
    %dot_general3A_87 = tpu.matmul %add3A_82, %get3A_85, %dot_general3A_86 {dimension_numbers = #tpu.dot_dimension_numbers<[1], [0], [0], [1], [0, 0, 1, 1], [], []>, transpose_lhs_hint = false} : vector<1024x256xf32>, vector<256x256xf32>, vector<1024x256xf32> -> vector<1024x256xf32>
    %get3A_88 = arith.constant 0 : index
    %get3A_89 = arith.constant 0 : index
    %get3A_90 = vector.load %arg8[%get3A_88, %get3A_89] : memref<1x256xf32, #tpu.memory_space<vmem>>, vector<1x256xf32>
    %add3A_91 = vector.broadcast %get3A_90 : vector<1x256xf32> to vector<1024x256xf32>
    %add3A_92 = arith.addf %dot_general3A_87, %add3A_91 : vector<1024x256xf32>
    %ge3A_93 = arith.constant 0.000000e+00 : f32
    %ge3A_94 = vector.broadcast %ge3A_93 : f32 to vector<1024x256xf32>
    %ge3A_95 = arith.cmpf oge, %add3A_92, %ge3A_94 : vector<1024x256xf32>
    %mul3A_96 = arith.constant 0.00999999977 : f32
    %mul3A_97 = vector.broadcast %mul3A_96 : f32 to vector<1024x256xf32>
    %mul3A_98 = arith.mulf %mul3A_97, %add3A_92 : vector<1024x256xf32>
    %select_n3A_99 = arith.select %ge3A_95, %add3A_92, %mul3A_98 : vector<1024x256xi1>, vector<1024x256xf32>
    %get3A_100 = arith.constant 0 : index
    %get3A_101 = arith.constant 0 : index
    %get3A_102 = vector.load %arg11[%get3A_100, %get3A_101] : memref<256x256xf32, #tpu.memory_space<vmem>>, vector<256x256xf32>
    %dot_general3A_103 = arith.constant dense<0.000000e+00> : vector<1024x256xf32>
    %dot_general3A_104 = tpu.matmul %select_n3A_99, %get3A_102, %dot_general3A_103 {dimension_numbers = #tpu.dot_dimension_numbers<[1], [0], [0], [1], [0, 0, 1, 1], [], []>, transpose_lhs_hint = false} : vector<1024x256xf32>, vector<256x256xf32>, vector<1024x256xf32> -> vector<1024x256xf32>
    %get3A_105 = arith.constant 0 : index
    %get3A_106 = arith.constant 0 : index
    %get3A_107 = vector.load %arg12[%get3A_105, %get3A_106] : memref<1x256xf32, #tpu.memory_space<vmem>>, vector<1x256xf32>
    %add3A_108 = vector.broadcast %get3A_107 : vector<1x256xf32> to vector<1024x256xf32>
    %add3A_109 = arith.addf %dot_general3A_104, %add3A_108 : vector<1024x256xf32>
    %ge3A_110 = arith.constant 0.000000e+00 : f32
    %ge3A_111 = vector.broadcast %ge3A_110 : f32 to vector<1024x256xf32>
    %ge3A_112 = arith.cmpf oge, %add3A_109, %ge3A_111 : vector<1024x256xf32>
    %mul3A_113 = arith.constant 0.00999999977 : f32
    %mul3A_114 = vector.broadcast %mul3A_113 : f32 to vector<1024x256xf32>
    %mul3A_115 = arith.mulf %mul3A_114, %add3A_109 : vector<1024x256xf32>
    %select_n3A_116 = arith.select %ge3A_112, %add3A_109, %mul3A_115 : vector<1024x256xi1>, vector<1024x256xf32>
    %get3A_117 = arith.constant 0 : index
    %get3A_118 = arith.constant 0 : index
    %get3A_119 = vector.load %arg13[%get3A_117, %get3A_118] : memref<1x256xf32, #tpu.memory_space<vmem>>, vector<1x256xf32>
    %mul3A_120 = vector.broadcast %get3A_119 : vector<1x256xf32> to vector<1024x256xf32>
    %mul3A_121 = arith.mulf %select_n3A_116, %mul3A_120 : vector<1024x256xf32>
    %reduce_sum3A_122 = arith.constant dense<0.000000e+00> : vector<1024xf32>
    %reduce_sum3A_123 = vector.multi_reduction <add>, %mul3A_121, %reduce_sum3A_122 [1] : vector<1024x256xf32> to vector<1024xf32>
    %broadcast_in_dim3A_124 = vector.shape_cast %reduce_sum3A_123 : vector<1024xf32> to vector<1024x1xf32>
    %iota3A = tpu.iota {dimensions = array<i32: 0>} : vector<1024x1xi32>
    %mul3A_125 = arith.constant 1024 : i32
    %mul3A_126 = arith.muli %arg0, %mul3A_125 : i32
    %add3A_127 = vector.broadcast %mul3A_126 : i32 to vector<1024x1xi32>
    %add3A_128 = arith.addi %iota3A, %add3A_127 : vector<1024x1xi32>
    %lt3A = arith.constant 160000 : i32
    %lt3A_129 = vector.broadcast %lt3A : i32 to vector<1024x1xi32>
    %lt3A_130 = arith.cmpi slt, %add3A_128, %lt3A_129 : vector<1024x1xi32>
    %jit3A_131 = arith.constant 0.000000e+00 : f32
    %broadcast_in_dim3A_132 = vector.shape_cast %lt3A_130 : vector<1024x1xi1> to vector<1024x1xi1>
    %broadcast_in_dim3A_133 = vector.broadcast %broadcast_in_dim3A_132 : vector<1024x1xi1> to vector<1024x256xi1>
    %broadcast_in_dim3A_134 = vector.broadcast %jit3A_131 : f32 to vector<1024x256xf32>
    %select_n3A_135 = arith.select %broadcast_in_dim3A_133, %select_n3A_99, %broadcast_in_dim3A_134 : vector<1024x256xi1>, vector<1024x256xf32>
    %slice3A_136 = vector.extract_strided_slice %select_n3A_135 {offsets = [0, 0], sizes = [1024, 128], strides = [1, 1]} : vector<1024x256xf32> to vector<1024x128xf32>
    %swap3A = arith.constant 0 : index
    %swap3A_137 = arith.constant 0 : index
    %swap3A_138 = vector.load %arg14[%swap3A, %swap3A_137] : memref<1024x128xf32, #tpu.memory_space<vmem>>, vector<1024x128xf32>
    tpu.vector_store %arg14[%swap3A, %swap3A_137], %slice3A_136 {strides = array<i32>} : memref<1024x128xf32, #tpu.memory_space<vmem>>, vector<1024x128xf32>,
    %slice3A_139 = vector.extract_strided_slice %select_n3A_135 {offsets = [0, 128], sizes = [1024, 128], strides = [1, 1]} : vector<1024x256xf32> to vector<1024x128xf32>
    %swap3A_140 = arith.constant 0 : index
    %swap3A_141 = arith.constant 0 : index
    %swap3A_142 = vector.load %arg15[%swap3A_140, %swap3A_141] : memref<1024x128xf32, #tpu.memory_space<vmem>>, vector<1024x128xf32>
    tpu.vector_store %arg15[%swap3A_140, %swap3A_141], %slice3A_139 {strides = array<i32>} : memref<1024x128xf32, #tpu.memory_space<vmem>>, vector<1024x128xf32>,
    %mul3A_143 = vector.broadcast %broadcast_in_dim3A_124 : vector<1024x1xf32> to vector<1024x16xf32>
    %mul3A_144 = arith.mulf %div3A_11, %mul3A_143 : vector<1024x16xf32>
    %iota3A_145 = tpu.iota {dimensions = array<i32: 1>} : vector<1024x16xi32>
    %eq3A = arith.constant 3 : i32
    %eq3A_146 = vector.broadcast %eq3A : i32 to vector<1024x16xi32>
    %eq3A_147 = arith.cmpi eq, %iota3A_145, %eq3A_146 : vector<1024x16xi32>
    %jit3A_148 = arith.constant 1.000000e+00 : f32
    %broadcast_in_dim3A_149 = vector.broadcast %jit3A_148 : f32 to vector<1024x16xf32>
    %select_n3A_150 = arith.select %eq3A_147, %broadcast_in_dim3A_149, %mul3A_144 : vector<1024x16xi1>, vector<1024x16xf32>
    %jit3A_151 = arith.constant 0.000000e+00 : f32
    %broadcast_in_dim3A_152 = vector.shape_cast %lt3A_130 : vector<1024x1xi1> to vector<1024x1xi1>
    %broadcast_in_dim3A_153 = vector.broadcast %broadcast_in_dim3A_152 : vector<1024x1xi1> to vector<1024x16xi1>
    %broadcast_in_dim3A_154 = vector.broadcast %jit3A_151 : f32 to vector<1024x16xf32>
    %select_n3A_155 = arith.select %broadcast_in_dim3A_153, %select_n3A_150, %broadcast_in_dim3A_154 : vector<1024x16xi1>, vector<1024x16xf32>
    %swap3A_156 = arith.constant 0 : index
    %swap3A_157 = arith.constant 0 : index
    %swap3A_158 = vector.load %arg16[%swap3A_156, %swap3A_157] : memref<1024x16xf32, #tpu.memory_space<vmem>>, vector<1024x16xf32>
    tpu.vector_store %arg16[%swap3A_156, %swap3A_157], %select_n3A_155 {strides = array<i32>} : memref<1024x16xf32, #tpu.memory_space<vmem>>, vector<1024x16xf32>,
    return
  }
  func.func @transform_0(%arg0: i32) -> (i32, i32) {
    %c0_i32 = arith.constant 0 : i32
    %c0_i32_0 = arith.constant 0 : i32
    return %arg0, %c0_i32 : i32, i32
  }
  func.func @transform_1(%arg0: i32) -> (i32, i32) {
    %c0_i32 = arith.constant 0 : i32
    %c0_i32_0 = arith.constant 0 : i32
    return %arg0, %c0_i32 : i32, i32
  }
  func.func @transform_2(%arg0: i32) -> (i32, i32) {
    %c0_i32 = arith.constant 0 : i32
    %c0_i32_0 = arith.constant 0 : i32
    return %arg0, %c0_i32 : i32, i32
  }
  func.func @transform_3(%arg0: i32) -> (i32, i32) {
    %c0_i32 = arith.constant 0 : i32
    %c0_i32_0 = arith.constant 0 : i32
    %c0_i32_1 = arith.constant 0 : i32
    return %c0_i32, %c0_i32_0 : i32, i32
  }
  func.func @transform_4(%arg0: i32) -> (i32, i32) {
    %c0_i32 = arith.constant 0 : i32
    %c0_i32_0 = arith.constant 0 : i32
    %c0_i32_1 = arith.constant 0 : i32
    return %c0_i32, %c0_i32_0 : i32, i32
  }
  func.func @transform_5(%arg0: i32) -> (i32, i32) {
    %c0_i32 = arith.constant 0 : i32
    %c0_i32_0 = arith.constant 0 : i32
    %c0_i32_1 = arith.constant 0 : i32
    return %c0_i32, %c0_i32_0 : i32, i32
  }
  func.func @transform_6(%arg0: i32) -> (i32, i32) {
    %c0_i32 = arith.constant 0 : i32
    %c0_i32_0 = arith.constant 0 : i32
    %c0_i32_1 = arith.constant 0 : i32
    return %c0_i32, %c0_i32_0 : i32, i32
  }
  func.func @transform_7(%arg0: i32) -> (i32, i32) {
    %c0_i32 = arith.constant 0 : i32
    %c0_i32_0 = arith.constant 0 : i32
    %c0_i32_1 = arith.constant 0 : i32
    return %c0_i32, %c0_i32_0 : i32, i32
  }
  func.func @transform_8(%arg0: i32) -> (i32, i32) {
    %c0_i32 = arith.constant 0 : i32
    %c0_i32_0 = arith.constant 0 : i32
    %c0_i32_1 = arith.constant 0 : i32
    return %c0_i32, %c0_i32_0 : i32, i32
  }
  func.func @transform_9(%arg0: i32) -> (i32, i32) {
    %c0_i32 = arith.constant 0 : i32
    %c0_i32_0 = arith.constant 0 : i32
    %c0_i32_1 = arith.constant 0 : i32
    return %c0_i32, %c0_i32_0 : i32, i32
  }
  func.func @transform_10(%arg0: i32) -> (i32, i32) {
    %c0_i32 = arith.constant 0 : i32
    %c0_i32_0 = arith.constant 0 : i32
    %c0_i32_1 = arith.constant 0 : i32
    return %c0_i32, %c0_i32_0 : i32, i32
  }
  func.func @transform_11(%arg0: i32) -> (i32, i32) {
    %c0_i32 = arith.constant 0 : i32
    %c0_i32_0 = arith.constant 0 : i32
    %c0_i32_1 = arith.constant 0 : i32
    return %c0_i32, %c0_i32_0 : i32, i32
  }
  func.func @transform_12(%arg0: i32) -> (i32, i32) {
    %c0_i32 = arith.constant 0 : i32
    %c0_i32_0 = arith.constant 0 : i32
    %c0_i32_1 = arith.constant 0 : i32
    return %c0_i32, %c0_i32_0 : i32, i32
  }
  func.func @transform_13(%arg0: i32) -> (i32, i32) {
    %c0_i32 = arith.constant 0 : i32
    %c0_i32_0 = arith.constant 0 : i32
    return %arg0, %c0_i32 : i32, i32
  }
  func.func @transform_14(%arg0: i32) -> (i32, i32) {
    %c0_i32 = arith.constant 0 : i32
    %c0_i32_0 = arith.constant 0 : i32
    return %arg0, %c0_i32 : i32, i32
  }
  func.func @transform_15(%arg0: i32) -> (i32, i32) {
    %c0_i32 = arith.constant 0 : i32
    %c0_i32_0 = arith.constant 0 : i32
    return %arg0, %c0_i32 : i32, i32
  }
}

module attributes {stable_mosaic.version = 14 : i64} {
  func.func @_node_body(%arg0: i32, %arg1: memref<2x1000x128xf32, #tpu.memory_space<vmem>>, %arg2: memref<1000x256xf32, #tpu.memory_space<vmem>>, %arg3: memref<1000x256xf32, #tpu.memory_space<vmem>>, %arg4: memref<1000x3xf32, #tpu.memory_space<vmem>>, %arg5: memref<2x1000x16xf32, #tpu.memory_space<vmem>>, %arg6: memref<256x256xf32, #tpu.memory_space<vmem>>, %arg7: memref<256x256xf32, #tpu.memory_space<vmem>>, %arg8: memref<1x256xf32, #tpu.memory_space<vmem>>, %arg9: memref<1x256xf32, #tpu.memory_space<vmem>>, %arg10: memref<1x256xf32, #tpu.memory_space<vmem>>, %arg11: memref<1000x256xf32, #tpu.memory_space<vmem>>, %arg12: memref<1000x3xf32, #tpu.memory_space<vmem>>) attributes {dimension_semantics = [#tpu.dimension_semantics<arbitrary>], iteration_bounds = array<i64: 10>, scalar_prefetch = 0 : i64, scratch_operands = 0 : i64, tpu.core_type = #tpu.core_type<tc>, window_params = [{transform_indices = @transform_0, window_bounds = array<i64: 2, 1000, 128>}, {transform_indices = @transform_1, window_bounds = array<i64: 1000, 256>}, {transform_indices = @transform_2, window_bounds = array<i64: 1000, 256>}, {transform_indices = @transform_3, window_bounds = array<i64: 1000, 3>}, {transform_indices = @transform_4, window_bounds = array<i64: 2, 1000, 16>}, {pipeline_mode = #tpu.pipeline_mode<synchronous>, transform_indices = @transform_5, window_bounds = array<i64: 256, 256>}, {pipeline_mode = #tpu.pipeline_mode<synchronous>, transform_indices = @transform_6, window_bounds = array<i64: 256, 256>}, {pipeline_mode = #tpu.pipeline_mode<synchronous>, transform_indices = @transform_7, window_bounds = array<i64: 1, 256>}, {pipeline_mode = #tpu.pipeline_mode<synchronous>, transform_indices = @transform_8, window_bounds = array<i64: 1, 256>}, {pipeline_mode = #tpu.pipeline_mode<synchronous>, transform_indices = @transform_9, window_bounds = array<i64: 1, 256>}, {transform_indices = @transform_10, window_bounds = array<i64: 1000, 256>}, {transform_indices = @transform_11, window_bounds = array<i64: 1000, 3>}]} {
    %get3A = arith.constant 0 : index
    %get3A_0 = arith.constant 0 : index
    %get3A_1 = arith.constant 0 : index
    %get3A_2 = vector.load %arg1[%get3A, %get3A_0, %get3A_1] : memref<2x1000x128xf32, #tpu.memory_space<vmem>>, vector<1x1000x128xf32>
    %get3A_3 = vector.shape_cast %get3A_2 : vector<1x1000x128xf32> to vector<1000x128xf32>
    %get3A_4 = arith.constant 0 : index
    %get3A_5 = arith.constant 0 : index
    %get3A_6 = vector.load %arg6[%get3A_4, %get3A_5] : memref<256x256xf32, #tpu.memory_space<vmem>>, vector<128x256xf32>
    %dot_general3A = arith.constant dense<0.000000e+00> : vector<1000x256xf32>
    %dot_general3A_7 = tpu.matmul %get3A_3, %get3A_6, %dot_general3A {dimension_numbers = #tpu.dot_dimension_numbers<[1], [0], [0], [1], [0, 0, 1, 1], [], []>, transpose_lhs_hint = false} : vector<1000x128xf32>, vector<128x256xf32>, vector<1000x256xf32> -> vector<1000x256xf32>
    %get3A_8 = arith.constant 1 : index
    %get3A_9 = arith.constant 0 : index
    %get3A_10 = arith.constant 0 : index
    %get3A_11 = vector.load %arg1[%get3A_8, %get3A_9, %get3A_10] : memref<2x1000x128xf32, #tpu.memory_space<vmem>>, vector<1x1000x128xf32>
    %get3A_12 = vector.shape_cast %get3A_11 : vector<1x1000x128xf32> to vector<1000x128xf32>
    %get3A_13 = arith.constant 128 : index
    %get3A_14 = arith.constant 0 : index
    %get3A_15 = vector.load %arg6[%get3A_13, %get3A_14] : memref<256x256xf32, #tpu.memory_space<vmem>>, vector<128x256xf32>
    %dot_general3A_16 = arith.constant dense<0.000000e+00> : vector<1000x256xf32>
    %dot_general3A_17 = tpu.matmul %get3A_12, %get3A_15, %dot_general3A_16 {dimension_numbers = #tpu.dot_dimension_numbers<[1], [0], [0], [1], [0, 0, 1, 1], [], []>, transpose_lhs_hint = false} : vector<1000x128xf32>, vector<128x256xf32>, vector<1000x256xf32> -> vector<1000x256xf32>
    %add3A = arith.addf %dot_general3A_7, %dot_general3A_17 : vector<1000x256xf32>
    %get3A_18 = arith.constant 0 : index
    %get3A_19 = arith.constant 0 : index
    %get3A_20 = vector.load %arg2[%get3A_18, %get3A_19] : memref<1000x256xf32, #tpu.memory_space<vmem>>, vector<1000x256xf32>
    %add3A_21 = arith.addf %add3A, %get3A_20 : vector<1000x256xf32>
    %ge3A = arith.constant 0.000000e+00 : f32
    %ge3A_22 = vector.broadcast %ge3A : f32 to vector<1000x256xf32>
    %ge3A_23 = arith.cmpf oge, %add3A_21, %ge3A_22 : vector<1000x256xf32>
    %mul3A = arith.constant 0.00999999977 : f32
    %mul3A_24 = vector.broadcast %mul3A : f32 to vector<1000x256xf32>
    %mul3A_25 = arith.mulf %mul3A_24, %add3A_21 : vector<1000x256xf32>
    %select_n3A = arith.select %ge3A_23, %add3A_21, %mul3A_25 : vector<1000x256xi1>, vector<1000x256xf32>
    %get3A_26 = arith.constant 0 : index
    %get3A_27 = arith.constant 0 : index
    %get3A_28 = vector.load %arg8[%get3A_26, %get3A_27] : memref<1x256xf32, #tpu.memory_space<vmem>>, vector<1x256xf32>
    %get3A_29 = arith.constant 0 : index
    %get3A_30 = arith.constant 0 : index
    %get3A_31 = vector.load %arg9[%get3A_29, %get3A_30] : memref<1x256xf32, #tpu.memory_space<vmem>>, vector<1x256xf32>
    %reduce_sum3A = arith.constant dense<0.000000e+00> : vector<1000xf32>
    %reduce_sum3A_32 = vector.multi_reduction <add>, %select_n3A, %reduce_sum3A [1] : vector<1000x256xf32> to vector<1000xf32>
    %broadcast_in_dim3A = vector.shape_cast %reduce_sum3A_32 : vector<1000xf32> to vector<1000x1xf32>
    %div3A = arith.constant 2.560000e+02 : f32
    %div3A_33 = vector.broadcast %div3A : f32 to vector<1000x1xf32>
    %div3A_34 = arith.divf %broadcast_in_dim3A, %div3A_33 : vector<1000x1xf32>
    %jit3A = arith.constant 0 : i32
    %reduce_sum3A_35 = arith.constant dense<0.000000e+00> : vector<1000xf32>
    %reduce_sum3A_36 = vector.multi_reduction <add>, %select_n3A, %reduce_sum3A_35 [1] : vector<1000x256xf32> to vector<1000xf32>
    %broadcast_in_dim3A_37 = vector.shape_cast %reduce_sum3A_36 : vector<1000xf32> to vector<1000x1xf32>
    %div3A_38 = arith.constant 2.560000e+02 : f32
    %div3A_39 = vector.broadcast %div3A_38 : f32 to vector<1000x1xf32>
    %div3A_40 = arith.divf %broadcast_in_dim3A_37, %div3A_39 : vector<1000x1xf32>
    %sub3A = vector.broadcast %div3A_40 : vector<1000x1xf32> to vector<1000x256xf32>
    %sub3A_41 = arith.subf %select_n3A, %sub3A : vector<1000x256xf32>
    %square3A = arith.mulf %sub3A_41, %sub3A_41 : vector<1000x256xf32>
    %convert_element_type3A = arith.sitofp %jit3A : i32 to f32
    %sub3A_42 = arith.constant 2.560000e+02 : f32
    %sub3A_43 = arith.subf %sub3A_42, %convert_element_type3A : f32
    %reduce_sum3A_44 = arith.constant dense<0.000000e+00> : vector<1000xf32>
    %reduce_sum3A_45 = vector.multi_reduction <add>, %square3A, %reduce_sum3A_44 [1] : vector<1000x256xf32> to vector<1000xf32>
    %broadcast_in_dim3A_46 = vector.shape_cast %reduce_sum3A_45 : vector<1000xf32> to vector<1000x1xf32>
    %div3A_47 = vector.broadcast %sub3A_43 : f32 to vector<1000x1xf32>
    %div3A_48 = arith.divf %broadcast_in_dim3A_46, %div3A_47 : vector<1000x1xf32>
    %gt3A = arith.constant 0.000000e+00 : f32
    %gt3A_49 = arith.cmpf ogt, %sub3A_43, %gt3A : f32
    %jit3A_50 = arith.constant 0x7FC00000 : f32
    %broadcast_in_dim3A_51 = vector.broadcast %jit3A_50 : f32 to vector<1000x1xf32>
    %select_n3A_52 = arith.select %gt3A_49, %div3A_48, %broadcast_in_dim3A_51 : vector<1000x1xf32>
    %sub3A_53 = vector.broadcast %div3A_34 : vector<1000x1xf32> to vector<1000x256xf32>
    %sub3A_54 = arith.subf %select_n3A, %sub3A_53 : vector<1000x256xf32>
    %add3A_55 = arith.constant 9.99999974E-6 : f32
    %add3A_56 = vector.broadcast %add3A_55 : f32 to vector<1000x1xf32>
    %add3A_57 = arith.addf %select_n3A_52, %add3A_56 : vector<1000x1xf32>
    %sqrt3A = math.sqrt %add3A_57 : vector<1000x1xf32>
    %div3A_58 = vector.broadcast %sqrt3A : vector<1000x1xf32> to vector<1000x256xf32>
    %div3A_59 = arith.divf %sub3A_54, %div3A_58 : vector<1000x256xf32>
    %mul3A_60 = vector.broadcast %get3A_28 : vector<1x256xf32> to vector<1000x256xf32>
    %mul3A_61 = arith.mulf %div3A_59, %mul3A_60 : vector<1000x256xf32>
    %add3A_62 = vector.broadcast %get3A_31 : vector<1x256xf32> to vector<1000x256xf32>
    %add3A_63 = arith.addf %mul3A_61, %add3A_62 : vector<1000x256xf32>
    %get3A_64 = arith.constant 0 : index
    %get3A_65 = arith.constant 0 : index
    %get3A_66 = vector.load %arg7[%get3A_64, %get3A_65] : memref<256x256xf32, #tpu.memory_space<vmem>>, vector<256x256xf32>
    %dot_general3A_67 = arith.constant dense<0.000000e+00> : vector<1000x256xf32>
    %dot_general3A_68 = tpu.matmul %add3A_63, %get3A_66, %dot_general3A_67 {dimension_numbers = #tpu.dot_dimension_numbers<[1], [0], [0], [1], [0, 0, 1, 1], [], []>, transpose_lhs_hint = false} : vector<1000x256xf32>, vector<256x256xf32>, vector<1000x256xf32> -> vector<1000x256xf32>
    %get3A_69 = arith.constant 0 : index
    %get3A_70 = arith.constant 0 : index
    %get3A_71 = vector.load %arg10[%get3A_69, %get3A_70] : memref<1x256xf32, #tpu.memory_space<vmem>>, vector<1x256xf32>
    %add3A_72 = vector.broadcast %get3A_71 : vector<1x256xf32> to vector<1000x256xf32>
    %add3A_73 = arith.addf %dot_general3A_68, %add3A_72 : vector<1000x256xf32>
    %mul3A_74 = arith.constant 7.500000e-01 : f32
    %mul3A_75 = vector.broadcast %mul3A_74 : f32 to vector<1000x256xf32>
    %mul3A_76 = arith.mulf %mul3A_75, %add3A_73 : vector<1000x256xf32>
    %get3A_77 = arith.constant 0 : index
    %get3A_78 = arith.constant 0 : index
    %get3A_79 = vector.load %arg3[%get3A_77, %get3A_78] : memref<1000x256xf32, #tpu.memory_space<vmem>>, vector<1000x256xf32>
    %mul3A_80 = arith.constant 2.500000e-01 : f32
    %mul3A_81 = vector.broadcast %mul3A_80 : f32 to vector<1000x256xf32>
    %mul3A_82 = arith.mulf %mul3A_81, %get3A_79 : vector<1000x256xf32>
    %add3A_83 = arith.addf %mul3A_76, %mul3A_82 : vector<1000x256xf32>
    %swap3A = arith.constant 0 : index
    %swap3A_84 = arith.constant 0 : index
    %swap3A_85 = vector.load %arg11[%swap3A, %swap3A_84] : memref<1000x256xf32, #tpu.memory_space<vmem>>, vector<1000x256xf32>
    tpu.vector_store %arg11[%swap3A, %swap3A_84], %add3A_83 {strides = array<i32>} : memref<1000x256xf32, #tpu.memory_space<vmem>>, vector<1000x256xf32>,
    %get3A_86 = arith.constant 0 : index
    %get3A_87 = arith.constant 0 : index
    %get3A_88 = arith.constant 0 : index
    %get3A_89 = vector.load %arg5[%get3A_86, %get3A_87, %get3A_88] : memref<2x1000x16xf32, #tpu.memory_space<vmem>>, vector<1x1000x16xf32>
    %get3A_90 = vector.shape_cast %get3A_89 : vector<1x1000x16xf32> to vector<1000x16xf32>
    %get3A_91 = arith.constant 1 : index
    %get3A_92 = arith.constant 0 : index
    %get3A_93 = arith.constant 0 : index
    %get3A_94 = vector.load %arg5[%get3A_91, %get3A_92, %get3A_93] : memref<2x1000x16xf32, #tpu.memory_space<vmem>>, vector<1x1000x16xf32>
    %get3A_95 = vector.shape_cast %get3A_94 : vector<1x1000x16xf32> to vector<1000x16xf32>
    %add3A_96 = arith.addf %get3A_90, %get3A_95 : vector<1000x16xf32>
    %slice3A = vector.extract_strided_slice %add3A_96 {offsets = [0, 3], sizes = [1000, 1], strides = [1, 1]} : vector<1000x16xf32> to vector<1000x1xf32>
    %max3A = arith.constant 1.000000e+00 : f32
    %max3A_97 = vector.broadcast %max3A : f32 to vector<1000x1xf32>
    %max3A_98 = arith.maximumf %slice3A, %max3A_97 : vector<1000x1xf32>
    %get3A_99 = arith.constant 0 : index
    %get3A_100 = arith.constant 0 : index
    %get3A_101 = vector.load %arg4[%get3A_99, %get3A_100] : memref<1000x3xf32, #tpu.memory_space<vmem>>, vector<1000x3xf32>
    %slice3A_102 = vector.extract_strided_slice %add3A_96 {offsets = [0, 0], sizes = [1000, 3], strides = [1, 1]} : vector<1000x16xf32> to vector<1000x3xf32>
    %div3A_103 = vector.broadcast %max3A_98 : vector<1000x1xf32> to vector<1000x3xf32>
    %div3A_104 = arith.divf %slice3A_102, %div3A_103 : vector<1000x3xf32>
    %add3A_105 = arith.addf %get3A_101, %div3A_104 : vector<1000x3xf32>
    %swap3A_106 = arith.constant 0 : index
    %swap3A_107 = arith.constant 0 : index
    %swap3A_108 = vector.load %arg12[%swap3A_106, %swap3A_107] : memref<1000x3xf32, #tpu.memory_space<vmem>>, vector<1000x3xf32>
    tpu.vector_store %arg12[%swap3A_106, %swap3A_107], %add3A_105 {strides = array<i32>} : memref<1000x3xf32, #tpu.memory_space<vmem>>, vector<1000x3xf32>,
    return
  }
  func.func @transform_0(%arg0: i32) -> (i32, i32, i32) {
    %c0_i32 = arith.constant 0 : i32
    %c0_i32_0 = arith.constant 0 : i32
    %c0_i32_1 = arith.constant 0 : i32
    return %c0_i32, %arg0, %c0_i32_0 : i32, i32, i32
  }
  func.func @transform_1(%arg0: i32) -> (i32, i32) {
    %c0_i32 = arith.constant 0 : i32
    %c0_i32_0 = arith.constant 0 : i32
    return %arg0, %c0_i32 : i32, i32
  }
  func.func @transform_2(%arg0: i32) -> (i32, i32) {
    %c0_i32 = arith.constant 0 : i32
    %c0_i32_0 = arith.constant 0 : i32
    return %arg0, %c0_i32 : i32, i32
  }
  func.func @transform_3(%arg0: i32) -> (i32, i32) {
    %c0_i32 = arith.constant 0 : i32
    %c0_i32_0 = arith.constant 0 : i32
    return %arg0, %c0_i32 : i32, i32
  }
  func.func @transform_4(%arg0: i32) -> (i32, i32, i32) {
    %c0_i32 = arith.constant 0 : i32
    %c0_i32_0 = arith.constant 0 : i32
    %c0_i32_1 = arith.constant 0 : i32
    return %c0_i32, %arg0, %c0_i32_0 : i32, i32, i32
  }
  func.func @transform_5(%arg0: i32) -> (i32, i32) {
    %c0_i32 = arith.constant 0 : i32
    %c0_i32_0 = arith.constant 0 : i32
    %c0_i32_1 = arith.constant 0 : i32
    return %c0_i32, %c0_i32_0 : i32, i32
  }
  func.func @transform_6(%arg0: i32) -> (i32, i32) {
    %c0_i32 = arith.constant 0 : i32
    %c0_i32_0 = arith.constant 0 : i32
    %c0_i32_1 = arith.constant 0 : i32
    return %c0_i32, %c0_i32_0 : i32, i32
  }
  func.func @transform_7(%arg0: i32) -> (i32, i32) {
    %c0_i32 = arith.constant 0 : i32
    %c0_i32_0 = arith.constant 0 : i32
    %c0_i32_1 = arith.constant 0 : i32
    return %c0_i32, %c0_i32_0 : i32, i32
  }
  func.func @transform_8(%arg0: i32) -> (i32, i32) {
    %c0_i32 = arith.constant 0 : i32
    %c0_i32_0 = arith.constant 0 : i32
    %c0_i32_1 = arith.constant 0 : i32
    return %c0_i32, %c0_i32_0 : i32, i32
  }
  func.func @transform_9(%arg0: i32) -> (i32, i32) {
    %c0_i32 = arith.constant 0 : i32
    %c0_i32_0 = arith.constant 0 : i32
    %c0_i32_1 = arith.constant 0 : i32
    return %c0_i32, %c0_i32_0 : i32, i32
  }
  func.func @transform_10(%arg0: i32) -> (i32, i32) {
    %c0_i32 = arith.constant 0 : i32
    %c0_i32_0 = arith.constant 0 : i32
    return %arg0, %c0_i32 : i32, i32
  }
  func.func @transform_11(%arg0: i32) -> (i32, i32) {
    %c0_i32 = arith.constant 0 : i32
    %c0_i32_0 = arith.constant 0 : i32
    return %arg0, %c0_i32 : i32, i32
  }
}

</mosaic_0001>

<sc_bundles>
// kernel: kernel.10.cloned.1.call-start
scs
__scs_entry_jumppad:
0x0: {  	(pc) =	sbr.rel $0x88, $3  }
0x1: {  	(tag) =	ssettag $0x0;
	lr =	simm.s32 $0x1  }
0x2: {  	[smem:$0x3F8B] =	sst lr;
	_ =	strace $0xD0000000  }
0x3: {  	_ = 	snop  }
0x4: {  	_ = 	snop  }
0x5: {  	_ = 	snop  }
0x6: {  	_ = 	snop  }
0x7: {  	_ = 	snop  }
__scs_overlays_trampoline_lowered:
0x8: {  	[smem:$0x3F9A] =	sst s0  }
0x9: {  	[smem:$0x3F9B] =	sst s1  }
0xa: {  	[smem:$0x3F9C] =	sst s2  }
0xb: {  	[smem:$0x3F9D] =	sst s3  }
0xc: {  	[smem:$0x3F9E] =	sst s4  }
0xd: {  	[smem:$0x3F9F] =	sst s5  }
0xe: {  	[smem:$0x3FA0] =	sst s6  }
0xf: {  	[smem:$0x3FA1] =	sst s7  }
0x10: {  	[smem:$0x3FA2] =	sst s8  }
0x11: {  	[smem:$0x3FA3] =	sst s9;
	s0 =	simm.s32 @!p0 $0x0  }
0x12: {  	s1 =	sld [smem:$0x3F89];
	s0 =	simm.s32 @p0 $0x1  }
0x13: {  	[smem:$0x3FA4] =	sst s0;
	s0 =	simm.s32 @!p1 $0x0  }
0x14: {  	s2 =	sld [smem:$0x3F88];
	s0 =	simm.s32 @p1 $0x1  }
0x15: {  	[smem:$0x3FA5] =	sst s0;
	s0 =	simm.s32 @!p2 $0x0  }
0x16: {  	s3 =	sld [smem:$0x3FDB];
	s0 =	simm.s32 @p2 $0x1  }
0x17: {  	s4 =	simm.s32 $0x1BF5;
	[smem:$0x3FA7] =	sst s0  }
0x18: {  	s0 =	sld [smem:$0x3F8A];
	_ =	swait.ge [sflag:s4], $0x0  }
0x19: {  	s7 =	sld [smem:$0x3F8B]  }
0x1a: {  	s8 =	sadd.s32 $0xFFFFE003, lr  }
0x1b: {  	s9 =	sadd.s32 $0xFFFFFEF7, lr;
	s5 =	simm.s32 $0xFFFFFFFF;
	p2 =	slt.u32 s8, $0xFFFFF086  }
0x1c: {  	p1 =	slt.u32 s9, $0xF7A;
	s5 =	simm.s32 @!p2 $0x0  }
0x1d: {  	s5 =	simm.s32 @p1 $0x1;
	p0 =	seq.s32 s7, s2  }
0x1e: {  	s7 =	smul.u32 @!p0 $0xF7A, s2;
	p2 =	seq.s32 @!p0 s5, $0x0  }
0x1f: {  	s9 =	smul.u32 $0xF7A, s1;
	s8 =	simm.s32 @!p0 $0x1BF5;
	p2 =	por !p2, p0  }
0x20: {  	[sflag:s8] =	ssyncset.s32 @!p0 $0xFFFFF086;
	s6 =	sadd.s32 @!p0 s3, s7;
	s7 =	simm.s32 @!p0 $0x108  }
0x21: {  	s3 =	sadd.s32 s3, s9;
	s6 =	sadd.s32 @!p0 $0x88, s6;
	s7 =	simm.s32 @p2 $0x1082  }
0x22: {  	[simem:s7], [sflag:s8] =	dma.local @!p0 [hbm:s6], $0xF7A  }
0x23: {  	s9 =	sor.u32 $0xD0000000, s2;
	s6 =	simm.s32 $0x108;
	_ =	swait.ge @!p0 [sflag:s8], $0x0  }
0x24: {  	s3 =	sadd.s32 $0x88, s3;
	s6 =	simm.s32 @!p1 $0x1082;
	[sflag:s4] =	ssyncset.s32 $0xFFFFF086  }
0x25: {  	[simem:s6], [sflag:s4] =	dma.local [hbm:s3], $0xF7A  }
0x26: {  	[smem:$0x3F8B] =	sst s1;
	(tag) =	ssettag s2;
	_ =	strace s9  }
0x27: {  	s1 =	sld [smem:$0x3F9B]  }
0x28: {  	s2 =	sld [smem:$0x3F9C]  }
0x29: {  	s4 =	sld [smem:$0x3F9E]  }
0x2a: {  	p0 =	seq.s32 s5, $0x0;
	s5 =	sld [smem:$0x3F9F]  }
0x2b: {  	s6 =	sld [smem:$0x3FA0]  }
0x2c: {  	s7 =	sld [smem:$0x3FA1]  }
0x2d: {  	s3 =	simm.s32 $0x108;
	s8 =	sld [smem:$0x3FA2]  }
0x2e: {  	s3 =	simm.s32 @!p0 $0x1082;
	s9 =	sld [smem:$0x3FA3]  }
0x2f: {  	lr =	sadd.s32 s0, s3;
	s0 =	sld [smem:$0x3F9A]  }
0x30: {  	s3 =	sld [smem:$0x3F9D]  }
0x31: {  	[smem:$0x3FA6] =	sst s10  }
0x32: {  	s10 =	sld [smem:$0x3FA4];
	_ =	sdelay $0x3  }
0x33: {  	p0 =	seq.s32 s10, $0x1;
	s10 =	sld [smem:$0x3FA6];
	_ =	sdelay $0x3  }
0x34: {  	[smem:$0x3FA6] =	sst s10  }
0x35: {  	s10 =	sld [smem:$0x3FA5];
	_ =	sdelay $0x3  }
0x36: {  	p1 =	seq.s32 s10, $0x1;
	s10 =	sld [smem:$0x3FA6];
	_ =	sdelay $0x3  }
0x37: {  	[smem:$0x3FA6] =	sst s10  }
0x38: {  	s10 =	sld [smem:$0x3FA7]  }
0x39: {  	_ = 	snop;
	(pc) =	sbr.ind lr, $3  }
0x3a: {  	_ = 	snop  }
0x3b: {  	_ = 	snop  }
0x3c: {  	p2 =	seq.s32 s10, $0x1;
	s10 =	sld [smem:$0x3FA6]  }
0x3d: {  	_ =	shalt  }
0x3e: {  	_ =	shalt  }
0x3f: {  	_ =	shalt  }
0x40: {  	_ =	shalt  }
0x41: {  	_ =	shalt  }
0x42: {  	_ =	shalt  }
0x43: {  	_ =	shalt  }
0x44: {  	_ =	shalt  }
0x45: {  	_ =	shalt  }
0x46: {  	_ =	shalt  }
0x47: {  	_ =	shalt  }
0x48: {  	_ =	shalt  }
0x49: {  	_ =	shalt  }
0x4a: {  	_ =	shalt  }
0x4b: {  	_ =	shalt  }
0x4c: {  	_ =	shalt  }
0x4d: {  	_ =	shalt  }
0x4e: {  	_ =	shalt  }
0x4f: {  	_ =	shalt  }
0x50: {  	_ =	shalt  }
0x51: {  	_ =	shalt  }
0x52: {  	_ =	shalt  }
0x53: {  	_ =	shalt  }
0x54: {  	_ =	shalt  }
0x55: {  	_ =	shalt  }
0x56: {  	_ =	shalt  }
0x57: {  	_ =	shalt  }
0x58: {  	_ =	shalt  }
0x59: {  	_ =	shalt  }
0x5a: {  	_ =	shalt  }
0x5b: {  	_ =	shalt  }
0x5c: {  	_ =	shalt  }
0x5d: {  	_ =	shalt  }
0x5e: {  	_ =	shalt  }
0x5f: {  	_ =	shalt  }
0x60: {  	_ =	shalt  }
0x61: {  	_ =	shalt  }
0x62: {  	_ =	shalt  }
0x63: {  	_ =	shalt  }
0x64: {  	_ =	shalt  }
0x65: {  	_ =	shalt  }
0x66: {  	_ =	shalt  }
0x67: {  	_ =	shalt  }
0x68: {  	_ =	shalt  }
0x69: {  	_ =	shalt  }
0x6a: {  	_ =	shalt  }
0x6b: {  	_ =	shalt  }
0x6c: {  	_ =	shalt  }
0x6d: {  	_ =	shalt  }
0x6e: {  	_ =	shalt  }
0x6f: {  	_ =	shalt  }
0x70: {  	_ =	shalt  }
0x71: {  	_ =	shalt  }
0x72: {  	_ =	shalt  }
0x73: {  	_ =	shalt  }
0x74: {  	_ =	shalt  }
0x75: {  	_ =	shalt  }
0x76: {  	_ =	shalt  }
0x77: {  	_ =	shalt  }
0x78: {  	_ =	shalt  }
0x79: {  	_ =	shalt  }
0x7a: {  	_ =	shalt  }
0x7b: {  	_ =	shalt  }
0x7c: {  	_ =	shalt  }
0x7d: {  	_ =	shalt  }
0x7e: {  	_ =	shalt  }
0x7f: {  	_ =	shalt  }
0x80: {  	_ =	shalt  }
0x81: {  	_ =	shalt  }
0x82: {  	_ =	shalt  }
0x83: {  	_ =	shalt  }
0x84: {  	_ =	shalt  }
0x85: {  	_ =	shalt  }
0x86: {  	_ =	shalt  }
0x87: {  	_ =	shalt  }
.Lfunc_end0:
.L_simem_size_0:
called_computation.4_lowered:
.L_overlay_start_0:
0x88: {  	s2 =	sld [smem:$0x3FD9]  }
0x89: {  	s3 =	sld [smem:$0x3FFE];
	_ =	sdelay $0x1  }
0x8a: {  	s1 =	srdreg.scid  }
0x8b: {  	s0 =	sand.u32 $0x1, s1  }
0x8c: {  	s16 =	sshll.u32 s0, $0xA;
	s2 =	sadd.s32 s3, s2  }
0x8d: {  	s2 =	sadd.s32 s2, s16  }
0x8e: {  	[smem:$0x3FB2] =	sst s2  }
0x8f: {  	_ = 	snop  }
0x90: {  	(tm) =	ssettm $0x1  }
0x91: {  	s17 =	sld [smem:$0x3FFB];
	_ =	sdelay $0x3  }
0x92: {  	_ =	strace s17  }
0x93: {  	s2 =	sld [smem:$0x3FFC];
	_ =	sdelay $0x3  }
0x94: {  	_ =	strace s2  }
0x95: {  	s2 =	sld [smem:$0x3FFD];
	_ =	sdelay $0x3  }
0x96: {  	_ =	strace s2  }
0x97: {  	_ =	strace $0x8FFFFFFF  }
0x98: {  	s18 =	sld [smem:$0x3FDB];
	_ =	sdelay $0x1  }
0x99: {  	s19 =	simm.s32 $_scs_section_size  }
0x9a: {  	s4 =	simm.s32 $_size__tile_overlayer_lowered;
	s5 =	simm.s32 $_tile_overlayer_lowered  }
0x9b: {  	s22 =	simm.s32 $0x1BFF;
	s21 =	sshll.u32 s5, $0x1;
	s2 =	sadd.s32 s19, s18  }
0x9c: {  	s6 =	simm.s32 $0x0;
	s20 =	sshll.u32 s4, $0x1;
	s4 =	sadd.s32 s21, s2  }
0x9d: {  	[timem:s6], [sflag:s22] =	dma.local [hbm:s4], s20  }
0x9e: {  	_ =	swait.ge [sflag:s22], s20  }
0x9f: {  	s3 =	ssub.s32 $0x0, s20;
	[sflag:s22] =	ssyncset.done $0x0  }
0xa0: {  	[sflag:s22] =	ssyncadd.s32 s3;
	_ =	sdelay $0x1  }
0xa1: {  	s23 =	simm.s32 $0x1B8B  }
0xa2: {  	_ =	swait.ge [sflag:s23], $0x1  }
0xa3: {  	[sflag:s23] =	ssyncset.done $0x0  }
0xa4: {  	s25 =	simm.s32 $0x1B8E;
	s24 =	sld [smem:$0x3FFE];
	[sflag:s23] =	ssyncadd.s32 $0xFFFFFFFF  }
0xa5: {  	s26 =	simm.s32 $execute0_lowered;
	[smem:$0x3FD2] =	sst s25  }
0xa6: {  	s4 =	sshll.u32 s26, $0x1;
	_ =	strace $0x80000050;
	[dreg:$0x1] =	wrdreg $0xFFFFFFFF  }
0xa7: {  	s28 =	simm.s32 $_size_execute0_lowered;
	s2 =	sadd.s32 s2, s4;
	[dreg:$0x0] =	wrdreg $0x0  }
0xa8: {  	s4 =	sshll.u32 s28, $0x1;
	[dreg:$0x2] =	wrdreg s2  }
0xa9: {  	[dreg:$0x3] =	wrdreg s4  }
0xaa: {  	[dreg:$0x4] =	wrdreg $0xC0  }
0xab: {  	_ =	task [dreg:s6], $0x5FFFF  }
0xac: {  	[dreg:$0x1] =	wrdreg $0xFFFFFFFF  }
0xad: {  	[dreg:$0x0] =	wrdreg $0x60  }
0xae: {  	[dreg:$0x2] =	wrdreg s24  }
0xaf: {  	[dreg:$0x3] =	wrdreg $0x9  }
0xb0: {  	_ =	task.clear_ibuf [dreg:s6], $0x4FFFF;
	_ =	strace $0x90000050  }
0xb1: {  	s29 =	simm.s32 $0x9;
	_ =	strace $0x80000059  }
0xb2: {  	_ =	swait.ge [sflag:s29], $0x1  }
0xb3: {  	[sflag:s29] =	ssyncadd.s32 $0xFFFFFFFF  }
0xb4: {  	_ =	strace $0x90000059  }
0xb5: {  	_ =	sfence  }
0xb6: {  	s30 =	sld [smem:$0x0];
	_ =	sdelay $0x2  }
0xb7: {  	s31 =	sshll.u32 s1, $0xD;
	s1 =	sshrl.u32 s1, $0x2  }
0xb8: {  	s3 =	sand.u32 $0x4000, s31;
	s1 =	sadd.s32 s1, s30  }
0xb9: {  	s0 =	sor.u32 s3, s0;
	s1 =	sshll.u32 s1, $0x11  }
0xba: {  	s0 =	sor.u32 s1, s0  }
0xbb: {  	s0 =	sadd.s32 $0x8F2B, s0  }
0xbc: {  	[sflag:s0] =	ssyncadd.remote.s32 $0x1  }
0xbd: {  	_ =	sfence.sel $0xFFFF  }
0xbe: {  	[dreg:$0x0] =	wrdreg $0xFFFFFFFF;
	(pc) =	sbr.abs _section_cstart, $3  }
0xbf: {  	[dreg:$0x1] =	wrdreg $0xFFFFFFFF  }
0xc0: {  	_ =	task.clear_ibuf [dreg:s6], $0x2FFFF;
	_ =	strace $0x9FFFFFFF  }
0xc1: {  	(tm) =	ssettm $0x7FFFFFFF  }
tec
execute0_lowered:
.L_overlay_start_1:
0x0: {  	(tag) =	ssettag $0x1  }
0x1: {  	s7 =	rddreg [dreg:$0x0]  }
0x2: {  	s0 =	rddreg [dreg:$0x1];
	s1 =	simm.s32 $0x0;
	s2 =	srdreg.scid  }
0x3: {  	s11 =	simm.s32 $0x0;
	[smem:$0x7FF] =	sst s1;
	s5 =	sand.u32 $0x1, s2  }
0x4: {  	s3 =	sadd.s32 $0xACA00, s7;
	s2 =	stileid.u32;
	s4 =	sadd.s32 $0x30600, s7  }
0x5: {  	s8 =	sadd.s32 $0x8A1E00, s7;
	s7 =	sadd.s32 $0xACB00, s7;
	s6 =	sshll.u32 s5, $0x4  }
0x6: {  	_ =	strace $0x80000051;
	s5 =	ssub.s32 $0x2, s5;
	s6 =	sor.u32 s2, s6  }
0x7: {  	v2 =	vlaneseq.u32;
	[dreg:$0x2] =	wrdreg s8;
	s9 =	sshrl.u32 s5, $0x1;
	s10 =	smul.u32 $0x280, s6  }
0x8: {  	vm0 =	vmmov $0xffff;
	vm1 =	vmmov $0xff;
	v1 =	vshrl.u32 v2, $0x3;
	s31 =	ssub.s32 s5, s9;
	s5 =	smul.u32 $0x28, s6;
	s9 =	simm.s32 $0x5  }
0x9: {  	v0 =	vand.u32 $0x7, v2;
	v2 =	vor.u32 $0x8, v2;
	v1 =	vmul.u32 $0x8, v1;
	s8 =	smax.u32 s31, $0x1;
	s6 =	sadd.s32 s4, s10;
	s10 =	simm.s32 $0x4  }
.LBB2_1:
0xa: {  	_ =	strace $0x80000052;
	s12 =	simm.s32 $0x28  }
0xb: {  	s13 =	simm.s32 $0x0;
	s14 =	simm.s32 $0x0;
	s15 =	simm.s32 $0x0  }
0xc: {  	[tilespmem:s1], [sflag:$0x1] =	stream.linear.gather [hbm4b:s6+s1], $0x80, $0x200038;
	[tilespmem:$0x18100] =	vst v63  }
0xd: {  	s16 =	simm.s32 $0x0;
	s17 =	simm.s32 $0x1;
	_ =	strace $0x90000052  }
.LBB2_2:
0xe: {  	s18 =	smov.u32 s13;
	s13 =	sadd.s32 $0x1, s13  }
0xf: {  	p0 =	seq.s32 s13, $0x28  }
0x10: {  	s13 =	simm.s32 @p0 $0x0  }
0x11: {  	p6 =	sne.s32 s12, $0x1;
	p1 =	sne.s32 s18, s13  }
0x12: {  	p0 =	por !p6, !p1  }
0x13: {  	p0 =	por !p0, !p0  }
0x14: {  	s19 =	sadd.s32 @p0 s5, s13  }
0x15: {  	s20 =	sand.u32 @p0 $0x1, s17;
	s19 =	sshll.u32 @p0 s19, $0x4  }
0x16: {  	_ =	strace @p0 $0x80000053;
	s22 =	simm.s32 @p0 $0x0;
	s19 =	sand.u32 @p0 $0x1FFFFFF0, s19  }
0x17: {  	s21 =	sshll.u32 @p0 s20, $0x7;
	s20 =	sadd.s32 @p0 $0x1, s20;
	s19 =	sadd.s32 @p0 s4, s19  }
0x18: {  	[tilespmem:s21], [sflag:s20] =	stream.linear.gather @p0 [hbm4b:s19+s22], $0x80, $0x200038;
	[tilespmem:$0x18100] =	vst v63  }
0x19: {  	s28 =	sand.u32 $0x1, s16;
	_ =	strace @p0 $0x90000053  }
0x1a: {  	s19 =	sadd.s32 $0x1, s28;
	_ =	strace $0x80000054  }
0x1b: {  	_ =	swait.ge [sflag:s19], $0x80  }
0x1c: {  	[sflag:s19] =	ssyncset.done $0x0  }
0x1d: {  	[sflag:s19] =	ssyncadd.s32 $0xFFFFFF80  }
0x1e: {  	s29 =	sshll.u32 s16, $0x7;
	_ =	strace $0x90000054  }
0x1f: {  	s22 =	sand.u32 $0x80, s29;
	_ =	strace $0x80000055  }
0x20: {  	v3 =	vld [tilespmem:s22+$0x0];
	_ =	sdelay $0x4  }
0x21: {  	v4 =	vshrl.u32 v3, $0x3  }
0x22: {  	v4 =	vmul.u32 $0x18, v4  }
0x23: {  	v3 =	vand.u32 $0x7, v3  }
0x24: {  	v3 =	vor.u32 v3, v4  }
0x25: {  	v4 =	vperm.xlane v3, v0;
	_ =	sdelay $0x1  }
0x26: {  	s19 =	sand.u32 $0x1, s15;
	v4 =	vadd.s32 v1, v4  }
0x27: {  	s30 =	smul.u32 $0x30000, s19  }
0x28: {  	v3 =	vperm.xlane v3, v2  }
0x29: {  	s21 =	sshrl.u32 s30, $0x2  }
0x2a: {  	s20 =	sor.u32 $0x100, s21;
	v3 =	vadd.s32 v1, v3  }
0x2b: {  	[tilespmem:s20], [sflag:$0x5] =	stream.indirect_vreg.gather [hbm4b:s3+s1], $0x80, v4, vm0, $0x2000b8;
	[tilespmem:$0x18100] =	vst v63  }
0x2c: {  	s23 =	sor.u32 $0x900, s21  }
0x2d: {  	[tilespmem:s23], [sflag:$0x5] =	stream.indirect_vreg.gather [hbm4b:s7+s1], $0x80, v4, vm1, $0x2000b8;
	[tilespmem:$0x18100] =	vst v63  }
0x2e: {  	s31 =	sor.u32 $0xD00, s21  }
0x2f: {  	[tilespmem:s31], [sflag:$0x5] =	stream.indirect_vreg.gather [hbm4b:s3+s1], $0x80, v3, vm0, $0x2000b8;
	[tilespmem:$0x18100] =	vst v63  }
0x30: {  	s24 =	sor.u32 $0x1500, s21  }
0x31: {  	[tilespmem:s24], [sflag:$0x5] =	stream.indirect_vreg.gather [hbm4b:s7+s1], $0x80, v3, vm1, $0x2000b8;
	[tilespmem:$0x18100] =	vst v63  }
0x32: {  	v3 =	vld [tilespmem:s22+$0x10];
	_ =	sdelay $0x4  }
0x33: {  	v57 =	vshrl.u32 v3, $0x3  }
0x34: {  	v4 =	vmul.u32 $0x18, v57  }
0x35: {  	v3 =	vand.u32 $0x7, v3  }
0x36: {  	v3 =	vor.u32 v3, v4  }
0x37: {  	v4 =	vperm.xlane v3, v0;
	_ =	sdelay $0x1  }
0x38: {  	v4 =	vadd.s32 v1, v4;
	_ =	sdelay $0x1  }
0x39: {  	v3 =	vperm.xlane v3, v2;
	_ =	sdelay $0x1  }
0x3a: {  	s25 =	sor.u32 $0x1900, s21;
	v3 =	vadd.s32 v1, v3  }
0x3b: {  	[tilespmem:s25], [sflag:$0x5] =	stream.indirect_vreg.gather [hbm4b:s3+s1], $0x80, v4, vm0, $0x2000b8;
	[tilespmem:$0x18100] =	vst v63  }
0x3c: {  	s26 =	sor.u32 $0x2100, s21  }
0x3d: {  	[tilespmem:s26], [sflag:$0x5] =	stream.indirect_vreg.gather [hbm4b:s7+s1], $0x80, v4, vm1, $0x2000b8;
	[tilespmem:$0x18100] =	vst v63  }
0x3e: {  	s28 =	sor.u32 $0x2500, s21  }
0x3f: {  	[tilespmem:s28], [sflag:$0x5] =	stream.indirect_vreg.gather [hbm4b:s3+s1], $0x80, v3, vm0, $0x2000b8;
	[tilespmem:$0x18100] =	vst v63  }
0x40: {  	s29 =	sor.u32 $0x2D00, s21  }
0x41: {  	[tilespmem:s29], [sflag:$0x5] =	stream.indirect_vreg.gather [hbm4b:s7+s1], $0x80, v3, vm1, $0x2000b8;
	[tilespmem:$0x18100] =	vst v63  }
0x42: {  	v3 =	vld [tilespmem:s22+$0x20];
	_ =	sdelay $0x4  }
0x43: {  	v58 =	vshrl.u32 v3, $0x3  }
0x44: {  	v4 =	vmul.u32 $0x18, v58  }
0x45: {  	v3 =	vand.u32 $0x7, v3  }
0x46: {  	v3 =	vor.u32 v3, v4  }
0x47: {  	v4 =	vperm.xlane v3, v0;
	_ =	sdelay $0x1  }
0x48: {  	v4 =	vadd.s32 v1, v4;
	_ =	sdelay $0x1  }
0x49: {  	v3 =	vperm.xlane v3, v2;
	_ =	sdelay $0x1  }
0x4a: {  	s30 =	sor.u32 $0x3100, s21;
	v3 =	vadd.s32 v1, v3  }
0x4b: {  	[tilespmem:s30], [sflag:$0x5] =	stream.indirect_vreg.gather [hbm4b:s3+s1], $0x80, v4, vm0, $0x2000b8;
	[tilespmem:$0x18100] =	vst v63  }
0x4c: {  	s31 =	sor.u32 $0x3900, s21  }
0x4d: {  	[tilespmem:s31], [sflag:$0x5] =	stream.indirect_vreg.gather [hbm4b:s7+s1], $0x80, v4, vm1, $0x2000b8;
	[tilespmem:$0x18100] =	vst v63  }
0x4e: {  	s24 =	sor.u32 $0x3D00, s21  }
0x4f: {  	[tilespmem:s24], [sflag:$0x5] =	stream.indirect_vreg.gather [hbm4b:s3+s1], $0x80, v3, vm0, $0x2000b8;
	[tilespmem:$0x18100] =	vst v63  }
0x50: {  	s25 =	sadd.s32 $0x4500, s21  }
0x51: {  	[tilespmem:s25], [sflag:$0x5] =	stream.indirect_vreg.gather [hbm4b:s7+s1], $0x80, v3, vm1, $0x2000b8;
	[tilespmem:$0x18100] =	vst v63  }
0x52: {  	v3 =	vld [tilespmem:s22+$0x30];
	_ =	sdelay $0x4  }
0x53: {  	v59 =	vshrl.u32 v3, $0x3  }
0x54: {  	v4 =	vmul.u32 $0x18, v59  }
0x55: {  	v3 =	vand.u32 $0x7, v3  }
0x56: {  	v3 =	vor.u32 v3, v4  }
0x57: {  	v4 =	vperm.xlane v3, v0;
	_ =	sdelay $0x1  }
0x58: {  	v4 =	vadd.s32 v1, v4;
	_ =	sdelay $0x1  }
0x59: {  	v3 =	vperm.xlane v3, v2;
	_ =	sdelay $0x1  }
0x5a: {  	s26 =	sadd.s32 $0x4900, s21;
	v3 =	vadd.s32 v1, v3  }
0x5b: {  	[tilespmem:s26], [sflag:$0x5] =	stream.indirect_vreg.gather [hbm4b:s3+s1], $0x80, v4, vm0, $0x2000b8;
	[tilespmem:$0x18100] =	vst v63  }
0x5c: {  	s28 =	sadd.s32 $0x5100, s21  }
0x5d: {  	[tilespmem:s28], [sflag:$0x5] =	stream.indirect_vreg.gather [hbm4b:s7+s1], $0x80, v4, vm1, $0x2000b8;
	[tilespmem:$0x18100] =	vst v63  }
0x5e: {  	s29 =	sadd.s32 $0x5500, s21  }
0x5f: {  	[tilespmem:s29], [sflag:$0x5] =	stream.indirect_vreg.gather [hbm4b:s3+s1], $0x80, v3, vm0, $0x2000b8;
	[tilespmem:$0x18100] =	vst v63  }
0x60: {  	s30 =	sadd.s32 $0x5D00, s21  }
0x61: {  	[tilespmem:s30], [sflag:$0x5] =	stream.indirect_vreg.gather [hbm4b:s7+s1], $0x80, v3, vm1, $0x2000b8;
	[tilespmem:$0x18100] =	vst v63  }
0x62: {  	v3 =	vld [tilespmem:s22+$0x40];
	_ =	sdelay $0x4  }
0x63: {  	v60 =	vshrl.u32 v3, $0x3  }
0x64: {  	v4 =	vmul.u32 $0x18, v60  }
0x65: {  	v3 =	vand.u32 $0x7, v3  }
0x66: {  	v3 =	vor.u32 v3, v4  }
0x67: {  	v4 =	vperm.xlane v3, v0;
	_ =	sdelay $0x1  }
0x68: {  	v4 =	vadd.s32 v1, v4;
	_ =	sdelay $0x1  }
0x69: {  	v3 =	vperm.xlane v3, v2;
	_ =	sdelay $0x1  }
0x6a: {  	s31 =	sadd.s32 $0x6100, s21;
	v3 =	vadd.s32 v1, v3  }
0x6b: {  	[tilespmem:s31], [sflag:$0x5] =	stream.indirect_vreg.gather [hbm4b:s3+s1], $0x80, v4, vm0, $0x2000b8;
	[tilespmem:$0x18100] =	vst v63  }
0x6c: {  	s24 =	sadd.s32 $0x6900, s21  }
0x6d: {  	[tilespmem:s24], [sflag:$0x5] =	stream.indirect_vreg.gather [hbm4b:s7+s1], $0x80, v4, vm1, $0x2000b8;
	[tilespmem:$0x18100] =	vst v63  }
0x6e: {  	s25 =	sadd.s32 $0x6D00, s21  }
0x6f: {  	[tilespmem:s25], [sflag:$0x5] =	stream.indirect_vreg.gather [hbm4b:s3+s1], $0x80, v3, vm0, $0x2000b8;
	[tilespmem:$0x18100] =	vst v63  }
0x70: {  	s26 =	sadd.s32 $0x7500, s21  }
0x71: {  	[tilespmem:s26], [sflag:$0x5] =	stream.indirect_vreg.gather [hbm4b:s7+s1], $0x80, v3, vm1, $0x2000b8;
	[tilespmem:$0x18100] =	vst v63  }
0x72: {  	v3 =	vld [tilespmem:s22+$0x50];
	_ =	sdelay $0x4  }
0x73: {  	v61 =	vshrl.u32 v3, $0x3  }
0x74: {  	v4 =	vmul.u32 $0x18, v61  }
0x75: {  	v3 =	vand.u32 $0x7, v3  }
0x76: {  	v3 =	vor.u32 v3, v4  }
0x77: {  	v4 =	vperm.xlane v3, v0;
	_ =	sdelay $0x1  }
0x78: {  	v4 =	vadd.s32 v1, v4;
	_ =	sdelay $0x1  }
0x79: {  	v3 =	vperm.xlane v3, v2;
	_ =	sdelay $0x1  }
0x7a: {  	s28 =	sadd.s32 $0x7900, s21;
	v3 =	vadd.s32 v1, v3  }
0x7b: {  	[tilespmem:s28], [sflag:$0x5] =	stream.indirect_vreg.gather [hbm4b:s3+s1], $0x80, v4, vm0, $0x2000b8;
	[tilespmem:$0x18100] =	vst v63  }
0x7c: {  	s29 =	sadd.s32 $0x8100, s21  }
0x7d: {  	[tilespmem:s29], [sflag:$0x5] =	stream.indirect_vreg.gather [hbm4b:s7+s1], $0x80, v4, vm1, $0x2000b8;
	[tilespmem:$0x18100] =	vst v63  }
0x7e: {  	s30 =	sadd.s32 $0x8500, s21  }
0x7f: {  	[tilespmem:s30], [sflag:$0x5] =	stream.indirect_vreg.gather [hbm4b:s3+s1], $0x80, v3, vm0, $0x2000b8;
	[tilespmem:$0x18100] =	vst v63  }
0x80: {  	s31 =	sadd.s32 $0x8D00, s21  }
0x81: {  	[tilespmem:s31], [sflag:$0x5] =	stream.indirect_vreg.gather [hbm4b:s7+s1], $0x80, v3, vm1, $0x2000b8;
	[tilespmem:$0x18100] =	vst v63  }
0x82: {  	v3 =	vld [tilespmem:s22+$0x60];
	_ =	sdelay $0x4  }
0x83: {  	v62 =	vshrl.u32 v3, $0x3  }
0x84: {  	v4 =	vmul.u32 $0x18, v62  }
0x85: {  	v3 =	vand.u32 $0x7, v3  }
0x86: {  	v3 =	vor.u32 v3, v4  }
0x87: {  	v4 =	vperm.xlane v3, v0;
	_ =	sdelay $0x1  }
0x88: {  	v4 =	vadd.s32 v1, v4;
	_ =	sdelay $0x1  }
0x89: {  	v3 =	vperm.xlane v3, v2;
	_ =	sdelay $0x1  }
0x8a: {  	s24 =	sadd.s32 $0x9100, s21;
	v3 =	vadd.s32 v1, v3  }
0x8b: {  	[tilespmem:s24], [sflag:$0x5] =	stream.indirect_vreg.gather [hbm4b:s3+s1], $0x80, v4, vm0, $0x2000b8;
	[tilespmem:$0x18100] =	vst v63  }
0x8c: {  	s25 =	sadd.s32 $0x9900, s21  }
0x8d: {  	[tilespmem:s25], [sflag:$0x5] =	stream.indirect_vreg.gather [hbm4b:s7+s1], $0x80, v4, vm1, $0x2000b8;
	[tilespmem:$0x18100] =	vst v63  }
0x8e: {  	s26 =	sadd.s32 $0x9D00, s21  }
0x8f: {  	[tilespmem:s26], [sflag:$0x5] =	stream.indirect_vreg.gather [hbm4b:s3+s1], $0x80, v3, vm0, $0x2000b8;
	[tilespmem:$0x18100] =	vst v63  }
0x90: {  	s28 =	sadd.s32 $0xA500, s21  }
0x91: {  	[tilespmem:s28], [sflag:$0x5] =	stream.indirect_vreg.gather [hbm4b:s7+s1], $0x80, v3, vm1, $0x2000b8;
	[tilespmem:$0x18100] =	vst v63  }
0x92: {  	v3 =	vld [tilespmem:s22+$0x70];
	_ =	sdelay $0x4  }
0x93: {  	v63 =	vshrl.u32 v3, $0x3  }
0x94: {  	v4 =	vmul.u32 $0x18, v63  }
0x95: {  	v3 =	vand.u32 $0x7, v3  }
0x96: {  	v3 =	vor.u32 v3, v4  }
0x97: {  	v4 =	vperm.xlane v3, v0;
	_ =	sdelay $0x1  }
0x98: {  	v4 =	vadd.s32 v1, v4;
	_ =	sdelay $0x1  }
0x99: {  	v3 =	vperm.xlane v3, v2;
	_ =	sdelay $0x1  }
0x9a: {  	s29 =	sadd.s32 $0xA900, s21;
	v3 =	vadd.s32 v1, v3  }
0x9b: {  	[tilespmem:s29], [sflag:$0x5] =	stream.indirect_vreg.gather [hbm4b:s3+s1], $0x80, v4, vm0, $0x2000b8;
	[tilespmem:$0x18100] =	vst v63  }
0x9c: {  	s30 =	sadd.s32 $0xB100, s21  }
0x9d: {  	[tilespmem:s30], [sflag:$0x5] =	stream.indirect_vreg.gather [hbm4b:s7+s1], $0x80, v4, vm1, $0x2000b8;
	[tilespmem:$0x18100] =	vst v63  }
0x9e: {  	s31 =	sadd.s32 $0xB500, s21  }
0x9f: {  	[tilespmem:s31], [sflag:$0x5] =	stream.indirect_vreg.gather [hbm4b:s3+s1], $0x80, v3, vm0, $0x2000b8;
	[tilespmem:$0x18100] =	vst v63  }
0xa0: {  	s21 =	sadd.s32 $0xBD00, s21  }
0xa1: {  	[tilespmem:s21], [sflag:$0x5] =	stream.indirect_vreg.gather [hbm4b:s7+s1], $0x80, v3, vm1, $0x2000b8;
	[tilespmem:$0x18100] =	vst v63  }
0xa2: {  	_ =	swait.ge [sflag:s9], $0xC000  }
0xa3: {  	[sflag:s9] =	ssyncset.done $0x0  }
0xa4: {  	p2 =	seq.s32 s12, $0x1;
	[sflag:s9] =	ssyncadd.s32 $0xFFFF4000  }
0xa5: {  	s18 =	sadd.s32 s5, s18;
	p1 =	por p2, p1;
	_ =	strace $0x90000055  }
0xa6: {  	s18 =	smul.u32 @p1 $0x1800, s18;
	s22 =	simm.s32 $0x1;
	_ =	strace @p1 $0x80000056  }
0xa7: {  	s19 =	sadd.s32 @p1 $0x3, s19;
	s22 =	simm.s32 @!p0 $0x0;
	s21 =	rddreg [dreg:$0x2]  }
0xa8: {  	p0 =	seq.s32 s12, $0x28;
	s18 =	sadd.s32 @p1 s21, s18;
	s21 =	simm.s32 @p1 $0x0  }
0xa9: {  	[hbm4b:s18+s21] =	stream.linear.scatter @p1 [tilespmem:s20], [sflag:s19], $0xC000, $0x200038;
	[tilespmem:$0x18100] =	vst v63  }
0xaa: {  	s18 =	simm.s32 $0x1;
	s20 =	simm.s32 $0x1;
	_ =	strace @p1 $0x90000056  }
0xab: {  	s18 =	simm.s32 @!p1 $0x0;
	p1 =	sne.s32 s12, $0x28;
	s12 =	sadd.s32 $0xFFFFFFFF, s12  }
0xac: {  	s19 =	sand.u32 @!p0 $0x1, s14;
	s20 =	simm.s32 @!p1 $0x0;
	p1 =	sne.s32 s12, $0x0  }
.Ltmp0:
0xad: {  	s19 =	sadd.s32 @!p0 $0x3, s19;
	_ =	strace @!p0 $0x80000057;
	(pc) =	sbr.rel @p1 .LBB2_2-.Ltmp0, $4  }
0xae: {  	_ =	swait.ge @!p0 [sflag:s19], $0xC000  }
0xaf: {  	[sflag:s19] =	ssyncset.done @!p0 $0x0  }
0xb0: {  	s17 =	sadd.s32 s22, s17;
	s15 =	sadd.s32 s18, s15;
	[sflag:s19] =	ssyncadd.s32 @!p0 $0xFFFF4000  }
0xb1: {  	s16 =	sadd.s32 s18, s16;
	s14 =	sadd.s32 s20, s14;
	_ =	strace @!p0 $0x90000057  }
0xb2: {  	s11 =	sadd.s32 $0x1, s11  }
0xb3: {  	p0 =	sne.s32 s11, s8  }
.Ltmp1:
0xb4: {  	_ =	strace $0x80000058;
	(pc) =	sbr.rel @p0 .LBB2_1-.Ltmp1, $4  }
0xb5: {  	_ =	swait.ge [sflag:s10], $0xC000  }
0xb6: {  	[sflag:s10] =	ssyncset.done $0x0  }
0xb7: {  	[sflag:s10] =	ssyncadd.s32 $0xFFFF4000  }
0xb8: {  	_ =	strace $0x90000058  }
0xb9: {  	_ =	sfence.sel $0x180000  }
0xba: {  	[bflag:$0x0] =	sbarrier.arrive $0xFFFF  }
0xbb: {  	p0 =	sne.s32 s2, $0x0;
	_ =	strace $0x90000051  }
0xbc: {  	s0 =	sadd.s32 @!p0 $0x100000, s0;
	[bflag:$0x2] =	sbarrier.arrive $0xFFFF  }
0xbd: {  	[sflag:s0] =	ssyncadd.tile.s32 @!p0 $0x1;
	_ =	shalt  }
.Lfunc_end2:
_tile_overlayer_lowered:
.L_overlay_start_2:
0xbe: {  	(tag) =	ssettag $0x2  }
0xbf: {  	s0 =	rddreg [dreg:$0x0];
	s2 =	stileid.u32  }
0xc0: {  	s1 =	rddreg [dreg:$0x1];
	p0 =	sne.s32 s2, $0x0  }
0xc1: {  	s3 =	rddreg [dreg:$0x2];
	[bflag:$0x3] =	sbarrier.arrive $0xFFFF;
	s2 =	simm.s32 @!p0 $0x1C01  }
0xc2: {  	[timem:s3], [sflag:s2] =	dma.local @!p0 [hbm:s0], s1  }
0xc3: {  	s0 =	simm.s32 @!p0 $0x1  }
0xc4: {  	_ =	swait.ge @!p0 [sflag:s0], s1  }
0xc5: {  	s1 =	ssub.s32 @!p0 $0x0, s1;
	[sflag:s0] =	ssyncset.done @!p0 $0x0  }
0xc6: {  	[sflag:s0] =	ssyncadd.s32 @!p0 s1  }
0xc7: {  	[bflag:$0x3] =	sbarrier.arrive $0xFFFF  }
0xc8: {  	_ =	shalt  }

// kernel: kernel.7.cloned.1.call-start
scs
__scs_entry_jumppad:
0x0: {  	(pc) =	sbr.rel $0x88, $3  }
0x1: {  	(tag) =	ssettag $0x0;
	lr =	simm.s32 $0x1  }
0x2: {  	[smem:$0x3F8B] =	sst lr;
	_ =	strace $0xD0000000  }
0x3: {  	_ = 	snop  }
0x4: {  	_ = 	snop  }
0x5: {  	_ = 	snop  }
0x6: {  	_ = 	snop  }
0x7: {  	_ = 	snop  }
__scs_overlays_trampoline_lowered:
0x8: {  	[smem:$0x3F9A] =	sst s0  }
0x9: {  	[smem:$0x3F9B] =	sst s1  }
0xa: {  	[smem:$0x3F9C] =	sst s2  }
0xb: {  	[smem:$0x3F9D] =	sst s3  }
0xc: {  	[smem:$0x3F9E] =	sst s4  }
0xd: {  	[smem:$0x3F9F] =	sst s5  }
0xe: {  	[smem:$0x3FA0] =	sst s6  }
0xf: {  	[smem:$0x3FA1] =	sst s7  }
0x10: {  	[smem:$0x3FA2] =	sst s8  }
0x11: {  	[smem:$0x3FA3] =	sst s9;
	s0 =	simm.s32 @!p0 $0x0  }
0x12: {  	s1 =	sld [smem:$0x3F89];
	s0 =	simm.s32 @p0 $0x1  }
0x13: {  	[smem:$0x3FA4] =	sst s0;
	s0 =	simm.s32 @!p1 $0x0  }
0x14: {  	s2 =	sld [smem:$0x3F88];
	s0 =	simm.s32 @p1 $0x1  }
0x15: {  	[smem:$0x3FA5] =	sst s0;
	s0 =	simm.s32 @!p2 $0x0  }
0x16: {  	s3 =	sld [smem:$0x3FDB];
	s0 =	simm.s32 @p2 $0x1  }
0x17: {  	s4 =	simm.s32 $0x1BF5;
	[smem:$0x3FA7] =	sst s0  }
0x18: {  	s0 =	sld [smem:$0x3F8A];
	_ =	swait.ge [sflag:s4], $0x0  }
0x19: {  	s7 =	sld [smem:$0x3F8B]  }
0x1a: {  	s8 =	sadd.s32 $0xFFFFE003, lr  }
0x1b: {  	s9 =	sadd.s32 $0xFFFFFEF7, lr;
	s5 =	simm.s32 $0xFFFFFFFF;
	p2 =	slt.u32 s8, $0xFFFFF086  }
0x1c: {  	p1 =	slt.u32 s9, $0xF7A;
	s5 =	simm.s32 @!p2 $0x0  }
0x1d: {  	s5 =	simm.s32 @p1 $0x1;
	p0 =	seq.s32 s7, s2  }
0x1e: {  	s7 =	smul.u32 @!p0 $0xF7A, s2;
	p2 =	seq.s32 @!p0 s5, $0x0  }
0x1f: {  	s9 =	smul.u32 $0xF7A, s1;
	s8 =	simm.s32 @!p0 $0x1BF5;
	p2 =	por !p2, p0  }
0x20: {  	[sflag:s8] =	ssyncset.s32 @!p0 $0xFFFFF086;
	s6 =	sadd.s32 @!p0 s3, s7;
	s7 =	simm.s32 @!p0 $0x108  }
0x21: {  	s3 =	sadd.s32 s3, s9;
	s6 =	sadd.s32 @!p0 $0x88, s6;
	s7 =	simm.s32 @p2 $0x1082  }
0x22: {  	[simem:s7], [sflag:s8] =	dma.local @!p0 [hbm:s6], $0xF7A  }
0x23: {  	s9 =	sor.u32 $0xD0000000, s2;
	s6 =	simm.s32 $0x108;
	_ =	swait.ge @!p0 [sflag:s8], $0x0  }
0x24: {  	s3 =	sadd.s32 $0x88, s3;
	s6 =	simm.s32 @!p1 $0x1082;
	[sflag:s4] =	ssyncset.s32 $0xFFFFF086  }
0x25: {  	[simem:s6], [sflag:s4] =	dma.local [hbm:s3], $0xF7A  }
0x26: {  	[smem:$0x3F8B] =	sst s1;
	(tag) =	ssettag s2;
	_ =	strace s9  }
0x27: {  	s1 =	sld [smem:$0x3F9B]  }
0x28: {  	s2 =	sld [smem:$0x3F9C]  }
0x29: {  	s4 =	sld [smem:$0x3F9E]  }
0x2a: {  	p0 =	seq.s32 s5, $0x0;
	s5 =	sld [smem:$0x3F9F]  }
0x2b: {  	s6 =	sld [smem:$0x3FA0]  }
0x2c: {  	s7 =	sld [smem:$0x3FA1]  }
0x2d: {  	s3 =	simm.s32 $0x108;
	s8 =	sld [smem:$0x3FA2]  }
0x2e: {  	s3 =	simm.s32 @!p0 $0x1082;
	s9 =	sld [smem:$0x3FA3]  }
0x2f: {  	lr =	sadd.s32 s0, s3;
	s0 =	sld [smem:$0x3F9A]  }
0x30: {  	s3 =	sld [smem:$0x3F9D]  }
0x31: {  	[smem:$0x3FA6] =	sst s10  }
0x32: {  	s10 =	sld [smem:$0x3FA4];
	_ =	sdelay $0x3  }
0x33: {  	p0 =	seq.s32 s10, $0x1;
	s10 =	sld [smem:$0x3FA6];
	_ =	sdelay $0x3  }
0x34: {  	[smem:$0x3FA6] =	sst s10  }
0x35: {  	s10 =	sld [smem:$0x3FA5];
	_ =	sdelay $0x3  }
0x36: {  	p1 =	seq.s32 s10, $0x1;
	s10 =	sld [smem:$0x3FA6];
	_ =	sdelay $0x3  }
0x37: {  	[smem:$0x3FA6] =	sst s10  }
0x38: {  	s10 =	sld [smem:$0x3FA7]  }
0x39: {  	_ = 	snop;
	(pc) =	sbr.ind lr, $3  }
0x3a: {  	_ = 	snop  }
0x3b: {  	_ = 	snop  }
0x3c: {  	p2 =	seq.s32 s10, $0x1;
	s10 =	sld [smem:$0x3FA6]  }
0x3d: {  	_ =	shalt  }
0x3e: {  	_ =	shalt  }
0x3f: {  	_ =	shalt  }
0x40: {  	_ =	shalt  }
0x41: {  	_ =	shalt  }
0x42: {  	_ =	shalt  }
0x43: {  	_ =	shalt  }
0x44: {  	_ =	shalt  }
0x45: {  	_ =	shalt  }
0x46: {  	_ =	shalt  }
0x47: {  	_ =	shalt  }
0x48: {  	_ =	shalt  }
0x49: {  	_ =	shalt  }
0x4a: {  	_ =	shalt  }
0x4b: {  	_ =	shalt  }
0x4c: {  	_ =	shalt  }
0x4d: {  	_ =	shalt  }
0x4e: {  	_ =	shalt  }
0x4f: {  	_ =	shalt  }
0x50: {  	_ =	shalt  }
0x51: {  	_ =	shalt  }
0x52: {  	_ =	shalt  }
0x53: {  	_ =	shalt  }
0x54: {  	_ =	shalt  }
0x55: {  	_ =	shalt  }
0x56: {  	_ =	shalt  }
0x57: {  	_ =	shalt  }
0x58: {  	_ =	shalt  }
0x59: {  	_ =	shalt  }
0x5a: {  	_ =	shalt  }
0x5b: {  	_ =	shalt  }
0x5c: {  	_ =	shalt  }
0x5d: {  	_ =	shalt  }
0x5e: {  	_ =	shalt  }
0x5f: {  	_ =	shalt  }
0x60: {  	_ =	shalt  }
0x61: {  	_ =	shalt  }
0x62: {  	_ =	shalt  }
0x63: {  	_ =	shalt  }
0x64: {  	_ =	shalt  }
0x65: {  	_ =	shalt  }
0x66: {  	_ =	shalt  }
0x67: {  	_ =	shalt  }
0x68: {  	_ =	shalt  }
0x69: {  	_ =	shalt  }
0x6a: {  	_ =	shalt  }
0x6b: {  	_ =	shalt  }
0x6c: {  	_ =	shalt  }
0x6d: {  	_ =	shalt  }
0x6e: {  	_ =	shalt  }
0x6f: {  	_ =	shalt  }
0x70: {  	_ =	shalt  }
0x71: {  	_ =	shalt  }
0x72: {  	_ =	shalt  }
0x73: {  	_ =	shalt  }
0x74: {  	_ =	shalt  }
0x75: {  	_ =	shalt  }
0x76: {  	_ =	shalt  }
0x77: {  	_ =	shalt  }
0x78: {  	_ =	shalt  }
0x79: {  	_ =	shalt  }
0x7a: {  	_ =	shalt  }
0x7b: {  	_ =	shalt  }
0x7c: {  	_ =	shalt  }
0x7d: {  	_ =	shalt  }
0x7e: {  	_ =	shalt  }
0x7f: {  	_ =	shalt  }
0x80: {  	_ =	shalt  }
0x81: {  	_ =	shalt  }
0x82: {  	_ =	shalt  }
0x83: {  	_ =	shalt  }
0x84: {  	_ =	shalt  }
0x85: {  	_ =	shalt  }
0x86: {  	_ =	shalt  }
0x87: {  	_ =	shalt  }
.Lfunc_end0:
.L_simem_size_0:
called_computation.3_lowered:
.L_overlay_start_0:
0x88: {  	s2 =	sld [smem:$0x3FD9]  }
0x89: {  	s3 =	sld [smem:$0x3FFE];
	_ =	sdelay $0x1  }
0x8a: {  	s1 =	srdreg.scid  }
0x8b: {  	s0 =	sand.u32 $0x1, s1  }
0x8c: {  	s16 =	sshll.u32 s0, $0xA;
	s2 =	sadd.s32 s3, s2  }
0x8d: {  	s2 =	sadd.s32 s2, s16  }
0x8e: {  	[smem:$0x3FB2] =	sst s2  }
0x8f: {  	_ = 	snop  }
0x90: {  	(tm) =	ssettm $0x1  }
0x91: {  	s17 =	sld [smem:$0x3FFB];
	_ =	sdelay $0x3  }
0x92: {  	_ =	strace s17  }
0x93: {  	s2 =	sld [smem:$0x3FFC];
	_ =	sdelay $0x3  }
0x94: {  	_ =	strace s2  }
0x95: {  	s2 =	sld [smem:$0x3FFD];
	_ =	sdelay $0x3  }
0x96: {  	_ =	strace s2  }
0x97: {  	_ =	strace $0x8FFFFFFF  }
0x98: {  	s18 =	sld [smem:$0x3FDB];
	_ =	sdelay $0x1  }
0x99: {  	s19 =	simm.s32 $_scs_section_size  }
0x9a: {  	s4 =	simm.s32 $_size__tile_overlayer_lowered;
	s5 =	simm.s32 $_tile_overlayer_lowered  }
0x9b: {  	s22 =	simm.s32 $0x1BFF;
	s21 =	sshll.u32 s5, $0x1;
	s2 =	sadd.s32 s19, s18  }
0x9c: {  	s6 =	simm.s32 $0x0;
	s20 =	sshll.u32 s4, $0x1;
	s4 =	sadd.s32 s21, s2  }
0x9d: {  	[timem:s6], [sflag:s22] =	dma.local [hbm:s4], s20  }
0x9e: {  	_ =	swait.ge [sflag:s22], s20  }
0x9f: {  	s3 =	ssub.s32 $0x0, s20;
	[sflag:s22] =	ssyncset.done $0x0  }
0xa0: {  	[sflag:s22] =	ssyncadd.s32 s3;
	_ =	sdelay $0x1  }
0xa1: {  	s23 =	simm.s32 $0x1B8B  }
0xa2: {  	_ =	swait.ge [sflag:s23], $0x1  }
0xa3: {  	[sflag:s23] =	ssyncset.done $0x0  }
0xa4: {  	s25 =	simm.s32 $0x1B8E;
	s24 =	sld [smem:$0x3FFE];
	[sflag:s23] =	ssyncadd.s32 $0xFFFFFFFF  }
0xa5: {  	s26 =	simm.s32 $execute0_lowered;
	[smem:$0x3FD2] =	sst s25  }
0xa6: {  	s4 =	sshll.u32 s26, $0x1;
	_ =	strace $0x80000046;
	[dreg:$0x1] =	wrdreg $0xFFFFFFFF  }
0xa7: {  	s28 =	simm.s32 $_size_execute0_lowered;
	s2 =	sadd.s32 s2, s4;
	[dreg:$0x0] =	wrdreg $0x0  }
0xa8: {  	s4 =	sshll.u32 s28, $0x1;
	[dreg:$0x2] =	wrdreg s2  }
0xa9: {  	[dreg:$0x3] =	wrdreg s4  }
0xaa: {  	[dreg:$0x4] =	wrdreg $0xC0  }
0xab: {  	_ =	task [dreg:s6], $0x5FFFF  }
0xac: {  	[dreg:$0x1] =	wrdreg $0xFFFFFFFF  }
0xad: {  	[dreg:$0x0] =	wrdreg $0x60  }
0xae: {  	[dreg:$0x2] =	wrdreg s24  }
0xaf: {  	[dreg:$0x3] =	wrdreg $0x9  }
0xb0: {  	_ =	task.clear_ibuf [dreg:s6], $0x4FFFF;
	_ =	strace $0x90000046  }
0xb1: {  	s29 =	simm.s32 $0x9;
	_ =	strace $0x8000004F  }
0xb2: {  	_ =	swait.ge [sflag:s29], $0x1  }
0xb3: {  	[sflag:s29] =	ssyncadd.s32 $0xFFFFFFFF  }
0xb4: {  	_ =	strace $0x9000004F  }
0xb5: {  	_ =	sfence  }
0xb6: {  	s30 =	sld [smem:$0x0];
	_ =	sdelay $0x2  }
0xb7: {  	s31 =	sshll.u32 s1, $0xD;
	s1 =	sshrl.u32 s1, $0x2  }
0xb8: {  	s3 =	sand.u32 $0x4000, s31;
	s1 =	sadd.s32 s1, s30  }
0xb9: {  	s0 =	sor.u32 s3, s0;
	s1 =	sshll.u32 s1, $0x11  }
0xba: {  	s0 =	sor.u32 s1, s0  }
0xbb: {  	s0 =	sadd.s32 $0x8F2B, s0  }
0xbc: {  	[sflag:s0] =	ssyncadd.remote.s32 $0x1  }
0xbd: {  	_ =	sfence.sel $0xFFFF  }
0xbe: {  	[dreg:$0x0] =	wrdreg $0xFFFFFFFF;
	(pc) =	sbr.abs _section_cstart, $3  }
0xbf: {  	[dreg:$0x1] =	wrdreg $0xFFFFFFFF  }
0xc0: {  	_ =	task.clear_ibuf [dreg:s6], $0x2FFFF;
	_ =	strace $0x9FFFFFFF  }
0xc1: {  	(tm) =	ssettm $0x7FFFFFFF  }
tec
execute0_lowered:
.L_overlay_start_1:
0x0: {  	(tag) =	ssettag $0x1  }
0x1: {  	s7 =	rddreg [dreg:$0x0]  }
0x2: {  	s0 =	rddreg [dreg:$0x1];
	s1 =	simm.s32 $0x0;
	s2 =	srdreg.scid  }
0x3: {  	s11 =	simm.s32 $0x0;
	[smem:$0x7FF] =	sst s1;
	s5 =	sand.u32 $0x1, s2  }
0x4: {  	s3 =	sadd.s32 $0x37600, s7;
	s2 =	stileid.u32;
	s4 =	sadd.s32 $0x2B600, s7  }
0x5: {  	s8 =	sadd.s32 $0x121E00, s7;
	s7 =	sadd.s32 $0x37700, s7;
	s6 =	sshll.u32 s5, $0x4  }
0x6: {  	_ =	strace $0x80000047;
	s5 =	ssub.s32 $0x2, s5;
	s6 =	sor.u32 s2, s6  }
0x7: {  	v2 =	vlaneseq.u32;
	[dreg:$0x2] =	wrdreg s8;
	s9 =	sshrl.u32 s5, $0x1;
	s10 =	smul.u32 $0x280, s6  }
0x8: {  	vm0 =	vmmov $0xffff;
	vm1 =	vmmov $0xff;
	v1 =	vshrl.u32 v2, $0x3;
	s31 =	ssub.s32 s5, s9;
	s5 =	smul.u32 $0x28, s6;
	s9 =	simm.s32 $0x5  }
0x9: {  	v0 =	vand.u32 $0x7, v2;
	v2 =	vor.u32 $0x8, v2;
	v1 =	vmul.u32 $0x8, v1;
	s8 =	smax.u32 s31, $0x1;
	s6 =	sadd.s32 s4, s10;
	s10 =	simm.s32 $0x4  }
.LBB2_1:
0xa: {  	_ =	strace $0x80000048;
	s12 =	simm.s32 $0x28  }
0xb: {  	s13 =	simm.s32 $0x0;
	s14 =	simm.s32 $0x0;
	s15 =	simm.s32 $0x0  }
0xc: {  	[tilespmem:s1], [sflag:$0x1] =	stream.linear.gather [hbm4b:s6+s1], $0x80, $0x200038;
	[tilespmem:$0x18100] =	vst v63  }
0xd: {  	s16 =	simm.s32 $0x0;
	s17 =	simm.s32 $0x1;
	_ =	strace $0x90000048  }
.LBB2_2:
0xe: {  	s18 =	smov.u32 s13;
	s13 =	sadd.s32 $0x1, s13  }
0xf: {  	p0 =	seq.s32 s13, $0x28  }
0x10: {  	s13 =	simm.s32 @p0 $0x0  }
0x11: {  	p6 =	sne.s32 s12, $0x1;
	p1 =	sne.s32 s18, s13  }
0x12: {  	p0 =	por !p6, !p1  }
0x13: {  	p0 =	por !p0, !p0  }
0x14: {  	s19 =	sadd.s32 @p0 s5, s13  }
0x15: {  	s20 =	sand.u32 @p0 $0x1, s17;
	s19 =	sshll.u32 @p0 s19, $0x4  }
0x16: {  	_ =	strace @p0 $0x80000049;
	s22 =	simm.s32 @p0 $0x0;
	s19 =	sand.u32 @p0 $0x1FFFFFF0, s19  }
0x17: {  	s21 =	sshll.u32 @p0 s20, $0x7;
	s20 =	sadd.s32 @p0 $0x1, s20;
	s19 =	sadd.s32 @p0 s4, s19  }
0x18: {  	[tilespmem:s21], [sflag:s20] =	stream.linear.gather @p0 [hbm4b:s19+s22], $0x80, $0x200038;
	[tilespmem:$0x18100] =	vst v63  }
0x19: {  	s28 =	sand.u32 $0x1, s16;
	_ =	strace @p0 $0x90000049  }
0x1a: {  	s19 =	sadd.s32 $0x1, s28;
	_ =	strace $0x8000004A  }
0x1b: {  	_ =	swait.ge [sflag:s19], $0x80  }
0x1c: {  	[sflag:s19] =	ssyncset.done $0x0  }
0x1d: {  	[sflag:s19] =	ssyncadd.s32 $0xFFFFFF80  }
0x1e: {  	s29 =	sshll.u32 s16, $0x7;
	_ =	strace $0x9000004A  }
0x1f: {  	s22 =	sand.u32 $0x80, s29;
	_ =	strace $0x8000004B  }
0x20: {  	v3 =	vld [tilespmem:s22+$0x0];
	_ =	sdelay $0x4  }
0x21: {  	v4 =	vshrl.u32 v3, $0x3  }
0x22: {  	v4 =	vmul.u32 $0x18, v4  }
0x23: {  	v3 =	vand.u32 $0x7, v3  }
0x24: {  	v3 =	vor.u32 v3, v4  }
0x25: {  	v4 =	vperm.xlane v3, v0;
	_ =	sdelay $0x1  }
0x26: {  	s19 =	sand.u32 $0x1, s15;
	v4 =	vadd.s32 v1, v4  }
0x27: {  	s30 =	smul.u32 $0x30000, s19  }
0x28: {  	v3 =	vperm.xlane v3, v2  }
0x29: {  	s21 =	sshrl.u32 s30, $0x2  }
0x2a: {  	s20 =	sor.u32 $0x100, s21;
	v3 =	vadd.s32 v1, v3  }
0x2b: {  	[tilespmem:s20], [sflag:$0x5] =	stream.indirect_vreg.gather [hbm4b:s3+s1], $0x80, v4, vm0, $0x2000b8;
	[tilespmem:$0x18100] =	vst v63  }
0x2c: {  	s23 =	sor.u32 $0x900, s21  }
0x2d: {  	[tilespmem:s23], [sflag:$0x5] =	stream.indirect_vreg.gather [hbm4b:s7+s1], $0x80, v4, vm1, $0x2000b8;
	[tilespmem:$0x18100] =	vst v63  }
0x2e: {  	s31 =	sor.u32 $0xD00, s21  }
0x2f: {  	[tilespmem:s31], [sflag:$0x5] =	stream.indirect_vreg.gather [hbm4b:s3+s1], $0x80, v3, vm0, $0x2000b8;
	[tilespmem:$0x18100] =	vst v63  }
0x30: {  	s24 =	sor.u32 $0x1500, s21  }
0x31: {  	[tilespmem:s24], [sflag:$0x5] =	stream.indirect_vreg.gather [hbm4b:s7+s1], $0x80, v3, vm1, $0x2000b8;
	[tilespmem:$0x18100] =	vst v63  }
0x32: {  	v3 =	vld [tilespmem:s22+$0x10];
	_ =	sdelay $0x4  }
0x33: {  	v57 =	vshrl.u32 v3, $0x3  }
0x34: {  	v4 =	vmul.u32 $0x18, v57  }
0x35: {  	v3 =	vand.u32 $0x7, v3  }
0x36: {  	v3 =	vor.u32 v3, v4  }
0x37: {  	v4 =	vperm.xlane v3, v0;
	_ =	sdelay $0x1  }
0x38: {  	v4 =	vadd.s32 v1, v4;
	_ =	sdelay $0x1  }
0x39: {  	v3 =	vperm.xlane v3, v2;
	_ =	sdelay $0x1  }
0x3a: {  	s25 =	sor.u32 $0x1900, s21;
	v3 =	vadd.s32 v1, v3  }
0x3b: {  	[tilespmem:s25], [sflag:$0x5] =	stream.indirect_vreg.gather [hbm4b:s3+s1], $0x80, v4, vm0, $0x2000b8;
	[tilespmem:$0x18100] =	vst v63  }
0x3c: {  	s26 =	sor.u32 $0x2100, s21  }
0x3d: {  	[tilespmem:s26], [sflag:$0x5] =	stream.indirect_vreg.gather [hbm4b:s7+s1], $0x80, v4, vm1, $0x2000b8;
	[tilespmem:$0x18100] =	vst v63  }
0x3e: {  	s28 =	sor.u32 $0x2500, s21  }
0x3f: {  	[tilespmem:s28], [sflag:$0x5] =	stream.indirect_vreg.gather [hbm4b:s3+s1], $0x80, v3, vm0, $0x2000b8;
	[tilespmem:$0x18100] =	vst v63  }
0x40: {  	s29 =	sor.u32 $0x2D00, s21  }
0x41: {  	[tilespmem:s29], [sflag:$0x5] =	stream.indirect_vreg.gather [hbm4b:s7+s1], $0x80, v3, vm1, $0x2000b8;
	[tilespmem:$0x18100] =	vst v63  }
0x42: {  	v3 =	vld [tilespmem:s22+$0x20];
	_ =	sdelay $0x4  }
0x43: {  	v58 =	vshrl.u32 v3, $0x3  }
0x44: {  	v4 =	vmul.u32 $0x18, v58  }
0x45: {  	v3 =	vand.u32 $0x7, v3  }
0x46: {  	v3 =	vor.u32 v3, v4  }
0x47: {  	v4 =	vperm.xlane v3, v0;
	_ =	sdelay $0x1  }
0x48: {  	v4 =	vadd.s32 v1, v4;
	_ =	sdelay $0x1  }
0x49: {  	v3 =	vperm.xlane v3, v2;
	_ =	sdelay $0x1  }
0x4a: {  	s30 =	sor.u32 $0x3100, s21;
	v3 =	vadd.s32 v1, v3  }
0x4b: {  	[tilespmem:s30], [sflag:$0x5] =	stream.indirect_vreg.gather [hbm4b:s3+s1], $0x80, v4, vm0, $0x2000b8;
	[tilespmem:$0x18100] =	vst v63  }
0x4c: {  	s31 =	sor.u32 $0x3900, s21  }
0x4d: {  	[tilespmem:s31], [sflag:$0x5] =	stream.indirect_vreg.gather [hbm4b:s7+s1], $0x80, v4, vm1, $0x2000b8;
	[tilespmem:$0x18100] =	vst v63  }
0x4e: {  	s24 =	sor.u32 $0x3D00, s21  }
0x4f: {  	[tilespmem:s24], [sflag:$0x5] =	stream.indirect_vreg.gather [hbm4b:s3+s1], $0x80, v3, vm0, $0x2000b8;
	[tilespmem:$0x18100] =	vst v63  }
0x50: {  	s25 =	sadd.s32 $0x4500, s21  }
0x51: {  	[tilespmem:s25], [sflag:$0x5] =	stream.indirect_vreg.gather [hbm4b:s7+s1], $0x80, v3, vm1, $0x2000b8;
	[tilespmem:$0x18100] =	vst v63  }
0x52: {  	v3 =	vld [tilespmem:s22+$0x30];
	_ =	sdelay $0x4  }
0x53: {  	v59 =	vshrl.u32 v3, $0x3  }
0x54: {  	v4 =	vmul.u32 $0x18, v59  }
0x55: {  	v3 =	vand.u32 $0x7, v3  }
0x56: {  	v3 =	vor.u32 v3, v4  }
0x57: {  	v4 =	vperm.xlane v3, v0;
	_ =	sdelay $0x1  }
0x58: {  	v4 =	vadd.s32 v1, v4;
	_ =	sdelay $0x1  }
0x59: {  	v3 =	vperm.xlane v3, v2;
	_ =	sdelay $0x1  }
0x5a: {  	s26 =	sadd.s32 $0x4900, s21;
	v3 =	vadd.s32 v1, v3  }
0x5b: {  	[tilespmem:s26], [sflag:$0x5] =	stream.indirect_vreg.gather [hbm4b:s3+s1], $0x80, v4, vm0, $0x2000b8;
	[tilespmem:$0x18100] =	vst v63  }
0x5c: {  	s28 =	sadd.s32 $0x5100, s21  }
0x5d: {  	[tilespmem:s28], [sflag:$0x5] =	stream.indirect_vreg.gather [hbm4b:s7+s1], $0x80, v4, vm1, $0x2000b8;
	[tilespmem:$0x18100] =	vst v63  }
0x5e: {  	s29 =	sadd.s32 $0x5500, s21  }
0x5f: {  	[tilespmem:s29], [sflag:$0x5] =	stream.indirect_vreg.gather [hbm4b:s3+s1], $0x80, v3, vm0, $0x2000b8;
	[tilespmem:$0x18100] =	vst v63  }
0x60: {  	s30 =	sadd.s32 $0x5D00, s21  }
0x61: {  	[tilespmem:s30], [sflag:$0x5] =	stream.indirect_vreg.gather [hbm4b:s7+s1], $0x80, v3, vm1, $0x2000b8;
	[tilespmem:$0x18100] =	vst v63  }
0x62: {  	v3 =	vld [tilespmem:s22+$0x40];
	_ =	sdelay $0x4  }
0x63: {  	v60 =	vshrl.u32 v3, $0x3  }
0x64: {  	v4 =	vmul.u32 $0x18, v60  }
0x65: {  	v3 =	vand.u32 $0x7, v3  }
0x66: {  	v3 =	vor.u32 v3, v4  }
0x67: {  	v4 =	vperm.xlane v3, v0;
	_ =	sdelay $0x1  }
0x68: {  	v4 =	vadd.s32 v1, v4;
	_ =	sdelay $0x1  }
0x69: {  	v3 =	vperm.xlane v3, v2;
	_ =	sdelay $0x1  }
0x6a: {  	s31 =	sadd.s32 $0x6100, s21;
	v3 =	vadd.s32 v1, v3  }
0x6b: {  	[tilespmem:s31], [sflag:$0x5] =	stream.indirect_vreg.gather [hbm4b:s3+s1], $0x80, v4, vm0, $0x2000b8;
	[tilespmem:$0x18100] =	vst v63  }
0x6c: {  	s24 =	sadd.s32 $0x6900, s21  }
0x6d: {  	[tilespmem:s24], [sflag:$0x5] =	stream.indirect_vreg.gather [hbm4b:s7+s1], $0x80, v4, vm1, $0x2000b8;
	[tilespmem:$0x18100] =	vst v63  }
0x6e: {  	s25 =	sadd.s32 $0x6D00, s21  }
0x6f: {  	[tilespmem:s25], [sflag:$0x5] =	stream.indirect_vreg.gather [hbm4b:s3+s1], $0x80, v3, vm0, $0x2000b8;
	[tilespmem:$0x18100] =	vst v63  }
0x70: {  	s26 =	sadd.s32 $0x7500, s21  }
0x71: {  	[tilespmem:s26], [sflag:$0x5] =	stream.indirect_vreg.gather [hbm4b:s7+s1], $0x80, v3, vm1, $0x2000b8;
	[tilespmem:$0x18100] =	vst v63  }
0x72: {  	v3 =	vld [tilespmem:s22+$0x50];
	_ =	sdelay $0x4  }
0x73: {  	v61 =	vshrl.u32 v3, $0x3  }
0x74: {  	v4 =	vmul.u32 $0x18, v61  }
0x75: {  	v3 =	vand.u32 $0x7, v3  }
0x76: {  	v3 =	vor.u32 v3, v4  }
0x77: {  	v4 =	vperm.xlane v3, v0;
	_ =	sdelay $0x1  }
0x78: {  	v4 =	vadd.s32 v1, v4;
	_ =	sdelay $0x1  }
0x79: {  	v3 =	vperm.xlane v3, v2;
	_ =	sdelay $0x1  }
0x7a: {  	s28 =	sadd.s32 $0x7900, s21;
	v3 =	vadd.s32 v1, v3  }
0x7b: {  	[tilespmem:s28], [sflag:$0x5] =	stream.indirect_vreg.gather [hbm4b:s3+s1], $0x80, v4, vm0, $0x2000b8;
	[tilespmem:$0x18100] =	vst v63  }
0x7c: {  	s29 =	sadd.s32 $0x8100, s21  }
0x7d: {  	[tilespmem:s29], [sflag:$0x5] =	stream.indirect_vreg.gather [hbm4b:s7+s1], $0x80, v4, vm1, $0x2000b8;
	[tilespmem:$0x18100] =	vst v63  }
0x7e: {  	s30 =	sadd.s32 $0x8500, s21  }
0x7f: {  	[tilespmem:s30], [sflag:$0x5] =	stream.indirect_vreg.gather [hbm4b:s3+s1], $0x80, v3, vm0, $0x2000b8;
	[tilespmem:$0x18100] =	vst v63  }
0x80: {  	s31 =	sadd.s32 $0x8D00, s21  }
0x81: {  	[tilespmem:s31], [sflag:$0x5] =	stream.indirect_vreg.gather [hbm4b:s7+s1], $0x80, v3, vm1, $0x2000b8;
	[tilespmem:$0x18100] =	vst v63  }
0x82: {  	v3 =	vld [tilespmem:s22+$0x60];
	_ =	sdelay $0x4  }
0x83: {  	v62 =	vshrl.u32 v3, $0x3  }
0x84: {  	v4 =	vmul.u32 $0x18, v62  }
0x85: {  	v3 =	vand.u32 $0x7, v3  }
0x86: {  	v3 =	vor.u32 v3, v4  }
0x87: {  	v4 =	vperm.xlane v3, v0;
	_ =	sdelay $0x1  }
0x88: {  	v4 =	vadd.s32 v1, v4;
	_ =	sdelay $0x1  }
0x89: {  	v3 =	vperm.xlane v3, v2;
	_ =	sdelay $0x1  }
0x8a: {  	s24 =	sadd.s32 $0x9100, s21;
	v3 =	vadd.s32 v1, v3  }
0x8b: {  	[tilespmem:s24], [sflag:$0x5] =	stream.indirect_vreg.gather [hbm4b:s3+s1], $0x80, v4, vm0, $0x2000b8;
	[tilespmem:$0x18100] =	vst v63  }
0x8c: {  	s25 =	sadd.s32 $0x9900, s21  }
0x8d: {  	[tilespmem:s25], [sflag:$0x5] =	stream.indirect_vreg.gather [hbm4b:s7+s1], $0x80, v4, vm1, $0x2000b8;
	[tilespmem:$0x18100] =	vst v63  }
0x8e: {  	s26 =	sadd.s32 $0x9D00, s21  }
0x8f: {  	[tilespmem:s26], [sflag:$0x5] =	stream.indirect_vreg.gather [hbm4b:s3+s1], $0x80, v3, vm0, $0x2000b8;
	[tilespmem:$0x18100] =	vst v63  }
0x90: {  	s28 =	sadd.s32 $0xA500, s21  }
0x91: {  	[tilespmem:s28], [sflag:$0x5] =	stream.indirect_vreg.gather [hbm4b:s7+s1], $0x80, v3, vm1, $0x2000b8;
	[tilespmem:$0x18100] =	vst v63  }
0x92: {  	v3 =	vld [tilespmem:s22+$0x70];
	_ =	sdelay $0x4  }
0x93: {  	v63 =	vshrl.u32 v3, $0x3  }
0x94: {  	v4 =	vmul.u32 $0x18, v63  }
0x95: {  	v3 =	vand.u32 $0x7, v3  }
0x96: {  	v3 =	vor.u32 v3, v4  }
0x97: {  	v4 =	vperm.xlane v3, v0;
	_ =	sdelay $0x1  }
0x98: {  	v4 =	vadd.s32 v1, v4;
	_ =	sdelay $0x1  }
0x99: {  	v3 =	vperm.xlane v3, v2;
	_ =	sdelay $0x1  }
0x9a: {  	s29 =	sadd.s32 $0xA900, s21;
	v3 =	vadd.s32 v1, v3  }
0x9b: {  	[tilespmem:s29], [sflag:$0x5] =	stream.indirect_vreg.gather [hbm4b:s3+s1], $0x80, v4, vm0, $0x2000b8;
	[tilespmem:$0x18100] =	vst v63  }
0x9c: {  	s30 =	sadd.s32 $0xB100, s21  }
0x9d: {  	[tilespmem:s30], [sflag:$0x5] =	stream.indirect_vreg.gather [hbm4b:s7+s1], $0x80, v4, vm1, $0x2000b8;
	[tilespmem:$0x18100] =	vst v63  }
0x9e: {  	s31 =	sadd.s32 $0xB500, s21  }
0x9f: {  	[tilespmem:s31], [sflag:$0x5] =	stream.indirect_vreg.gather [hbm4b:s3+s1], $0x80, v3, vm0, $0x2000b8;
	[tilespmem:$0x18100] =	vst v63  }
0xa0: {  	s21 =	sadd.s32 $0xBD00, s21  }
0xa1: {  	[tilespmem:s21], [sflag:$0x5] =	stream.indirect_vreg.gather [hbm4b:s7+s1], $0x80, v3, vm1, $0x2000b8;
	[tilespmem:$0x18100] =	vst v63  }
0xa2: {  	_ =	swait.ge [sflag:s9], $0xC000  }
0xa3: {  	[sflag:s9] =	ssyncset.done $0x0  }
0xa4: {  	p2 =	seq.s32 s12, $0x1;
	[sflag:s9] =	ssyncadd.s32 $0xFFFF4000  }
0xa5: {  	s18 =	sadd.s32 s5, s18;
	p1 =	por p2, p1;
	_ =	strace $0x9000004B  }
0xa6: {  	s18 =	smul.u32 @p1 $0x1800, s18;
	s22 =	simm.s32 $0x1;
	_ =	strace @p1 $0x8000004C  }
0xa7: {  	s19 =	sadd.s32 @p1 $0x3, s19;
	s22 =	simm.s32 @!p0 $0x0;
	s21 =	rddreg [dreg:$0x2]  }
0xa8: {  	p0 =	seq.s32 s12, $0x28;
	s18 =	sadd.s32 @p1 s21, s18;
	s21 =	simm.s32 @p1 $0x0  }
0xa9: {  	[hbm4b:s18+s21] =	stream.linear.scatter @p1 [tilespmem:s20], [sflag:s19], $0xC000, $0x200038;
	[tilespmem:$0x18100] =	vst v63  }
0xaa: {  	s18 =	simm.s32 $0x1;
	s20 =	simm.s32 $0x1;
	_ =	strace @p1 $0x9000004C  }
0xab: {  	s18 =	simm.s32 @!p1 $0x0;
	p1 =	sne.s32 s12, $0x28;
	s12 =	sadd.s32 $0xFFFFFFFF, s12  }
0xac: {  	s19 =	sand.u32 @!p0 $0x1, s14;
	s20 =	simm.s32 @!p1 $0x0;
	p1 =	sne.s32 s12, $0x0  }
.Ltmp0:
0xad: {  	s19 =	sadd.s32 @!p0 $0x3, s19;
	_ =	strace @!p0 $0x8000004D;
	(pc) =	sbr.rel @p1 .LBB2_2-.Ltmp0, $4  }
0xae: {  	_ =	swait.ge @!p0 [sflag:s19], $0xC000  }
0xaf: {  	[sflag:s19] =	ssyncset.done @!p0 $0x0  }
0xb0: {  	s17 =	sadd.s32 s22, s17;
	s15 =	sadd.s32 s18, s15;
	[sflag:s19] =	ssyncadd.s32 @!p0 $0xFFFF4000  }
0xb1: {  	s16 =	sadd.s32 s18, s16;
	s14 =	sadd.s32 s20, s14;
	_ =	strace @!p0 $0x9000004D  }
0xb2: {  	s11 =	sadd.s32 $0x1, s11  }
0xb3: {  	p0 =	sne.s32 s11, s8  }
.Ltmp1:
0xb4: {  	_ =	strace $0x8000004E;
	(pc) =	sbr.rel @p0 .LBB2_1-.Ltmp1, $4  }
0xb5: {  	_ =	swait.ge [sflag:s10], $0xC000  }
0xb6: {  	[sflag:s10] =	ssyncset.done $0x0  }
0xb7: {  	[sflag:s10] =	ssyncadd.s32 $0xFFFF4000  }
0xb8: {  	_ =	strace $0x9000004E  }
0xb9: {  	_ =	sfence.sel $0x180000  }
0xba: {  	[bflag:$0x0] =	sbarrier.arrive $0xFFFF  }
0xbb: {  	p0 =	sne.s32 s2, $0x0;
	_ =	strace $0x90000047  }
0xbc: {  	s0 =	sadd.s32 @!p0 $0x100000, s0;
	[bflag:$0x2] =	sbarrier.arrive $0xFFFF  }
0xbd: {  	[sflag:s0] =	ssyncadd.tile.s32 @!p0 $0x1;
	_ =	shalt  }
.Lfunc_end2:
_tile_overlayer_lowered:
.L_overlay_start_2:
0xbe: {  	(tag) =	ssettag $0x2  }
0xbf: {  	s0 =	rddreg [dreg:$0x0];
	s2 =	stileid.u32  }
0xc0: {  	s1 =	rddreg [dreg:$0x1];
	p0 =	sne.s32 s2, $0x0  }
0xc1: {  	s3 =	rddreg [dreg:$0x2];
	[bflag:$0x3] =	sbarrier.arrive $0xFFFF;
	s2 =	simm.s32 @!p0 $0x1C01  }
0xc2: {  	[timem:s3], [sflag:s2] =	dma.local @!p0 [hbm:s0], s1  }
0xc3: {  	s0 =	simm.s32 @!p0 $0x1  }
0xc4: {  	_ =	swait.ge @!p0 [sflag:s0], s1  }
0xc5: {  	s1 =	ssub.s32 @!p0 $0x0, s1;
	[sflag:s0] =	ssyncset.done @!p0 $0x0  }
0xc6: {  	[sflag:s0] =	ssyncadd.s32 @!p0 s1  }
0xc7: {  	[bflag:$0x3] =	sbarrier.arrive $0xFFFF  }
0xc8: {  	_ =	shalt  }

// kernel: scatter_offload_async_start.1
scs
__scs_entry_jumppad:
0x0: {  	(pc) =	sbr.rel $0x88, $3  }
0x1: {  	(tag) =	ssettag $0x0;
	lr =	simm.s32 $0x1  }
0x2: {  	[smem:$0x3F8B] =	sst lr;
	_ =	strace $0xD0000000  }
0x3: {  	_ = 	snop  }
0x4: {  	_ = 	snop  }
0x5: {  	_ = 	snop  }
0x6: {  	_ = 	snop  }
0x7: {  	_ = 	snop  }
__scs_overlays_trampoline_lowered:
0x8: {  	[smem:$0x3F9A] =	sst s0  }
0x9: {  	[smem:$0x3F9B] =	sst s1  }
0xa: {  	[smem:$0x3F9C] =	sst s2  }
0xb: {  	[smem:$0x3F9D] =	sst s3  }
0xc: {  	[smem:$0x3F9E] =	sst s4  }
0xd: {  	[smem:$0x3F9F] =	sst s5  }
0xe: {  	[smem:$0x3FA0] =	sst s6  }
0xf: {  	[smem:$0x3FA1] =	sst s7  }
0x10: {  	[smem:$0x3FA2] =	sst s8  }
0x11: {  	[smem:$0x3FA3] =	sst s9;
	s0 =	simm.s32 @!p0 $0x0  }
0x12: {  	s1 =	sld [smem:$0x3F89];
	s0 =	simm.s32 @p0 $0x1  }
0x13: {  	[smem:$0x3FA4] =	sst s0;
	s0 =	simm.s32 @!p1 $0x0  }
0x14: {  	s2 =	sld [smem:$0x3F88];
	s0 =	simm.s32 @p1 $0x1  }
0x15: {  	[smem:$0x3FA5] =	sst s0;
	s0 =	simm.s32 @!p2 $0x0  }
0x16: {  	s3 =	sld [smem:$0x3FDB];
	s0 =	simm.s32 @p2 $0x1  }
0x17: {  	s4 =	simm.s32 $0x1BF5;
	[smem:$0x3FA7] =	sst s0  }
0x18: {  	s0 =	sld [smem:$0x3F8A];
	_ =	swait.ge [sflag:s4], $0x0  }
0x19: {  	s7 =	sld [smem:$0x3F8B]  }
0x1a: {  	s8 =	sadd.s32 $0xFFFFE003, lr  }
0x1b: {  	s9 =	sadd.s32 $0xFFFFFEF7, lr;
	s5 =	simm.s32 $0xFFFFFFFF;
	p2 =	slt.u32 s8, $0xFFFFF086  }
0x1c: {  	p1 =	slt.u32 s9, $0xF7A;
	s5 =	simm.s32 @!p2 $0x0  }
0x1d: {  	s5 =	simm.s32 @p1 $0x1;
	p0 =	seq.s32 s7, s2  }
0x1e: {  	s7 =	smul.u32 @!p0 $0xF7A, s2;
	p2 =	seq.s32 @!p0 s5, $0x0  }
0x1f: {  	s9 =	smul.u32 $0xF7A, s1;
	s8 =	simm.s32 @!p0 $0x1BF5;
	p2 =	por !p2, p0  }
0x20: {  	[sflag:s8] =	ssyncset.s32 @!p0 $0xFFFFF086;
	s6 =	sadd.s32 @!p0 s3, s7;
	s7 =	simm.s32 @!p0 $0x108  }
0x21: {  	s3 =	sadd.s32 s3, s9;
	s6 =	sadd.s32 @!p0 $0x88, s6;
	s7 =	simm.s32 @p2 $0x1082  }
0x22: {  	[simem:s7], [sflag:s8] =	dma.local @!p0 [hbm:s6], $0xF7A  }
0x23: {  	s9 =	sor.u32 $0xD0000000, s2;
	s6 =	simm.s32 $0x108;
	_ =	swait.ge @!p0 [sflag:s8], $0x0  }
0x24: {  	s3 =	sadd.s32 $0x88, s3;
	s6 =	simm.s32 @!p1 $0x1082;
	[sflag:s4] =	ssyncset.s32 $0xFFFFF086  }
0x25: {  	[simem:s6], [sflag:s4] =	dma.local [hbm:s3], $0xF7A  }
0x26: {  	[smem:$0x3F8B] =	sst s1;
	(tag) =	ssettag s2;
	_ =	strace s9  }
0x27: {  	s1 =	sld [smem:$0x3F9B]  }
0x28: {  	s2 =	sld [smem:$0x3F9C]  }
0x29: {  	s4 =	sld [smem:$0x3F9E]  }
0x2a: {  	p0 =	seq.s32 s5, $0x0;
	s5 =	sld [smem:$0x3F9F]  }
0x2b: {  	s6 =	sld [smem:$0x3FA0]  }
0x2c: {  	s7 =	sld [smem:$0x3FA1]  }
0x2d: {  	s3 =	simm.s32 $0x108;
	s8 =	sld [smem:$0x3FA2]  }
0x2e: {  	s3 =	simm.s32 @!p0 $0x1082;
	s9 =	sld [smem:$0x3FA3]  }
0x2f: {  	lr =	sadd.s32 s0, s3;
	s0 =	sld [smem:$0x3F9A]  }
0x30: {  	s3 =	sld [smem:$0x3F9D]  }
0x31: {  	[smem:$0x3FA6] =	sst s10  }
0x32: {  	s10 =	sld [smem:$0x3FA4];
	_ =	sdelay $0x3  }
0x33: {  	p0 =	seq.s32 s10, $0x1;
	s10 =	sld [smem:$0x3FA6];
	_ =	sdelay $0x3  }
0x34: {  	[smem:$0x3FA6] =	sst s10  }
0x35: {  	s10 =	sld [smem:$0x3FA5];
	_ =	sdelay $0x3  }
0x36: {  	p1 =	seq.s32 s10, $0x1;
	s10 =	sld [smem:$0x3FA6];
	_ =	sdelay $0x3  }
0x37: {  	[smem:$0x3FA6] =	sst s10  }
0x38: {  	s10 =	sld [smem:$0x3FA7]  }
0x39: {  	_ = 	snop;
	(pc) =	sbr.ind lr, $3  }
0x3a: {  	_ = 	snop  }
0x3b: {  	_ = 	snop  }
0x3c: {  	p2 =	seq.s32 s10, $0x1;
	s10 =	sld [smem:$0x3FA6]  }
0x3d: {  	_ =	shalt  }
0x3e: {  	_ =	shalt  }
0x3f: {  	_ =	shalt  }
0x40: {  	_ =	shalt  }
0x41: {  	_ =	shalt  }
0x42: {  	_ =	shalt  }
0x43: {  	_ =	shalt  }
0x44: {  	_ =	shalt  }
0x45: {  	_ =	shalt  }
0x46: {  	_ =	shalt  }
0x47: {  	_ =	shalt  }
0x48: {  	_ =	shalt  }
0x49: {  	_ =	shalt  }
0x4a: {  	_ =	shalt  }
0x4b: {  	_ =	shalt  }
0x4c: {  	_ =	shalt  }
0x4d: {  	_ =	shalt  }
0x4e: {  	_ =	shalt  }
0x4f: {  	_ =	shalt  }
0x50: {  	_ =	shalt  }
0x51: {  	_ =	shalt  }
0x52: {  	_ =	shalt  }
0x53: {  	_ =	shalt  }
0x54: {  	_ =	shalt  }
0x55: {  	_ =	shalt  }
0x56: {  	_ =	shalt  }
0x57: {  	_ =	shalt  }
0x58: {  	_ =	shalt  }
0x59: {  	_ =	shalt  }
0x5a: {  	_ =	shalt  }
0x5b: {  	_ =	shalt  }
0x5c: {  	_ =	shalt  }
0x5d: {  	_ =	shalt  }
0x5e: {  	_ =	shalt  }
0x5f: {  	_ =	shalt  }
0x60: {  	_ =	shalt  }
0x61: {  	_ =	shalt  }
0x62: {  	_ =	shalt  }
0x63: {  	_ =	shalt  }
0x64: {  	_ =	shalt  }
0x65: {  	_ =	shalt  }
0x66: {  	_ =	shalt  }
0x67: {  	_ =	shalt  }
0x68: {  	_ =	shalt  }
0x69: {  	_ =	shalt  }
0x6a: {  	_ =	shalt  }
0x6b: {  	_ =	shalt  }
0x6c: {  	_ =	shalt  }
0x6d: {  	_ =	shalt  }
0x6e: {  	_ =	shalt  }
0x6f: {  	_ =	shalt  }
0x70: {  	_ =	shalt  }
0x71: {  	_ =	shalt  }
0x72: {  	_ =	shalt  }
0x73: {  	_ =	shalt  }
0x74: {  	_ =	shalt  }
0x75: {  	_ =	shalt  }
0x76: {  	_ =	shalt  }
0x77: {  	_ =	shalt  }
0x78: {  	_ =	shalt  }
0x79: {  	_ =	shalt  }
0x7a: {  	_ =	shalt  }
0x7b: {  	_ =	shalt  }
0x7c: {  	_ =	shalt  }
0x7d: {  	_ =	shalt  }
0x7e: {  	_ =	shalt  }
0x7f: {  	_ =	shalt  }
0x80: {  	_ =	shalt  }
0x81: {  	_ =	shalt  }
0x82: {  	_ =	shalt  }
0x83: {  	_ =	shalt  }
0x84: {  	_ =	shalt  }
0x85: {  	_ =	shalt  }
0x86: {  	_ =	shalt  }
0x87: {  	_ =	shalt  }
.Lfunc_end0:
.L_simem_size_0:
called_computation.1_lowered:
.L_overlay_start_0:
0x88: {  	s2 =	sld [smem:$0x3FD9]  }
0x89: {  	s3 =	sld [smem:$0x3FFE];
	_ =	sdelay $0x1  }
0x8a: {  	s1 =	srdreg.scid  }
0x8b: {  	s0 =	sand.u32 $0x1, s1  }
0x8c: {  	s12 =	sshll.u32 s0, $0xA;
	s2 =	sadd.s32 s3, s2  }
0x8d: {  	s2 =	sadd.s32 s2, s12  }
0x8e: {  	[smem:$0x3FB2] =	sst s2  }
0x8f: {  	_ = 	snop  }
0x90: {  	(tm) =	ssettm $0x1  }
0x91: {  	s13 =	sld [smem:$0x3FFB];
	_ =	sdelay $0x3  }
0x92: {  	_ =	strace s13  }
0x93: {  	s2 =	sld [smem:$0x3FFC];
	_ =	sdelay $0x3  }
0x94: {  	_ =	strace s2  }
0x95: {  	s2 =	sld [smem:$0x3FFD];
	_ =	sdelay $0x3  }
0x96: {  	_ =	strace s2  }
0x97: {  	_ =	strace $0x8FFFFFFF  }
0x98: {  	s14 =	sld [smem:$0x3FDB];
	_ =	sdelay $0x1  }
0x99: {  	s15 =	simm.s32 $_scs_section_size  }
0x9a: {  	s4 =	simm.s32 $_size__tile_overlayer_lowered;
	s5 =	simm.s32 $_tile_overlayer_lowered  }
0x9b: {  	s19 =	simm.s32 $0x1BFF;
	s17 =	sshll.u32 s5, $0x1;
	s6 =	sadd.s32 s15, s14  }
0x9c: {  	s20 =	simm.s32 $0x0;
	s16 =	sshll.u32 s4, $0x1;
	s18 =	sadd.s32 s17, s6  }
0x9d: {  	[timem:s20], [sflag:s19] =	dma.local [hbm:s18], s16  }
0x9e: {  	_ =	swait.ge [sflag:s19], s16  }
0x9f: {  	s3 =	ssub.s32 $0x0, s16;
	[sflag:s19] =	ssyncset.done $0x0  }
0xa0: {  	[sflag:s19] =	ssyncadd.s32 s3;
	_ =	sdelay $0x1  }
0xa1: {  	s21 =	simm.s32 $0x1B8B  }
0xa2: {  	_ =	swait.ge [sflag:s21], $0x1  }
0xa3: {  	[sflag:s21] =	ssyncset.done $0x0  }
0xa4: {  	[sflag:s21] =	ssyncadd.s32 $0xFFFFFFFF  }
0xa5: {  	s3 =	sld [smem:$0x0]  }
0xa6: {  	s4 =	sand.u32 $0xFFFFFFFE, s1  }
0xa7: {  	p0 =	sne.s32 s1, s4  }
0xa8: {  	s4 =	sshll.u32 @p0 s4, $0xE  }
0xa9: {  	s5 =	sadd.s32 @p0 $0x11B8D, s4;
	s7 =	sshll.u32 @p0 s3, $0x11  }
0xaa: {  	s5 =	sor.u32 @p0 s7, s5  }
0xab: {  	[sflag:s5] =	ssyncadd.remote.s32 @p0 $0x1;
	_ =	sdelay $0x1  }
0xac: {  	s5 =	simm.s32 @p0 $0x1B8D  }
0xad: {  	_ =	swait.eq @p0 [sflag:s5], $0x1  }
0xae: {  	[sflag:s5] =	ssyncadd.s32 @p0 $0xFFFFFFFF  }
0xaf: {  	s7 =	sshll.u32 @!p0 s1, $0xE  }
0xb0: {  	s7 =	sor.u32 @!p0 $0x4000, s7;
	s5 =	simm.s32 @!p0 $0x1B8D  }
0xb1: {  	s9 =	sshll.u32 @!p0 s3, $0x11;
	s8 =	sadd.s32 @!p0 $0x11B8D, s7;
	_ =	swait.eq @!p0 [sflag:s5], $0x1  }
0xb2: {  	[sflag:s5] =	ssyncadd.s32 @!p0 $0xFFFFFFFF;
	s5 =	sor.u32 @!p0 s9, s8  }
0xb3: {  	s23 =	simm.s32 $0x1B8E;
	s22 =	sld [smem:$0x3FFE];
	[sflag:s5] =	ssyncadd.remote.s32 @!p0 $0x1  }
0xb4: {  	s24 =	simm.s32 $execute0_lowered;
	[smem:$0x3FD2] =	sst s23  }
0xb5: {  	s8 =	sshll.u32 s24, $0x1;
	_ =	strace $0x80000063;
	[dreg:$0x1] =	wrdreg $0xFFFFFFFF  }
0xb6: {  	s25 =	simm.s32 $_size_execute0_lowered;
	s8 =	sadd.s32 s6, s8;
	[dreg:$0x0] =	wrdreg $0x0  }
0xb7: {  	s9 =	sshll.u32 s25, $0x1;
	[dreg:$0x2] =	wrdreg s8  }
0xb8: {  	[dreg:$0x3] =	wrdreg s9  }
0xb9: {  	[dreg:$0x4] =	wrdreg $0xC0  }
0xba: {  	s26 =	simm.s32 $execute1_lowered;
	_ =	task [dreg:s20], $0x5FFFF  }
0xbb: {  	s8 =	sshll.u32 s26, $0x1;
	[dreg:$0x1] =	wrdreg $0xFFFFFFFF  }
0xbc: {  	s6 =	sadd.s32 s6, s8;
	[dreg:$0x0] =	wrdreg $0x60  }
0xbd: {  	[dreg:$0x2] =	wrdreg s6  }
0xbe: {  	[dreg:$0x3] =	wrdreg s22  }
0xbf: {  	[dreg:$0x4] =	wrdreg $0xB  }
0xc0: {  	_ =	task.clear_ibuf [dreg:s20], $0x5FFFF;
	_ =	strace $0x90000063  }
0xc1: {  	s28 =	simm.s32 $0xB;
	_ =	strace $0x80000065  }
0xc2: {  	_ =	swait.ge [sflag:s28], $0x1  }
0xc3: {  	[sflag:s28] =	ssyncadd.s32 $0xFFFFFFFF  }
0xc4: {  	_ =	strace $0x90000065  }
0xc5: {  	s6 =	sld [smem:$0x0];
	_ =	sdelay $0x3  }
0xc6: {  	s4 =	sadd.s32 @p0 $0x11BF3, s4;
	s8 =	sshll.u32 @p0 s6, $0x11  }
0xc7: {  	s4 =	sor.u32 @p0 s8, s4  }
0xc8: {  	[sflag:s4] =	ssyncadd.remote.s32 @p0 $0x1;
	_ =	sdelay $0x1  }
0xc9: {  	s4 =	simm.s32 @p0 $0x1BF3  }
0xca: {  	_ =	swait.eq @p0 [sflag:s4], $0x1  }
0xcb: {  	[sflag:s4] =	ssyncadd.s32 @p0 $0xFFFFFFFF;
	_ =	sdelay $0x1  }
0xcc: {  	s4 =	simm.s32 @!p0 $0x1BF3  }
0xcd: {  	s7 =	sadd.s32 @!p0 $0x11BF3, s7;
	s6 =	sshll.u32 @!p0 s6, $0x11;
	_ =	swait.eq @!p0 [sflag:s4], $0x1  }
0xce: {  	[sflag:s4] =	ssyncadd.s32 @!p0 $0xFFFFFFFF;
	s4 =	sor.u32 @!p0 s6, s7  }
0xcf: {  	[sflag:s4] =	ssyncadd.remote.s32 @!p0 $0x1  }
0xd0: {  	_ =	strace $0x80000066;
	[dreg:$0x1] =	wrdreg $0xFFFFFFFF  }
0xd1: {  	[dreg:$0x0] =	wrdreg $0x2030  }
0xd2: {  	[dreg:$0x2] =	wrdreg s22  }
0xd3: {  	[dreg:$0x3] =	wrdreg s1  }
0xd4: {  	[dreg:$0x4] =	wrdreg s3  }
0xd5: {  	[dreg:$0x5] =	wrdreg $0xC  }
0xd6: {  	_ =	task.clear_ibuf [dreg:s20], $0x6FFFF;
	_ =	strace $0x90000066  }
0xd7: {  	s29 =	simm.s32 $0xC;
	_ =	strace $0x80000068  }
0xd8: {  	_ =	swait.ge [sflag:s29], $0x1  }
0xd9: {  	[sflag:s29] =	ssyncadd.s32 $0xFFFFFFFF  }
0xda: {  	_ =	strace $0x90000068  }
0xdb: {  	_ =	sfence  }
0xdc: {  	s30 =	sld [smem:$0x0];
	_ =	sdelay $0x2  }
0xdd: {  	s31 =	sshll.u32 s1, $0xD;
	s1 =	sshrl.u32 s1, $0x2  }
0xde: {  	s4 =	sand.u32 $0x4000, s31;
	s1 =	sadd.s32 s1, s30  }
0xdf: {  	s0 =	sor.u32 s4, s0;
	s1 =	sshll.u32 s1, $0x11  }
0xe0: {  	s0 =	sor.u32 s1, s0  }
0xe1: {  	s0 =	sadd.s32 $0x8F2B, s0  }
0xe2: {  	[sflag:s0] =	ssyncadd.remote.s32 $0x1  }
0xe3: {  	_ =	sfence.sel $0xFFFF  }
0xe4: {  	[dreg:$0x0] =	wrdreg $0xFFFFFFFF;
	(pc) =	sbr.abs _section_cstart, $3  }
0xe5: {  	[dreg:$0x1] =	wrdreg $0xFFFFFFFF  }
0xe6: {  	_ =	task.clear_ibuf [dreg:s20], $0x2FFFF;
	_ =	strace $0x9FFFFFFF  }
0xe7: {  	(tm) =	ssettm $0x7FFFFFFF  }
tec
execute0_lowered:
.L_overlay_start_1:
0x0: {  	(tag) =	ssettag $0x1  }
0x1: {  	s2 =	rddreg [dreg:$0x0]  }
0x2: {  	s4 =	rddreg [dreg:$0x1]  }
0x3: {  	s0 =	rddreg [dreg:$0x2];
	s3 =	stileid.u32;
	[bflag:$0x3] =	sbarrier.arrive $0xFFFF  }
0x4: {  	s1 =	simm.s32 $_size_execute1_lowered;
	s29 =	srdreg.scid;
	p0 =	sne.s32 s3, $0x0  }
0x5: {  	s1 =	sshll.u32 s1, $0x1;
	s5 =	simm.s32 @!p0 $0x1C3F;
	s6 =	simm.s32 @!p0 $0x4060  }
0x6: {  	[timem:s6], [sflag:s5] =	dma.local @!p0 [hbm:s2], s1  }
0x7: {  	s2 =	sshll.u32 s29, $0x7  }
0x8: {  	s7 =	simm.s32 $0x1;
	s3 =	sshll.u32 s3, $0x8;
	s2 =	sand.u32 $0x80, s2  }
0x9: {  	s8 =	simm.s32 $0x2;
	s9 =	simm.s32 $0x0;
	s2 =	sor.u32 s3, s2  }
0xa: {  	s12 =	simm.s32 $0x0;
	s11 =	simm.s32 $0x0;
	s30 =	ssub.s32 $0x2800, s2  }
.Ltmp0:
0xb: {  	s5 =	simm.s32 $0x1;
	s31 =	sand.u32 $0xF80, s30;
	(pc) =	sbr.rel .LBB2_1-.Ltmp0, $4  }
0xc: {  	_ =	strace $0x80000064;
	s3 =	sadd.s32 $0x64600, s4;
	p1 =	sne.s32 s31, $0x0  }
0xd: {  	[sflag:s5] =	ssyncpa.u1 $0x0;
	s6 =	sshrl.u32 s30, $0xC;
	s7 =	simm.s32 @!p1 $0x0  }
0xe: {  	s4 =	sadd.s32 $0xB4600, s4;
	[sflag:s8] =	ssyncpa.u1 $0x0;
	s6 =	sadd.s32 s7, s6  }
0xf: {  	s8 =	simm.s32 $0x0;
	s10 =	smov.u32 s2;
	s7 =	sadd.s32 $0x1, s6  }
.LBB2_4:
0x10: {  	_ =	sdelay $0x3  }
0x11: {  	[tilespmem:v0+s14+$0xFFFFFFA0 ss:$0x1] =	vst.idx.msk $0xffff, v6  }
0x12: {  	v56 =	vld.idx.msk [tilespmem:v1+s15+$0x30 ss:$0x1], $0xffff;
	[tilespmem:v0+s14+$0xFFFFFFB0 ss:$0x1] =	vst.idx.msk $0xffff, v4  }
0x13: {  	v57 =	vld.idx.msk [tilespmem:v1+s15+$0xFFFFFFC0 ss:$0x1], $0xffff;
	[tilespmem:v0+s14+$0xFFFFFFC0 ss:$0x1] =	vst.idx.msk $0xffff, v2  }
0x14: {  	v58 =	vld.idx.msk [tilespmem:v1+s15+$0xFFFFFFD0 ss:$0x1], $0xffff;
	[tilespmem:v0+s14+$0xFFFFFFD0 ss:$0x1] =	vst.idx.msk $0xffff, v3  }
0x15: {  	v59 =	vld.idx.msk [tilespmem:v1+s15+$0xFFFFFFE0 ss:$0x1], $0xffff;
	[tilespmem:v0+s14+$0xFFFFFFE0 ss:$0x1] =	vst.idx.msk $0xffff, v5  }
0x16: {  	v60 =	vld.idx.msk [tilespmem:v1+s15+$0xFFFFFFF0 ss:$0x1], $0xffff;
	[tilespmem:v0+s14+$0xFFFFFFF0 ss:$0x1] =	vst.idx.msk $0xffff, v7;
	s12 =	sand.u32 $0x1FFFFFF, s12  }
0x17: {  	v61 =	vld.idx.msk [tilespmem:v1+s15+$0x0 ss:$0x1], $0xffff;
	s31 =	smulhi.u32 $0xCCCCCD, s12;
	[tilespmem:v0+s15+$0x0 ss:$0x1] =	vst.idx.msk $0xffff, v56  }
0x18: {  	v62 =	vld.idx.msk [tilespmem:v1+s15+$0x10 ss:$0x1], $0xffff;
	[tilespmem:v0+s15+$0xFFFFFF90 ss:$0x1] =	vst.idx.msk $0xffff, v57  }
0x19: {  	v63 =	vld.idx.msk [tilespmem:v1+s15+$0x20 ss:$0x1], $0xffff;
	s14 =	sshrl.u32 s31, $0x5;
	[tilespmem:v0+s15+$0xFFFFFFA0 ss:$0x1] =	vst.idx.msk $0xffff, v58  }
0x1a: {  	s14 =	smul.u32 $0x2800, s14;
	[tilespmem:v0+s15+$0xFFFFFFB0 ss:$0x1] =	vst.idx.msk $0xffff, v59  }
0x1b: {  	[tilespmem:v0+s15+$0xFFFFFFC0 ss:$0x1] =	vst.idx.msk $0xffff, v60  }
0x1c: {  	[tilespmem:v0+s15+$0xFFFFFFD0 ss:$0x1] =	vst.idx.msk $0xffff, v61;
	s12 =	ssub.s32 s12, s14  }
0x1d: {  	[tilespmem:v0+s15+$0xFFFFFFE0 ss:$0x1] =	vst.idx.msk $0xffff, v62;
	s12 =	sshll.u32 s12, $0x4  }
0x1e: {  	[tilespmem:v0+s15+$0xFFFFFFF0 ss:$0x1] =	vst.idx.msk $0xffff, v63;
	s12 =	sadd.s32 s4, s12  }
0x1f: {  	[hbm4b:s12+s8] =	stream.linear.scatter [tilespmem:s13], [sflag:$0x2], $0x4000, $0x38;
	[tilespmem:$0x10000] =	vst v63  }
.LBB2_5:
0x20: {  	s14 =	sadd.s32 $0x1000, s10  }
0x21: {  	p2 =	sgt.s32 s14, $0x27FF  }
0x22: {  	s14 =	smov.u32 @p2 s2;
	p2 =	sne.s32 s11, s7  }
.Ltmp1:
0x23: {  	p1 =	slt.u32 s11, $0x2;
	(pc) =	sbr.rel @!p2 .LBB2_6-.Ltmp1, $4  }
0x24: {  	s13 =	simm.s32 @!p1 $0x2  }
0x25: {  	s15 =	sadd.s32 $0x1, s11;
	_ =	swait.ge @!p1 [sflag:s13], $0x4000  }
0x26: {  	s12 =	smov.u32 s10;
	s9 =	sadd.s32 $0x4000, s9;
	[sflag:s13] =	ssyncset.done @!p1 $0x0  }
0x27: {  	s11 =	smov.u32 s15;
	s10 =	smov.u32 s14;
	[sflag:s13] =	ssyncadd.s32 @!p1 $0xFFFFC000  }
.LBB2_1:
0x28: {  	p1 =	sge.u32 s11, s6  }
0x29: {  	s13 =	sand.u32 @!p1 $0x1FFFFFF, s10  }
0x2a: {  	s14 =	smulhi.u32 @!p1 $0xCCCCCD, s13;
	_ =	sdelay $0x1  }
0x2b: {  	s14 =	sshrl.u32 @!p1 s14, $0x5  }
0x2c: {  	s14 =	smul.u32 @!p1 $0x2800, s14;
	_ =	sdelay $0x1  }
0x2d: {  	s15 =	sxor.u32 @!p1 $0xFFFFFFFF, s11;
	s13 =	ssub.s32 @!p1 s13, s14  }
0x2e: {  	s31 =	sadd.s32 $0xFFFFFFFF, s11;
	s14 =	sshll.u32 @!p1 s15, $0xE;
	s13 =	sshll.u32 @!p1 s13, $0x4  }
0x2f: {  	s15 =	simm.s32 @!p1 $0x0;
	s14 =	sand.u32 @!p1 $0x4000, s14;
	s13 =	sadd.s32 @!p1 s3, s13  }
0x30: {  	[tilespmem:s14], [sflag:$0x1] =	stream.linear.gather @!p1 [hbm4b:s13+s15], $0x4000, $0x38;
	[tilespmem:$0x10000] =	vst v63  }
0x31: {  	p1 =	sge.u32 s31, s6  }
.Ltmp2:
0x32: {  	_ = 	snop;
	(pc) =	sbr.rel @p1 .LBB2_5-.Ltmp2, $1  }
0x33: {  	_ =	sdelay $0x3  }
0x34: {  	s13 =	sand.u32 $0x4000, s9  }
0x35: {  	s14 =	sor.u32 $0x40, s13  }
0x36: {  	v1 =	vmov s14;
	_ =	sdelay $0x1  }
0x37: {  	_ =	swait.ge [sflag:s5], $0x4000  }
0x38: {  	[sflag:s5] =	ssyncset.done $0x0  }
0x39: {  	[sflag:s5] =	ssyncadd.s32 $0xFFFFC000;
	s14 =	simm.s32 $0x0  }
0x3a: {  	s13 =	sor.u32 $0x8070, s13;
	v7 =	vld.idx.msk [tilespmem:v1+s14+$0x30 ss:$0x1], $0xffff  }
0x3b: {  	v0 =	vmov s13;
	v8 =	vld.idx.msk [tilespmem:v1+s14+$0xFFFFFFC0 ss:$0x1], $0xffff  }
0x3c: {  	v6 =	vld.idx.msk [tilespmem:v1+s14+$0xFFFFFFD0 ss:$0x1], $0xffff  }
0x3d: {  	v4 =	vld.idx.msk [tilespmem:v1+s14+$0xFFFFFFE0 ss:$0x1], $0xffff  }
0x3e: {  	v2 =	vld.idx.msk [tilespmem:v1+s14+$0xFFFFFFF0 ss:$0x1], $0xffff  }
0x3f: {  	s31 =	sshll.u32 s11, $0xE;
	v3 =	vld.idx.msk [tilespmem:v1+s14+$0x0 ss:$0x1], $0xffff  }
0x40: {  	s13 =	sand.u32 $0x4000, s31;
	v5 =	vld.idx.msk [tilespmem:v1+s14+$0x10 ss:$0x1], $0xffff;
	[tilespmem:v0+s14+$0x0 ss:$0x1] =	vst.idx.msk $0xffff, v7  }
0x41: {  	s15 =	simm.s32 $0x80;
	s16 =	simm.s32 $0x400;
	s13 =	sor.u32 $0x8000, s13;
	[tilespmem:v0+s14+$0xFFFFFF90 ss:$0x1] =	vst.idx.msk $0xffff, v8;
	v7 =	vld.idx.msk [tilespmem:v1+s14+$0x20 ss:$0x1], $0xffff  }
.LBB2_3:
0x42: {  	p1 =	sne.s32 s16, $0xFE00;
	v8 =	vld.idx.msk [tilespmem:v1+s15+$0x30 ss:$0x1], $0xffff;
	[tilespmem:v0+s14+$0xFFFFFFA0 ss:$0x1] =	vst.idx.msk $0xffff, v6  }
0x43: {  	v9 =	vld.idx.msk [tilespmem:v1+s15+$0xFFFFFFC0 ss:$0x1], $0xffff;
	[tilespmem:v0+s14+$0xFFFFFFB0 ss:$0x1] =	vst.idx.msk $0xffff, v4  }
0x44: {  	v6 =	vld.idx.msk [tilespmem:v1+s15+$0xFFFFFFD0 ss:$0x1], $0xffff;
	[tilespmem:v0+s14+$0xFFFFFFC0 ss:$0x1] =	vst.idx.msk $0xffff, v2  }
.Ltmp3:
0x45: {  	v4 =	vld.idx.msk [tilespmem:v1+s15+$0xFFFFFFE0 ss:$0x1], $0xffff;
	[tilespmem:v0+s14+$0xFFFFFFD0 ss:$0x1] =	vst.idx.msk $0xffff, v3;
	(pc) =	sbr.rel @p1 .LBB2_3-.Ltmp3, $4  }
0x46: {  	v2 =	vld.idx.msk [tilespmem:v1+s15+$0xFFFFFFF0 ss:$0x1], $0xffff;
	[tilespmem:v0+s14+$0xFFFFFFE0 ss:$0x1] =	vst.idx.msk $0xffff, v5  }
0x47: {  	v3 =	vld.idx.msk [tilespmem:v1+s15+$0x0 ss:$0x1], $0xffff;
	[tilespmem:v0+s14+$0xFFFFFFF0 ss:$0x1] =	vst.idx.msk $0xffff, v7;
	s14 =	smov.u32 s15  }
0x48: {  	v5 =	vld.idx.msk [tilespmem:v1+s14+$0x10 ss:$0x1], $0xffff;
	[tilespmem:v0+s14+$0x0 ss:$0x1] =	vst.idx.msk $0xffff, v8  }
0x49: {  	s15 =	sshra.s32 s16, $0x2;
	s16 =	sadd.s32 $0x200, s16;
	[tilespmem:v0+s14+$0xFFFFFF90 ss:$0x1] =	vst.idx.msk $0xffff, v9;
	v7 =	vld.idx.msk [tilespmem:v1+s14+$0x20 ss:$0x1], $0xffff  }
.Ltmp4:
0x4a: {  	_ = 	snop;
	(pc) =	sbr.rel .LBB2_4-.Ltmp4, $1  }
0x4b: {  	_ =	sdelay $0x3  }
.LBB2_6:
0x4c: {  	_ =	sfence.sel $0x180000  }
0x4d: {  	s2 =	simm.s32 $0x1;
	[bflag:$0x0] =	sbarrier.arrive $0xFFFF  }
0x4e: {  	s31 =	simm.s32 $0x2;
	[sflag:s2] =	ssyncpa.u1 $0x1  }
0x4f: {  	[sflag:s31] =	ssyncpa.u1 $0x1  }
0x50: {  	_ =	strace $0x90000064  }
0x51: {  	s0 =	sadd.s32 @!p0 $0x100000, s0;
	[bflag:$0x2] =	sbarrier.arrive $0xFFFF  }
0x52: {  	[sflag:s0] =	ssyncadd.tile.s32 @!p0 $0x1;
	s0 =	simm.s32 @!p0 $0x3F  }
0x53: {  	_ =	swait.ge @!p0 [sflag:s0], s1  }
0x54: {  	s1 =	ssub.s32 @!p0 $0x0, s1;
	[sflag:s0] =	ssyncset.done @!p0 $0x0  }
0x55: {  	[sflag:s0] =	ssyncadd.s32 @!p0 s1  }
0x56: {  	[bflag:$0x3] =	sbarrier.arrive $0xFFFF  }
0x57: {  	_ =	shalt  }
.Lfunc_end2:
execute1_lowered:
.L_overlay_start_2:
0x58: {  	(tag) =	ssettag $0x2  }
0x59: {  	s2 =	rddreg [dreg:$0x0]  }
0x5a: {  	s3 =	rddreg [dreg:$0x1];
	_ =	strace $0x80000067;
	s0 =	simm.s32 $0x1  }
0x5b: {  	v0 =	vimm.s32 $0x0;
	[sflag:s0] =	ssyncpa.u1 $0x0;
	s0 =	simm.s32 $0x108  }
0x5c: {  	[tilespmem:s0+$0x70] =	vst v0  }
0x5d: {  	[tilespmem:s0+$0x60] =	vst v0  }
0x5e: {  	[tilespmem:s0+$0x50] =	vst v0  }
0x5f: {  	[tilespmem:s0+$0x40] =	vst v0  }
0x60: {  	[tilespmem:s0+$0x30] =	vst v0  }
0x61: {  	s1 =	sadd.s32 $0xB4600, s2;
	s15 =	sadd.s32 $0x2B600, s2;
	s6 =	sadd.s32 $0x1A12E00, s2;
	[tilespmem:s0+$0x20] =	vst v0  }
0x62: {  	s14 =	sadd.s32 $0x37600, s2;
	s5 =	sand.u32 $0x1, s3;
	s3 =	simm.s32 $0x40;
	[tilespmem:s0+$0x10] =	vst v0  }
.LBB3_1:
0x63: {  	s3 =	sadd.s32 $0x40, s3;
	[tilespmem:s0+$0x0] =	vst v0;
	s0 =	sadd.s32 $0x80, s0  }
0x64: {  	p0 =	slt.u32 s3, $0x3C40;
	[tilespmem:s0+$0x70] =	vst v0  }
0x65: {  	[tilespmem:s0+$0x60] =	vst v0  }
.Ltmp5:
0x66: {  	[tilespmem:s0+$0x50] =	vst v0;
	(pc) =	sbr.rel @p0 .LBB3_1-.Ltmp5, $4  }
0x67: {  	[tilespmem:s0+$0x40] =	vst v0  }
0x68: {  	[tilespmem:s0+$0x30] =	vst v0  }
0x69: {  	[tilespmem:s0+$0x20] =	vst v0  }
0x6a: {  	[tilespmem:s0+$0x10] =	vst v0  }
0x6b: {  	s9 =	stileid.u32  }
0x6c: {  	s2 =	smul.u32 $0x15, s9  }
0x6d: {  	s3 =	smin.u32 s9, $0x6  }
0x6e: {  	s2 =	sadd.s32 s3, s2  }
0x6f: {  	p0 =	slt.u32 s9, $0x6;
	s7 =	smul.u32 $0xF0, s2;
	s2 =	simm.s32 $0x14A0  }
0x70: {  	s2 =	simm.s32 @!p0 $0x13B0  }
0x71: {  	s2 =	sadd.s32 s2, s7  }
0x72: {  	s8 =	smin.u32 s2, $0x14000  }
0x73: {  	s2 =	ssub.s32 s8, s7  }
0x74: {  	p0 =	sgt.s32 s2, $0x0  }
0x75: {  	s29 =	simm.s32 $0x2;
	s10 =	simm.s32 $0x9;
	s2 =	simm.s32 @!p0 $0x0  }
0x76: {  	s4 =	simm.s32 $0xA;
	s11 =	simm.s32 $0xB;
	s28 =	smulhi.u32 $0x88888889, s2  }
0x77: {  	[dreg:$0x4] =	wrdreg s5;
	s31 =	smul.u32 $0x2800, s5;
	s12 =	simm.s32 $0x1  }
0x78: {  	s22 =	simm.s32 $0x0;
	s18 =	simm.s32 $0xC;
	s30 =	sshrl.u32 s28, $0x7  }
0x79: {  	s20 =	simm.s32 $0x0;
	s21 =	simm.s32 $0x0;
	s3 =	smul.u32 $0xF0, s30  }
.Ltmp6:
0x7a: {  	[tilespmem:s0+$0x0] =	vst v0;
	v0 =	vimm.s32 $0xFFFFFFFF;
	[sflag:s29] =	ssyncpa.u1 $0x0;
	s16 =	sshll.u32 s9, $0x8;
	(pc) =	sbr.rel .LBB3_3-.Ltmp6, $4  }
0x7b: {  	[tilespmem:$0xF208] =	vst v0;
	[sflag:s10] =	ssyncpa.u1 $0x0;
	p0 =	sne.s32 s2, s3;
	s2 =	simm.s32 $0x1  }
0x7c: {  	s14 =	sadd.s32 s31, s14;
	[sflag:s4] =	ssyncpa.u1 $0x0;
	s2 =	simm.s32 @!p0 $0x0  }
0x7d: {  	s15 =	sadd.s32 s31, s15;
	[sflag:s11] =	ssyncpa.u1 $0x0;
	s13 =	sadd.s32 s2, s30  }
0x7e: {  	v0 =	vlaneseq.u32;
	s19 =	smov.u32 s7;
	p0 =	por $0x0, $0x0;
	s17 =	sadd.s32 $0x1, s13  }
.LBB3_18:
0x7f: {  	s0 =	sshrl.u32 s31, $0x2  }
.LBB3_20:
0x80: {  	_ =	swait.ge [sflag:s18], s0  }
0x81: {  	s31 =	ssub.s32 $0x0, s0;
	v1 =	vmov s24;
	vm0 =	veq.s32 v0, $0x0;
	[sflag:s18] =	ssyncset.done $0x0  }
0x82: {  	vm15 =	veq.s32 v0, $0x2;
	v1 =	vsel vm0, s30, v1;
	[sflag:s18] =	ssyncadd.s32 s31  }
0x83: {  	v1 =	vsel vm15, s22, v1;
	[sflag:s18] =	ssyncpa.u1 $0x1  }
0x84: {  	[tilespmem:$0xF208] =	vst v1  }
.LBB3_21:
0x85: {  	s0 =	sadd.s32 $0xF0, s19  }
0x86: {  	s2 =	smov.u32 s7;
	p1 =	slt.s32 s0, s8  }
0x87: {  	s2 =	smov.u32 @p1 s0;
	p1 =	sne.s32 s21, s17  }
.Ltmp7:
0x88: {  	_ = 	snop;
	(pc) =	sbr.rel @!p1 .LBB3_22-.Ltmp7, $3  }
0x89: {  	_ =	sdelay $0x1  }
0x8a: {  	s22 =	smov.u32 s20;
	s31 =	sadd.s32 $0x1, s21;
	s20 =	smov.u32 s19  }
0x8b: {  	p0 =	por !p0, !p0;
	s21 =	smov.u32 s31;
	s19 =	smov.u32 s2  }
.LBB3_3:
0x8c: {  	p1 =	sge.u32 s21, s13  }
0x8d: {  	s0 =	smulhi.u32 @!p1 $0xAAAAAAAB, s21  }
0x8e: {  	s2 =	smov.u32 s19;
	p2 =	sgt.s32 @!p1 s19, $0x13F10  }
0x8f: {  	s3 =	sshra.s32 @!p1 s19, $0x1F;
	p2 =	por !p2, p1;
	s0 =	sshrl.u32 @!p1 s0, $0x1  }
0x90: {  	s3 =	sand.u32 @!p1 s3, s19;
	s2 =	simm.s32 @p2 $0x13F10;
	s0 =	smul.u32 @!p1 $0x3, s0  }
0x91: {  	s2 =	ssub.s32 @!p1 s2, s3  }
0x92: {  	s2 =	sadd.s32 @!p1 $0xFFFEC0F0, s2;
	s0 =	ssub.s32 @!p1 s21, s0  }
0x93: {  	s3 =	sshll.u32 @!p1 s2, $0x2;
	p2 =	sgt.s32 @!p1 s2, $0xEF;
	s0 =	smul.u32 @!p1 $0x3C0, s0  }
0x94: {  	s4 =	sand.u32 @!p1 $0x7, s19;
	s2 =	ssub.s32 @!p1 $0x3C0, s3;
	p2 =	por !p2, p1  }
0x95: {  	s3 =	sshrl.u32 @!p1 s19, $0x3;
	s2 =	sshrl.u32 @!p1 s2, $0x2;
	s0 =	sshrl.u32 @!p1 s0, $0x2  }
0x96: {  	s3 =	sadd.s32 @!p1 s3, s14;
	s2 =	simm.s32 @!p2 $0x0;
	s0 =	sadd.s32 @!p1 $0x10248, s0  }
0x97: {  	[tilespmem:s0], [sflag:$0xA] =	stream.linear.gather @!p1 [hbm4b:s3+s4], s2, $0x38;
	[tilespmem:$0x1F6F8] =	vst v63  }
0x98: {  	s0 =	sadd.s32 $0xFFFFFFFF, s21  }
0x99: {  	p1 =	sge.u32 s0, s13  }
0x9a: {  	p2 =	sgt.s32 @!p1 s20, $0x13F10  }
0x9b: {  	s2 =	smov.u32 s20;
	s3 =	sshra.s32 @!p1 s20, $0x1F;
	p2 =	por !p2, p1  }
0x9c: {  	s3 =	sand.u32 @!p1 s3, s20;
	s2 =	simm.s32 @p2 $0x13F10  }
0x9d: {  	s2 =	ssub.s32 @!p1 s2, s3  }
0x9e: {  	s2 =	sadd.s32 @!p1 $0xFFFEC0F0, s2  }
0x9f: {  	s4 =	sand.u32 @!p1 $0x1, s0;
	s3 =	sshll.u32 @!p1 s2, $0x2  }
0xa0: {  	p2 =	sgt.s32 @!p1 s2, $0xEF;
	s2 =	ssub.s32 @!p1 $0x3C0, s3;
	s3 =	smulhi.u32 @!p1 $0xAAAAAAAB, s0  }
0xa1: {  	s23 =	smul.u32 @!p1 $0x3C0, s4;
	p2 =	por !p2, p1;
	s2 =	sshrl.u32 @!p1 s2, $0x2  }
0xa2: {  	s5 =	simm.s32 @!p1 $0xA;
	s2 =	simm.s32 @!p2 $0x0;
	s3 =	sshrl.u32 @!p1 s3, $0x1  }
0xa3: {  	s23 =	sshrl.u32 @!p1 s23, $0x2;
	_ =	swait.ge @!p1 [sflag:s5], s2;
	s3 =	smul.u32 @!p1 $0x3, s3  }
0xa4: {  	s23 =	sadd.s32 @!p1 $0x10518, s23;
	s24 =	ssub.s32 @!p1 $0x0, s2;
	[sflag:s5] =	ssyncset.done @!p1 $0x0  }
0xa5: {  	[sflag:s5] =	ssyncadd.s32 @!p1 s24;
	s5 =	sshrl.u32 @!p1 s20, $0x3;
	s0 =	ssub.s32 @!p1 s0, s3  }
0xa6: {  	s24 =	sand.u32 @!p1 $0x7, s20;
	s5 =	sadd.s32 @!p1 s5, s15;
	s0 =	smul.u32 @!p1 $0x3C0, s0  }
0xa7: {  	[tilespmem:s23], [sflag:$0xB] =	stream.linear.gather @!p1 [hbm4b:s5+s24], s2, $0x38;
	[tilespmem:$0x1F6F8] =	vst v63  }
0xa8: {  	s3 =	ssub.s32 @!p1 $0x14000, s20;
	s2 =	smul.u32 @!p1 $0x1E000, s4  }
0xa9: {  	p2 =	slt.s32 @!p1 s3, $0xF0  }
0xaa: {  	p2 =	por !p2, p1;
	s0 =	sshrl.u32 @!p1 s0, $0x2;
	s2 =	sshrl.u32 @!p1 s2, $0x2  }
0xab: {  	s3 =	simm.s32 @p2 $0xF0;
	s0 =	sadd.s32 @!p1 $0x10248, s0;
	s2 =	sor.u32 @!p1 $0x106F8, s2  }
0xac: {  	[tilespmem:s2], [sflag:$0x9] =	stream.indirect.gather @!p1 [hbm4b:s6+s3], $0x80, s0, s3, $0xb8;
	[tilespmem:$0x1F6F8] =	vst v63  }
0xad: {  	p1 =	slt.u32 s21, $0x2  }
.Ltmp8:
0xae: {  	_ = 	snop;
	(pc) =	sbr.rel @p1 .LBB3_21-.Ltmp8, $1  }
0xaf: {  	_ =	sdelay $0x3  }
0xb0: {  	p1 =	sgt.s32 s22, $0x13F10  }
0xb1: {  	s0 =	smov.u32 s22;
	s2 =	sshra.s32 s22, $0x1F;
	s3 =	ssub.s32 $0x14000, s22  }
0xb2: {  	s0 =	simm.s32 @!p1 $0x13F10;
	s2 =	sand.u32 s2, s22;
	p1 =	slt.s32 s3, $0xF0  }
0xb3: {  	s0 =	ssub.s32 s0, s2;
	s3 =	simm.s32 @!p1 $0xF0  }
0xb4: {  	s0 =	sadd.s32 $0xFFFEC0F0, s0;
	s25 =	sshll.u32 s3, $0x7  }
0xb5: {  	s26 =	sshll.u32 s0, $0x2;
	s2 =	sand.u32 $0x3FFFFF80, s25  }
0xb6: {  	p1 =	sgt.s32 s0, $0xEF;
	s29 =	ssub.s32 $0x3C0, s26;
	_ =	swait.ge [sflag:s10], s2  }
0xb7: {  	s2 =	ssub.s32 $0x0, s2;
	[sflag:s10] =	ssyncset.done $0x0;
	s0 =	sshrl.u32 s29, $0x2  }
0xb8: {  	[sflag:s10] =	ssyncadd.s32 s2;
	s0 =	simm.s32 @p1 $0x0  }
0xb9: {  	_ =	swait.ge [sflag:s11], s0  }
0xba: {  	s0 =	ssub.s32 $0x0, s0;
	[sflag:s11] =	ssyncset.done $0x0  }
0xbb: {  	[sflag:s11] =	ssyncadd.s32 s0  }
0xbc: {  	v1 =	vld [tilespmem:$0xF208];
	_ =	sdelay $0x4  }
0xbd: {  	(v2sf) =	vpush v1, $0x0  }
0xbe: {  	(v2sf) =	vpush v1, $0x1  }
0xbf: {  	(v2sf) =	vpush v1, $0x2;
	_ =	sdelay $0x3  }
0xc0: {  	s0 =	sadd.s32 $0xF0, s22  }
0xc1: {  	s2 =	ssub.s32 $0x28000, s22;
	p1 =	slt.s32 s8, s0  }
0xc2: {  	s0 =	smov.u32 @p1 s8;
	p1 =	sgt.s32 s2, $0x0  }
0xc3: {  	s26 =	ssub.s32 s0, s22;
	s2 =	simm.s32 @!p1 $0x0  }
0xc4: {  	p1 =	slt.s32 s2, s26  }
0xc5: {  	s26 =	smov.u32 @p1 s2  }
0xc6: {  	s25 =	simm.s32 $0x1;
	p1 =	slt.s32 s26, $0x1  }
.Ltmp9:
0xc7: {  	s25 =	simm.s32 @!p0 $0x0;
	(pc) =	sbr.rel @p1 .LBB3_8-.Ltmp9, $4  }
0xc8: {  	s31 =	smul.u32 $0x3C0, s25  }
0xc9: {  	s28 =	spop (v2sf)  }
0xca: {  	s0 =	sshrl.u32 s31, $0x2;
	s30 =	spop (v2sf)  }
0xcb: {  	s23 =	sadd.s32 $0x10518, s0;
	s22 =	spop (v2sf)  }
0xcc: {  	s0 =	smin.u32 s26, $0x10  }
0xcd: {  	v1 =	vmov s0  }
0xce: {  	p2 =	sgt.s32 s26, $0x10;
	vm1 =	vgt.u32 v1, v0  }
.Ltmp10:
0xcf: {  	_ = 	snop;
	(pc) =	sbr.rel @!p2 .LBB3_7-.Ltmp10, $2  }
0xd0: {  	_ =	sdelay $0x2  }
0xd1: {  	s4 =	simm.s32 $0x10;
	s24 =	sadd.s32 $0xFFFFFFF0, s26;
	s0 =	smov.u32 s23;
	vm0 =	vmmov vm1  }
.LBB3_6:
0xd2: {  	s2 =	smin.u32 s24, $0x10;
	s4 =	sadd.s32 $0x10, s4;
	v1 =	vld.msk [tilespmem:s0+$0x0 ss:$0x1], vm1  }
0xd3: {  	v2 =	vmov s2;
	p2 =	slt.s32 s4, s26  }
0xd4: {  	vm1 =	vgt.u32 v2, v0  }
.Ltmp11:
0xd5: {  	(pc) =	sbr.rel @p2 .LBB3_6-.Ltmp11, $3  }
0xd6: {  	_ =	sdelay $0x1  }
0xd7: {  	v1 =	vshll.u32 v1, $0x4  }
0xd8: {  	s24 =	sadd.s32 $0xFFFFFFF0, s24;
	[tilespmem:s0+$0x0] =	vst.msk vm0, v1;
	s0 =	sadd.s32 $0x10, s0;
	vm0 =	vmmov vm1  }
.LBB3_7:
0xd9: {  	_ =	sdelay $0x4  }
0xda: {  	v1 =	vld.msk [tilespmem:s0+$0x0 ss:$0x1], vm1;
	_ =	sdelay $0x4  }
0xdb: {  	v1 =	vshll.u32 v1, $0x4  }
0xdc: {  	[tilespmem:s0+$0x0] =	vst.msk vm0, v1  }
.LBB3_8:
0xdd: {  	s0 =	sand.u32 $0x1, s21  }
0xde: {  	s0 =	smul.u32 $0xF0, s0  }
0xdf: {  	p2 =	sne.s32 s30, $0xFFFFFFFF  }
0xe0: {  	v1 =	vld.msk @!p2 [tilespmem:s0+$0x10518], $0x1;
	_ =	sdelay $0x4  }
0xe1: {  	(v2sf) =	vpush @!p2 v1, $0x0;
	_ =	sdelay $0xc  }
.Ltmp12:
0xe2: {  	_ = 	snop;
	(pc) =	sbr.rel @p1 .LBB3_19-.Ltmp12, $4  }
0xe3: {  	_ = 	snop  }
0xe4: {  	s29 =	spop @!p2 (v2sf)  }
0xe5: {  	s22 =	simm.s32 @!p2 $0x0;
	s24 =	smov.u32 s29  }
0xe6: {  	[sflag:s18] =	ssyncpa.u1 $0x0;
	s29 =	smov.u32 @p2 s28;
	s24 =	smov.u32 @p2 s30  }
0xe7: {  	v1 =	vld.msk [tilespmem:s23+$0x0], $0x1;
	_ =	sdelay $0x4  }
0xe8: {  	(v2sf) =	vpush v1, $0x0;
	_ =	sdelay $0xe  }
0xe9: {  	s2 =	smul.u32 $0x1E000, s25;
	s0 =	spop (v2sf)  }
0xea: {  	s26 =	ssub.s32 $0x0, s26;
	p1 =	seq.s32 s29, s0  }
0xeb: {  	s30 =	sadd.s32 $0x1, s26;
	s2 =	sshrl.u32 s2, $0x2;
	p2 =	sgt.s32 @!p1 s29, $0x0  }
0xec: {  	s25 =	sor.u32 $0x10738, s2;
	s2 =	smov.u32 s29;
	p2 =	por !p2, p1  }
0xed: {  	s2 =	simm.s32 @p2 $0x0;
	p2 =	seq.s32 s30, $0x0  }
.Ltmp13:
0xee: {  	_ = 	snop;
	(pc) =	sbr.rel @p2 .LBB3_11-.Ltmp13, $4  }
0xef: {  	_ = 	snop  }
0xf0: {  	s28 =	simm.s32 $0x0;
	s31 =	sadd.s32 $0x1, s23;
	s2 =	smin.u32 @!p1 s2, $0x27FF0  }
0xf1: {  	s4 =	simm.s32 @!p1 $0x1;
	s5 =	simm.s32 @!p1 $0x7988;
	s3 =	sand.u32 @!p1 $0x3FFF8, s2  }
0xf2: {  	s4 =	smov.u32 @p1 s28;
	s2 =	sand.u32 @!p1 $0x7, s2;
	s3 =	sadd.s32 @!p1 s1, s3  }
.LBB3_10:
0xf3: {  	s9 =	smov.u32 s4  }
0xf4: {  	[tilespmem:s5], [sflag:$0x2] =	stream.linear.gather @!p1 [hbm4b:s3+s2], $0x80, $0x38;
	[tilespmem:$0x1F6F8] =	vst v63  }
0xf5: {  	s30 =	sadd.s32 $0x1, s30;
	s2 =	smov.u32 s0;
	v1 =	vld.msk [tilespmem:s31+$0x0], $0x1  }
0xf6: {  	p2 =	seq.s32 s30, $0x0;
	_ =	sdelay $0x3  }
0xf7: {  	(v2sf) =	vpush v1, $0x0;
	_ =	sdelay $0xe  }
0xf8: {  	s0 =	spop (v2sf)  }
0xf9: {  	p1 =	seq.s32 s2, s0  }
0xfa: {  	p3 =	sgt.s32 @!p1 s2, $0x0;
	s3 =	sshll.u32 @!p1 s4, $0x9;
	s4 =	sadd.s32 @!p1 $0x1, s4  }
.Ltmp14:
0xfb: {  	p3 =	por !p3, p1;
	s3 =	sshra.s32 @!p1 s3, $0x2;
	(pc) =	sbr.rel @!p2 .LBB3_10-.Ltmp14, $4  }
0xfc: {  	s4 =	smov.u32 @p1 s9;
	s2 =	simm.s32 @p3 $0x0;
	s5 =	sadd.s32 @!p1 $0x7988, s3  }
0xfd: {  	s2 =	smin.u32 @!p1 s2, $0x27FF0  }
0xfe: {  	s3 =	sand.u32 @!p1 $0x3FFF8, s2;
	s2 =	sand.u32 @!p1 $0x7, s2  }
0xff: {  	s31 =	sadd.s32 $0x1, s31;
	s3 =	sadd.s32 @!p1 s1, s3  }
.LBB3_11:
0x100: {  	[tilespmem:s5], [sflag:$0x2] =	stream.linear.gather @!p1 [hbm4b:s3+s2], $0x80, $0x38;
	[tilespmem:$0x1F6F8] =	vst v63  }
.Ltmp15:
0x101: {  	s0 =	sshll.u32 s4, $0x7;
	(pc) =	sbr.rel .LBB3_12-.Ltmp15, $4  }
0x102: {  	s30 =	simm.s32 $0x2;
	s0 =	sand.u32 $0x3FFFFF80, s0  }
0x103: {  	_ =	swait.ge [sflag:s30], s0  }
0x104: {  	s0 =	ssub.s32 $0x0, s0;
	[sflag:s30] =	ssyncset.done $0x0  }
0x105: {  	s31 =	simm.s32 $0x0;
	[sflag:s30] =	ssyncadd.s32 s0  }
.LBB3_13:
0x106: {  	v1 =	vld [tilespmem:s25+$0xFFFFFFC0];
	_ =	sdelay $0x3  }
0x107: {  	s0 =	sshra.s32 s0, $0x2  }
0x108: {  	[tilespmem:s0+$0x108] =	vst.add.f32.msk $0xffff, v1  }
0x109: {  	v1 =	vld [tilespmem:s25+$0xFFFFFFD0];
	_ =	sdelay $0x4  }
0x10a: {  	[tilespmem:s0+$0x118] =	vst.add.f32.msk $0xffff, v1  }
0x10b: {  	v1 =	vld [tilespmem:s25+$0xFFFFFFE0];
	_ =	sdelay $0x4  }
0x10c: {  	[tilespmem:s0+$0x128] =	vst.add.f32.msk $0xffff, v1  }
0x10d: {  	v1 =	vld [tilespmem:s25+$0xFFFFFFF0];
	_ =	sdelay $0x4  }
0x10e: {  	[tilespmem:s0+$0x138] =	vst.add.f32.msk $0xffff, v1  }
0x10f: {  	v1 =	vld [tilespmem:s25+$0x0];
	_ =	sdelay $0x4  }
0x110: {  	[tilespmem:s0+$0x148] =	vst.add.f32.msk $0xffff, v1  }
0x111: {  	v1 =	vld [tilespmem:s25+$0x10];
	_ =	sdelay $0x4  }
0x112: {  	[tilespmem:s0+$0x158] =	vst.add.f32.msk $0xffff, v1  }
0x113: {  	v1 =	vld [tilespmem:s25+$0x20];
	_ =	sdelay $0x4  }
0x114: {  	[tilespmem:s0+$0x168] =	vst.add.f32.msk $0xffff, v1  }
0x115: {  	v1 =	vld [tilespmem:s25+$0x30];
	_ =	sdelay $0x4  }
0x116: {  	[tilespmem:s0+$0x178] =	vst.add.f32.msk $0xffff, v1  }
.LBB3_17:
0x117: {  	s26 =	sadd.s32 $0x1, s26  }
0x118: {  	p1 =	seq.s32 s26, $0x0  }
.Ltmp16:
0x119: {  	_ = 	snop;
	(pc) =	sbr.rel @p1 .LBB3_18-.Ltmp16, $2  }
0x11a: {  	_ =	sdelay $0x2  }
0x11b: {  	s23 =	sadd.s32 $0x1, s23;
	s25 =	sadd.s32 $0x80, s25;
	s29 =	smov.u32 s30  }
.LBB3_12:
0x11c: {  	v1 =	vld.msk [tilespmem:s23+$0x0], $0x1;
	_ =	sdelay $0x4  }
0x11d: {  	(v2sf) =	vpush v1, $0x0;
	_ =	sdelay $0xe  }
0x11e: {  	s30 =	spop (v2sf)  }
0x11f: {  	p1 =	sne.s32 s29, s30  }
.Ltmp17:
0x120: {  	_ = 	snop;
	(pc) =	sbr.rel @!p1 .LBB3_13-.Ltmp17, $2  }
0x121: {  	_ =	sdelay $0x2  }
0x122: {  	s0 =	sshll.u32 s22, $0x9  }
0x123: {  	p1 =	seq.s32 s29, s24  }
.Ltmp18:
0x124: {  	_ = 	snop;
	(pc) =	sbr.rel @!p1 .LBB3_15-.Ltmp18, $1  }
0x125: {  	_ =	sdelay $0x3  }
0x126: {  	s0 =	sshra.s32 s0, $0x2  }
.Ltmp19:
0x127: {  	s0 =	sadd.s32 $0x108, s0;
	(pc) =	sbr.rel .LBB3_16-.Ltmp19, $4  }
0x128: {  	[spmem:s16] =	stream.linear.scatter [tilespmem:s0], [sflag:$0x1], $0x80, $0x38;
	[tilespmem:$0x1F6F8] =	vst v63  }
0x129: {  	_ =	swait.ge [sflag:s12], $0x80  }
0x12a: {  	[sflag:s12] =	ssyncset.done $0x0  }
0x12b: {  	[sflag:s12] =	ssyncadd.s32 $0xFFFFFF80  }
.LBB3_15:
0x12c: {  	s2 =	sshll.u32 s28, $0x9  }
0x12d: {  	s2 =	sshra.s32 s2, $0x2  }
0x12e: {  	v1 =	vld [tilespmem:s2+$0x7988];
	_ =	sdelay $0x3  }
0x12f: {  	s0 =	sshra.s32 s0, $0x2  }
0x130: {  	[tilespmem:s0+$0x108] =	vst.add.f32.msk $0xffff, v1  }
0x131: {  	v1 =	vld [tilespmem:s2+$0x7998];
	_ =	sdelay $0x4  }
0x132: {  	[tilespmem:s0+$0x118] =	vst.add.f32.msk $0xffff, v1  }
0x133: {  	v1 =	vld [tilespmem:s2+$0x79A8];
	_ =	sdelay $0x4  }
0x134: {  	[tilespmem:s0+$0x128] =	vst.add.f32.msk $0xffff, v1  }
0x135: {  	v1 =	vld [tilespmem:s2+$0x79B8];
	_ =	sdelay $0x4  }
0x136: {  	[tilespmem:s0+$0x138] =	vst.add.f32.msk $0xffff, v1  }
0x137: {  	v1 =	vld [tilespmem:s2+$0x79C8];
	_ =	sdelay $0x4  }
0x138: {  	[tilespmem:s0+$0x148] =	vst.add.f32.msk $0xffff, v1  }
0x139: {  	v1 =	vld [tilespmem:s2+$0x79D8];
	_ =	sdelay $0x4  }
0x13a: {  	[tilespmem:s0+$0x158] =	vst.add.f32.msk $0xffff, v1  }
0x13b: {  	v1 =	vld [tilespmem:s2+$0x79E8];
	_ =	sdelay $0x4  }
0x13c: {  	[tilespmem:s0+$0x168] =	vst.add.f32.msk $0xffff, v1  }
0x13d: {  	v1 =	vld [tilespmem:s2+$0x79F8];
	_ =	sdelay $0x2  }
0x13e: {  	p1 =	sgt.u32 s29, $0x27FF0  }
0x13f: {  	s2 =	sand.u32 @!p1 $0x3FFF8, s29  }
0x140: {  	s3 =	sadd.s32 $0x108, s0;
	[tilespmem:s0+$0x178] =	vst.add.f32.msk $0xffff, v1;
	s0 =	sadd.s32 @!p1 s1, s2;
	s2 =	sand.u32 @!p1 $0x7, s29  }
0x141: {  	[hbm4b:s0+s2] =	stream.linear.scatter @!p1 [tilespmem:s3], [sflag:$0xC], $0x80, $0x38;
	[tilespmem:$0x1F6F8] =	vst v63  }
0x142: {  	s0 =	simm.s32 $0x0  }
0x143: {  	s0 =	simm.s32 @!p1 $0x200  }
0x144: {  	s31 =	sadd.s32 s0, s31  }
.LBB3_16:
0x145: {  	s0 =	sadd.s32 $0x1, s22  }
0x146: {  	s2 =	smulhi.u32 $0x88888889, s0;
	_ =	sdelay $0x1  }
0x147: {  	v1 =	vld [tilespmem:s25+$0xFFFFFFC0];
	s2 =	sshrl.u32 s2, $0x7  }
0x148: {  	s2 =	smul.u32 $0xF0, s2;
	_ =	sdelay $0x1  }
0x149: {  	s22 =	ssub.s32 s0, s2  }
0x14a: {  	s0 =	sshll.u32 s22, $0x7  }
0x14b: {  	[tilespmem:s0+$0x108] =	vst v1  }
0x14c: {  	v1 =	vld [tilespmem:s25+$0xFFFFFFD0];
	_ =	sdelay $0x4  }
0x14d: {  	[tilespmem:s0+$0x118] =	vst v1  }
0x14e: {  	v1 =	vld [tilespmem:s25+$0xFFFFFFE0];
	_ =	sdelay $0x4  }
0x14f: {  	[tilespmem:s0+$0x128] =	vst v1  }
0x150: {  	v1 =	vld [tilespmem:s25+$0xFFFFFFF0];
	_ =	sdelay $0x4  }
0x151: {  	[tilespmem:s0+$0x138] =	vst v1  }
0x152: {  	v1 =	vld [tilespmem:s25+$0x0];
	_ =	sdelay $0x4  }
0x153: {  	[tilespmem:s0+$0x148] =	vst v1  }
0x154: {  	v1 =	vld [tilespmem:s25+$0x10];
	_ =	sdelay $0x4  }
0x155: {  	[tilespmem:s0+$0x158] =	vst v1  }
0x156: {  	v1 =	vld [tilespmem:s25+$0x20];
	_ =	sdelay $0x4  }
0x157: {  	[tilespmem:s0+$0x168] =	vst v1  }
0x158: {  	v1 =	vld [tilespmem:s25+$0x30]  }
.Ltmp20:
0x159: {  	_ = 	snop;
	(pc) =	sbr.rel .LBB3_17-.Ltmp20, $2  }
0x15a: {  	_ =	sdelay $0x2  }
0x15b: {  	s28 =	sadd.s32 $0x1, s28;
	[tilespmem:s0+$0x178] =	vst v1  }
.LBB3_19:
.Ltmp21:
0x15c: {  	(pc) =	sbr.rel .LBB3_20-.Ltmp21, $4  }
0x15d: {  	_ = 	snop  }
0x15e: {  	s0 =	simm.s32 $0x2  }
0x15f: {  	_ =	swait.ge [sflag:s0], $0x0  }
0x160: {  	s30 =	smov.u32 s29;
	[sflag:s0] =	ssyncset.done $0x0;
	s0 =	simm.s32 $0x0  }
.LBB3_22:
0x161: {  	_ =	sfence.sel $0x180000  }
0x162: {  	s0 =	simm.s32 $0x9;
	[bflag:$0x0] =	sbarrier.arrive $0xFFFF  }
0x163: {  	s24 =	simm.s32 $0xA;
	[sflag:s0] =	ssyncpa.u1 $0x1  }
0x164: {  	s25 =	simm.s32 $0xB;
	[sflag:s24] =	ssyncpa.u1 $0x1  }
0x165: {  	s26 =	simm.s32 $0x2;
	[sflag:s25] =	ssyncpa.u1 $0x1  }
0x166: {  	[sflag:s26] =	ssyncpa.u1 $0x1  }
0x167: {  	v0 =	vld [tilespmem:$0xF208];
	_ =	sdelay $0x4  }
0x168: {  	(v2sf) =	vpush v0, $0x0  }
0x169: {  	(v2sf) =	vpush v0, $0x1;
	_ =	sdelay $0x1  }
0x16a: {  	(v2sf) =	vpush v0, $0x2;
	_ =	sdelay $0xb  }
0x16b: {  	s0 =	spop (v2sf)  }
0x16c: {  	s2 =	spop (v2sf)  }
0x16d: {  	s3 =	smov.u32 s0;
	p0 =	sne.s32 s0, s2  }
0x16e: {  	s4 =	spop (v2sf);
	s3 =	simm.s32 @!p0 $0xFFFFFFFF  }
0x16f: {  	v2 =	vimm.s32 $0x1;
	v3 =	vlaneseq.u32;
	p0 =	seq.s32 s4, $0xFFFFFFFF;
	v1 =	vmov s3  }
0x170: {  	s16 =	stileid.u32;
	v0 =	vperm.xlane v0, v2;
	p1 =	sne.s32 @!p0 s0, s2;
	v1 =	vperm.xlane v1, v3  }
0x171: {  	vm0 =	vcmask $0x3F04;
	s6 =	simm.s32 $0xF208;
	s0 =	simm.s32 @!p0 $0x1;
	p1 =	por !p1, p0  }
0x172: {  	s3 =	sshll.u32 s16, $0x1;
	s2 =	sshll.u32 @!p0 s4, $0x9;
	s0 =	simm.s32 @p1 $0x0;
	v0 =	vsel vm0, v1, v0  }
0x173: {  	s5 =	sor.u32 $0x1000, s3;
	s2 =	sshra.s32 @!p0 s2, $0x2;
	s0 =	sor.u32 @!p0 s0, s3;
	[tilespmem:$0xF208] =	vst v0  }
0x174: {  	[spmem:s5] =	stream.linear.scatter [tilespmem:s6], [sflag:$0x1], $0x2, $0x38;
	[tilespmem:$0x1F6F8] =	vst v63  }
0x175: {  	s2 =	sadd.s32 @!p0 $0x108, s2;
	s0 =	sshll.u32 @!p0 s0, $0x7  }
0x176: {  	[spmem:s0] =	stream.linear.scatter @!p0 [tilespmem:s2], [sflag:$0x1], $0x80, $0x38;
	[tilespmem:$0x1F6F8] =	vst v63  }
0x177: {  	s0 =	simm.s32 @!p0 $0x82  }
0x178: {  	s28 =	simm.s32 $0x1;
	s0 =	simm.s32 @p0 $0x2  }
0x179: {  	_ =	swait.ge [sflag:s28], s0  }
0x17a: {  	s0 =	ssub.s32 $0x0, s0;
	[sflag:s28] =	ssyncset.done $0x0  }
0x17b: {  	p0 =	sne.s32 s16, $0x0;
	[sflag:s28] =	ssyncadd.s32 s0  }
.Ltmp22:
0x17c: {  	_ =	sfence.stream.spmem;
	(pc) =	sbr.rel @p0 .LBB3_39-.Ltmp22, $4  }
0x17d: {  	s29 =	simm.s32 $0x3;
	[bflag:$0x0] =	sbarrier.arrive $0xFFFF  }
0x17e: {  	s30 =	simm.s32 $0x4;
	[sflag:s29] =	ssyncpa.u1 $0x1  }
0x17f: {  	s31 =	simm.s32 $0x3C;
	[sflag:s30] =	ssyncpa.u1 $0x1  }
0x180: {  	s15 =	rddreg [dreg:$0x4];
	[sflag:s31] =	ssyncpa.u1 $0x1  }
0x181: {  	_ =	sfence.stream.spmem;
	s0 =	simm.s32 $0x5  }
0x182: {  	s2 =	simm.s32 $0x1000;
	s3 =	simm.s32 $0xF218;
	[sflag:s0] =	ssyncpa.u1 $0x0  }
0x183: {  	[tilespmem:s3], [sflag:$0x5] =	stream.linear.gather [spmem:s2], $0x20, $0x38;
	[tilespmem:$0x1F6F8] =	vst v63  }
0x184: {  	s26 =	simm.s32 $0x0;
	s28 =	simm.s32 $0xF238  }
0x185: {  	[tilespmem:s28], [sflag:$0x5] =	stream.linear.gather [spmem:s26], $0x1000, $0x38;
	[tilespmem:$0x1F6F8] =	vst v63  }
0x186: {  	_ =	swait.ge [sflag:s0], $0x1020  }
0x187: {  	[sflag:s0] =	ssyncset.done $0x0  }
0x188: {  	s29 =	simm.s32 $0x0;
	[sflag:s0] =	ssyncadd.s32 $0xFFFFEFE0  }
0x189: {  	v0 =	vld.msk [tilespmem:s29+$0xF218], $0x1;
	_ =	sdelay $0x1  }
0x18a: {  	s30 =	simm.s32 $0x1  }
0x18b: {  	v1 =	vld.msk [tilespmem:s30+$0xF218], $0x1;
	_ =	sdelay $0x1  }
0x18c: {  	(v2sf) =	vpush v0, $0x0;
	_ =	sdelay $0x2  }
0x18d: {  	(v2sf) =	vpush v1, $0x0;
	_ =	sdelay $0x2  }
0x18e: {  	s31 =	simm.s32 $0x2  }
0x18f: {  	v0 =	vld.msk [tilespmem:s31+$0xF218], $0x1;
	_ =	sdelay $0x2  }
0x190: {  	s4 =	simm.s32 $0xFFFFFFFF;
	s5 =	simm.s32 $0xFFFFFFFF;
	s0 =	simm.s32 $0xC  }
.LBB3_24:
0x191: {  	s2 =	smov.u32 s5;
	s3 =	smov.u32 s4  }
0x192: {  	s4 =	sshra.s32 s0, $0x2;
	p1 =	sne.s32 s0, $0x7C;
	s0 =	sadd.s32 $0x4, s0;
	(v2sf) =	vpush v0, $0x0  }
0x193: {  	v0 =	vld.msk [tilespmem:s4+$0xF218], $0x1  }
.Ltmp23:
0x194: {  	(pc) =	sbr.rel @p1 .LBB3_24-.Ltmp23, $4  }
0x195: {  	s5 =	spop (v2sf)  }
0x196: {  	p2 =	sne.s32 s3, $0xFFFFFFFF;
	s4 =	smov.u32 s5  }
0x197: {  	p3 =	seq.s32 s5, $0xFFFFFFFF;
	s4 =	smov.u32 @p2 s3  }
0x198: {  	s5 =	smov.u32 @p3 s2;
	s4 =	smov.u32 @p3 s3  }
0x199: {  	(v2sf) =	vpush v0, $0x0;
	_ =	sdelay $0x8  }
0x19a: {  	s0 =	spop (v2sf)  }
0x19b: {  	p1 =	sne.s32 s4, $0xFFFFFFFF;
	s2 =	smov.u32 s0  }
0x19c: {  	s9 =	simm.s32 $0x6;
	p2 =	seq.s32 s0, $0xFFFFFFFF;
	s2 =	smov.u32 @p1 s4  }
0x19d: {  	s6 =	simm.s32 $0x0;
	s2 =	smov.u32 @p2 s4;
	s3 =	spop (v2sf)  }
0x19e: {  	s0 =	smov.u32 @p2 s5;
	p1 =	sne.s32 s2, $0xFFFFFFFF;
	s4 =	smov.u32 s3  }
.Ltmp24:
0x19f: {  	p2 =	seq.s32 s3, $0xFFFFFFFF;
	s4 =	smov.u32 @p1 s2;
	(pc) =	sbr.rel .LBB3_26-.Ltmp24, $4  }
0x1a0: {  	s10 =	simm.s32 $0xF188;
	s4 =	smov.u32 @p2 s2;
	s7 =	spop (v2sf)  }
0x1a1: {  	s11 =	simm.s32 $0x0;
	p1 =	sne.s32 s4, $0xFFFFFFFF;
	s8 =	smov.u32 s7  }
0x1a2: {  	s3 =	smov.u32 @p2 s0;
	p2 =	seq.s32 s7, $0xFFFFFFFF;
	s8 =	smov.u32 @p1 s4  }
0x1a3: {  	[sflag:s9] =	ssyncpa.u1 $0x0;
	s7 =	smov.u32 @p2 s3;
	s8 =	smov.u32 @p2 s4  }
.LBB3_32:
0x1a4: {  	p1 =	sgt.u32 s12, $0x27FF0  }
0x1a5: {  	p2 =	seq.s32 @!p1 s12, s8  }
0x1a6: {  	p1 =	por p1, p2  }
0x1a7: {  	p2 =	sne.s32 @!p1 s12, s7  }
0x1a8: {  	p1 =	por p1, !p2  }
0x1a9: {  	s0 =	sshll.u32 @p1 s11, $0x9  }
0x1aa: {  	s0 =	sand.u32 @!p1 $0x3FFF8, s12  }
0x1ab: {  	s2 =	sand.u32 @!p1 $0x7, s12;
	s0 =	sadd.s32 @!p1 s1, s0  }
0x1ac: {  	[tilespmem:s10], [sflag:$0x6] =	stream.linear.gather @!p1 [hbm4b:s0+s2], $0x80, $0x38;
	[tilespmem:$0x1F6F8] =	vst v63  }
0x1ad: {  	_ =	swait.ge @!p1 [sflag:s9], $0x80  }
0x1ae: {  	[sflag:s9] =	ssyncset.done @!p1 $0x0  }
0x1af: {  	[sflag:s9] =	ssyncadd.s32 @!p1 $0xFFFFFF80  }
0x1b0: {  	v1 =	vld @!p1 [tilespmem:$0xF188];
	_ =	sdelay $0x2  }
0x1b1: {  	s0 =	sshll.u32 @!p1 s11, $0x9  }
0x1b2: {  	s2 =	sshrl.u32 @!p1 s0, $0x2  }
0x1b3: {  	[tilespmem:s2+$0xF238] =	vst.add.f32.msk @!p1 $0xffff, v1  }
0x1b4: {  	v1 =	vld @!p1 [tilespmem:$0xF198];
	_ =	sdelay $0x4  }
0x1b5: {  	[tilespmem:s2+$0xF248] =	vst.add.f32.msk @!p1 $0xffff, v1  }
0x1b6: {  	v1 =	vld @!p1 [tilespmem:$0xF1A8];
	_ =	sdelay $0x4  }
0x1b7: {  	[tilespmem:s2+$0xF258] =	vst.add.f32.msk @!p1 $0xffff, v1  }
0x1b8: {  	v1 =	vld @!p1 [tilespmem:$0xF1B8];
	_ =	sdelay $0x4  }
0x1b9: {  	[tilespmem:s2+$0xF268] =	vst.add.f32.msk @!p1 $0xffff, v1  }
0x1ba: {  	v1 =	vld @!p1 [tilespmem:$0xF1C8];
	_ =	sdelay $0x4  }
0x1bb: {  	[tilespmem:s2+$0xF278] =	vst.add.f32.msk @!p1 $0xffff, v1  }
0x1bc: {  	v1 =	vld @!p1 [tilespmem:$0xF1D8];
	_ =	sdelay $0x4  }
0x1bd: {  	[tilespmem:s2+$0xF288] =	vst.add.f32.msk @!p1 $0xffff, v1  }
0x1be: {  	v1 =	vld @!p1 [tilespmem:$0xF1E8];
	_ =	sdelay $0x4  }
0x1bf: {  	[tilespmem:s2+$0xF298] =	vst.add.f32.msk @!p1 $0xffff, v1  }
0x1c0: {  	v1 =	vld @!p1 [tilespmem:$0xF1F8];
	_ =	sdelay $0x4  }
0x1c1: {  	[tilespmem:s2+$0xF2A8] =	vst.add.f32.msk @!p1 $0xffff, v1  }
0x1c2: {  	s0 =	sshrl.u32 s0, $0x2;
	[tilespmem:s6+$0xF218] =	vst.msk $0x1, v0  }
0x1c3: {  	v0 =	vld [tilespmem:s0+$0xF238];
	_ =	sdelay $0x2  }
0x1c4: {  	s31 =	sshll.u32 s6, $0x9  }
0x1c5: {  	s2 =	sshra.s32 s31, $0x2  }
0x1c6: {  	[tilespmem:s2+$0xF238] =	vst v0  }
0x1c7: {  	v0 =	vld [tilespmem:s0+$0xF248];
	_ =	sdelay $0x4  }
0x1c8: {  	[tilespmem:s2+$0xF248] =	vst v0  }
0x1c9: {  	v0 =	vld [tilespmem:s0+$0xF258];
	_ =	sdelay $0x4  }
0x1ca: {  	[tilespmem:s2+$0xF258] =	vst v0  }
0x1cb: {  	v0 =	vld [tilespmem:s0+$0xF268];
	_ =	sdelay $0x4  }
0x1cc: {  	[tilespmem:s2+$0xF268] =	vst v0  }
0x1cd: {  	v0 =	vld [tilespmem:s0+$0xF278];
	_ =	sdelay $0x4  }
0x1ce: {  	[tilespmem:s2+$0xF278] =	vst v0  }
0x1cf: {  	v0 =	vld [tilespmem:s0+$0xF288];
	_ =	sdelay $0x4  }
0x1d0: {  	[tilespmem:s2+$0xF288] =	vst v0  }
0x1d1: {  	v0 =	vld [tilespmem:s0+$0xF298];
	_ =	sdelay $0x4  }
0x1d2: {  	[tilespmem:s2+$0xF298] =	vst v0  }
0x1d3: {  	v0 =	vld [tilespmem:s0+$0xF2A8];
	_ =	sdelay $0x4  }
0x1d4: {  	s6 =	sadd.s32 $0x1, s6;
	[tilespmem:s2+$0xF2A8] =	vst v0  }
.LBB3_33:
0x1d5: {  	s11 =	sadd.s32 $0x1, s11  }
0x1d6: {  	p1 =	sne.s32 s11, $0x20  }
.Ltmp25:
0x1d7: {  	_ = 	snop;
	(pc) =	sbr.rel @!p1 .LBB3_34-.Ltmp25, $1  }
0x1d8: {  	_ =	sdelay $0x3  }
.LBB3_26:
0x1d9: {  	v0 =	vld.msk [tilespmem:s11+$0xF218], $0x1;
	_ =	sdelay $0x4  }
0x1da: {  	(v2sf) =	vpush v0, $0x0;
	_ =	sdelay $0xe  }
0x1db: {  	s12 =	spop (v2sf)  }
0x1dc: {  	p1 =	seq.s32 s12, $0xFFFFFFFF  }
.Ltmp26:
0x1dd: {  	_ = 	snop;
	(pc) =	sbr.rel @p1 .LBB3_33-.Ltmp26, $1  }
0x1de: {  	_ =	sdelay $0x3  }
0x1df: {  	p1 =	slt.s32 s6, $0x1  }
.Ltmp27:
0x1e0: {  	_ = 	snop;
	(pc) =	sbr.rel @p1 .LBB3_32-.Ltmp27, $1  }
0x1e1: {  	_ =	sdelay $0x3  }
0x1e2: {  	s13 =	simm.s32 $0xF218;
	p1 =	por $0x0, $0x0  }
0x1e3: {  	v1 =	vld.msk @!p1 [tilespmem:s13+$0x0], $0x1;
	_ =	sdelay $0x4  }
0x1e4: {  	(v2sf) =	vpush @!p1 v1, $0x0;
	_ =	sdelay $0xd  }
0x1e5: {  	p3 =	sne.s32 s6, $0x1  }
.Ltmp28:
0x1e6: {  	s0 =	spop @!p1 (v2sf);
	(pc) =	sbr.rel @!p3 .LBB3_30-.Ltmp28, $4  }
0x1e7: {  	p2 =	seq.s32 @!p1 s12, s0  }
0x1e8: {  	s14 =	simm.s32 $0x0;
	p2 =	por !p2, p1  }
0x1e9: {  	s2 =	simm.s32 $0xFFFFFFFF;
	s14 =	simm.s32 @p2 $0xFFFFFFFF  }
0x1ea: {  	s0 =	simm.s32 $0x1;
	s14 =	smov.u32 @p1 s2  }
.LBB3_29:
0x1eb: {  	s2 =	smov.u32 s14;
	p1 =	sne.s32 s14, $0xFFFFFFFF  }
0x1ec: {  	s13 =	sadd.s32 $0x1, s13;
	s14 =	smov.u32 s0;
	s0 =	sadd.s32 $0x1, s0  }
0x1ed: {  	p2 =	sne.s32 s6, s0;
	v1 =	vld.msk @!p1 [tilespmem:s13+$0x0], $0x1;
	_ =	sdelay $0x4  }
0x1ee: {  	(v2sf) =	vpush @!p1 v1, $0x0;
	_ =	sdelay $0xe  }
.Ltmp29:
0x1ef: {  	s3 =	spop @!p1 (v2sf);
	(pc) =	sbr.rel @p2 .LBB3_29-.Ltmp29, $4  }
0x1f0: {  	p3 =	seq.s32 @!p1 s12, s3  }
0x1f1: {  	p3 =	por !p3, p1  }
0x1f2: {  	s14 =	simm.s32 @p3 $0xFFFFFFFF  }
0x1f3: {  	s14 =	smov.u32 @p1 s2  }
.LBB3_30:
0x1f4: {  	p1 =	seq.s32 s14, $0xFFFFFFFF  }
.Ltmp30:
0x1f5: {  	_ = 	snop;
	(pc) =	sbr.rel @p1 .LBB3_32-.Ltmp30, $1  }
0x1f6: {  	_ =	sdelay $0x3  }
0x1f7: {  	s0 =	sshll.u32 s11, $0x7  }
0x1f8: {  	s0 =	sand.u32 $0x3FFFFF80, s0  }
0x1f9: {  	v0 =	vld [tilespmem:s0+$0xF238];
	_ =	sdelay $0x2  }
0x1fa: {  	s2 =	sshll.u32 s14, $0x9  }
0x1fb: {  	s2 =	sshra.s32 s2, $0x2  }
0x1fc: {  	[tilespmem:s2+$0xF238] =	vst.add.f32.msk $0xffff, v0  }
0x1fd: {  	v0 =	vld [tilespmem:s0+$0xF248];
	_ =	sdelay $0x4  }
0x1fe: {  	[tilespmem:s2+$0xF248] =	vst.add.f32.msk $0xffff, v0  }
0x1ff: {  	v0 =	vld [tilespmem:s0+$0xF258];
	_ =	sdelay $0x4  }
0x200: {  	[tilespmem:s2+$0xF258] =	vst.add.f32.msk $0xffff, v0  }
0x201: {  	v0 =	vld [tilespmem:s0+$0xF268];
	_ =	sdelay $0x4  }
0x202: {  	[tilespmem:s2+$0xF268] =	vst.add.f32.msk $0xffff, v0  }
0x203: {  	v0 =	vld [tilespmem:s0+$0xF278];
	_ =	sdelay $0x4  }
0x204: {  	[tilespmem:s2+$0xF278] =	vst.add.f32.msk $0xffff, v0  }
0x205: {  	v0 =	vld [tilespmem:s0+$0xF288];
	_ =	sdelay $0x4  }
0x206: {  	[tilespmem:s2+$0xF288] =	vst.add.f32.msk $0xffff, v0  }
0x207: {  	v0 =	vld [tilespmem:s0+$0xF298];
	_ =	sdelay $0x4  }
0x208: {  	[tilespmem:s2+$0xF298] =	vst.add.f32.msk $0xffff, v0  }
0x209: {  	v0 =	vld [tilespmem:s0+$0xF2A8]  }
.Ltmp31:
0x20a: {  	_ = 	snop;
	(pc) =	sbr.rel .LBB3_33-.Ltmp31, $2  }
0x20b: {  	_ =	sdelay $0x2  }
0x20c: {  	[tilespmem:s2+$0xF2A8] =	vst.add.f32.msk $0xffff, v0  }
.LBB3_34:
0x20d: {  	s0 =	simm.s32 $0x6;
	p1 =	seq.s32 s6, $0x0  }
0x20e: {  	[sflag:s0] =	ssyncpa.u1 $0x1;
	v0 =	vimm.s32 @p1 $0xFFFFFFFF  }
0x20f: {  	s9 =	sadd.s32 $0xFFFFFFFF, s6;
	[tilespmem:$0x10238] =	vst @p1 v0  }
0x210: {  	v0 =	vld.msk @!p1 [tilespmem:s9+$0xF218], $0x1;
	_ =	sdelay $0x1  }
0x211: {  	v1 =	vld.msk @!p1 [tilespmem:$0xF218], $0x1;
	_ =	sdelay $0x2  }
0x212: {  	p2 =	seq.s32 @!p1 s9, $0x0;
	v0 =	vbroadcast @!p1 v0, $0x0  }
0x213: {  	vm0 =	vmmov @!p1 $0x1;
	p2 =	por !p2, p1  }
0x214: {  	v1 =	vnsel @!p1 vm0, $0xFFFFFFFF, v1;
	vm0 =	vcmask @!p1 $0x308;
	v0 =	vpsel !p2, $0xFFFFFFFF, v0  }
0x215: {  	p2 =	sne.s32 @!p1 s8, s7;
	v0 =	vsel @!p1 vm0, v1, v0  }
0x216: {  	s0 =	simm.s32 @!p1 $0xF238;
	s2 =	simm.s32 @!p1 $0x0;
	p3 =	por !p2, p1;
	[tilespmem:$0x10238] =	vst @!p1 v0  }
0x217: {  	[spmem:s2] =	stream.linear.scatter @!p1 [tilespmem:s0], [sflag:$0x1], $0x80, $0x38;
	[tilespmem:$0x1F6F8] =	vst v63  }
0x218: {  	s0 =	sshll.u32 @!p3 s9, $0x9  }
0x219: {  	s0 =	sshra.s32 @!p3 s0, $0x2  }
0x21a: {  	s2 =	simm.s32 @!p3 $0x80;
	s0 =	sadd.s32 @!p3 $0xF238, s0  }
0x21b: {  	[spmem:s2] =	stream.linear.scatter @!p3 [tilespmem:s0], [sflag:$0x1], $0x80, $0x38;
	[tilespmem:$0x1F6F8] =	vst v63  }
0x21c: {  	s0 =	simm.s32 @!p3 $0x1  }
0x21d: {  	_ =	swait.ge @!p3 [sflag:s0], $0x100  }
0x21e: {  	p1 =	por p2, p1;
	[sflag:s0] =	ssyncset.done @!p3 $0x0  }
0x21f: {  	[sflag:s0] =	ssyncadd.s32 @!p3 $0xFFFFFF00;
	s0 =	simm.s32 @!p1 $0x1  }
0x220: {  	_ =	swait.ge @!p1 [sflag:s0], $0x80  }
0x221: {  	s29 =	simm.s32 $0x10238;
	[sflag:s0] =	ssyncset.done @!p1 $0x0  }
0x222: {  	s30 =	simm.s32 $0x1000;
	s31 =	simm.s32 $0x1;
	[sflag:s0] =	ssyncadd.s32 @!p1 $0xFFFFFF80  }
0x223: {  	[spmem:s30] =	stream.linear.scatter [tilespmem:s29], [sflag:$0x1], $0x10, $0x38;
	[tilespmem:$0x1F6F8] =	vst v63  }
0x224: {  	_ =	swait.ge [sflag:s31], $0x10  }
0x225: {  	[sflag:s31] =	ssyncset.done $0x0  }
0x226: {  	p1 =	seq.s32 s15, $0x0;
	s8 =	rddreg [dreg:$0x1];
	[sflag:s31] =	ssyncadd.s32 $0xFFFFFFF0  }
0x227: {  	s2 =	sshll.u32 @p1 s8, $0xE;
	s7 =	rddreg [dreg:$0x2]  }
0x228: {  	s0 =	sadd.s32 @p1 $0x15C3C, s2;
	s2 =	sshll.u32 @p1 s7, $0x11  }
0x229: {  	_ =	sfence.stream.spmem;
	s0 =	sor.u32 @p1 s2, s0  }
0x22a: {  	[sflag:s0] =	ssyncadd.remote.s32 @p1 $0x1;
	s0 =	simm.s32 @p1 $0x4  }
0x22b: {  	s3 =	simm.s32 @!p1 $0x3C;
	s2 =	sand.u32 $0xFFFFFFFE, s8;
	_ =	swait.ge @p1 [sflag:s0], $0x22  }
0x22c: {  	s4 =	simm.s32 @!p1 $0x0;
	s2 =	sadd.s32 @!p1 $0x4, s2;
	[sflag:s0] =	ssyncset.done @p1 $0x0  }
0x22d: {  	s5 =	simm.s32 @!p1 $0x100;
	[sflag:s0] =	ssyncadd.s32 @p1 $0xFFFFFFDE;
	s0 =	sshll.u32 @!p1 s2, $0x1A  }
0x22e: {  	s2 =	sshll.u32 @!p1 s2, $0xD;
	s0 =	sor.u32 @!p1 s0, s7;
	_ =	swait.eq @!p1 [sflag:s3], $0x1  }
0x22f: {  	s2 =	sor.u32 @!p1 $0x1C04, s2;
	s3 =	simm.s32 @!p1 $0x1C03;
	s0 =	sor.u32 @!p1 $0x80004000, s0  }
0x230: {  	[spmem:s5], [sflag:s2] =	dma.general @!p1 [spmem:s4], [sflag:s3], length:$0x20, [dreg:$0x0], stride_count:$0x0, ici_dest:s0, dma_misc:DstOpCode:WRITE  }
0x231: {  	p2 =	slt.s32 s9, $0x2;
	s4 =	simm.s32 @!p1 $0x200;
	s5 =	simm.s32 @!p1 $0x202  }
0x232: {  	[spmem:s5], [sflag:s2] =	dma.general @!p1 [spmem:s4], [sflag:s3], length:$0x2, [dreg:$0x0], stride_count:$0x0, ici_dest:s0, dma_misc:DstOpCode:WRITE  }
.Ltmp32:
0x233: {  	s0 =	simm.s32 @!p1 $0x3;
	(pc) =	sbr.rel @p2 .LBB3_38-.Ltmp32, $4  }
0x234: {  	s2 =	sshll.u32 @!p1 s8, $0xE;
	_ =	swait.ge @!p1 [sflag:s0], $0x22  }
0x235: {  	s3 =	sshll.u32 @!p1 s7, $0x11;
	s2 =	sadd.s32 @!p1 $0x11C3C, s2;
	[sflag:s0] =	ssyncset.done @!p1 $0x0  }
0x236: {  	[sflag:s0] =	ssyncadd.s32 @!p1 $0xFFFFFFDE;
	s0 =	sor.u32 @!p1 s3, s2  }
0x237: {  	[sflag:s0] =	ssyncadd.remote.s32 @!p1 $0xFFFFFFFF;
	s0 =	simm.s32 $0x0  }
0x238: {  	s0 =	simm.s32 $0xF219  }
0x239: {  	v0 =	vld.msk [tilespmem:s0+$0x0], $0x1;
	_ =	sdelay $0x4  }
0x23a: {  	(v2sf) =	vpush v0, $0x0;
	_ =	sdelay $0xb  }
0x23b: {  	s31 =	sadd.s32 $0xFFFFFFFE, s6  }
0x23c: {  	s0 =	sadd.s32 $0xFFFFFFFF, s31  }
0x23d: {  	p2 =	sne.s32 s0, $0x0  }
.Ltmp33:
0x23e: {  	s2 =	spop (v2sf);
	(pc) =	sbr.rel @!p2 .LBB3_37-.Ltmp33, $4  }
0x23f: {  	s4 =	simm.s32 $0xF2B8;
	s7 =	simm.s32 $0x0;
	p1 =	sgt.u32 s2, $0x27FF0  }
0x240: {  	s5 =	simm.s32 $0x0;
	s6 =	simm.s32 $0xF21A;
	s3 =	sand.u32 @!p1 $0x3FFF8, s2  }
0x241: {  	s2 =	sand.u32 @!p1 $0x7, s2;
	s7 =	simm.s32 @!p1 $0x200;
	s3 =	sadd.s32 @!p1 s1, s3  }
0x242: {  	[hbm4b:s3+s2] =	stream.linear.scatter @!p1 [tilespmem:s4], [sflag:$0x5], $0x80, $0x38;
	[tilespmem:$0x1F6F8] =	vst v63  }
.LBB3_36:
0x243: {  	v0 =	vld.msk [tilespmem:s6+$0x0], $0x1;
	s0 =	sadd.s32 $0xFFFFFFFF, s0;
	s5 =	sadd.s32 s5, s7  }
0x244: {  	p1 =	sne.s32 s0, $0x0;
	_ =	sdelay $0x3  }
0x245: {  	(v2sf) =	vpush v0, $0x0;
	_ =	sdelay $0xe  }
.Ltmp34:
0x246: {  	s2 =	spop (v2sf);
	(pc) =	sbr.rel @p1 .LBB3_36-.Ltmp34, $4  }
0x247: {  	s7 =	simm.s32 $0x0;
	p2 =	sgt.u32 s2, $0x27FF0  }
0x248: {  	s4 =	sadd.s32 $0x80, s4;
	s7 =	simm.s32 @!p2 $0x200;
	s3 =	sand.u32 @!p2 $0x3FFF8, s2  }
0x249: {  	s6 =	sadd.s32 $0x1, s6;
	s2 =	sand.u32 @!p2 $0x7, s2;
	s3 =	sadd.s32 @!p2 s1, s3  }
0x24a: {  	[hbm4b:s3+s2] =	stream.linear.scatter @!p2 [tilespmem:s4], [sflag:$0x5], $0x80, $0x38;
	[tilespmem:$0x1F6F8] =	vst v63  }
.LBB3_37:
0x24b: {  	s0 =	sadd.s32 s5, s7  }
0x24c: {  	s0 =	sshrl.u32 s0, $0x2  }
.LBB3_38:
0x24d: {  	s2 =	simm.s32 $0x5  }
0x24e: {  	_ =	swait.ge [sflag:s2], s0  }
0x24f: {  	s31 =	ssub.s32 $0x0, s0;
	[sflag:s2] =	ssyncset.done $0x0  }
0x250: {  	[sflag:s2] =	ssyncadd.s32 s31  }
0x251: {  	[sflag:s2] =	ssyncpa.u1 $0x1  }
.LBB3_39:
0x252: {  	s0 =	sor.u32 s15, s16  }
0x253: {  	p1 =	sne.s32 s0, $0x0  }
.Ltmp35:
0x254: {  	_ = 	snop;
	(pc) =	sbr.rel @p1 .LBB3_54-.Ltmp35, $3  }
0x255: {  	_ =	sdelay $0x1  }
0x256: {  	[bflag:$0x0] =	sbarrier.arrive $0xFFFF  }
0x257: {  	_ =	sfence  }
0x258: {  	s0 =	simm.s32 $0x7  }
0x259: {  	s2 =	simm.s32 $0x1000;
	s3 =	simm.s32 $0xF218;
	[sflag:s0] =	ssyncpa.u1 $0x0  }
0x25a: {  	[tilespmem:s3], [sflag:$0x7] =	stream.linear.gather [spmem:s2], $0x20, $0x38;
	[tilespmem:$0x1F6F8] =	vst v63  }
0x25b: {  	s30 =	simm.s32 $0xF238;
	s2 =	simm.s32 $0x0  }
0x25c: {  	[tilespmem:s30], [sflag:$0x7] =	stream.linear.gather [spmem:s2], $0x1000, $0x38;
	[tilespmem:$0x1F6F8] =	vst v63  }
.Ltmp36:
0x25d: {  	_ = 	snop;
	(pc) =	sbr.rel .LBB3_41-.Ltmp36, $4  }
0x25e: {  	_ =	swait.ge [sflag:s0], $0x1020  }
0x25f: {  	[sflag:s0] =	ssyncset.done $0x0  }
0x260: {  	s31 =	simm.s32 $0x8;
	[sflag:s0] =	ssyncadd.s32 $0xFFFFEFE0  }
0x261: {  	s3 =	simm.s32 $0x0;
	[sflag:s31] =	ssyncpa.u1 $0x0  }
.LBB3_47:
0x262: {  	p1 =	slt.u32 s4, $0x27FF1  }
0x263: {  	s0 =	sand.u32 @p1 $0x3FFF8, s4  }
0x264: {  	s4 =	sand.u32 @p1 $0x7, s4;
	s5 =	simm.s32 @p1 $0xF188;
	s0 =	sadd.s32 @p1 s1, s0  }
0x265: {  	[tilespmem:s5], [sflag:$0x8] =	stream.linear.gather @p1 [hbm4b:s0+s4], $0x80, $0x38;
	[tilespmem:$0x1F6F8] =	vst v63  }
0x266: {  	s0 =	simm.s32 @p1 $0x8  }
0x267: {  	_ =	swait.ge @p1 [sflag:s0], $0x80  }
0x268: {  	[sflag:s0] =	ssyncset.done @p1 $0x0  }
0x269: {  	[sflag:s0] =	ssyncadd.s32 @p1 $0xFFFFFF80  }
0x26a: {  	v1 =	vld @p1 [tilespmem:$0xF188];
	_ =	sdelay $0x2  }
0x26b: {  	s0 =	sshll.u32 @p1 s3, $0x9  }
0x26c: {  	s4 =	sshrl.u32 @p1 s0, $0x2  }
0x26d: {  	[tilespmem:s4+$0xF238] =	vst.add.f32.msk @p1 $0xffff, v1  }
0x26e: {  	v1 =	vld @p1 [tilespmem:$0xF198];
	_ =	sdelay $0x4  }
0x26f: {  	[tilespmem:s4+$0xF248] =	vst.add.f32.msk @p1 $0xffff, v1  }
0x270: {  	v1 =	vld @p1 [tilespmem:$0xF1A8];
	_ =	sdelay $0x4  }
0x271: {  	[tilespmem:s4+$0xF258] =	vst.add.f32.msk @p1 $0xffff, v1  }
0x272: {  	v1 =	vld @p1 [tilespmem:$0xF1B8];
	_ =	sdelay $0x4  }
0x273: {  	[tilespmem:s4+$0xF268] =	vst.add.f32.msk @p1 $0xffff, v1  }
0x274: {  	v1 =	vld @p1 [tilespmem:$0xF1C8];
	_ =	sdelay $0x4  }
0x275: {  	[tilespmem:s4+$0xF278] =	vst.add.f32.msk @p1 $0xffff, v1  }
0x276: {  	v1 =	vld @p1 [tilespmem:$0xF1D8];
	_ =	sdelay $0x4  }
0x277: {  	[tilespmem:s4+$0xF288] =	vst.add.f32.msk @p1 $0xffff, v1  }
0x278: {  	v1 =	vld @p1 [tilespmem:$0xF1E8];
	_ =	sdelay $0x4  }
0x279: {  	[tilespmem:s4+$0xF298] =	vst.add.f32.msk @p1 $0xffff, v1  }
0x27a: {  	v1 =	vld @p1 [tilespmem:$0xF1F8];
	_ =	sdelay $0x3  }
0x27b: {  	s5 =	sshll.u32 @!p1 s3, $0x9  }
0x27c: {  	s5 =	smov.u32 @p1 s0;
	[tilespmem:s4+$0xF2A8] =	vst.add.f32.msk @p1 $0xffff, v1  }
0x27d: {  	s0 =	sshrl.u32 s5, $0x2;
	[tilespmem:s2+$0xF218] =	vst.msk $0x1, v0  }
0x27e: {  	v0 =	vld [tilespmem:s0+$0xF238];
	_ =	sdelay $0x2  }
0x27f: {  	s31 =	sshll.u32 s2, $0x9  }
0x280: {  	s4 =	sshra.s32 s31, $0x2  }
0x281: {  	[tilespmem:s4+$0xF238] =	vst v0  }
0x282: {  	v0 =	vld [tilespmem:s0+$0xF248];
	_ =	sdelay $0x4  }
0x283: {  	[tilespmem:s4+$0xF248] =	vst v0  }
0x284: {  	v0 =	vld [tilespmem:s0+$0xF258];
	_ =	sdelay $0x4  }
0x285: {  	[tilespmem:s4+$0xF258] =	vst v0  }
0x286: {  	v0 =	vld [tilespmem:s0+$0xF268];
	_ =	sdelay $0x4  }
0x287: {  	[tilespmem:s4+$0xF268] =	vst v0  }
0x288: {  	v0 =	vld [tilespmem:s0+$0xF278];
	_ =	sdelay $0x4  }
0x289: {  	[tilespmem:s4+$0xF278] =	vst v0  }
0x28a: {  	v0 =	vld [tilespmem:s0+$0xF288];
	_ =	sdelay $0x4  }
0x28b: {  	[tilespmem:s4+$0xF288] =	vst v0  }
0x28c: {  	v0 =	vld [tilespmem:s0+$0xF298];
	_ =	sdelay $0x4  }
0x28d: {  	[tilespmem:s4+$0xF298] =	vst v0  }
0x28e: {  	v0 =	vld [tilespmem:s0+$0xF2A8];
	_ =	sdelay $0x4  }
0x28f: {  	s2 =	sadd.s32 $0x1, s2;
	[tilespmem:s4+$0xF2A8] =	vst v0  }
.LBB3_48:
0x290: {  	s3 =	sadd.s32 $0x1, s3  }
0x291: {  	p1 =	sne.s32 s3, $0x20  }
.Ltmp37:
0x292: {  	_ = 	snop;
	(pc) =	sbr.rel @!p1 .LBB3_49-.Ltmp37, $1  }
0x293: {  	_ =	sdelay $0x3  }
.LBB3_41:
0x294: {  	v0 =	vld.msk [tilespmem:s3+$0xF218], $0x1;
	_ =	sdelay $0x4  }
0x295: {  	(v2sf) =	vpush v0, $0x0;
	_ =	sdelay $0xe  }
0x296: {  	s4 =	spop (v2sf)  }
0x297: {  	p1 =	seq.s32 s4, $0xFFFFFFFF  }
.Ltmp38:
0x298: {  	_ = 	snop;
	(pc) =	sbr.rel @p1 .LBB3_48-.Ltmp38, $1  }
0x299: {  	_ =	sdelay $0x3  }
0x29a: {  	p1 =	slt.s32 s2, $0x1  }
.Ltmp39:
0x29b: {  	_ = 	snop;
	(pc) =	sbr.rel @p1 .LBB3_47-.Ltmp39, $1  }
0x29c: {  	_ =	sdelay $0x3  }
0x29d: {  	s5 =	simm.s32 $0xF218;
	p1 =	por $0x0, $0x0  }
0x29e: {  	v1 =	vld.msk @!p1 [tilespmem:s5+$0x0], $0x1;
	_ =	sdelay $0x4  }
0x29f: {  	(v2sf) =	vpush @!p1 v1, $0x0;
	_ =	sdelay $0xd  }
0x2a0: {  	p3 =	sne.s32 s2, $0x1  }
.Ltmp40:
0x2a1: {  	s0 =	spop @!p1 (v2sf);
	(pc) =	sbr.rel @!p3 .LBB3_45-.Ltmp40, $4  }
0x2a2: {  	p2 =	seq.s32 @!p1 s4, s0  }
0x2a3: {  	s6 =	simm.s32 $0x0;
	p2 =	por !p2, p1  }
0x2a4: {  	s7 =	simm.s32 $0xFFFFFFFF;
	s6 =	simm.s32 @p2 $0xFFFFFFFF  }
0x2a5: {  	s0 =	simm.s32 $0x1;
	s6 =	smov.u32 @p1 s7  }
.LBB3_44:
0x2a6: {  	s7 =	smov.u32 s6;
	p1 =	sne.s32 s6, $0xFFFFFFFF  }
0x2a7: {  	s5 =	sadd.s32 $0x1, s5;
	s6 =	smov.u32 s0;
	s0 =	sadd.s32 $0x1, s0  }
0x2a8: {  	p2 =	sne.s32 s2, s0;
	v1 =	vld.msk @!p1 [tilespmem:s5+$0x0], $0x1;
	_ =	sdelay $0x4  }
0x2a9: {  	(v2sf) =	vpush @!p1 v1, $0x0;
	_ =	sdelay $0xe  }
.Ltmp41:
0x2aa: {  	s8 =	spop @!p1 (v2sf);
	(pc) =	sbr.rel @p2 .LBB3_44-.Ltmp41, $4  }
0x2ab: {  	p3 =	seq.s32 @!p1 s4, s8  }
0x2ac: {  	p3 =	por !p3, p1  }
0x2ad: {  	s6 =	simm.s32 @p3 $0xFFFFFFFF  }
0x2ae: {  	s6 =	smov.u32 @p1 s7  }
.LBB3_45:
0x2af: {  	p1 =	seq.s32 s6, $0xFFFFFFFF  }
.Ltmp42:
0x2b0: {  	_ = 	snop;
	(pc) =	sbr.rel @p1 .LBB3_47-.Ltmp42, $1  }
0x2b1: {  	_ =	sdelay $0x3  }
0x2b2: {  	s0 =	sshll.u32 s3, $0x7  }
0x2b3: {  	s0 =	sand.u32 $0x3FFFFF80, s0  }
0x2b4: {  	v0 =	vld [tilespmem:s0+$0xF238];
	_ =	sdelay $0x2  }
0x2b5: {  	s4 =	sshll.u32 s6, $0x9  }
0x2b6: {  	s4 =	sshra.s32 s4, $0x2  }
0x2b7: {  	[tilespmem:s4+$0xF238] =	vst.add.f32.msk $0xffff, v0  }
0x2b8: {  	v0 =	vld [tilespmem:s0+$0xF248];
	_ =	sdelay $0x4  }
0x2b9: {  	[tilespmem:s4+$0xF248] =	vst.add.f32.msk $0xffff, v0  }
0x2ba: {  	v0 =	vld [tilespmem:s0+$0xF258];
	_ =	sdelay $0x4  }
0x2bb: {  	[tilespmem:s4+$0xF258] =	vst.add.f32.msk $0xffff, v0  }
0x2bc: {  	v0 =	vld [tilespmem:s0+$0xF268];
	_ =	sdelay $0x4  }
0x2bd: {  	[tilespmem:s4+$0xF268] =	vst.add.f32.msk $0xffff, v0  }
0x2be: {  	v0 =	vld [tilespmem:s0+$0xF278];
	_ =	sdelay $0x4  }
0x2bf: {  	[tilespmem:s4+$0xF278] =	vst.add.f32.msk $0xffff, v0  }
0x2c0: {  	v0 =	vld [tilespmem:s0+$0xF288];
	_ =	sdelay $0x4  }
0x2c1: {  	[tilespmem:s4+$0xF288] =	vst.add.f32.msk $0xffff, v0  }
0x2c2: {  	v0 =	vld [tilespmem:s0+$0xF298];
	_ =	sdelay $0x4  }
0x2c3: {  	[tilespmem:s4+$0xF298] =	vst.add.f32.msk $0xffff, v0  }
0x2c4: {  	v0 =	vld [tilespmem:s0+$0xF2A8]  }
.Ltmp43:
0x2c5: {  	_ = 	snop;
	(pc) =	sbr.rel .LBB3_48-.Ltmp43, $2  }
0x2c6: {  	_ =	sdelay $0x2  }
0x2c7: {  	[tilespmem:s4+$0xF2A8] =	vst.add.f32.msk $0xffff, v0  }
.LBB3_49:
0x2c8: {  	p1 =	slt.s32 s2, $0x1  }
.Ltmp44:
0x2c9: {  	_ = 	snop;
	(pc) =	sbr.rel @p1 .LBB3_53-.Ltmp44, $3  }
0x2ca: {  	_ =	sdelay $0x1  }
0x2cb: {  	s0 =	simm.s32 $0x8  }
0x2cc: {  	s3 =	simm.s32 $0x0;
	[sflag:s0] =	ssyncpa.u1 $0x1  }
0x2cd: {  	s0 =	simm.s32 $0xF218  }
0x2ce: {  	v0 =	vld.msk [tilespmem:s0+$0x0], $0x1;
	_ =	sdelay $0x4  }
0x2cf: {  	(v2sf) =	vpush v0, $0x0;
	_ =	sdelay $0xe  }
0x2d0: {  	s0 =	sadd.s32 $0xFFFFFFFF, s2;
	s5 =	spop (v2sf)  }
0x2d1: {  	p2 =	sne.s32 s0, $0x0;
	p1 =	sgt.u32 s5, $0x27FF0  }
.Ltmp45:
0x2d2: {  	s6 =	sand.u32 @!p1 $0x3FFF8, s5;
	(pc) =	sbr.rel @!p2 .LBB3_52-.Ltmp45, $4  }
0x2d3: {  	s4 =	simm.s32 $0xF238;
	s5 =	sand.u32 @!p1 $0x7, s5;
	s2 =	sadd.s32 @!p1 s1, s6  }
0x2d4: {  	[hbm4b:s2+s5] =	stream.linear.scatter @!p1 [tilespmem:s4], [sflag:$0x7], $0x80, $0x38;
	[tilespmem:$0x1F6F8] =	vst v63  }
0x2d5: {  	s5 =	simm.s32 $0x0  }
0x2d6: {  	s2 =	simm.s32 $0xF219;
	s5 =	simm.s32 @!p1 $0x200  }
.LBB3_51:
0x2d7: {  	v0 =	vld.msk [tilespmem:s2+$0x0], $0x1;
	s0 =	sadd.s32 $0xFFFFFFFF, s0;
	s3 =	sadd.s32 s3, s5  }
0x2d8: {  	p1 =	sne.s32 s0, $0x0;
	_ =	sdelay $0x3  }
0x2d9: {  	(v2sf) =	vpush v0, $0x0;
	_ =	sdelay $0xe  }
.Ltmp46:
0x2da: {  	s6 =	spop (v2sf);
	(pc) =	sbr.rel @p1 .LBB3_51-.Ltmp46, $4  }
0x2db: {  	s5 =	simm.s32 $0x0;
	p2 =	sgt.u32 s6, $0x27FF0  }
0x2dc: {  	s4 =	sadd.s32 $0x80, s4;
	s5 =	simm.s32 @!p2 $0x200;
	s7 =	sand.u32 @!p2 $0x3FFF8, s6  }
0x2dd: {  	s2 =	sadd.s32 $0x1, s2;
	s6 =	sand.u32 @!p2 $0x7, s6;
	s7 =	sadd.s32 @!p2 s1, s7  }
0x2de: {  	[hbm4b:s7+s6] =	stream.linear.scatter @!p2 [tilespmem:s4], [sflag:$0x7], $0x80, $0x38;
	[tilespmem:$0x1F6F8] =	vst v63  }
.LBB3_52:
0x2df: {  	s0 =	sadd.s32 s3, s5  }
0x2e0: {  	s3 =	sshrl.u32 s0, $0x2  }
.LBB3_53:
0x2e1: {  	s0 =	simm.s32 $0x7  }
0x2e2: {  	_ =	swait.ge [sflag:s0], s3  }
0x2e3: {  	s1 =	ssub.s32 $0x0, s3;
	[sflag:s0] =	ssyncset.done $0x0  }
0x2e4: {  	[sflag:s0] =	ssyncadd.s32 s1  }
0x2e5: {  	[sflag:s0] =	ssyncpa.u1 $0x1  }
.LBB3_54:
0x2e6: {  	_ =	sfence;
	s0 =	simm.s32 $0x1  }
0x2e7: {  	[sflag:s0] =	ssyncpa.u1 $0x1  }
0x2e8: {  	_ =	strace $0x90000067  }
0x2e9: {  	[bflag:$0x2] =	sbarrier.arrive $0xFFFF  }
0x2ea: {  	s0 =	rddreg [dreg:$0x3]  }
0x2eb: {  	s0 =	sadd.s32 @!p0 $0x100000, s0  }
0x2ec: {  	[sflag:s0] =	ssyncadd.tile.s32 @!p0 $0x1;
	_ =	shalt  }
.Lfunc_end3:
_tile_overlayer_lowered:
.L_overlay_start_3:
0x2ed: {  	(tag) =	ssettag $0x3  }
0x2ee: {  	s0 =	rddreg [dreg:$0x0];
	s2 =	stileid.u32  }
0x2ef: {  	s1 =	rddreg [dreg:$0x1];
	p0 =	sne.s32 s2, $0x0  }
0x2f0: {  	s3 =	rddreg [dreg:$0x2];
	[bflag:$0x3] =	sbarrier.arrive $0xFFFF;
	s2 =	simm.s32 @!p0 $0x1C01  }
0x2f1: {  	[timem:s3], [sflag:s2] =	dma.local @!p0 [hbm:s0], s1  }
0x2f2: {  	s0 =	simm.s32 @!p0 $0x1  }
0x2f3: {  	_ =	swait.ge @!p0 [sflag:s0], s1  }
0x2f4: {  	s1 =	ssub.s32 @!p0 $0x0, s1;
	[sflag:s0] =	ssyncset.done @!p0 $0x0  }
0x2f5: {  	[sflag:s0] =	ssyncadd.s32 @!p0 s1  }
0x2f6: {  	[bflag:$0x3] =	sbarrier.arrive $0xFFFF  }
0x2f7: {  	_ =	shalt  }

// kernel: scatter_offload_async_start.2
scs
__scs_entry_jumppad:
0x0: {  	(pc) =	sbr.rel $0x88, $3  }
0x1: {  	(tag) =	ssettag $0x0;
	lr =	simm.s32 $0x1  }
0x2: {  	[smem:$0x3F8B] =	sst lr;
	_ =	strace $0xD0000000  }
0x3: {  	_ = 	snop  }
0x4: {  	_ = 	snop  }
0x5: {  	_ = 	snop  }
0x6: {  	_ = 	snop  }
0x7: {  	_ = 	snop  }
__scs_overlays_trampoline_lowered:
0x8: {  	[smem:$0x3F9A] =	sst s0  }
0x9: {  	[smem:$0x3F9B] =	sst s1  }
0xa: {  	[smem:$0x3F9C] =	sst s2  }
0xb: {  	[smem:$0x3F9D] =	sst s3  }
0xc: {  	[smem:$0x3F9E] =	sst s4  }
0xd: {  	[smem:$0x3F9F] =	sst s5  }
0xe: {  	[smem:$0x3FA0] =	sst s6  }
0xf: {  	[smem:$0x3FA1] =	sst s7  }
0x10: {  	[smem:$0x3FA2] =	sst s8  }
0x11: {  	[smem:$0x3FA3] =	sst s9;
	s0 =	simm.s32 @!p0 $0x0  }
0x12: {  	s1 =	sld [smem:$0x3F89];
	s0 =	simm.s32 @p0 $0x1  }
0x13: {  	[smem:$0x3FA4] =	sst s0;
	s0 =	simm.s32 @!p1 $0x0  }
0x14: {  	s2 =	sld [smem:$0x3F88];
	s0 =	simm.s32 @p1 $0x1  }
0x15: {  	[smem:$0x3FA5] =	sst s0;
	s0 =	simm.s32 @!p2 $0x0  }
0x16: {  	s3 =	sld [smem:$0x3FDB];
	s0 =	simm.s32 @p2 $0x1  }
0x17: {  	s4 =	simm.s32 $0x1BF5;
	[smem:$0x3FA7] =	sst s0  }
0x18: {  	s0 =	sld [smem:$0x3F8A];
	_ =	swait.ge [sflag:s4], $0x0  }
0x19: {  	s7 =	sld [smem:$0x3F8B]  }
0x1a: {  	s8 =	sadd.s32 $0xFFFFE003, lr  }
0x1b: {  	s9 =	sadd.s32 $0xFFFFFEF7, lr;
	s5 =	simm.s32 $0xFFFFFFFF;
	p2 =	slt.u32 s8, $0xFFFFF086  }
0x1c: {  	p1 =	slt.u32 s9, $0xF7A;
	s5 =	simm.s32 @!p2 $0x0  }
0x1d: {  	s5 =	simm.s32 @p1 $0x1;
	p0 =	seq.s32 s7, s2  }
0x1e: {  	s7 =	smul.u32 @!p0 $0xF7A, s2;
	p2 =	seq.s32 @!p0 s5, $0x0  }
0x1f: {  	s9 =	smul.u32 $0xF7A, s1;
	s8 =	simm.s32 @!p0 $0x1BF5;
	p2 =	por !p2, p0  }
0x20: {  	[sflag:s8] =	ssyncset.s32 @!p0 $0xFFFFF086;
	s6 =	sadd.s32 @!p0 s3, s7;
	s7 =	simm.s32 @!p0 $0x108  }
0x21: {  	s3 =	sadd.s32 s3, s9;
	s6 =	sadd.s32 @!p0 $0x88, s6;
	s7 =	simm.s32 @p2 $0x1082  }
0x22: {  	[simem:s7], [sflag:s8] =	dma.local @!p0 [hbm:s6], $0xF7A  }
0x23: {  	s9 =	sor.u32 $0xD0000000, s2;
	s6 =	simm.s32 $0x108;
	_ =	swait.ge @!p0 [sflag:s8], $0x0  }
0x24: {  	s3 =	sadd.s32 $0x88, s3;
	s6 =	simm.s32 @!p1 $0x1082;
	[sflag:s4] =	ssyncset.s32 $0xFFFFF086  }
0x25: {  	[simem:s6], [sflag:s4] =	dma.local [hbm:s3], $0xF7A  }
0x26: {  	[smem:$0x3F8B] =	sst s1;
	(tag) =	ssettag s2;
	_ =	strace s9  }
0x27: {  	s1 =	sld [smem:$0x3F9B]  }
0x28: {  	s2 =	sld [smem:$0x3F9C]  }
0x29: {  	s4 =	sld [smem:$0x3F9E]  }
0x2a: {  	p0 =	seq.s32 s5, $0x0;
	s5 =	sld [smem:$0x3F9F]  }
0x2b: {  	s6 =	sld [smem:$0x3FA0]  }
0x2c: {  	s7 =	sld [smem:$0x3FA1]  }
0x2d: {  	s3 =	simm.s32 $0x108;
	s8 =	sld [smem:$0x3FA2]  }
0x2e: {  	s3 =	simm.s32 @!p0 $0x1082;
	s9 =	sld [smem:$0x3FA3]  }
0x2f: {  	lr =	sadd.s32 s0, s3;
	s0 =	sld [smem:$0x3F9A]  }
0x30: {  	s3 =	sld [smem:$0x3F9D]  }
0x31: {  	[smem:$0x3FA6] =	sst s10  }
0x32: {  	s10 =	sld [smem:$0x3FA4];
	_ =	sdelay $0x3  }
0x33: {  	p0 =	seq.s32 s10, $0x1;
	s10 =	sld [smem:$0x3FA6];
	_ =	sdelay $0x3  }
0x34: {  	[smem:$0x3FA6] =	sst s10  }
0x35: {  	s10 =	sld [smem:$0x3FA5];
	_ =	sdelay $0x3  }
0x36: {  	p1 =	seq.s32 s10, $0x1;
	s10 =	sld [smem:$0x3FA6];
	_ =	sdelay $0x3  }
0x37: {  	[smem:$0x3FA6] =	sst s10  }
0x38: {  	s10 =	sld [smem:$0x3FA7]  }
0x39: {  	_ = 	snop;
	(pc) =	sbr.ind lr, $3  }
0x3a: {  	_ = 	snop  }
0x3b: {  	_ = 	snop  }
0x3c: {  	p2 =	seq.s32 s10, $0x1;
	s10 =	sld [smem:$0x3FA6]  }
0x3d: {  	_ =	shalt  }
0x3e: {  	_ =	shalt  }
0x3f: {  	_ =	shalt  }
0x40: {  	_ =	shalt  }
0x41: {  	_ =	shalt  }
0x42: {  	_ =	shalt  }
0x43: {  	_ =	shalt  }
0x44: {  	_ =	shalt  }
0x45: {  	_ =	shalt  }
0x46: {  	_ =	shalt  }
0x47: {  	_ =	shalt  }
0x48: {  	_ =	shalt  }
0x49: {  	_ =	shalt  }
0x4a: {  	_ =	shalt  }
0x4b: {  	_ =	shalt  }
0x4c: {  	_ =	shalt  }
0x4d: {  	_ =	shalt  }
0x4e: {  	_ =	shalt  }
0x4f: {  	_ =	shalt  }
0x50: {  	_ =	shalt  }
0x51: {  	_ =	shalt  }
0x52: {  	_ =	shalt  }
0x53: {  	_ =	shalt  }
0x54: {  	_ =	shalt  }
0x55: {  	_ =	shalt  }
0x56: {  	_ =	shalt  }
0x57: {  	_ =	shalt  }
0x58: {  	_ =	shalt  }
0x59: {  	_ =	shalt  }
0x5a: {  	_ =	shalt  }
0x5b: {  	_ =	shalt  }
0x5c: {  	_ =	shalt  }
0x5d: {  	_ =	shalt  }
0x5e: {  	_ =	shalt  }
0x5f: {  	_ =	shalt  }
0x60: {  	_ =	shalt  }
0x61: {  	_ =	shalt  }
0x62: {  	_ =	shalt  }
0x63: {  	_ =	shalt  }
0x64: {  	_ =	shalt  }
0x65: {  	_ =	shalt  }
0x66: {  	_ =	shalt  }
0x67: {  	_ =	shalt  }
0x68: {  	_ =	shalt  }
0x69: {  	_ =	shalt  }
0x6a: {  	_ =	shalt  }
0x6b: {  	_ =	shalt  }
0x6c: {  	_ =	shalt  }
0x6d: {  	_ =	shalt  }
0x6e: {  	_ =	shalt  }
0x6f: {  	_ =	shalt  }
0x70: {  	_ =	shalt  }
0x71: {  	_ =	shalt  }
0x72: {  	_ =	shalt  }
0x73: {  	_ =	shalt  }
0x74: {  	_ =	shalt  }
0x75: {  	_ =	shalt  }
0x76: {  	_ =	shalt  }
0x77: {  	_ =	shalt  }
0x78: {  	_ =	shalt  }
0x79: {  	_ =	shalt  }
0x7a: {  	_ =	shalt  }
0x7b: {  	_ =	shalt  }
0x7c: {  	_ =	shalt  }
0x7d: {  	_ =	shalt  }
0x7e: {  	_ =	shalt  }
0x7f: {  	_ =	shalt  }
0x80: {  	_ =	shalt  }
0x81: {  	_ =	shalt  }
0x82: {  	_ =	shalt  }
0x83: {  	_ =	shalt  }
0x84: {  	_ =	shalt  }
0x85: {  	_ =	shalt  }
0x86: {  	_ =	shalt  }
0x87: {  	_ =	shalt  }
.Lfunc_end0:
.L_simem_size_0:
called_computation.2_lowered:
.L_overlay_start_0:
0x88: {  	s2 =	sld [smem:$0x3FD9]  }
0x89: {  	s3 =	sld [smem:$0x3FFE];
	_ =	sdelay $0x1  }
0x8a: {  	s1 =	srdreg.scid  }
0x8b: {  	s0 =	sand.u32 $0x1, s1  }
0x8c: {  	s15 =	sshll.u32 s0, $0xA;
	s2 =	sadd.s32 s3, s2  }
0x8d: {  	s2 =	sadd.s32 s2, s15  }
0x8e: {  	[smem:$0x3FB2] =	sst s2  }
0x8f: {  	_ = 	snop  }
0x90: {  	(tm) =	ssettm $0x1  }
0x91: {  	s16 =	sld [smem:$0x3FFB];
	_ =	sdelay $0x3  }
0x92: {  	_ =	strace s16  }
0x93: {  	s2 =	sld [smem:$0x3FFC];
	_ =	sdelay $0x3  }
0x94: {  	_ =	strace s2  }
0x95: {  	s2 =	sld [smem:$0x3FFD];
	_ =	sdelay $0x3  }
0x96: {  	_ =	strace s2  }
0x97: {  	_ =	strace $0x8FFFFFFF  }
0x98: {  	s17 =	sld [smem:$0x3FDB];
	_ =	sdelay $0x1  }
0x99: {  	s18 =	simm.s32 $_scs_section_size  }
0x9a: {  	s4 =	simm.s32 $_size__tile_overlayer_lowered;
	s5 =	simm.s32 $_tile_overlayer_lowered  }
0x9b: {  	s21 =	simm.s32 $0x1BFF;
	s20 =	sshll.u32 s5, $0x1;
	s2 =	sadd.s32 s18, s17  }
0x9c: {  	s6 =	simm.s32 $0x0;
	s19 =	sshll.u32 s4, $0x1;
	s4 =	sadd.s32 s20, s2  }
0x9d: {  	[timem:s6], [sflag:s21] =	dma.local [hbm:s4], s19  }
0x9e: {  	_ =	swait.ge [sflag:s21], s19  }
0x9f: {  	s3 =	ssub.s32 $0x0, s19;
	[sflag:s21] =	ssyncset.done $0x0  }
0xa0: {  	[sflag:s21] =	ssyncadd.s32 s3;
	_ =	sdelay $0x1  }
0xa1: {  	s22 =	simm.s32 $0x1B8B  }
0xa2: {  	_ =	swait.ge [sflag:s22], $0x1  }
0xa3: {  	[sflag:s22] =	ssyncset.done $0x0  }
0xa4: {  	s23 =	sld [smem:$0x3FFE];
	[sflag:s22] =	ssyncadd.s32 $0xFFFFFFFF  }
0xa5: {  	s25 =	simm.s32 $0x1B8E;
	s24 =	sld [smem:$0x0]  }
0xa6: {  	s26 =	simm.s32 $execute0_lowered;
	[smem:$0x3FD2] =	sst s25  }
0xa7: {  	s5 =	sshll.u32 s26, $0x1;
	_ =	strace $0x8000005A;
	[dreg:$0x1] =	wrdreg $0xFFFFFFFF  }
0xa8: {  	s28 =	simm.s32 $_size_execute0_lowered;
	s2 =	sadd.s32 s2, s5;
	[dreg:$0x0] =	wrdreg $0x0  }
0xa9: {  	s5 =	sshll.u32 s28, $0x1;
	[dreg:$0x2] =	wrdreg s2  }
0xaa: {  	[dreg:$0x3] =	wrdreg s5  }
0xab: {  	[dreg:$0x4] =	wrdreg $0xC0  }
0xac: {  	_ =	task [dreg:s6], $0x5FFFF  }
0xad: {  	[dreg:$0x1] =	wrdreg $0xFFFFFFFF  }
0xae: {  	[dreg:$0x0] =	wrdreg $0x60  }
0xaf: {  	[dreg:$0x2] =	wrdreg s23  }
0xb0: {  	[dreg:$0x3] =	wrdreg s1  }
0xb1: {  	[dreg:$0x4] =	wrdreg s24  }
0xb2: {  	[dreg:$0x5] =	wrdreg $0xD  }
0xb3: {  	_ =	task.clear_ibuf [dreg:s6], $0x6FFFF;
	_ =	strace $0x9000005A  }
0xb4: {  	s29 =	simm.s32 $0xD;
	_ =	strace $0x8000005C  }
0xb5: {  	_ =	swait.ge [sflag:s29], $0x1  }
0xb6: {  	[sflag:s29] =	ssyncadd.s32 $0xFFFFFFFF  }
0xb7: {  	_ =	strace $0x9000005C  }
0xb8: {  	_ =	sfence  }
0xb9: {  	s30 =	sld [smem:$0x0];
	_ =	sdelay $0x2  }
0xba: {  	s31 =	sshll.u32 s1, $0xD;
	s1 =	sshrl.u32 s1, $0x2  }
0xbb: {  	s3 =	sand.u32 $0x4000, s31;
	s1 =	sadd.s32 s1, s30  }
0xbc: {  	s0 =	sor.u32 s3, s0;
	s1 =	sshll.u32 s1, $0x11  }
0xbd: {  	s0 =	sor.u32 s1, s0  }
0xbe: {  	s0 =	sadd.s32 $0x8F2B, s0  }
0xbf: {  	[sflag:s0] =	ssyncadd.remote.s32 $0x1  }
0xc0: {  	_ =	sfence.sel $0xFFFF  }
0xc1: {  	[dreg:$0x0] =	wrdreg $0xFFFFFFFF;
	(pc) =	sbr.abs _section_cstart, $3  }
0xc2: {  	[dreg:$0x1] =	wrdreg $0xFFFFFFFF  }
0xc3: {  	_ =	task.clear_ibuf [dreg:s6], $0x2FFFF;
	_ =	strace $0x9FFFFFFF  }
0xc4: {  	(tm) =	ssettm $0x7FFFFFFF  }
0xc5: {  	_ =	shalt  }
tec
execute0_lowered:
.L_overlay_start_1:
0x0: {  	(tag) =	ssettag $0x1  }
0x1: {  	s11 =	rddreg [dreg:$0x0]  }
0x2: {  	s2 =	rddreg [dreg:$0x1];
	_ =	strace $0x8000005B;
	s12 =	simm.s32 $0x1  }
0x3: {  	v0 =	vimm.s32 $0x0;
	[sflag:s12] =	ssyncpa.u1 $0x0  }
0x4: {  	[tilespmem:$0x28] =	vst v0  }
0x5: {  	[tilespmem:$0x38] =	vst v0  }
0x6: {  	[tilespmem:$0x48] =	vst v0  }
0x7: {  	[tilespmem:$0x58] =	vst v0  }
0x8: {  	[tilespmem:$0x68] =	vst v0  }
0x9: {  	[tilespmem:$0x78] =	vst v0  }
0xa: {  	[tilespmem:$0x88] =	vst v0  }
0xb: {  	[tilespmem:$0x98] =	vst v0  }
0xc: {  	[tilespmem:$0xA8] =	vst v0  }
0xd: {  	[tilespmem:$0xB8] =	vst v0  }
0xe: {  	[tilespmem:$0xC8] =	vst v0  }
0xf: {  	[tilespmem:$0xD8] =	vst v0  }
0x10: {  	[tilespmem:$0xE8] =	vst v0  }
0x11: {  	[tilespmem:$0xF8] =	vst v0  }
0x12: {  	[tilespmem:$0x108] =	vst v0  }
0x13: {  	[tilespmem:$0x118] =	vst v0  }
0x14: {  	[tilespmem:$0x128] =	vst v0  }
0x15: {  	[tilespmem:$0x138] =	vst v0  }
0x16: {  	[tilespmem:$0x148] =	vst v0  }
0x17: {  	[tilespmem:$0x158] =	vst v0  }
0x18: {  	[tilespmem:$0x168] =	vst v0  }
0x19: {  	[tilespmem:$0x178] =	vst v0  }
0x1a: {  	[tilespmem:$0x188] =	vst v0  }
0x1b: {  	[tilespmem:$0x198] =	vst v0  }
0x1c: {  	[tilespmem:$0x1A8] =	vst v0  }
0x1d: {  	[tilespmem:$0x1B8] =	vst v0  }
0x1e: {  	[tilespmem:$0x1C8] =	vst v0  }
0x1f: {  	[tilespmem:$0x1D8] =	vst v0  }
0x20: {  	[tilespmem:$0x1E8] =	vst v0  }
0x21: {  	[tilespmem:$0x1F8] =	vst v0  }
0x22: {  	[tilespmem:$0x208] =	vst v0  }
0x23: {  	[tilespmem:$0x218] =	vst v0  }
0x24: {  	[tilespmem:$0x228] =	vst v0  }
0x25: {  	[tilespmem:$0x238] =	vst v0  }
0x26: {  	[tilespmem:$0x248] =	vst v0  }
0x27: {  	[tilespmem:$0x258] =	vst v0  }
0x28: {  	[tilespmem:$0x268] =	vst v0  }
0x29: {  	[tilespmem:$0x278] =	vst v0  }
0x2a: {  	[tilespmem:$0x288] =	vst v0  }
0x2b: {  	[tilespmem:$0x298] =	vst v0  }
0x2c: {  	[tilespmem:$0x2A8] =	vst v0  }
0x2d: {  	[tilespmem:$0x2B8] =	vst v0  }
0x2e: {  	[tilespmem:$0x2C8] =	vst v0  }
0x2f: {  	[tilespmem:$0x2D8] =	vst v0  }
0x30: {  	[tilespmem:$0x2E8] =	vst v0  }
0x31: {  	[tilespmem:$0x2F8] =	vst v0  }
0x32: {  	[tilespmem:$0x308] =	vst v0  }
0x33: {  	[tilespmem:$0x318] =	vst v0  }
0x34: {  	[tilespmem:$0x328] =	vst v0  }
0x35: {  	[tilespmem:$0x338] =	vst v0  }
0x36: {  	[tilespmem:$0x348] =	vst v0  }
0x37: {  	[tilespmem:$0x358] =	vst v0  }
0x38: {  	[tilespmem:$0x368] =	vst v0  }
0x39: {  	[tilespmem:$0x378] =	vst v0  }
0x3a: {  	[tilespmem:$0x388] =	vst v0  }
0x3b: {  	[tilespmem:$0x398] =	vst v0  }
0x3c: {  	[tilespmem:$0x3A8] =	vst v0  }
0x3d: {  	[tilespmem:$0x3B8] =	vst v0  }
0x3e: {  	[tilespmem:$0x3C8] =	vst v0  }
0x3f: {  	[tilespmem:$0x3D8] =	vst v0  }
0x40: {  	[tilespmem:$0x3E8] =	vst v0  }
0x41: {  	[tilespmem:$0x3F8] =	vst v0  }
0x42: {  	[tilespmem:$0x408] =	vst v0  }
0x43: {  	[tilespmem:$0x418] =	vst v0  }
0x44: {  	[tilespmem:$0x428] =	vst v0  }
0x45: {  	[tilespmem:$0x438] =	vst v0  }
0x46: {  	[tilespmem:$0x448] =	vst v0  }
0x47: {  	[tilespmem:$0x458] =	vst v0  }
0x48: {  	[tilespmem:$0x468] =	vst v0  }
0x49: {  	[tilespmem:$0x478] =	vst v0  }
0x4a: {  	[tilespmem:$0x488] =	vst v0  }
0x4b: {  	[tilespmem:$0x498] =	vst v0  }
0x4c: {  	[tilespmem:$0x4A8] =	vst v0  }
0x4d: {  	[tilespmem:$0x4B8] =	vst v0  }
0x4e: {  	[tilespmem:$0x4C8] =	vst v0  }
0x4f: {  	[tilespmem:$0x4D8] =	vst v0  }
0x50: {  	[tilespmem:$0x4E8] =	vst v0  }
0x51: {  	[tilespmem:$0x4F8] =	vst v0  }
0x52: {  	[tilespmem:$0x508] =	vst v0  }
0x53: {  	[tilespmem:$0x518] =	vst v0  }
0x54: {  	[tilespmem:$0x528] =	vst v0  }
0x55: {  	[tilespmem:$0x538] =	vst v0  }
0x56: {  	[tilespmem:$0x548] =	vst v0  }
0x57: {  	[tilespmem:$0x558] =	vst v0  }
0x58: {  	[tilespmem:$0x568] =	vst v0  }
0x59: {  	[tilespmem:$0x578] =	vst v0  }
0x5a: {  	[tilespmem:$0x588] =	vst v0  }
0x5b: {  	[tilespmem:$0x598] =	vst v0  }
0x5c: {  	[tilespmem:$0x5A8] =	vst v0  }
0x5d: {  	[tilespmem:$0x5B8] =	vst v0  }
0x5e: {  	[tilespmem:$0x5C8] =	vst v0  }
0x5f: {  	[tilespmem:$0x5D8] =	vst v0  }
0x60: {  	[tilespmem:$0x5E8] =	vst v0  }
0x61: {  	[tilespmem:$0x5F8] =	vst v0  }
0x62: {  	[tilespmem:$0x608] =	vst v0  }
0x63: {  	[tilespmem:$0x618] =	vst v0  }
0x64: {  	[tilespmem:$0x628] =	vst v0  }
0x65: {  	[tilespmem:$0x638] =	vst v0  }
0x66: {  	[tilespmem:$0x648] =	vst v0  }
0x67: {  	[tilespmem:$0x658] =	vst v0  }
0x68: {  	[tilespmem:$0x668] =	vst v0  }
0x69: {  	[tilespmem:$0x678] =	vst v0  }
0x6a: {  	[tilespmem:$0x688] =	vst v0  }
0x6b: {  	[tilespmem:$0x698] =	vst v0  }
0x6c: {  	[tilespmem:$0x6A8] =	vst v0  }
0x6d: {  	[tilespmem:$0x6B8] =	vst v0  }
0x6e: {  	[tilespmem:$0x6C8] =	vst v0  }
0x6f: {  	[tilespmem:$0x6D8] =	vst v0  }
0x70: {  	[tilespmem:$0x6E8] =	vst v0  }
0x71: {  	[tilespmem:$0x6F8] =	vst v0  }
0x72: {  	[tilespmem:$0x708] =	vst v0  }
0x73: {  	[tilespmem:$0x718] =	vst v0  }
0x74: {  	[tilespmem:$0x728] =	vst v0  }
0x75: {  	[tilespmem:$0x738] =	vst v0  }
0x76: {  	[tilespmem:$0x748] =	vst v0  }
0x77: {  	[tilespmem:$0x758] =	vst v0  }
0x78: {  	[tilespmem:$0x768] =	vst v0  }
0x79: {  	[tilespmem:$0x778] =	vst v0  }
0x7a: {  	[tilespmem:$0x788] =	vst v0  }
0x7b: {  	[tilespmem:$0x798] =	vst v0  }
0x7c: {  	[tilespmem:$0x7A8] =	vst v0  }
0x7d: {  	[tilespmem:$0x7B8] =	vst v0  }
0x7e: {  	[tilespmem:$0x7C8] =	vst v0  }
0x7f: {  	[tilespmem:$0x7D8] =	vst v0  }
0x80: {  	[tilespmem:$0x7E8] =	vst v0  }
0x81: {  	[tilespmem:$0x7F8] =	vst v0  }
0x82: {  	[tilespmem:$0x808] =	vst v0  }
0x83: {  	[tilespmem:$0x818] =	vst v0  }
0x84: {  	[tilespmem:$0x828] =	vst v0  }
0x85: {  	[tilespmem:$0x838] =	vst v0  }
0x86: {  	[tilespmem:$0x848] =	vst v0  }
0x87: {  	[tilespmem:$0x858] =	vst v0  }
0x88: {  	[tilespmem:$0x868] =	vst v0  }
0x89: {  	[tilespmem:$0x878] =	vst v0  }
0x8a: {  	[tilespmem:$0x888] =	vst v0  }
0x8b: {  	[tilespmem:$0x898] =	vst v0  }
0x8c: {  	[tilespmem:$0x8A8] =	vst v0  }
0x8d: {  	[tilespmem:$0x8B8] =	vst v0  }
0x8e: {  	[tilespmem:$0x8C8] =	vst v0  }
0x8f: {  	[tilespmem:$0x8D8] =	vst v0  }
0x90: {  	[tilespmem:$0x8E8] =	vst v0  }
0x91: {  	[tilespmem:$0x8F8] =	vst v0  }
0x92: {  	[tilespmem:$0x908] =	vst v0  }
0x93: {  	[tilespmem:$0x918] =	vst v0  }
0x94: {  	[tilespmem:$0x928] =	vst v0  }
0x95: {  	[tilespmem:$0x938] =	vst v0  }
0x96: {  	[tilespmem:$0x948] =	vst v0  }
0x97: {  	[tilespmem:$0x958] =	vst v0  }
0x98: {  	[tilespmem:$0x968] =	vst v0  }
0x99: {  	[tilespmem:$0x978] =	vst v0  }
0x9a: {  	[tilespmem:$0x988] =	vst v0  }
0x9b: {  	[tilespmem:$0x998] =	vst v0  }
0x9c: {  	[tilespmem:$0x9A8] =	vst v0  }
0x9d: {  	[tilespmem:$0x9B8] =	vst v0  }
0x9e: {  	[tilespmem:$0x9C8] =	vst v0  }
0x9f: {  	[tilespmem:$0x9D8] =	vst v0  }
0xa0: {  	[tilespmem:$0x9E8] =	vst v0  }
0xa1: {  	[tilespmem:$0x9F8] =	vst v0  }
0xa2: {  	[tilespmem:$0xA08] =	vst v0  }
0xa3: {  	[tilespmem:$0xA18] =	vst v0  }
0xa4: {  	[tilespmem:$0xA28] =	vst v0  }
0xa5: {  	[tilespmem:$0xA38] =	vst v0  }
0xa6: {  	[tilespmem:$0xA48] =	vst v0  }
0xa7: {  	[tilespmem:$0xA58] =	vst v0  }
0xa8: {  	[tilespmem:$0xA68] =	vst v0  }
0xa9: {  	[tilespmem:$0xA78] =	vst v0  }
0xaa: {  	[tilespmem:$0xA88] =	vst v0  }
0xab: {  	[tilespmem:$0xA98] =	vst v0  }
0xac: {  	[tilespmem:$0xAA8] =	vst v0  }
0xad: {  	[tilespmem:$0xAB8] =	vst v0  }
0xae: {  	[tilespmem:$0xAC8] =	vst v0  }
0xaf: {  	[tilespmem:$0xAD8] =	vst v0  }
0xb0: {  	[tilespmem:$0xAE8] =	vst v0  }
0xb1: {  	[tilespmem:$0xAF8] =	vst v0  }
0xb2: {  	[tilespmem:$0xB08] =	vst v0  }
0xb3: {  	[tilespmem:$0xB18] =	vst v0  }
0xb4: {  	[tilespmem:$0xB28] =	vst v0  }
0xb5: {  	[tilespmem:$0xB38] =	vst v0  }
0xb6: {  	[tilespmem:$0xB48] =	vst v0  }
0xb7: {  	[tilespmem:$0xB58] =	vst v0  }
0xb8: {  	[tilespmem:$0xB68] =	vst v0  }
0xb9: {  	[tilespmem:$0xB78] =	vst v0  }
0xba: {  	[tilespmem:$0xB88] =	vst v0  }
0xbb: {  	[tilespmem:$0xB98] =	vst v0  }
0xbc: {  	[tilespmem:$0xBA8] =	vst v0  }
0xbd: {  	[tilespmem:$0xBB8] =	vst v0  }
0xbe: {  	[tilespmem:$0xBC8] =	vst v0  }
0xbf: {  	[tilespmem:$0xBD8] =	vst v0  }
0xc0: {  	[tilespmem:$0xBE8] =	vst v0  }
0xc1: {  	[tilespmem:$0xBF8] =	vst v0  }
0xc2: {  	[tilespmem:$0xC08] =	vst v0  }
0xc3: {  	[tilespmem:$0xC18] =	vst v0  }
0xc4: {  	[tilespmem:$0xC28] =	vst v0  }
0xc5: {  	[tilespmem:$0xC38] =	vst v0  }
0xc6: {  	[tilespmem:$0xC48] =	vst v0  }
0xc7: {  	[tilespmem:$0xC58] =	vst v0  }
0xc8: {  	[tilespmem:$0xC68] =	vst v0  }
0xc9: {  	[tilespmem:$0xC78] =	vst v0  }
0xca: {  	[tilespmem:$0xC88] =	vst v0  }
0xcb: {  	[tilespmem:$0xC98] =	vst v0  }
0xcc: {  	[tilespmem:$0xCA8] =	vst v0  }
0xcd: {  	[tilespmem:$0xCB8] =	vst v0  }
0xce: {  	[tilespmem:$0xCC8] =	vst v0  }
0xcf: {  	[tilespmem:$0xCD8] =	vst v0  }
0xd0: {  	[tilespmem:$0xCE8] =	vst v0  }
0xd1: {  	[tilespmem:$0xCF8] =	vst v0  }
0xd2: {  	[tilespmem:$0xD08] =	vst v0  }
0xd3: {  	[tilespmem:$0xD18] =	vst v0  }
0xd4: {  	[tilespmem:$0xD28] =	vst v0  }
0xd5: {  	[tilespmem:$0xD38] =	vst v0  }
0xd6: {  	[tilespmem:$0xD48] =	vst v0  }
0xd7: {  	[tilespmem:$0xD58] =	vst v0  }
0xd8: {  	[tilespmem:$0xD68] =	vst v0  }
0xd9: {  	[tilespmem:$0xD78] =	vst v0  }
0xda: {  	[tilespmem:$0xD88] =	vst v0  }
0xdb: {  	[tilespmem:$0xD98] =	vst v0  }
0xdc: {  	[tilespmem:$0xDA8] =	vst v0  }
0xdd: {  	[tilespmem:$0xDB8] =	vst v0  }
0xde: {  	[tilespmem:$0xDC8] =	vst v0  }
0xdf: {  	[tilespmem:$0xDD8] =	vst v0  }
0xe0: {  	[tilespmem:$0xDE8] =	vst v0  }
0xe1: {  	[tilespmem:$0xDF8] =	vst v0  }
0xe2: {  	[tilespmem:$0xE08] =	vst v0  }
0xe3: {  	[tilespmem:$0xE18] =	vst v0  }
0xe4: {  	[tilespmem:$0xE28] =	vst v0  }
0xe5: {  	[tilespmem:$0xE38] =	vst v0  }
0xe6: {  	[tilespmem:$0xE48] =	vst v0  }
0xe7: {  	[tilespmem:$0xE58] =	vst v0  }
0xe8: {  	[tilespmem:$0xE68] =	vst v0  }
0xe9: {  	[tilespmem:$0xE78] =	vst v0  }
0xea: {  	[tilespmem:$0xE88] =	vst v0  }
0xeb: {  	[tilespmem:$0xE98] =	vst v0  }
0xec: {  	[tilespmem:$0xEA8] =	vst v0  }
0xed: {  	[tilespmem:$0xEB8] =	vst v0  }
0xee: {  	[tilespmem:$0xEC8] =	vst v0  }
0xef: {  	[tilespmem:$0xED8] =	vst v0  }
0xf0: {  	[tilespmem:$0xEE8] =	vst v0  }
0xf1: {  	[tilespmem:$0xEF8] =	vst v0  }
0xf2: {  	[tilespmem:$0xF08] =	vst v0  }
0xf3: {  	[tilespmem:$0xF18] =	vst v0  }
0xf4: {  	[tilespmem:$0xF28] =	vst v0  }
0xf5: {  	[tilespmem:$0xF38] =	vst v0  }
0xf6: {  	[tilespmem:$0xF48] =	vst v0  }
0xf7: {  	[tilespmem:$0xF58] =	vst v0  }
0xf8: {  	[tilespmem:$0xF68] =	vst v0  }
0xf9: {  	[tilespmem:$0xF78] =	vst v0  }
0xfa: {  	[tilespmem:$0xF88] =	vst v0  }
0xfb: {  	[tilespmem:$0xF98] =	vst v0  }
0xfc: {  	[tilespmem:$0xFA8] =	vst v0  }
0xfd: {  	[tilespmem:$0xFB8] =	vst v0  }
0xfe: {  	[tilespmem:$0xFC8] =	vst v0  }
0xff: {  	[tilespmem:$0xFD8] =	vst v0  }
0x100: {  	[tilespmem:$0xFE8] =	vst v0  }
0x101: {  	[tilespmem:$0xFF8] =	vst v0  }
0x102: {  	[tilespmem:$0x1028] =	vst v0  }
0x103: {  	[tilespmem:$0x10E8] =	vst v0  }
0x104: {  	[tilespmem:$0x1068] =	vst v0  }
0x105: {  	[tilespmem:$0x1B28] =	vst v0  }
0x106: {  	[tilespmem:$0x1B18] =	vst v0  }
0x107: {  	[tilespmem:$0x1B08] =	vst v0  }
0x108: {  	[tilespmem:$0x1AF8] =	vst v0  }
0x109: {  	[tilespmem:$0x1AE8] =	vst v0  }
0x10a: {  	[tilespmem:$0x1AD8] =	vst v0  }
0x10b: {  	[tilespmem:$0x1AC8] =	vst v0  }
0x10c: {  	[tilespmem:$0x1AB8] =	vst v0  }
0x10d: {  	[tilespmem:$0x1AA8] =	vst v0  }
0x10e: {  	[tilespmem:$0x1A98] =	vst v0  }
0x10f: {  	[tilespmem:$0x1A88] =	vst v0  }
0x110: {  	[tilespmem:$0x1A78] =	vst v0  }
0x111: {  	[tilespmem:$0x1A68] =	vst v0  }
0x112: {  	[tilespmem:$0x1A58] =	vst v0  }
0x113: {  	[tilespmem:$0x1A48] =	vst v0  }
0x114: {  	[tilespmem:$0x1A38] =	vst v0  }
0x115: {  	[tilespmem:$0x1A28] =	vst v0  }
0x116: {  	[tilespmem:$0x1A18] =	vst v0  }
0x117: {  	[tilespmem:$0x1A08] =	vst v0  }
0x118: {  	[tilespmem:$0x19F8] =	vst v0  }
0x119: {  	[tilespmem:$0x19E8] =	vst v0  }
0x11a: {  	[tilespmem:$0x19D8] =	vst v0  }
0x11b: {  	[tilespmem:$0x19C8] =	vst v0  }
0x11c: {  	[tilespmem:$0x19B8] =	vst v0  }
0x11d: {  	[tilespmem:$0x19A8] =	vst v0  }
0x11e: {  	[tilespmem:$0x1998] =	vst v0  }
0x11f: {  	[tilespmem:$0x1988] =	vst v0  }
0x120: {  	[tilespmem:$0x1978] =	vst v0  }
0x121: {  	[tilespmem:$0x1968] =	vst v0  }
0x122: {  	[tilespmem:$0x1958] =	vst v0  }
0x123: {  	[tilespmem:$0x1948] =	vst v0  }
0x124: {  	[tilespmem:$0x1938] =	vst v0  }
0x125: {  	[tilespmem:$0x1928] =	vst v0  }
0x126: {  	[tilespmem:$0x1918] =	vst v0  }
0x127: {  	[tilespmem:$0x1908] =	vst v0  }
0x128: {  	[tilespmem:$0x18F8] =	vst v0  }
0x129: {  	[tilespmem:$0x18E8] =	vst v0  }
0x12a: {  	[tilespmem:$0x18D8] =	vst v0  }
0x12b: {  	[tilespmem:$0x18C8] =	vst v0  }
0x12c: {  	[tilespmem:$0x18B8] =	vst v0  }
0x12d: {  	[tilespmem:$0x18A8] =	vst v0  }
0x12e: {  	[tilespmem:$0x1898] =	vst v0  }
0x12f: {  	[tilespmem:$0x1888] =	vst v0  }
0x130: {  	[tilespmem:$0x1878] =	vst v0  }
0x131: {  	[tilespmem:$0x1868] =	vst v0  }
0x132: {  	[tilespmem:$0x1858] =	vst v0  }
0x133: {  	[tilespmem:$0x1848] =	vst v0  }
0x134: {  	[tilespmem:$0x1838] =	vst v0  }
0x135: {  	[tilespmem:$0x1828] =	vst v0  }
0x136: {  	[tilespmem:$0x1818] =	vst v0  }
0x137: {  	[tilespmem:$0x1808] =	vst v0  }
0x138: {  	[tilespmem:$0x17F8] =	vst v0  }
0x139: {  	[tilespmem:$0x17E8] =	vst v0  }
0x13a: {  	[tilespmem:$0x17D8] =	vst v0  }
0x13b: {  	[tilespmem:$0x17C8] =	vst v0  }
0x13c: {  	[tilespmem:$0x17B8] =	vst v0  }
0x13d: {  	[tilespmem:$0x17A8] =	vst v0  }
0x13e: {  	[tilespmem:$0x1798] =	vst v0  }
0x13f: {  	[tilespmem:$0x1788] =	vst v0  }
0x140: {  	[tilespmem:$0x1778] =	vst v0  }
0x141: {  	[tilespmem:$0x1768] =	vst v0  }
0x142: {  	[tilespmem:$0x1758] =	vst v0  }
0x143: {  	[tilespmem:$0x1748] =	vst v0  }
0x144: {  	[tilespmem:$0x1738] =	vst v0  }
0x145: {  	[tilespmem:$0x1728] =	vst v0  }
0x146: {  	[tilespmem:$0x1718] =	vst v0  }
0x147: {  	[tilespmem:$0x1708] =	vst v0  }
0x148: {  	[tilespmem:$0x16F8] =	vst v0  }
0x149: {  	[tilespmem:$0x16E8] =	vst v0  }
0x14a: {  	[tilespmem:$0x16D8] =	vst v0  }
0x14b: {  	[tilespmem:$0x16C8] =	vst v0  }
0x14c: {  	[tilespmem:$0x16B8] =	vst v0  }
0x14d: {  	[tilespmem:$0x16A8] =	vst v0  }
0x14e: {  	[tilespmem:$0x1698] =	vst v0  }
0x14f: {  	[tilespmem:$0x1688] =	vst v0  }
0x150: {  	[tilespmem:$0x1678] =	vst v0  }
0x151: {  	[tilespmem:$0x1668] =	vst v0  }
0x152: {  	[tilespmem:$0x1658] =	vst v0  }
0x153: {  	[tilespmem:$0x1648] =	vst v0  }
0x154: {  	[tilespmem:$0x1638] =	vst v0  }
0x155: {  	[tilespmem:$0x1628] =	vst v0  }
0x156: {  	[tilespmem:$0x1618] =	vst v0  }
0x157: {  	[tilespmem:$0x1608] =	vst v0  }
0x158: {  	[tilespmem:$0x15F8] =	vst v0  }
0x159: {  	[tilespmem:$0x15E8] =	vst v0  }
0x15a: {  	[tilespmem:$0x15D8] =	vst v0  }
0x15b: {  	[tilespmem:$0x15C8] =	vst v0  }
0x15c: {  	[tilespmem:$0x15B8] =	vst v0  }
0x15d: {  	[tilespmem:$0x15A8] =	vst v0  }
0x15e: {  	[tilespmem:$0x1598] =	vst v0  }
0x15f: {  	[tilespmem:$0x1588] =	vst v0  }
0x160: {  	[tilespmem:$0x1578] =	vst v0  }
0x161: {  	[tilespmem:$0x1568] =	vst v0  }
0x162: {  	[tilespmem:$0x1558] =	vst v0  }
0x163: {  	[tilespmem:$0x1548] =	vst v0  }
0x164: {  	[tilespmem:$0x1538] =	vst v0  }
0x165: {  	[tilespmem:$0x1528] =	vst v0  }
0x166: {  	[tilespmem:$0x1518] =	vst v0  }
0x167: {  	[tilespmem:$0x1508] =	vst v0  }
0x168: {  	[tilespmem:$0x14F8] =	vst v0  }
0x169: {  	[tilespmem:$0x14E8] =	vst v0  }
0x16a: {  	[tilespmem:$0x14D8] =	vst v0  }
0x16b: {  	[tilespmem:$0x14C8] =	vst v0  }
0x16c: {  	[tilespmem:$0x14B8] =	vst v0  }
0x16d: {  	[tilespmem:$0x14A8] =	vst v0  }
0x16e: {  	[tilespmem:$0x1498] =	vst v0  }
0x16f: {  	[tilespmem:$0x1488] =	vst v0  }
0x170: {  	[tilespmem:$0x1478] =	vst v0  }
0x171: {  	[tilespmem:$0x1468] =	vst v0  }
0x172: {  	[tilespmem:$0x1458] =	vst v0  }
0x173: {  	[tilespmem:$0x1448] =	vst v0  }
0x174: {  	[tilespmem:$0x1438] =	vst v0  }
0x175: {  	[tilespmem:$0x1428] =	vst v0  }
0x176: {  	[tilespmem:$0x1418] =	vst v0  }
0x177: {  	[tilespmem:$0x1408] =	vst v0  }
0x178: {  	[tilespmem:$0x13F8] =	vst v0  }
0x179: {  	[tilespmem:$0x13E8] =	vst v0  }
0x17a: {  	[tilespmem:$0x13D8] =	vst v0  }
0x17b: {  	[tilespmem:$0x13C8] =	vst v0  }
0x17c: {  	[tilespmem:$0x13B8] =	vst v0  }
0x17d: {  	[tilespmem:$0x13A8] =	vst v0  }
0x17e: {  	[tilespmem:$0x1398] =	vst v0  }
0x17f: {  	[tilespmem:$0x1388] =	vst v0  }
0x180: {  	[tilespmem:$0x1378] =	vst v0  }
0x181: {  	[tilespmem:$0x1368] =	vst v0  }
0x182: {  	[tilespmem:$0x1358] =	vst v0  }
0x183: {  	[tilespmem:$0x1348] =	vst v0  }
0x184: {  	[tilespmem:$0x1338] =	vst v0  }
0x185: {  	[tilespmem:$0x1328] =	vst v0  }
0x186: {  	[tilespmem:$0x1318] =	vst v0  }
0x187: {  	[tilespmem:$0x1308] =	vst v0  }
0x188: {  	[tilespmem:$0x12F8] =	vst v0  }
0x189: {  	[tilespmem:$0x12E8] =	vst v0  }
0x18a: {  	[tilespmem:$0x12D8] =	vst v0  }
0x18b: {  	[tilespmem:$0x12C8] =	vst v0  }
0x18c: {  	[tilespmem:$0x12B8] =	vst v0  }
0x18d: {  	[tilespmem:$0x12A8] =	vst v0  }
0x18e: {  	[tilespmem:$0x1298] =	vst v0  }
0x18f: {  	[tilespmem:$0x1288] =	vst v0  }
0x190: {  	[tilespmem:$0x1278] =	vst v0  }
0x191: {  	[tilespmem:$0x1268] =	vst v0  }
0x192: {  	[tilespmem:$0x1258] =	vst v0  }
0x193: {  	[tilespmem:$0x1248] =	vst v0  }
0x194: {  	[tilespmem:$0x1238] =	vst v0  }
0x195: {  	[tilespmem:$0x1228] =	vst v0  }
0x196: {  	[tilespmem:$0x1218] =	vst v0  }
0x197: {  	[tilespmem:$0x1208] =	vst v0  }
0x198: {  	[tilespmem:$0x11F8] =	vst v0  }
0x199: {  	[tilespmem:$0x11E8] =	vst v0  }
0x19a: {  	[tilespmem:$0x11D8] =	vst v0  }
0x19b: {  	[tilespmem:$0x11C8] =	vst v0  }
0x19c: {  	[tilespmem:$0x11B8] =	vst v0  }
0x19d: {  	[tilespmem:$0x11A8] =	vst v0  }
0x19e: {  	[tilespmem:$0x1198] =	vst v0  }
0x19f: {  	[tilespmem:$0x1188] =	vst v0  }
0x1a0: {  	[tilespmem:$0x1178] =	vst v0  }
0x1a1: {  	[tilespmem:$0x1168] =	vst v0  }
0x1a2: {  	[tilespmem:$0x1158] =	vst v0  }
0x1a3: {  	[tilespmem:$0x1148] =	vst v0  }
0x1a4: {  	[tilespmem:$0x1138] =	vst v0  }
0x1a5: {  	[tilespmem:$0x1128] =	vst v0  }
0x1a6: {  	[tilespmem:$0x1118] =	vst v0  }
0x1a7: {  	s4 =	stileid.u32;
	[tilespmem:$0x1108] =	vst v0  }
0x1a8: {  	s0 =	smul.u32 $0xB, s4;
	[tilespmem:$0x10F8] =	vst v0  }
0x1a9: {  	s1 =	smin.u32 s4, $0xE;
	[tilespmem:$0x10C8] =	vst v0  }
0x1aa: {  	[tilespmem:$0x10D8] =	vst v0;
	s0 =	sadd.s32 s1, s0  }
0x1ab: {  	p0 =	slt.u32 s4, $0xE;
	[tilespmem:$0x10B8] =	vst v0;
	s1 =	simm.s32 $0x1440;
	s6 =	smul.u32 $0x1B0, s0  }
0x1ac: {  	s1 =	simm.s32 @!p0 $0x1290;
	[tilespmem:$0x1038] =	vst v0  }
0x1ad: {  	[tilespmem:$0x10A8] =	vst v0;
	s0 =	sadd.s32 s1, s6  }
0x1ae: {  	s3 =	simm.s32 $0x2;
	s8 =	simm.s32 $0x9;
	[tilespmem:$0x1098] =	vst v0;
	s7 =	smin.u32 s0, $0x14000  }
0x1af: {  	s10 =	simm.s32 $0xA;
	s30 =	simm.s32 $0xB;
	[tilespmem:$0x1088] =	vst v0;
	s0 =	ssub.s32 s7, s6  }
0x1b0: {  	s16 =	simm.s32 $0x0;
	p4 =	por $0x0, $0x0;
	[tilespmem:$0x1078] =	vst v0;
	p0 =	sgt.s32 s0, $0x0  }
0x1b1: {  	s17 =	simm.s32 $0xC;
	s21 =	simm.s32 $0x0;
	[tilespmem:$0x1058] =	vst v0;
	s0 =	simm.s32 @!p0 $0x0  }
0x1b2: {  	s18 =	simm.s32 $0x0;
	s2 =	sand.u32 $0x1, s2;
	[tilespmem:$0x1048] =	vst v0;
	s29 =	smulhi.u32 $0x4BDA12F7, s0  }
0x1b3: {  	s20 =	simm.s32 $0x0;
	s31 =	sshll.u32 s4, $0x5;
	[tilespmem:$0x1018] =	vst v0;
	[dreg:$0x5] =	wrdreg s2  }
0x1b4: {  	s2 =	smul.u32 $0x2800, s2;
	[tilespmem:$0x1008] =	vst v0;
	[sflag:s3] =	ssyncpa.u1 $0x0;
	s1 =	sshrl.u32 s29, $0x7  }
0x1b5: {  	v0 =	vimm.s32 $0xFFFFFFFF;
	s3 =	sadd.s32 $0x3C600, s11;
	[dreg:$0x4] =	wrdreg s31;
	s5 =	smul.u32 $0x1B0, s1  }
.Ltmp0:
0x1b6: {  	[tilespmem:$0x3648] =	vst v0;
	[sflag:s8] =	ssyncpa.u1 $0x0;
	s2 =	sadd.s32 s2, s11;
	(pc) =	sbr.rel .LBB2_1-.Ltmp0, $4  }
0x1b7: {  	[sflag:s10] =	ssyncpa.u1 $0x0;
	s11 =	sadd.s32 $0x1512E00, s11;
	p0 =	sne.s32 s0, s5  }
0x1b8: {  	[sflag:s30] =	ssyncpa.u1 $0x0;
	s14 =	sadd.s32 $0x37600, s2;
	s12 =	simm.s32 @!p0 $0x0  }
0x1b9: {  	s15 =	sadd.s32 $0x2B600, s2;
	s19 =	smov.u32 s6;
	s12 =	sadd.s32 s12, s1  }
0x1ba: {  	v0 =	vlaneseq.u32;
	[dreg:$0x6] =	wrdreg s6;
	p0 =	por $0x1, $0x1;
	s4 =	sadd.s32 $0x1, s12  }
.LBB2_18:
0x1bb: {  	s0 =	simm.s32 $0x2  }
0x1bc: {  	_ =	swait.ge [sflag:s0], $0x0  }
0x1bd: {  	[sflag:s0] =	ssyncset.done $0x0;
	s0 =	simm.s32 $0x0  }
.LBB2_19:
0x1be: {  	_ =	swait.ge [sflag:s17], s0  }
0x1bf: {  	s31 =	ssub.s32 $0x0, s0;
	v1 =	vmov s23;
	vm0 =	veq.s32 v0, $0x0;
	[sflag:s17] =	ssyncset.done $0x0  }
0x1c0: {  	vm15 =	veq.s32 v0, $0x2;
	v1 =	vsel vm0, s28, v1;
	[sflag:s17] =	ssyncadd.s32 s31  }
0x1c1: {  	v1 =	vsel vm15, s21, v1;
	[sflag:s17] =	ssyncpa.u1 $0x1  }
0x1c2: {  	[tilespmem:$0x3648] =	vst v1  }
.LBB2_20:
0x1c3: {  	s0 =	sadd.s32 $0x1B0, s19  }
0x1c4: {  	s1 =	smov.u32 s6;
	p1 =	slt.s32 s0, s7  }
0x1c5: {  	s1 =	smov.u32 @p1 s0;
	p1 =	sne.s32 s20, s4  }
.Ltmp1:
0x1c6: {  	_ = 	snop;
	(pc) =	sbr.rel @!p1 .LBB2_21-.Ltmp1, $4  }
0x1c7: {  	_ = 	snop  }
0x1c8: {  	s21 =	smov.u32 s18  }
0x1c9: {  	s31 =	sadd.s32 $0x1, s20;
	s18 =	smov.u32 s19;
	p0 =	por !p0, !p0  }
0x1ca: {  	p4 =	por !p4, !p4;
	s20 =	smov.u32 s31;
	s19 =	smov.u32 s1  }
.LBB2_1:
0x1cb: {  	p2 =	sge.u32 s20, s12  }
0x1cc: {  	s0 =	smulhi.u32 @!p2 $0xAAAAAAAB, s20  }
0x1cd: {  	s1 =	smov.u32 s19;
	p3 =	sgt.s32 @!p2 s19, $0x13E50  }
0x1ce: {  	s2 =	sshra.s32 @!p2 s19, $0x1F;
	p3 =	por !p3, p2;
	s0 =	sshrl.u32 @!p2 s0, $0x1  }
0x1cf: {  	s2 =	sand.u32 @!p2 s2, s19;
	s1 =	simm.s32 @p3 $0x13E50;
	s0 =	smul.u32 @!p2 $0x3, s0  }
0x1d0: {  	s1 =	ssub.s32 @!p2 s1, s2  }
0x1d1: {  	s23 =	sadd.s32 $0xFFFFFFFF, s20;
	s1 =	sadd.s32 @!p2 $0xFFFEC1B0, s1;
	s0 =	ssub.s32 @!p2 s20, s0  }
0x1d2: {  	s2 =	sshll.u32 @!p2 s1, $0x2;
	p3 =	sgt.s32 @!p2 s1, $0x1AF;
	s0 =	smul.u32 @!p2 $0x6C0, s0  }
0x1d3: {  	s5 =	sand.u32 @!p2 $0x7, s19;
	s1 =	ssub.s32 @!p2 $0x6C0, s2;
	p3 =	por !p3, p2  }
0x1d4: {  	s2 =	sshrl.u32 @!p2 s19, $0x3;
	s1 =	sshrl.u32 @!p2 s1, $0x2;
	s0 =	sshrl.u32 @!p2 s0, $0x2  }
0x1d5: {  	s2 =	sadd.s32 @!p2 s2, s14;
	s1 =	simm.s32 @!p3 $0x0;
	s0 =	sadd.s32 @!p2 $0x3888, s0  }
0x1d6: {  	[tilespmem:s0], [sflag:$0xA] =	stream.linear.gather @!p2 [hbm4b:s2+s5], s1, $0x38;
	[tilespmem:$0x1F0F8] =	vst v63  }
0x1d7: {  	p2 =	sge.u32 s23, s12  }
0x1d8: {  	p3 =	sgt.s32 @!p2 s18, $0x13E50  }
0x1d9: {  	s0 =	smov.u32 s18;
	s1 =	sshra.s32 @!p2 s18, $0x1F;
	p3 =	por !p3, p2  }
0x1da: {  	s1 =	sand.u32 @!p2 s1, s18;
	s0 =	simm.s32 @p3 $0x13E50  }
0x1db: {  	s0 =	ssub.s32 @!p2 s0, s1  }
0x1dc: {  	s0 =	sadd.s32 @!p2 $0xFFFEC1B0, s0  }
0x1dd: {  	s1 =	sshll.u32 @!p2 s0, $0x2  }
0x1de: {  	p3 =	sgt.s32 @!p2 s0, $0x1AF;
	s0 =	ssub.s32 @!p2 $0x6C0, s1  }
0x1df: {  	s22 =	ssub.s32 @!p2 $0x14000, s18;
	p3 =	por !p3, p2;
	s0 =	sshrl.u32 @!p2 s0, $0x2  }
0x1e0: {  	s1 =	sand.u32 @!p2 $0x1, s23;
	s0 =	simm.s32 @!p3 $0x0;
	p3 =	slt.s32 @!p2 s22, $0x1  }
0x1e1: {  	s2 =	simm.s32 @!p2 $0xA;
	s1 =	smul.u32 @!p2 $0x6C0, s1;
	p3 =	por p2, p3  }
.Ltmp2:
0x1e2: {  	_ =	swait.ge @!p2 [sflag:s2], s0;
	(pc) =	sbr.rel @p3 .LBB2_7-.Ltmp2, $4  }
0x1e3: {  	s5 =	ssub.s32 @!p2 $0x0, s0;
	[sflag:s2] =	ssyncset.done @!p2 $0x0  }
0x1e4: {  	s1 =	sshrl.u32 @!p2 s1, $0x2;
	[sflag:s2] =	ssyncadd.s32 @!p2 s5;
	s2 =	sshrl.u32 @!p2 s18, $0x3  }
0x1e5: {  	s1 =	sadd.s32 @!p2 $0x3D98, s1;
	s5 =	sand.u32 @!p2 $0x7, s18;
	s2 =	sadd.s32 @!p2 s2, s15  }
0x1e6: {  	[tilespmem:s1], [sflag:$0xB] =	stream.linear.gather @!p2 [hbm4b:s2+s5], s0, $0x38;
	[tilespmem:$0x1F0F8] =	vst v63  }
0x1e7: {  	s0 =	smulhi.u32 $0xAAAAAAAB, s23;
	_ =	sdelay $0x1  }
0x1e8: {  	s0 =	sshrl.u32 s0, $0x1  }
0x1e9: {  	s0 =	smul.u32 $0x3, s0;
	_ =	sdelay $0x1  }
0x1ea: {  	s0 =	ssub.s32 s23, s0  }
0x1eb: {  	s1 =	simm.s32 $0x1;
	s0 =	smul.u32 $0x6C0, s0  }
.Ltmp3:
0x1ec: {  	s1 =	simm.s32 @!p0 $0x0;
	(pc) =	sbr.rel .LBB2_4-.Ltmp3, $4  }
0x1ed: {  	s1 =	smul.u32 $0x36000, s1  }
0x1ee: {  	p3 =	slt.s32 @!p2 s22, $0x1B0;
	s0 =	sshrl.u32 s0, $0x2  }
0x1ef: {  	p2 =	por !p3, p2;
	s1 =	sshrl.u32 s1, $0x2;
	s0 =	sadd.s32 $0x3888, s0  }
0x1f0: {  	s24 =	simm.s32 $0x0;
	s22 =	simm.s32 @p2 $0x1B0;
	s23 =	sadd.s32 $0x40F8, s1;
	v1 =	vmov s0  }
.LBB2_3:
0x1f1: {  	p2 =	sge.s32 s24, s22  }
.Ltmp4:
0x1f2: {  	_ = 	snop;
	(pc) =	sbr.rel @p2 .LBB2_7-.Ltmp4, $2  }
0x1f3: {  	_ =	sdelay $0x2  }
0x1f4: {  	s23 =	sadd.s32 $0x800, s23  }
.LBB2_4:
0x1f5: {  	p2 =	sle.s32 s22, s24  }
.Ltmp5:
0x1f6: {  	_ = 	snop;
	(pc) =	sbr.rel @p2 .LBB2_3-.Ltmp5, $2  }
0x1f7: {  	_ =	sdelay $0x2  }
0x1f8: {  	s0 =	smov.u32 s24;
	s24 =	sadd.s32 $0x10, s24  }
0x1f9: {  	s1 =	ssub.s32 s22, s0  }
0x1fa: {  	p2 =	slt.s32 s1, $0x10  }
0x1fb: {  	s1 =	simm.s32 @!p2 $0x10  }
0x1fc: {  	v2 =	vmov s1  }
0x1fd: {  	vm0 =	vgt.s32 v2, v0;
	_ =	sdelay $0x5  }
0x1fe: {  	v2 =	vld.idx.msk [tilespmem:v1+s0+$0x0 ss:$0x1], vm0;
	_ =	sdelay $0x2  }
0x1ff: {  	p2 =	slt.s32 s24, s22;
	s1 =	smov.u32 s22  }
0x200: {  	s2 =	smov.u32 s23;
	s25 =	simm.s32 $0x0;
	s1 =	smov.u32 @p2 s24  }
.LBB2_6:
0x201: {  	(v2sf) =	vpush v2, s25;
	_ =	sdelay $0xc  }
0x202: {  	s25 =	sadd.s32 $0x1, s25  }
0x203: {  	s31 =	sadd.s32 s25, s0  }
0x204: {  	p2 =	slt.s32 s31, s1;
	s5 =	spop (v2sf)  }
.Ltmp6:
0x205: {  	s5 =	sshll.u32 s5, $0x4;
	(pc) =	sbr.rel @p2 .LBB2_6-.Ltmp6, $4  }
0x206: {  	s5 =	sand.u32 $0x1FFFFFF0, s5  }
0x207: {  	s5 =	sadd.s32 s11, s5  }
0x208: {  	[tilespmem:s2], [sflag:$0x9] =	stream.linear.gather [hbm4b:s5+s16], $0x10, $0x38;
	[tilespmem:$0x1F0F8] =	vst v63  }
0x209: {  	s2 =	sadd.s32 $0x80, s2  }
.Ltmp7:
0x20a: {  	_ = 	snop;
	(pc) =	sbr.rel .LBB2_3-.Ltmp7, $1  }
0x20b: {  	_ =	sdelay $0x3  }
.LBB2_7:
0x20c: {  	p2 =	slt.u32 s20, $0x2  }
.Ltmp8:
0x20d: {  	_ = 	snop;
	(pc) =	sbr.rel @p2 .LBB2_20-.Ltmp8, $1  }
0x20e: {  	_ =	sdelay $0x3  }
0x20f: {  	p2 =	sgt.s32 s21, $0x13E50  }
0x210: {  	s0 =	smov.u32 s21;
	s1 =	sshra.s32 s21, $0x1F;
	s2 =	ssub.s32 $0x14000, s21  }
0x211: {  	s0 =	simm.s32 @!p2 $0x13E50;
	s1 =	sand.u32 s1, s21;
	p2 =	slt.s32 s2, $0x1B0  }
0x212: {  	s0 =	ssub.s32 s0, s1;
	s2 =	simm.s32 @!p2 $0x1B0  }
0x213: {  	s0 =	sadd.s32 $0xFFFEC1B0, s0;
	s24 =	sshll.u32 s2, $0x4  }
0x214: {  	s28 =	simm.s32 $0x9;
	s25 =	sshll.u32 s0, $0x2;
	s1 =	sand.u32 $0x3FFFFFF0, s24  }
0x215: {  	p2 =	sgt.s32 s0, $0x1AF;
	s26 =	ssub.s32 $0x6C0, s25;
	_ =	swait.ge [sflag:s28], s1  }
0x216: {  	s1 =	ssub.s32 $0x0, s1;
	[sflag:s28] =	ssyncset.done $0x0;
	s0 =	sshrl.u32 s26, $0x2  }
0x217: {  	s30 =	simm.s32 $0xB;
	[sflag:s28] =	ssyncadd.s32 s1;
	s0 =	simm.s32 @p2 $0x0  }
0x218: {  	_ =	swait.ge [sflag:s30], s0  }
0x219: {  	s0 =	ssub.s32 $0x0, s0;
	[sflag:s30] =	ssyncset.done $0x0  }
0x21a: {  	[sflag:s30] =	ssyncadd.s32 s0  }
0x21b: {  	v1 =	vld [tilespmem:$0x3648];
	_ =	sdelay $0x4  }
0x21c: {  	(v2sf) =	vpush v1, $0x0  }
0x21d: {  	(v2sf) =	vpush v1, $0x1  }
0x21e: {  	(v2sf) =	vpush v1, $0x2;
	_ =	sdelay $0x3  }
0x21f: {  	s0 =	sadd.s32 $0x1B0, s21  }
0x220: {  	s1 =	ssub.s32 $0x28000, s21;
	p2 =	slt.s32 s7, s0  }
0x221: {  	s0 =	smov.u32 @p2 s7;
	p2 =	sgt.s32 s1, $0x0  }
0x222: {  	s25 =	ssub.s32 s0, s21;
	s1 =	simm.s32 @!p2 $0x0  }
0x223: {  	p2 =	slt.s32 s1, s25  }
0x224: {  	s25 =	smov.u32 @p2 s1  }
0x225: {  	s24 =	simm.s32 $0x1;
	p2 =	slt.s32 s25, $0x1  }
.Ltmp9:
0x226: {  	s24 =	simm.s32 @!p4 $0x0;
	(pc) =	sbr.rel @p2 .LBB2_12-.Ltmp9, $4  }
0x227: {  	s31 =	smul.u32 $0x6C0, s24  }
0x228: {  	s26 =	spop (v2sf)  }
0x229: {  	s0 =	sshrl.u32 s31, $0x2;
	s29 =	spop (v2sf)  }
0x22a: {  	s22 =	sadd.s32 $0x3D98, s0;
	s21 =	spop (v2sf)  }
0x22b: {  	s0 =	smin.u32 s25, $0x10  }
0x22c: {  	v1 =	vmov s0  }
0x22d: {  	p3 =	sgt.s32 s25, $0x10;
	vm1 =	vgt.u32 v1, v0  }
.Ltmp10:
0x22e: {  	_ = 	snop;
	(pc) =	sbr.rel @!p3 .LBB2_11-.Ltmp10, $2  }
0x22f: {  	_ =	sdelay $0x2  }
0x230: {  	s23 =	simm.s32 $0x10;
	s28 =	sadd.s32 $0xFFFFFFF0, s25;
	s0 =	smov.u32 s22;
	vm0 =	vmmov vm1  }
.LBB2_10:
0x231: {  	s1 =	smin.u32 s28, $0x10;
	s23 =	sadd.s32 $0x10, s23;
	v1 =	vld.msk [tilespmem:s0+$0x0 ss:$0x1], vm1  }
0x232: {  	v2 =	vmov s1;
	p3 =	slt.s32 s23, s25  }
0x233: {  	vm1 =	vgt.u32 v2, v0  }
.Ltmp11:
0x234: {  	(pc) =	sbr.rel @p3 .LBB2_10-.Ltmp11, $3  }
0x235: {  	_ =	sdelay $0x1  }
0x236: {  	v1 =	vshll.u32 v1, $0x4  }
0x237: {  	s28 =	sadd.s32 $0xFFFFFFF0, s28;
	[tilespmem:s0+$0x0] =	vst.msk vm0, v1;
	s0 =	sadd.s32 $0x10, s0;
	vm0 =	vmmov vm1  }
.LBB2_11:
0x238: {  	_ =	sdelay $0x4  }
0x239: {  	v1 =	vld.msk [tilespmem:s0+$0x0 ss:$0x1], vm1;
	_ =	sdelay $0x4  }
0x23a: {  	v1 =	vshll.u32 v1, $0x4  }
0x23b: {  	[tilespmem:s0+$0x0] =	vst.msk vm0, v1  }
.LBB2_12:
0x23c: {  	s0 =	sand.u32 $0x1, s20  }
0x23d: {  	s0 =	smul.u32 $0x1B0, s0  }
0x23e: {  	p3 =	sne.s32 s29, $0xFFFFFFFF  }
0x23f: {  	v1 =	vld.msk @!p3 [tilespmem:s0+$0x3D98], $0x1;
	_ =	sdelay $0x4  }
0x240: {  	(v2sf) =	vpush @!p3 v1, $0x0;
	_ =	sdelay $0xc  }
.Ltmp12:
0x241: {  	_ = 	snop;
	(pc) =	sbr.rel @p2 .LBB2_18-.Ltmp12, $4  }
0x242: {  	_ = 	snop  }
0x243: {  	s28 =	spop @!p3 (v2sf)  }
0x244: {  	s21 =	simm.s32 @!p3 $0x0;
	s23 =	smov.u32 s28  }
0x245: {  	[sflag:s17] =	ssyncpa.u1 $0x0;
	s28 =	smov.u32 @p3 s26;
	s23 =	smov.u32 @p3 s29  }
0x246: {  	v1 =	vld.msk [tilespmem:s22+$0x0], $0x1;
	_ =	sdelay $0x4  }
0x247: {  	(v2sf) =	vpush v1, $0x0;
	_ =	sdelay $0xe  }
0x248: {  	s0 =	simm.s32 @!p4 $0x0;
	s26 =	smul.u32 $0x36000, s24;
	s31 =	spop (v2sf)  }
0x249: {  	s29 =	ssub.s32 $0x0, s25;
	s0 =	simm.s32 @p4 $0x1;
	p2 =	seq.s32 s28, s31  }
0x24a: {  	s1 =	smov.u32 s28;
	[smem:$0x7FD] =	sst s0;
	p3 =	sgt.s32 @!p2 s28, $0x0  }
0x24b: {  	s0 =	sshrl.u32 s26, $0x2;
	s26 =	sadd.s32 $0x1, s29;
	p3 =	por !p3, p2  }
0x24c: {  	s1 =	simm.s32 @p3 $0x0;
	p3 =	seq.s32 s26, $0x0  }
.Ltmp13:
0x24d: {  	_ = 	snop;
	(pc) =	sbr.rel @p3 .LBB2_15-.Ltmp13, $4  }
0x24e: {  	s6 =	smov.u32 s4;
	s25 =	simm.s32 $0x0  }
0x24f: {  	s24 =	sadd.s32 $0x40F8, s0;
	s0 =	simm.s32 @!p2 $0x1;
	s2 =	smin.u32 @!p2 s1, $0x27FFE  }
0x250: {  	s30 =	sadd.s32 $0x1, s22;
	s0 =	smov.u32 @p2 s25;
	s5 =	sand.u32 @!p2 $0x3FFF8, s2  }
0x251: {  	s1 =	simm.s32 @!p2 $0x1B38;
	s2 =	sand.u32 @!p2 $0x7, s2;
	s5 =	sadd.s32 @!p2 s3, s5  }
.LBB2_14:
0x252: {  	s4 =	smov.u32 s0  }
0x253: {  	[tilespmem:s1], [sflag:$0x2] =	stream.linear.gather @!p2 [hbm4b:s5+s2], $0x10, $0x38;
	[tilespmem:$0x1F0F8] =	vst v63  }
0x254: {  	s26 =	sadd.s32 $0x1, s26;
	s2 =	smov.u32 s31;
	v1 =	vld.msk [tilespmem:s30+$0x0], $0x1  }
0x255: {  	p3 =	seq.s32 s26, $0x0;
	_ =	sdelay $0x3  }
0x256: {  	(v2sf) =	vpush v1, $0x0;
	_ =	sdelay $0xe  }
0x257: {  	s31 =	spop (v2sf)  }
0x258: {  	p2 =	seq.s32 s2, s31  }
0x259: {  	p4 =	sgt.s32 @!p2 s2, $0x0;
	s1 =	sshll.u32 @!p2 s0, $0x6;
	s0 =	sadd.s32 @!p2 $0x1, s0  }
.Ltmp14:
0x25a: {  	p4 =	por !p4, p2;
	s1 =	sshra.s32 @!p2 s1, $0x2;
	(pc) =	sbr.rel @!p3 .LBB2_14-.Ltmp14, $4  }
0x25b: {  	s0 =	smov.u32 @p2 s4;
	s2 =	simm.s32 @p4 $0x0;
	s1 =	sadd.s32 @!p2 $0x1B38, s1  }
0x25c: {  	s2 =	smin.u32 @!p2 s2, $0x27FFE  }
0x25d: {  	s4 =	sand.u32 @!p2 $0x3FFF8, s2;
	s2 =	sand.u32 @!p2 $0x7, s2  }
0x25e: {  	s30 =	sadd.s32 $0x1, s30;
	s5 =	sadd.s32 @!p2 s3, s4  }
.LBB2_15:
0x25f: {  	[tilespmem:s1], [sflag:$0x2] =	stream.linear.gather @!p2 [hbm4b:s5+s2], $0x10, $0x38;
	[tilespmem:$0x1F0F8] =	vst v63  }
0x260: {  	s0 =	sshll.u32 s0, $0x4  }
0x261: {  	s31 =	simm.s32 $0x2;
	s0 =	sand.u32 $0x3FFFFFF0, s0  }
0x262: {  	_ =	swait.ge [sflag:s31], s0  }
0x263: {  	s0 =	ssub.s32 $0x0, s0;
	[sflag:s31] =	ssyncset.done $0x0  }
0x264: {  	[sflag:s31] =	ssyncadd.s32 s0  }
0x265: {  	v1 =	vld.msk [tilespmem:s22+$0x0], $0x1;
	_ =	sdelay $0x4  }
0x266: {  	(v2sf) =	vpush v1, $0x0;
	_ =	sdelay $0xe  }
0x267: {  	s26 =	spop (v2sf)  }
0x268: {  	p2 =	sne.s32 s28, s26  }
0x269: {  	p4 =	sne.s32 @p2 s28, s23  }
0x26a: {  	p3 =	por !p4, !p2  }
0x26b: {  	s0 =	simm.s32 @!p3 $0x0  }
0x26c: {  	v1 =	vld @!p3 [tilespmem:s0+$0x1B38]  }
0x26d: {  	p5 =	sgt.u32 @!p3 s28, $0x27FFE  }
0x26e: {  	s1 =	sshll.u32 @!p3 s21, $0x6;
	p6 =	por @p2 p5, !p4  }
0x26f: {  	s1 =	sshra.s32 @!p3 s1, $0x2;
	p1 =	por p6, !p2;
	p6 =	por p4, !p2  }
0x270: {  	s2 =	sadd.s32 @!p3 $0x28, s1;
	s4 =	sand.u32 @!p1 $0x3FFF8, s28;
	s5 =	sshll.u32 @!p6 s21, $0x6  }
0x271: {  	s28 =	sand.u32 @!p1 $0x7, s28;
	[tilespmem:s1+$0x28] =	vst.add.f32.msk @!p3 $0xffff, v1;
	s1 =	sadd.s32 @!p1 s3, s4;
	s4 =	sshra.s32 @!p6 s5, $0x2  }
0x272: {  	[hbm4b:s1+s28] =	stream.linear.scatter @!p1 [tilespmem:s2], [sflag:$0xC], $0x10, $0x38;
	[tilespmem:$0x1F0F8] =	vst v63  }
0x273: {  	s0 =	rddreg [dreg:$0x4];
	s1 =	sadd.s32 @!p6 $0x28, s4;
	s2 =	simm.s32 @!p6 $0x1  }
0x274: {  	[spmem:s0] =	stream.linear.scatter @!p6 [tilespmem:s1], [sflag:$0x1], $0x10, $0x38;
	[tilespmem:$0x1F0F8] =	vst v63  }
0x275: {  	s0 =	sadd.s32 @p2 $0x1, s21;
	_ =	swait.ge @!p6 [sflag:s2], $0x10  }
0x276: {  	s1 =	sshrl.u32 @p2 s0, $0x4;
	[sflag:s2] =	ssyncset.done @!p6 $0x0  }
0x277: {  	s1 =	smulhi.u32 @p2 $0x97B425F, s1;
	[sflag:s2] =	ssyncadd.s32 @!p6 $0xFFFFFFF0  }
0x278: {  	s28 =	sadd.s32 $0x1, s29;
	v1 =	vld @p2 [tilespmem:s24+$0x0]  }
0x279: {  	p1 =	por @p2 !p5, !p4;
	p4 =	seq.s32 s28, $0x0;
	s1 =	smul.u32 @p2 $0x1B0, s1  }
.Ltmp15:
0x27a: {  	p1 =	por !p1, !p2;
	s2 =	simm.s32 @!p3 $0x0;
	(pc) =	sbr.rel @p4 .LBB2_17-.Ltmp15, $4  }
0x27b: {  	s4 =	sshll.u32 @!p2 s21, $0x6;
	s2 =	simm.s32 @!p1 $0x40;
	s0 =	ssub.s32 @p2 s0, s1  }
0x27c: {  	s29 =	simm.s32 $0x0;
	s2 =	sadd.s32 @!p3 $0x0, s2;
	s5 =	sshll.u32 @p2 s0, $0x4  }
0x27d: {  	s30 =	sshra.s32 @!p2 s4, $0x2;
	s1 =	simm.s32 @p2 $0x1;
	s2 =	smov.u32 @p3 s25;
	[tilespmem:s5+$0x28] =	vst @p2 v1  }
0x27e: {  	s21 =	smov.u32 @p2 s0;
	s29 =	smov.u32 @p2 s2;
	s25 =	smov.u32 @p2 s1;
	v1 =	vld @!p2 [tilespmem:s24+$0x0]  }
.LBB2_16:
0x27f: {  	_ =	sdelay $0x3  }
0x280: {  	s22 =	sadd.s32 $0x1, s22;
	[tilespmem:s30+$0x28] =	vst.add.f32.msk @!p2 $0xffff, v1  }
0x281: {  	v1 =	vld.msk [tilespmem:s22+$0x0], $0x1;
	_ =	sdelay $0x4  }
0x282: {  	(v2sf) =	vpush v1, $0x0;
	_ =	sdelay $0xe  }
0x283: {  	s0 =	smov.u32 s26;
	s26 =	spop (v2sf)  }
0x284: {  	p2 =	sne.s32 s0, s26  }
0x285: {  	p5 =	sne.s32 @p2 s0, s23  }
0x286: {  	s4 =	sshll.u32 @!p2 s21, $0x6;
	p4 =	por !p5, !p2  }
0x287: {  	s30 =	sshra.s32 @!p2 s4, $0x2;
	s4 =	sshll.u32 @!p4 s25, $0x6  }
0x288: {  	s4 =	sshra.s32 @!p4 s4, $0x2  }
0x289: {  	p1 =	sgt.u32 @!p4 s0, $0x27FFE;
	v1 =	vld @!p4 [tilespmem:s4+$0x1B38]  }
0x28a: {  	s31 =	sshll.u32 @!p4 s21, $0x6;
	p6 =	por @p2 p1, !p5;
	p1 =	por @p2 !p1, !p5  }
0x28b: {  	s8 =	simm.s32 @!p4 $0x0;
	s31 =	sshra.s32 @!p4 s31, $0x2;
	p1 =	por !p1, !p2  }
0x28c: {  	p5 =	por p5, !p2;
	s8 =	simm.s32 @!p1 $0x40;
	p1 =	por p6, !p2  }
0x28d: {  	s4 =	sadd.s32 @!p4 $0x28, s31;
	s13 =	sshll.u32 @!p5 s21, $0x6;
	s10 =	sand.u32 @!p1 $0x3FFF8, s0  }
0x28e: {  	s13 =	sshra.s32 @!p5 s13, $0x2;
	s0 =	sand.u32 @!p1 $0x7, s0;
	s10 =	sadd.s32 @!p1 s3, s10;
	[tilespmem:s31+$0x28] =	vst.add.f32.msk @!p4 $0xffff, v1  }
0x28f: {  	[hbm4b:s10+s0] =	stream.linear.scatter @!p1 [tilespmem:s4], [sflag:$0xC], $0x10, $0x38;
	[tilespmem:$0x1F0F8] =	vst v63  }
0x290: {  	s1 =	rddreg [dreg:$0x4];
	s0 =	sadd.s32 @!p5 $0x28, s13;
	s4 =	simm.s32 @!p5 $0x1  }
0x291: {  	[spmem:s1] =	stream.linear.scatter @!p5 [tilespmem:s0], [sflag:$0x1], $0x10, $0x38;
	[tilespmem:$0x1F0F8] =	vst v63  }
0x292: {  	s2 =	sadd.s32 @p2 $0x1, s21;
	_ =	swait.ge @!p5 [sflag:s4], $0x10  }
0x293: {  	s5 =	sshrl.u32 @p2 s2, $0x4;
	[sflag:s4] =	ssyncset.done @!p5 $0x0  }
0x294: {  	s24 =	sadd.s32 $0x80, s24;
	s5 =	smulhi.u32 @p2 $0x97B425F, s5;
	[sflag:s4] =	ssyncadd.s32 @!p5 $0xFFFFFFF0  }
0x295: {  	s28 =	sadd.s32 $0x1, s28;
	v1 =	vld @p2 [tilespmem:s24+$0x0]  }
0x296: {  	p3 =	seq.s32 s28, $0x0;
	s5 =	smul.u32 @p2 $0x1B0, s5  }
.Ltmp16:
0x297: {  	_ = 	snop;
	(pc) =	sbr.rel @!p3 .LBB2_16-.Ltmp16, $4  }
0x298: {  	s2 =	ssub.s32 @p2 s2, s5  }
0x299: {  	s8 =	sadd.s32 @!p4 s8, s29;
	s5 =	sshll.u32 @p2 s2, $0x4  }
0x29a: {  	s9 =	sadd.s32 @p2 $0x1, s25;
	s8 =	smov.u32 @p4 s29;
	[tilespmem:s5+$0x28] =	vst @p2 v1  }
0x29b: {  	s25 =	smov.u32 @p2 s9;
	s21 =	smov.u32 @p2 s2;
	s29 =	smov.u32 @p2 s8;
	v1 =	vld @!p2 [tilespmem:s24+$0x0]  }
.LBB2_17:
.Ltmp17:
0x29c: {  	_ = 	snop;
	(pc) =	sbr.rel .LBB2_19-.Ltmp17, $3  }
0x29d: {  	s1 =	sld [smem:$0x7FD];
	_ =	sdelay $0x1  }
0x29e: {  	s0 =	sshrl.u32 s29, $0x2;
	s28 =	smov.u32 s26  }
0x29f: {  	s4 =	smov.u32 s6;
	s6 =	rddreg [dreg:$0x6];
	p4 =	seq.s32 s1, $0x1;
	[tilespmem:s30+$0x28] =	vst.add.f32.msk @!p2 $0xffff, v1  }
.LBB2_21:
0x2a0: {  	_ =	sfence.sel $0x180000  }
0x2a1: {  	s0 =	simm.s32 $0x9;
	[bflag:$0x0] =	sbarrier.arrive $0xFFFF  }
0x2a2: {  	s24 =	simm.s32 $0xA;
	[sflag:s0] =	ssyncpa.u1 $0x1  }
0x2a3: {  	s25 =	simm.s32 $0xB;
	[sflag:s24] =	ssyncpa.u1 $0x1  }
0x2a4: {  	s26 =	simm.s32 $0x2;
	[sflag:s25] =	ssyncpa.u1 $0x1  }
0x2a5: {  	[sflag:s26] =	ssyncpa.u1 $0x1  }
0x2a6: {  	v0 =	vld [tilespmem:$0x3648];
	_ =	sdelay $0x4  }
0x2a7: {  	(v2sf) =	vpush v0, $0x0  }
0x2a8: {  	(v2sf) =	vpush v0, $0x1;
	_ =	sdelay $0x1  }
0x2a9: {  	(v2sf) =	vpush v0, $0x2;
	_ =	sdelay $0xb  }
0x2aa: {  	s0 =	spop (v2sf)  }
0x2ab: {  	s1 =	spop (v2sf)  }
0x2ac: {  	s2 =	smov.u32 s0;
	p0 =	sne.s32 s0, s1  }
0x2ad: {  	s4 =	spop (v2sf);
	s2 =	simm.s32 @!p0 $0xFFFFFFFF  }
0x2ae: {  	v2 =	vimm.s32 $0x1;
	v3 =	vlaneseq.u32;
	p0 =	seq.s32 s4, $0xFFFFFFFF;
	v1 =	vmov s2  }
0x2af: {  	s16 =	stileid.u32;
	v0 =	vperm.xlane v0, v2;
	p1 =	sne.s32 @!p0 s0, s1;
	v1 =	vperm.xlane v1, v3  }
0x2b0: {  	vm0 =	vcmask $0x3F04;
	s6 =	simm.s32 $0x3648;
	s0 =	simm.s32 @!p0 $0x1;
	p1 =	por !p1, p0  }
0x2b1: {  	s2 =	sshll.u32 s16, $0x1;
	s1 =	sshll.u32 @!p0 s4, $0x6;
	s0 =	simm.s32 @p1 $0x0;
	v0 =	vsel vm0, v1, v0  }
0x2b2: {  	s5 =	sor.u32 $0x200, s2;
	s1 =	sshra.s32 @!p0 s1, $0x2;
	s0 =	sor.u32 @!p0 s0, s2;
	[tilespmem:$0x3648] =	vst v0  }
0x2b3: {  	[spmem:s5] =	stream.linear.scatter [tilespmem:s6], [sflag:$0x1], $0x2, $0x38;
	[tilespmem:$0x1F0F8] =	vst v63  }
0x2b4: {  	s1 =	sadd.s32 @!p0 $0x28, s1;
	s0 =	sshll.u32 @!p0 s0, $0x4  }
0x2b5: {  	[spmem:s0] =	stream.linear.scatter @!p0 [tilespmem:s1], [sflag:$0x1], $0x10, $0x38;
	[tilespmem:$0x1F0F8] =	vst v63  }
0x2b6: {  	s0 =	simm.s32 @!p0 $0x12  }
0x2b7: {  	s28 =	simm.s32 $0x1;
	s0 =	simm.s32 @p0 $0x2  }
0x2b8: {  	_ =	swait.ge [sflag:s28], s0  }
0x2b9: {  	s0 =	ssub.s32 $0x0, s0;
	[sflag:s28] =	ssyncset.done $0x0  }
0x2ba: {  	p0 =	sne.s32 s16, $0x0;
	[sflag:s28] =	ssyncadd.s32 s0  }
.Ltmp18:
0x2bb: {  	_ =	sfence.stream.spmem;
	(pc) =	sbr.rel @p0 .LBB2_38-.Ltmp18, $4  }
0x2bc: {  	s29 =	simm.s32 $0x3;
	[bflag:$0x0] =	sbarrier.arrive $0xFFFF  }
0x2bd: {  	s30 =	simm.s32 $0x4;
	[sflag:s29] =	ssyncpa.u1 $0x1  }
0x2be: {  	s31 =	simm.s32 $0x3C;
	[sflag:s30] =	ssyncpa.u1 $0x1  }
0x2bf: {  	s17 =	rddreg [dreg:$0x5];
	[sflag:s31] =	ssyncpa.u1 $0x1  }
0x2c0: {  	_ =	sfence.stream.spmem;
	s0 =	simm.s32 $0x5  }
0x2c1: {  	s1 =	simm.s32 $0x200;
	s2 =	simm.s32 $0x3658;
	[sflag:s0] =	ssyncpa.u1 $0x0  }
0x2c2: {  	[tilespmem:s2], [sflag:$0x5] =	stream.linear.gather [spmem:s1], $0x20, $0x38;
	[tilespmem:$0x1F0F8] =	vst v63  }
0x2c3: {  	s26 =	simm.s32 $0x0;
	s28 =	simm.s32 $0x3678  }
0x2c4: {  	[tilespmem:s28], [sflag:$0x5] =	stream.linear.gather [spmem:s26], $0x200, $0x38;
	[tilespmem:$0x1F0F8] =	vst v63  }
0x2c5: {  	_ =	swait.ge [sflag:s0], $0x220  }
0x2c6: {  	[sflag:s0] =	ssyncset.done $0x0  }
0x2c7: {  	s29 =	simm.s32 $0x0;
	[sflag:s0] =	ssyncadd.s32 $0xFFFFFDE0  }
0x2c8: {  	v0 =	vld.msk [tilespmem:s29+$0x3658], $0x1;
	_ =	sdelay $0x1  }
0x2c9: {  	s30 =	simm.s32 $0x1  }
0x2ca: {  	v1 =	vld.msk [tilespmem:s30+$0x3658], $0x1;
	_ =	sdelay $0x1  }
0x2cb: {  	(v2sf) =	vpush v0, $0x0;
	_ =	sdelay $0x2  }
0x2cc: {  	(v2sf) =	vpush v1, $0x0;
	_ =	sdelay $0x2  }
0x2cd: {  	s31 =	simm.s32 $0x2  }
0x2ce: {  	v0 =	vld.msk [tilespmem:s31+$0x3658], $0x1;
	_ =	sdelay $0x2  }
0x2cf: {  	s6 =	simm.s32 $0xFFFFFFFF;
	s1 =	simm.s32 $0xFFFFFFFF;
	s0 =	simm.s32 $0xC  }
.LBB2_23:
0x2d0: {  	s2 =	smov.u32 s6;
	s4 =	smov.u32 s1  }
0x2d1: {  	s1 =	sshra.s32 s0, $0x2;
	p1 =	sne.s32 s0, $0x7C;
	s0 =	sadd.s32 $0x4, s0;
	(v2sf) =	vpush v0, $0x0  }
0x2d2: {  	v0 =	vld.msk [tilespmem:s1+$0x3658], $0x1  }
.Ltmp19:
0x2d3: {  	(pc) =	sbr.rel @p1 .LBB2_23-.Ltmp19, $4  }
0x2d4: {  	s6 =	spop (v2sf)  }
0x2d5: {  	p2 =	sne.s32 s4, $0xFFFFFFFF;
	s1 =	smov.u32 s6  }
0x2d6: {  	p3 =	seq.s32 s6, $0xFFFFFFFF;
	s1 =	smov.u32 @p2 s4  }
0x2d7: {  	s6 =	smov.u32 @p3 s2;
	s1 =	smov.u32 @p3 s4  }
0x2d8: {  	(v2sf) =	vpush v0, $0x0;
	_ =	sdelay $0x8  }
0x2d9: {  	s0 =	spop (v2sf)  }
0x2da: {  	p1 =	sne.s32 s1, $0xFFFFFFFF;
	s2 =	smov.u32 s0  }
0x2db: {  	s9 =	simm.s32 $0x6;
	p2 =	seq.s32 s0, $0xFFFFFFFF;
	s2 =	smov.u32 @p1 s1  }
0x2dc: {  	s10 =	simm.s32 $0x3638;
	s2 =	smov.u32 @p2 s1;
	s1 =	spop (v2sf)  }
0x2dd: {  	s0 =	smov.u32 @p2 s6;
	p1 =	sne.s32 s2, $0xFFFFFFFF;
	s4 =	smov.u32 s1  }
.Ltmp20:
0x2de: {  	p2 =	seq.s32 s1, $0xFFFFFFFF;
	s4 =	smov.u32 @p1 s2;
	(pc) =	sbr.rel .LBB2_25-.Ltmp20, $4  }
0x2df: {  	s11 =	simm.s32 $0x0;
	s4 =	smov.u32 @p2 s2;
	s7 =	spop (v2sf)  }
0x2e0: {  	[sflag:s9] =	ssyncpa.u1 $0x0;
	p1 =	sne.s32 s4, $0xFFFFFFFF;
	s8 =	smov.u32 s7  }
0x2e1: {  	s1 =	smov.u32 @p2 s0;
	p2 =	seq.s32 s7, $0xFFFFFFFF;
	s8 =	smov.u32 @p1 s4  }
0x2e2: {  	s6 =	simm.s32 $0x0;
	s7 =	smov.u32 @p2 s1;
	s8 =	smov.u32 @p2 s4  }
.LBB2_30:
0x2e3: {  	p1 =	sgt.u32 s12, $0x27FFE  }
0x2e4: {  	p2 =	seq.s32 @!p1 s12, s8  }
0x2e5: {  	p1 =	por p1, p2  }
0x2e6: {  	p2 =	sne.s32 @!p1 s12, s7  }
0x2e7: {  	p1 =	por p1, !p2  }
0x2e8: {  	s0 =	sshll.u32 @p1 s11, $0x6  }
0x2e9: {  	s0 =	sand.u32 @!p1 $0x3FFF8, s12  }
0x2ea: {  	s1 =	sand.u32 @!p1 $0x7, s12;
	s0 =	sadd.s32 @!p1 s3, s0  }
0x2eb: {  	[tilespmem:s10], [sflag:$0x6] =	stream.linear.gather @!p1 [hbm4b:s0+s1], $0x10, $0x38;
	[tilespmem:$0x1F0F8] =	vst v63  }
0x2ec: {  	_ =	swait.ge @!p1 [sflag:s9], $0x10  }
0x2ed: {  	[sflag:s9] =	ssyncset.done @!p1 $0x0  }
0x2ee: {  	[sflag:s9] =	ssyncadd.s32 @!p1 $0xFFFFFFF0  }
0x2ef: {  	v1 =	vld @!p1 [tilespmem:$0x3638];
	_ =	sdelay $0x2  }
0x2f0: {  	s0 =	sshll.u32 @!p1 s11, $0x6  }
0x2f1: {  	s1 =	sshrl.u32 @!p1 s0, $0x2  }
0x2f2: {  	[tilespmem:s1+$0x3678] =	vst.add.f32.msk @!p1 $0xffff, v1  }
0x2f3: {  	s0 =	sshrl.u32 s0, $0x2;
	[tilespmem:s6+$0x3658] =	vst.msk $0x1, v0  }
0x2f4: {  	v0 =	vld [tilespmem:s0+$0x3678];
	_ =	sdelay $0x2  }
0x2f5: {  	s31 =	sshll.u32 s6, $0x6  }
0x2f6: {  	s0 =	sshra.s32 s31, $0x2  }
0x2f7: {  	s6 =	sadd.s32 $0x1, s6;
	[tilespmem:s0+$0x3678] =	vst v0  }
.LBB2_32:
0x2f8: {  	s11 =	sadd.s32 $0x1, s11  }
0x2f9: {  	p1 =	sne.s32 s11, $0x20  }
.Ltmp21:
0x2fa: {  	_ = 	snop;
	(pc) =	sbr.rel @!p1 .LBB2_33-.Ltmp21, $1  }
0x2fb: {  	_ =	sdelay $0x3  }
.LBB2_25:
0x2fc: {  	v0 =	vld.msk [tilespmem:s11+$0x3658], $0x1;
	_ =	sdelay $0x4  }
0x2fd: {  	(v2sf) =	vpush v0, $0x0;
	_ =	sdelay $0xe  }
0x2fe: {  	s12 =	spop (v2sf)  }
0x2ff: {  	p1 =	seq.s32 s12, $0xFFFFFFFF  }
.Ltmp22:
0x300: {  	_ = 	snop;
	(pc) =	sbr.rel @p1 .LBB2_32-.Ltmp22, $1  }
0x301: {  	_ =	sdelay $0x3  }
0x302: {  	p1 =	slt.s32 s6, $0x1  }
.Ltmp23:
0x303: {  	_ = 	snop;
	(pc) =	sbr.rel @p1 .LBB2_30-.Ltmp23, $1  }
0x304: {  	_ =	sdelay $0x3  }
0x305: {  	s13 =	simm.s32 $0x3658;
	p1 =	por $0x0, $0x0  }
0x306: {  	v1 =	vld.msk @!p1 [tilespmem:s13+$0x0], $0x1;
	_ =	sdelay $0x4  }
0x307: {  	(v2sf) =	vpush @!p1 v1, $0x0;
	_ =	sdelay $0xd  }
0x308: {  	p3 =	sne.s32 s6, $0x1  }
.Ltmp24:
0x309: {  	s0 =	spop @!p1 (v2sf);
	(pc) =	sbr.rel @!p3 .LBB2_29-.Ltmp24, $4  }
0x30a: {  	p2 =	seq.s32 @!p1 s12, s0  }
0x30b: {  	s14 =	simm.s32 $0x0;
	p2 =	por !p2, p1  }
0x30c: {  	s0 =	simm.s32 $0xFFFFFFFF;
	s14 =	simm.s32 @p2 $0xFFFFFFFF  }
0x30d: {  	s15 =	simm.s32 $0x1;
	s14 =	smov.u32 @p1 s0  }
.LBB2_28:
0x30e: {  	s0 =	smov.u32 s14;
	p1 =	sne.s32 s14, $0xFFFFFFFF  }
0x30f: {  	s13 =	sadd.s32 $0x1, s13;
	s14 =	smov.u32 s15;
	s15 =	sadd.s32 $0x1, s15  }
0x310: {  	p2 =	sne.s32 s6, s15;
	v1 =	vld.msk @!p1 [tilespmem:s13+$0x0], $0x1;
	_ =	sdelay $0x4  }
0x311: {  	(v2sf) =	vpush @!p1 v1, $0x0;
	_ =	sdelay $0xe  }
.Ltmp25:
0x312: {  	s1 =	spop @!p1 (v2sf);
	(pc) =	sbr.rel @p2 .LBB2_28-.Ltmp25, $4  }
0x313: {  	p3 =	seq.s32 @!p1 s12, s1  }
0x314: {  	p3 =	por !p3, p1  }
0x315: {  	s14 =	simm.s32 @p3 $0xFFFFFFFF  }
0x316: {  	s14 =	smov.u32 @p1 s0  }
.LBB2_29:
0x317: {  	p1 =	sne.s32 s14, $0xFFFFFFFF  }
.Ltmp26:
0x318: {  	_ = 	snop;
	(pc) =	sbr.rel @!p1 .LBB2_30-.Ltmp26, $1  }
0x319: {  	_ =	sdelay $0x3  }
0x31a: {  	s0 =	sshll.u32 s11, $0x4  }
0x31b: {  	s0 =	sand.u32 $0x3FFFFFF0, s0  }
0x31c: {  	v0 =	vld [tilespmem:s0+$0x3678]  }
.Ltmp27:
0x31d: {  	_ = 	snop;
	(pc) =	sbr.rel .LBB2_32-.Ltmp27, $4  }
0x31e: {  	_ = 	snop  }
0x31f: {  	s31 =	sshll.u32 s14, $0x6  }
0x320: {  	s0 =	sshra.s32 s31, $0x2  }
0x321: {  	[tilespmem:s0+$0x3678] =	vst.add.f32.msk $0xffff, v0  }
.LBB2_33:
0x322: {  	s0 =	simm.s32 $0x6;
	p1 =	seq.s32 s6, $0x0  }
0x323: {  	[sflag:s0] =	ssyncpa.u1 $0x1;
	v0 =	vimm.s32 @p1 $0xFFFFFFFF  }
0x324: {  	s9 =	sadd.s32 $0xFFFFFFFF, s6;
	[tilespmem:$0x3878] =	vst @p1 v0  }
0x325: {  	v0 =	vld.msk @!p1 [tilespmem:s9+$0x3658], $0x1;
	_ =	sdelay $0x1  }
0x326: {  	v1 =	vld.msk @!p1 [tilespmem:$0x3658], $0x1;
	_ =	sdelay $0x2  }
0x327: {  	p2 =	seq.s32 @!p1 s9, $0x0;
	v0 =	vbroadcast @!p1 v0, $0x0  }
0x328: {  	vm0 =	vmmov @!p1 $0x1;
	p2 =	por !p2, p1  }
0x329: {  	v1 =	vnsel @!p1 vm0, $0xFFFFFFFF, v1;
	vm0 =	vcmask @!p1 $0x308;
	v0 =	vpsel !p2, $0xFFFFFFFF, v0  }
0x32a: {  	p2 =	sne.s32 @!p1 s8, s7;
	v0 =	vsel @!p1 vm0, v1, v0  }
0x32b: {  	s0 =	simm.s32 @!p1 $0x3678;
	s1 =	simm.s32 @!p1 $0x0;
	p3 =	por !p2, p1;
	[tilespmem:$0x3878] =	vst @!p1 v0  }
0x32c: {  	[spmem:s1] =	stream.linear.scatter @!p1 [tilespmem:s0], [sflag:$0x1], $0x10, $0x38;
	[tilespmem:$0x1F0F8] =	vst v63  }
0x32d: {  	s0 =	sshll.u32 @!p3 s9, $0x6  }
0x32e: {  	s0 =	sshra.s32 @!p3 s0, $0x2  }
0x32f: {  	s1 =	simm.s32 @!p3 $0x10;
	s0 =	sadd.s32 @!p3 $0x3678, s0  }
0x330: {  	[spmem:s1] =	stream.linear.scatter @!p3 [tilespmem:s0], [sflag:$0x1], $0x10, $0x38;
	[tilespmem:$0x1F0F8] =	vst v63  }
0x331: {  	s0 =	simm.s32 @!p3 $0x1  }
0x332: {  	_ =	swait.ge @!p3 [sflag:s0], $0x20  }
0x333: {  	p1 =	por p2, p1;
	[sflag:s0] =	ssyncset.done @!p3 $0x0  }
0x334: {  	[sflag:s0] =	ssyncadd.s32 @!p3 $0xFFFFFFE0;
	s0 =	simm.s32 @!p1 $0x1  }
0x335: {  	_ =	swait.ge @!p1 [sflag:s0], $0x10  }
0x336: {  	s29 =	simm.s32 $0x3878;
	[sflag:s0] =	ssyncset.done @!p1 $0x0  }
0x337: {  	s30 =	simm.s32 $0x200;
	s31 =	simm.s32 $0x1;
	[sflag:s0] =	ssyncadd.s32 @!p1 $0xFFFFFFF0  }
0x338: {  	[spmem:s30] =	stream.linear.scatter [tilespmem:s29], [sflag:$0x1], $0x10, $0x38;
	[tilespmem:$0x1F0F8] =	vst v63  }
0x339: {  	_ =	swait.ge [sflag:s31], $0x10  }
0x33a: {  	[sflag:s31] =	ssyncset.done $0x0  }
0x33b: {  	p1 =	seq.s32 s17, $0x0;
	s8 =	rddreg [dreg:$0x1];
	[sflag:s31] =	ssyncadd.s32 $0xFFFFFFF0  }
0x33c: {  	s1 =	sshll.u32 @p1 s8, $0xE;
	s7 =	rddreg [dreg:$0x2]  }
0x33d: {  	s0 =	sadd.s32 @p1 $0x15C3C, s1;
	s1 =	sshll.u32 @p1 s7, $0x11  }
0x33e: {  	_ =	sfence.stream.spmem;
	s0 =	sor.u32 @p1 s1, s0  }
0x33f: {  	[sflag:s0] =	ssyncadd.remote.s32 @p1 $0x1;
	s0 =	simm.s32 @p1 $0x4  }
0x340: {  	s2 =	simm.s32 @!p1 $0x3C;
	s1 =	sand.u32 $0xFFFFFFFE, s8;
	_ =	swait.ge @p1 [sflag:s0], $0x6  }
0x341: {  	s4 =	simm.s32 @!p1 $0x0;
	s1 =	sadd.s32 @!p1 $0x4, s1;
	[sflag:s0] =	ssyncset.done @p1 $0x0  }
0x342: {  	s5 =	simm.s32 @!p1 $0x20;
	[sflag:s0] =	ssyncadd.s32 @p1 $0xFFFFFFFA;
	s0 =	sshll.u32 @!p1 s1, $0x1A  }
0x343: {  	s1 =	sshll.u32 @!p1 s1, $0xD;
	s0 =	sor.u32 @!p1 s0, s7;
	_ =	swait.eq @!p1 [sflag:s2], $0x1  }
0x344: {  	s1 =	sor.u32 @!p1 $0x1C04, s1;
	s2 =	simm.s32 @!p1 $0x1C03;
	s0 =	sor.u32 @!p1 $0x80004000, s0  }
0x345: {  	[spmem:s5], [sflag:s1] =	dma.general @!p1 [spmem:s4], [sflag:s2], length:$0x4, [dreg:$0x0], stride_count:$0x0, ici_dest:s0, dma_misc:DstOpCode:WRITE  }
0x346: {  	p2 =	slt.s32 s9, $0x2;
	s4 =	simm.s32 @!p1 $0x40;
	s5 =	simm.s32 @!p1 $0x42  }
0x347: {  	[spmem:s5], [sflag:s1] =	dma.general @!p1 [spmem:s4], [sflag:s2], length:$0x2, [dreg:$0x0], stride_count:$0x0, ici_dest:s0, dma_misc:DstOpCode:WRITE  }
.Ltmp28:
0x348: {  	s0 =	simm.s32 @!p1 $0x3;
	(pc) =	sbr.rel @p2 .LBB2_37-.Ltmp28, $4  }
0x349: {  	s1 =	sshll.u32 @!p1 s8, $0xE;
	_ =	swait.ge @!p1 [sflag:s0], $0x6  }
0x34a: {  	s2 =	sshll.u32 @!p1 s7, $0x11;
	s1 =	sadd.s32 @!p1 $0x11C3C, s1;
	[sflag:s0] =	ssyncset.done @!p1 $0x0  }
0x34b: {  	[sflag:s0] =	ssyncadd.s32 @!p1 $0xFFFFFFFA;
	s0 =	sor.u32 @!p1 s2, s1  }
0x34c: {  	[sflag:s0] =	ssyncadd.remote.s32 @!p1 $0xFFFFFFFF;
	s0 =	simm.s32 $0x0  }
0x34d: {  	s0 =	simm.s32 $0x3659  }
0x34e: {  	v0 =	vld.msk [tilespmem:s0+$0x0], $0x1;
	_ =	sdelay $0x4  }
0x34f: {  	(v2sf) =	vpush v0, $0x0;
	_ =	sdelay $0xd  }
0x350: {  	s2 =	sadd.s32 $0xFFFFFFFE, s6  }
0x351: {  	s2 =	sadd.s32 $0xFFFFFFFF, s2;
	s0 =	spop (v2sf)  }
0x352: {  	p2 =	sne.s32 s2, $0x0;
	p1 =	sgt.u32 s0, $0x27FFE  }
.Ltmp29:
0x353: {  	s4 =	sand.u32 @!p1 $0x3FFF8, s0;
	(pc) =	sbr.rel @!p2 .LBB2_36-.Ltmp29, $4  }
0x354: {  	s1 =	simm.s32 $0x3688;
	s0 =	sand.u32 @!p1 $0x7, s0;
	s4 =	sadd.s32 @!p1 s3, s4  }
0x355: {  	[hbm4b:s4+s0] =	stream.linear.scatter @!p1 [tilespmem:s1], [sflag:$0x5], $0x10, $0x38;
	[tilespmem:$0x1F0F8] =	vst v63  }
0x356: {  	s0 =	simm.s32 $0x0  }
0x357: {  	s6 =	simm.s32 $0x0;
	s7 =	simm.s32 $0x365A;
	s0 =	simm.s32 @!p1 $0x40  }
.LBB2_35:
0x358: {  	v0 =	vld.msk [tilespmem:s7+$0x0], $0x1;
	s2 =	sadd.s32 $0xFFFFFFFF, s2;
	s6 =	sadd.s32 s6, s0  }
0x359: {  	p1 =	sne.s32 s2, $0x0;
	_ =	sdelay $0x3  }
0x35a: {  	(v2sf) =	vpush v0, $0x0;
	_ =	sdelay $0xe  }
.Ltmp30:
0x35b: {  	s4 =	spop (v2sf);
	(pc) =	sbr.rel @p1 .LBB2_35-.Ltmp30, $4  }
0x35c: {  	s0 =	simm.s32 $0x0;
	p2 =	sgt.u32 s4, $0x27FFE  }
0x35d: {  	s1 =	sadd.s32 $0x10, s1;
	s0 =	simm.s32 @!p2 $0x40;
	s5 =	sand.u32 @!p2 $0x3FFF8, s4  }
0x35e: {  	s7 =	sadd.s32 $0x1, s7;
	s4 =	sand.u32 @!p2 $0x7, s4;
	s5 =	sadd.s32 @!p2 s3, s5  }
0x35f: {  	[hbm4b:s5+s4] =	stream.linear.scatter @!p2 [tilespmem:s1], [sflag:$0x5], $0x10, $0x38;
	[tilespmem:$0x1F0F8] =	vst v63  }
.LBB2_36:
0x360: {  	s0 =	sadd.s32 s6, s0  }
0x361: {  	s0 =	sshrl.u32 s0, $0x2  }
.LBB2_37:
0x362: {  	s1 =	simm.s32 $0x5  }
0x363: {  	_ =	swait.ge [sflag:s1], s0  }
0x364: {  	s31 =	ssub.s32 $0x0, s0;
	[sflag:s1] =	ssyncset.done $0x0  }
0x365: {  	[sflag:s1] =	ssyncadd.s32 s31  }
0x366: {  	[sflag:s1] =	ssyncpa.u1 $0x1  }
.LBB2_38:
0x367: {  	s0 =	sor.u32 s17, s16  }
0x368: {  	p1 =	sne.s32 s0, $0x0  }
.Ltmp31:
0x369: {  	_ = 	snop;
	(pc) =	sbr.rel @p1 .LBB2_53-.Ltmp31, $3  }
0x36a: {  	_ =	sdelay $0x1  }
0x36b: {  	[bflag:$0x0] =	sbarrier.arrive $0xFFFF  }
0x36c: {  	_ =	sfence  }
0x36d: {  	s0 =	simm.s32 $0x7  }
0x36e: {  	s1 =	simm.s32 $0x200;
	s2 =	simm.s32 $0x3658;
	[sflag:s0] =	ssyncpa.u1 $0x0  }
0x36f: {  	[tilespmem:s2], [sflag:$0x7] =	stream.linear.gather [spmem:s1], $0x20, $0x38;
	[tilespmem:$0x1F0F8] =	vst v63  }
0x370: {  	s30 =	simm.s32 $0x3678;
	s1 =	simm.s32 $0x0  }
0x371: {  	[tilespmem:s30], [sflag:$0x7] =	stream.linear.gather [spmem:s1], $0x200, $0x38;
	[tilespmem:$0x1F0F8] =	vst v63  }
.Ltmp32:
0x372: {  	_ = 	snop;
	(pc) =	sbr.rel .LBB2_40-.Ltmp32, $4  }
0x373: {  	_ =	swait.ge [sflag:s0], $0x220  }
0x374: {  	[sflag:s0] =	ssyncset.done $0x0  }
0x375: {  	s31 =	simm.s32 $0x8;
	[sflag:s0] =	ssyncadd.s32 $0xFFFFFDE0  }
0x376: {  	s2 =	simm.s32 $0x0;
	[sflag:s31] =	ssyncpa.u1 $0x0  }
.LBB2_45:
0x377: {  	p1 =	slt.u32 s4, $0x27FFF  }
0x378: {  	s0 =	sand.u32 @p1 $0x3FFF8, s4  }
0x379: {  	s4 =	sand.u32 @p1 $0x7, s4;
	s5 =	simm.s32 @p1 $0x3638;
	s0 =	sadd.s32 @p1 s3, s0  }
0x37a: {  	[tilespmem:s5], [sflag:$0x8] =	stream.linear.gather @p1 [hbm4b:s0+s4], $0x10, $0x38;
	[tilespmem:$0x1F0F8] =	vst v63  }
0x37b: {  	s0 =	simm.s32 @p1 $0x8  }
0x37c: {  	_ =	swait.ge @p1 [sflag:s0], $0x10  }
0x37d: {  	[sflag:s0] =	ssyncset.done @p1 $0x0  }
0x37e: {  	[sflag:s0] =	ssyncadd.s32 @p1 $0xFFFFFFF0  }
0x37f: {  	v1 =	vld @p1 [tilespmem:$0x3638];
	_ =	sdelay $0x2  }
0x380: {  	s0 =	sshll.u32 @p1 s2, $0x6  }
0x381: {  	s5 =	sshll.u32 @!p1 s2, $0x6;
	s4 =	sshrl.u32 @p1 s0, $0x2  }
0x382: {  	s5 =	smov.u32 @p1 s0;
	[tilespmem:s4+$0x3678] =	vst.add.f32.msk @p1 $0xffff, v1  }
0x383: {  	s0 =	sshrl.u32 s5, $0x2;
	[tilespmem:s1+$0x3658] =	vst.msk $0x1, v0  }
0x384: {  	v0 =	vld [tilespmem:s0+$0x3678];
	_ =	sdelay $0x2  }
0x385: {  	s31 =	sshll.u32 s1, $0x6  }
0x386: {  	s0 =	sshra.s32 s31, $0x2  }
0x387: {  	s1 =	sadd.s32 $0x1, s1;
	[tilespmem:s0+$0x3678] =	vst v0  }
.LBB2_47:
0x388: {  	s2 =	sadd.s32 $0x1, s2  }
0x389: {  	p1 =	sne.s32 s2, $0x20  }
.Ltmp33:
0x38a: {  	_ = 	snop;
	(pc) =	sbr.rel @!p1 .LBB2_48-.Ltmp33, $1  }
0x38b: {  	_ =	sdelay $0x3  }
.LBB2_40:
0x38c: {  	v0 =	vld.msk [tilespmem:s2+$0x3658], $0x1;
	_ =	sdelay $0x4  }
0x38d: {  	(v2sf) =	vpush v0, $0x0;
	_ =	sdelay $0xe  }
0x38e: {  	s4 =	spop (v2sf)  }
0x38f: {  	p1 =	seq.s32 s4, $0xFFFFFFFF  }
.Ltmp34:
0x390: {  	_ = 	snop;
	(pc) =	sbr.rel @p1 .LBB2_47-.Ltmp34, $1  }
0x391: {  	_ =	sdelay $0x3  }
0x392: {  	p1 =	slt.s32 s1, $0x1  }
.Ltmp35:
0x393: {  	_ = 	snop;
	(pc) =	sbr.rel @p1 .LBB2_45-.Ltmp35, $1  }
0x394: {  	_ =	sdelay $0x3  }
0x395: {  	s5 =	simm.s32 $0x3658;
	p1 =	por $0x0, $0x0  }
0x396: {  	v1 =	vld.msk @!p1 [tilespmem:s5+$0x0], $0x1;
	_ =	sdelay $0x4  }
0x397: {  	(v2sf) =	vpush @!p1 v1, $0x0;
	_ =	sdelay $0xd  }
0x398: {  	p3 =	sne.s32 s1, $0x1  }
.Ltmp36:
0x399: {  	s0 =	spop @!p1 (v2sf);
	(pc) =	sbr.rel @!p3 .LBB2_44-.Ltmp36, $4  }
0x39a: {  	p2 =	seq.s32 @!p1 s4, s0  }
0x39b: {  	s6 =	simm.s32 $0x0;
	p2 =	por !p2, p1  }
0x39c: {  	s0 =	simm.s32 $0xFFFFFFFF;
	s6 =	simm.s32 @p2 $0xFFFFFFFF  }
0x39d: {  	s7 =	simm.s32 $0x1;
	s6 =	smov.u32 @p1 s0  }
.LBB2_43:
0x39e: {  	s0 =	smov.u32 s6;
	p1 =	sne.s32 s6, $0xFFFFFFFF  }
0x39f: {  	s5 =	sadd.s32 $0x1, s5;
	s6 =	smov.u32 s7;
	s7 =	sadd.s32 $0x1, s7  }
0x3a0: {  	p2 =	sne.s32 s1, s7;
	v1 =	vld.msk @!p1 [tilespmem:s5+$0x0], $0x1;
	_ =	sdelay $0x4  }
0x3a1: {  	(v2sf) =	vpush @!p1 v1, $0x0;
	_ =	sdelay $0xe  }
.Ltmp37:
0x3a2: {  	s8 =	spop @!p1 (v2sf);
	(pc) =	sbr.rel @p2 .LBB2_43-.Ltmp37, $4  }
0x3a3: {  	p3 =	seq.s32 @!p1 s4, s8  }
0x3a4: {  	p3 =	por !p3, p1  }
0x3a5: {  	s6 =	simm.s32 @p3 $0xFFFFFFFF  }
0x3a6: {  	s6 =	smov.u32 @p1 s0  }
.LBB2_44:
0x3a7: {  	p1 =	sne.s32 s6, $0xFFFFFFFF  }
.Ltmp38:
0x3a8: {  	_ = 	snop;
	(pc) =	sbr.rel @!p1 .LBB2_45-.Ltmp38, $1  }
0x3a9: {  	_ =	sdelay $0x3  }
0x3aa: {  	s0 =	sshll.u32 s2, $0x4  }
0x3ab: {  	s0 =	sand.u32 $0x3FFFFFF0, s0  }
0x3ac: {  	v0 =	vld [tilespmem:s0+$0x3678]  }
.Ltmp39:
0x3ad: {  	_ = 	snop;
	(pc) =	sbr.rel .LBB2_47-.Ltmp39, $4  }
0x3ae: {  	_ = 	snop  }
0x3af: {  	s31 =	sshll.u32 s6, $0x6  }
0x3b0: {  	s0 =	sshra.s32 s31, $0x2  }
0x3b1: {  	[tilespmem:s0+$0x3678] =	vst.add.f32.msk $0xffff, v0  }
.LBB2_48:
0x3b2: {  	p1 =	slt.s32 s1, $0x1  }
.Ltmp40:
0x3b3: {  	_ = 	snop;
	(pc) =	sbr.rel @p1 .LBB2_52-.Ltmp40, $3  }
0x3b4: {  	_ =	sdelay $0x1  }
0x3b5: {  	s0 =	simm.s32 $0x8  }
0x3b6: {  	s2 =	simm.s32 $0x0;
	[sflag:s0] =	ssyncpa.u1 $0x1  }
0x3b7: {  	s0 =	simm.s32 $0x3658  }
0x3b8: {  	v0 =	vld.msk [tilespmem:s0+$0x0], $0x1;
	_ =	sdelay $0x4  }
0x3b9: {  	(v2sf) =	vpush v0, $0x0;
	_ =	sdelay $0xe  }
0x3ba: {  	s1 =	sadd.s32 $0xFFFFFFFF, s1;
	s0 =	spop (v2sf)  }
0x3bb: {  	p2 =	sne.s32 s1, $0x0;
	p1 =	sgt.u32 s0, $0x27FFE  }
.Ltmp41:
0x3bc: {  	s5 =	sand.u32 @!p1 $0x3FFF8, s0;
	(pc) =	sbr.rel @!p2 .LBB2_51-.Ltmp41, $4  }
0x3bd: {  	s4 =	simm.s32 $0x3678;
	s0 =	sand.u32 @!p1 $0x7, s0;
	s5 =	sadd.s32 @!p1 s3, s5  }
0x3be: {  	[hbm4b:s5+s0] =	stream.linear.scatter @!p1 [tilespmem:s4], [sflag:$0x7], $0x10, $0x38;
	[tilespmem:$0x1F0F8] =	vst v63  }
0x3bf: {  	s0 =	simm.s32 $0x0  }
0x3c0: {  	s5 =	simm.s32 $0x3659;
	s0 =	simm.s32 @!p1 $0x40  }
.LBB2_50:
0x3c1: {  	v0 =	vld.msk [tilespmem:s5+$0x0], $0x1;
	s1 =	sadd.s32 $0xFFFFFFFF, s1;
	s2 =	sadd.s32 s2, s0  }
0x3c2: {  	p1 =	sne.s32 s1, $0x0;
	_ =	sdelay $0x3  }
0x3c3: {  	(v2sf) =	vpush v0, $0x0;
	_ =	sdelay $0xe  }
.Ltmp42:
0x3c4: {  	s6 =	spop (v2sf);
	(pc) =	sbr.rel @p1 .LBB2_50-.Ltmp42, $4  }
0x3c5: {  	s0 =	simm.s32 $0x0;
	p2 =	sgt.u32 s6, $0x27FFE  }
0x3c6: {  	s4 =	sadd.s32 $0x10, s4;
	s0 =	simm.s32 @!p2 $0x40;
	s7 =	sand.u32 @!p2 $0x3FFF8, s6  }
0x3c7: {  	s5 =	sadd.s32 $0x1, s5;
	s6 =	sand.u32 @!p2 $0x7, s6;
	s7 =	sadd.s32 @!p2 s3, s7  }
0x3c8: {  	[hbm4b:s7+s6] =	stream.linear.scatter @!p2 [tilespmem:s4], [sflag:$0x7], $0x10, $0x38;
	[tilespmem:$0x1F0F8] =	vst v63  }
.LBB2_51:
0x3c9: {  	s0 =	sadd.s32 s2, s0  }
0x3ca: {  	s2 =	sshrl.u32 s0, $0x2  }
.LBB2_52:
0x3cb: {  	s0 =	simm.s32 $0x7  }
0x3cc: {  	_ =	swait.ge [sflag:s0], s2  }
0x3cd: {  	s1 =	ssub.s32 $0x0, s2;
	[sflag:s0] =	ssyncset.done $0x0  }
0x3ce: {  	[sflag:s0] =	ssyncadd.s32 s1  }
0x3cf: {  	[sflag:s0] =	ssyncpa.u1 $0x1  }
.LBB2_53:
0x3d0: {  	_ =	sfence;
	s0 =	simm.s32 $0x1  }
0x3d1: {  	[sflag:s0] =	ssyncpa.u1 $0x1  }
0x3d2: {  	_ =	strace $0x9000005B  }
0x3d3: {  	[bflag:$0x2] =	sbarrier.arrive $0xFFFF  }
0x3d4: {  	s0 =	rddreg [dreg:$0x3]  }
0x3d5: {  	s0 =	sadd.s32 @!p0 $0x100000, s0  }
0x3d6: {  	[sflag:s0] =	ssyncadd.tile.s32 @!p0 $0x1;
	_ =	shalt  }
.Lfunc_end2:
_tile_overlayer_lowered:
.L_overlay_start_2:
0x3d7: {  	(tag) =	ssettag $0x2  }
0x3d8: {  	s0 =	rddreg [dreg:$0x0];
	s2 =	stileid.u32  }
0x3d9: {  	s1 =	rddreg [dreg:$0x1];
	p0 =	sne.s32 s2, $0x0  }
0x3da: {  	s3 =	rddreg [dreg:$0x2];
	[bflag:$0x3] =	sbarrier.arrive $0xFFFF;
	s2 =	simm.s32 @!p0 $0x1C01  }
0x3db: {  	[timem:s3], [sflag:s2] =	dma.local @!p0 [hbm:s0], s1  }
0x3dc: {  	s0 =	simm.s32 @!p0 $0x1  }
0x3dd: {  	_ =	swait.ge @!p0 [sflag:s0], s1  }
0x3de: {  	s1 =	ssub.s32 @!p0 $0x0, s1;
	[sflag:s0] =	ssyncset.done @!p0 $0x0  }
0x3df: {  	[sflag:s0] =	ssyncadd.s32 @!p0 s1  }
0x3e0: {  	[bflag:$0x3] =	sbarrier.arrive $0xFFFF  }
0x3e1: {  	_ =	shalt  }

// kernel: scatter_offload_async_start
scs
__scs_entry_jumppad:
0x0: {  	(pc) =	sbr.rel $0x88, $3  }
0x1: {  	(tag) =	ssettag $0x0;
	lr =	simm.s32 $0x1  }
0x2: {  	[smem:$0x3F8B] =	sst lr;
	_ =	strace $0xD0000000  }
0x3: {  	_ = 	snop  }
0x4: {  	_ = 	snop  }
0x5: {  	_ = 	snop  }
0x6: {  	_ = 	snop  }
0x7: {  	_ = 	snop  }
__scs_overlays_trampoline_lowered:
0x8: {  	[smem:$0x3F9A] =	sst s0  }
0x9: {  	[smem:$0x3F9B] =	sst s1  }
0xa: {  	[smem:$0x3F9C] =	sst s2  }
0xb: {  	[smem:$0x3F9D] =	sst s3  }
0xc: {  	[smem:$0x3F9E] =	sst s4  }
0xd: {  	[smem:$0x3F9F] =	sst s5  }
0xe: {  	[smem:$0x3FA0] =	sst s6  }
0xf: {  	[smem:$0x3FA1] =	sst s7  }
0x10: {  	[smem:$0x3FA2] =	sst s8  }
0x11: {  	[smem:$0x3FA3] =	sst s9;
	s0 =	simm.s32 @!p0 $0x0  }
0x12: {  	s1 =	sld [smem:$0x3F89];
	s0 =	simm.s32 @p0 $0x1  }
0x13: {  	[smem:$0x3FA4] =	sst s0;
	s0 =	simm.s32 @!p1 $0x0  }
0x14: {  	s2 =	sld [smem:$0x3F88];
	s0 =	simm.s32 @p1 $0x1  }
0x15: {  	[smem:$0x3FA5] =	sst s0;
	s0 =	simm.s32 @!p2 $0x0  }
0x16: {  	s3 =	sld [smem:$0x3FDB];
	s0 =	simm.s32 @p2 $0x1  }
0x17: {  	s4 =	simm.s32 $0x1BF5;
	[smem:$0x3FA7] =	sst s0  }
0x18: {  	s0 =	sld [smem:$0x3F8A];
	_ =	swait.ge [sflag:s4], $0x0  }
0x19: {  	s7 =	sld [smem:$0x3F8B]  }
0x1a: {  	s8 =	sadd.s32 $0xFFFFE003, lr  }
0x1b: {  	s9 =	sadd.s32 $0xFFFFFEF7, lr;
	s5 =	simm.s32 $0xFFFFFFFF;
	p2 =	slt.u32 s8, $0xFFFFF086  }
0x1c: {  	p1 =	slt.u32 s9, $0xF7A;
	s5 =	simm.s32 @!p2 $0x0  }
0x1d: {  	s5 =	simm.s32 @p1 $0x1;
	p0 =	seq.s32 s7, s2  }
0x1e: {  	s7 =	smul.u32 @!p0 $0xF7A, s2;
	p2 =	seq.s32 @!p0 s5, $0x0  }
0x1f: {  	s9 =	smul.u32 $0xF7A, s1;
	s8 =	simm.s32 @!p0 $0x1BF5;
	p2 =	por !p2, p0  }
0x20: {  	[sflag:s8] =	ssyncset.s32 @!p0 $0xFFFFF086;
	s6 =	sadd.s32 @!p0 s3, s7;
	s7 =	simm.s32 @!p0 $0x108  }
0x21: {  	s3 =	sadd.s32 s3, s9;
	s6 =	sadd.s32 @!p0 $0x88, s6;
	s7 =	simm.s32 @p2 $0x1082  }
0x22: {  	[simem:s7], [sflag:s8] =	dma.local @!p0 [hbm:s6], $0xF7A  }
0x23: {  	s9 =	sor.u32 $0xD0000000, s2;
	s6 =	simm.s32 $0x108;
	_ =	swait.ge @!p0 [sflag:s8], $0x0  }
0x24: {  	s3 =	sadd.s32 $0x88, s3;
	s6 =	simm.s32 @!p1 $0x1082;
	[sflag:s4] =	ssyncset.s32 $0xFFFFF086  }
0x25: {  	[simem:s6], [sflag:s4] =	dma.local [hbm:s3], $0xF7A  }
0x26: {  	[smem:$0x3F8B] =	sst s1;
	(tag) =	ssettag s2;
	_ =	strace s9  }
0x27: {  	s1 =	sld [smem:$0x3F9B]  }
0x28: {  	s2 =	sld [smem:$0x3F9C]  }
0x29: {  	s4 =	sld [smem:$0x3F9E]  }
0x2a: {  	p0 =	seq.s32 s5, $0x0;
	s5 =	sld [smem:$0x3F9F]  }
0x2b: {  	s6 =	sld [smem:$0x3FA0]  }
0x2c: {  	s7 =	sld [smem:$0x3FA1]  }
0x2d: {  	s3 =	simm.s32 $0x108;
	s8 =	sld [smem:$0x3FA2]  }
0x2e: {  	s3 =	simm.s32 @!p0 $0x1082;
	s9 =	sld [smem:$0x3FA3]  }
0x2f: {  	lr =	sadd.s32 s0, s3;
	s0 =	sld [smem:$0x3F9A]  }
0x30: {  	s3 =	sld [smem:$0x3F9D]  }
0x31: {  	[smem:$0x3FA6] =	sst s10  }
0x32: {  	s10 =	sld [smem:$0x3FA4];
	_ =	sdelay $0x3  }
0x33: {  	p0 =	seq.s32 s10, $0x1;
	s10 =	sld [smem:$0x3FA6];
	_ =	sdelay $0x3  }
0x34: {  	[smem:$0x3FA6] =	sst s10  }
0x35: {  	s10 =	sld [smem:$0x3FA5];
	_ =	sdelay $0x3  }
0x36: {  	p1 =	seq.s32 s10, $0x1;
	s10 =	sld [smem:$0x3FA6];
	_ =	sdelay $0x3  }
0x37: {  	[smem:$0x3FA6] =	sst s10  }
0x38: {  	s10 =	sld [smem:$0x3FA7]  }
0x39: {  	_ = 	snop;
	(pc) =	sbr.ind lr, $3  }
0x3a: {  	_ = 	snop  }
0x3b: {  	_ = 	snop  }
0x3c: {  	p2 =	seq.s32 s10, $0x1;
	s10 =	sld [smem:$0x3FA6]  }
0x3d: {  	_ =	shalt  }
0x3e: {  	_ =	shalt  }
0x3f: {  	_ =	shalt  }
0x40: {  	_ =	shalt  }
0x41: {  	_ =	shalt  }
0x42: {  	_ =	shalt  }
0x43: {  	_ =	shalt  }
0x44: {  	_ =	shalt  }
0x45: {  	_ =	shalt  }
0x46: {  	_ =	shalt  }
0x47: {  	_ =	shalt  }
0x48: {  	_ =	shalt  }
0x49: {  	_ =	shalt  }
0x4a: {  	_ =	shalt  }
0x4b: {  	_ =	shalt  }
0x4c: {  	_ =	shalt  }
0x4d: {  	_ =	shalt  }
0x4e: {  	_ =	shalt  }
0x4f: {  	_ =	shalt  }
0x50: {  	_ =	shalt  }
0x51: {  	_ =	shalt  }
0x52: {  	_ =	shalt  }
0x53: {  	_ =	shalt  }
0x54: {  	_ =	shalt  }
0x55: {  	_ =	shalt  }
0x56: {  	_ =	shalt  }
0x57: {  	_ =	shalt  }
0x58: {  	_ =	shalt  }
0x59: {  	_ =	shalt  }
0x5a: {  	_ =	shalt  }
0x5b: {  	_ =	shalt  }
0x5c: {  	_ =	shalt  }
0x5d: {  	_ =	shalt  }
0x5e: {  	_ =	shalt  }
0x5f: {  	_ =	shalt  }
0x60: {  	_ =	shalt  }
0x61: {  	_ =	shalt  }
0x62: {  	_ =	shalt  }
0x63: {  	_ =	shalt  }
0x64: {  	_ =	shalt  }
0x65: {  	_ =	shalt  }
0x66: {  	_ =	shalt  }
0x67: {  	_ =	shalt  }
0x68: {  	_ =	shalt  }
0x69: {  	_ =	shalt  }
0x6a: {  	_ =	shalt  }
0x6b: {  	_ =	shalt  }
0x6c: {  	_ =	shalt  }
0x6d: {  	_ =	shalt  }
0x6e: {  	_ =	shalt  }
0x6f: {  	_ =	shalt  }
0x70: {  	_ =	shalt  }
0x71: {  	_ =	shalt  }
0x72: {  	_ =	shalt  }
0x73: {  	_ =	shalt  }
0x74: {  	_ =	shalt  }
0x75: {  	_ =	shalt  }
0x76: {  	_ =	shalt  }
0x77: {  	_ =	shalt  }
0x78: {  	_ =	shalt  }
0x79: {  	_ =	shalt  }
0x7a: {  	_ =	shalt  }
0x7b: {  	_ =	shalt  }
0x7c: {  	_ =	shalt  }
0x7d: {  	_ =	shalt  }
0x7e: {  	_ =	shalt  }
0x7f: {  	_ =	shalt  }
0x80: {  	_ =	shalt  }
0x81: {  	_ =	shalt  }
0x82: {  	_ =	shalt  }
0x83: {  	_ =	shalt  }
0x84: {  	_ =	shalt  }
0x85: {  	_ =	shalt  }
0x86: {  	_ =	shalt  }
0x87: {  	_ =	shalt  }
.Lfunc_end0:
.L_simem_size_0:
called_computation_lowered:
.L_overlay_start_0:
0x88: {  	s2 =	sld [smem:$0x3FD9]  }
0x89: {  	s3 =	sld [smem:$0x3FFE];
	_ =	sdelay $0x1  }
0x8a: {  	s1 =	srdreg.scid  }
0x8b: {  	s0 =	sand.u32 $0x1, s1  }
0x8c: {  	s12 =	sshll.u32 s0, $0xA;
	s2 =	sadd.s32 s3, s2  }
0x8d: {  	s2 =	sadd.s32 s2, s12  }
0x8e: {  	[smem:$0x3FB2] =	sst s2  }
0x8f: {  	_ = 	snop  }
0x90: {  	(tm) =	ssettm $0x1  }
0x91: {  	s13 =	sld [smem:$0x3FFB];
	_ =	sdelay $0x3  }
0x92: {  	_ =	strace s13  }
0x93: {  	s2 =	sld [smem:$0x3FFC];
	_ =	sdelay $0x3  }
0x94: {  	_ =	strace s2  }
0x95: {  	s2 =	sld [smem:$0x3FFD];
	_ =	sdelay $0x3  }
0x96: {  	_ =	strace s2  }
0x97: {  	_ =	strace $0x8FFFFFFF  }
0x98: {  	s14 =	sld [smem:$0x3FDB];
	_ =	sdelay $0x1  }
0x99: {  	s15 =	simm.s32 $_scs_section_size  }
0x9a: {  	s4 =	simm.s32 $_size__tile_overlayer_lowered;
	s5 =	simm.s32 $_tile_overlayer_lowered  }
0x9b: {  	s19 =	simm.s32 $0x1BFF;
	s17 =	sshll.u32 s5, $0x1;
	s6 =	sadd.s32 s15, s14  }
0x9c: {  	s20 =	simm.s32 $0x0;
	s16 =	sshll.u32 s4, $0x1;
	s18 =	sadd.s32 s17, s6  }
0x9d: {  	[timem:s20], [sflag:s19] =	dma.local [hbm:s18], s16  }
0x9e: {  	_ =	swait.ge [sflag:s19], s16  }
0x9f: {  	s3 =	ssub.s32 $0x0, s16;
	[sflag:s19] =	ssyncset.done $0x0  }
0xa0: {  	[sflag:s19] =	ssyncadd.s32 s3;
	_ =	sdelay $0x1  }
0xa1: {  	s21 =	simm.s32 $0x1B8B  }
0xa2: {  	_ =	swait.ge [sflag:s21], $0x1  }
0xa3: {  	[sflag:s21] =	ssyncset.done $0x0  }
0xa4: {  	[sflag:s21] =	ssyncadd.s32 $0xFFFFFFFF  }
0xa5: {  	s3 =	sld [smem:$0x0]  }
0xa6: {  	s4 =	sand.u32 $0xFFFFFFFE, s1  }
0xa7: {  	p0 =	sne.s32 s1, s4  }
0xa8: {  	s4 =	sshll.u32 @p0 s4, $0xE  }
0xa9: {  	s5 =	sadd.s32 @p0 $0x11B8D, s4;
	s7 =	sshll.u32 @p0 s3, $0x11  }
0xaa: {  	s5 =	sor.u32 @p0 s7, s5  }
0xab: {  	[sflag:s5] =	ssyncadd.remote.s32 @p0 $0x1;
	_ =	sdelay $0x1  }
0xac: {  	s5 =	simm.s32 @p0 $0x1B8D  }
0xad: {  	_ =	swait.eq @p0 [sflag:s5], $0x1  }
0xae: {  	[sflag:s5] =	ssyncadd.s32 @p0 $0xFFFFFFFF  }
0xaf: {  	s7 =	sshll.u32 @!p0 s1, $0xE  }
0xb0: {  	s7 =	sor.u32 @!p0 $0x4000, s7;
	s5 =	simm.s32 @!p0 $0x1B8D  }
0xb1: {  	s9 =	sshll.u32 @!p0 s3, $0x11;
	s8 =	sadd.s32 @!p0 $0x11B8D, s7;
	_ =	swait.eq @!p0 [sflag:s5], $0x1  }
0xb2: {  	[sflag:s5] =	ssyncadd.s32 @!p0 $0xFFFFFFFF;
	s5 =	sor.u32 @!p0 s9, s8  }
0xb3: {  	s23 =	simm.s32 $0x1B8E;
	s22 =	sld [smem:$0x3FFE];
	[sflag:s5] =	ssyncadd.remote.s32 @!p0 $0x1  }
0xb4: {  	s24 =	simm.s32 $execute0_lowered;
	[smem:$0x3FD2] =	sst s23  }
0xb5: {  	s8 =	sshll.u32 s24, $0x1;
	_ =	strace $0x8000005D;
	[dreg:$0x1] =	wrdreg $0xFFFFFFFF  }
0xb6: {  	s25 =	simm.s32 $_size_execute0_lowered;
	s8 =	sadd.s32 s6, s8;
	[dreg:$0x0] =	wrdreg $0x0  }
0xb7: {  	s9 =	sshll.u32 s25, $0x1;
	[dreg:$0x2] =	wrdreg s8  }
0xb8: {  	[dreg:$0x3] =	wrdreg s9  }
0xb9: {  	[dreg:$0x4] =	wrdreg $0xC0  }
0xba: {  	s26 =	simm.s32 $execute1_lowered;
	_ =	task [dreg:s20], $0x5FFFF  }
0xbb: {  	s8 =	sshll.u32 s26, $0x1;
	[dreg:$0x1] =	wrdreg $0xFFFFFFFF  }
0xbc: {  	s6 =	sadd.s32 s6, s8;
	[dreg:$0x0] =	wrdreg $0x60  }
0xbd: {  	[dreg:$0x2] =	wrdreg s6  }
0xbe: {  	[dreg:$0x3] =	wrdreg s22  }
0xbf: {  	[dreg:$0x4] =	wrdreg $0x9  }
0xc0: {  	_ =	task.clear_ibuf [dreg:s20], $0x5FFFF;
	_ =	strace $0x9000005D  }
0xc1: {  	s28 =	simm.s32 $0x9;
	_ =	strace $0x8000005F  }
0xc2: {  	_ =	swait.ge [sflag:s28], $0x1  }
0xc3: {  	[sflag:s28] =	ssyncadd.s32 $0xFFFFFFFF  }
0xc4: {  	_ =	strace $0x9000005F  }
0xc5: {  	s6 =	sld [smem:$0x0];
	_ =	sdelay $0x3  }
0xc6: {  	s4 =	sadd.s32 @p0 $0x11BF3, s4;
	s8 =	sshll.u32 @p0 s6, $0x11  }
0xc7: {  	s4 =	sor.u32 @p0 s8, s4  }
0xc8: {  	[sflag:s4] =	ssyncadd.remote.s32 @p0 $0x1;
	_ =	sdelay $0x1  }
0xc9: {  	s4 =	simm.s32 @p0 $0x1BF3  }
0xca: {  	_ =	swait.eq @p0 [sflag:s4], $0x1  }
0xcb: {  	[sflag:s4] =	ssyncadd.s32 @p0 $0xFFFFFFFF;
	_ =	sdelay $0x1  }
0xcc: {  	s4 =	simm.s32 @!p0 $0x1BF3  }
0xcd: {  	s7 =	sadd.s32 @!p0 $0x11BF3, s7;
	s6 =	sshll.u32 @!p0 s6, $0x11;
	_ =	swait.eq @!p0 [sflag:s4], $0x1  }
0xce: {  	[sflag:s4] =	ssyncadd.s32 @!p0 $0xFFFFFFFF;
	s4 =	sor.u32 @!p0 s6, s7  }
0xcf: {  	[sflag:s4] =	ssyncadd.remote.s32 @!p0 $0x1  }
0xd0: {  	_ =	strace $0x80000060;
	[dreg:$0x1] =	wrdreg $0xFFFFFFFF  }
0xd1: {  	[dreg:$0x0] =	wrdreg $0x2030  }
0xd2: {  	[dreg:$0x2] =	wrdreg s22  }
0xd3: {  	[dreg:$0x3] =	wrdreg s1  }
0xd4: {  	[dreg:$0x4] =	wrdreg s3  }
0xd5: {  	[dreg:$0x5] =	wrdreg $0xA  }
0xd6: {  	_ =	task.clear_ibuf [dreg:s20], $0x6FFFF;
	_ =	strace $0x90000060  }
0xd7: {  	s29 =	simm.s32 $0xA;
	_ =	strace $0x80000062  }
0xd8: {  	_ =	swait.ge [sflag:s29], $0x1  }
0xd9: {  	[sflag:s29] =	ssyncadd.s32 $0xFFFFFFFF  }
0xda: {  	_ =	strace $0x90000062  }
0xdb: {  	_ =	sfence  }
0xdc: {  	s30 =	sld [smem:$0x0];
	_ =	sdelay $0x2  }
0xdd: {  	s31 =	sshll.u32 s1, $0xD;
	s1 =	sshrl.u32 s1, $0x2  }
0xde: {  	s4 =	sand.u32 $0x4000, s31;
	s1 =	sadd.s32 s1, s30  }
0xdf: {  	s0 =	sor.u32 s4, s0;
	s1 =	sshll.u32 s1, $0x11  }
0xe0: {  	s0 =	sor.u32 s1, s0  }
0xe1: {  	s0 =	sadd.s32 $0x8F2B, s0  }
0xe2: {  	[sflag:s0] =	ssyncadd.remote.s32 $0x1  }
0xe3: {  	_ =	sfence.sel $0xFFFF  }
0xe4: {  	[dreg:$0x0] =	wrdreg $0xFFFFFFFF;
	(pc) =	sbr.abs _section_cstart, $3  }
0xe5: {  	[dreg:$0x1] =	wrdreg $0xFFFFFFFF  }
0xe6: {  	_ =	task.clear_ibuf [dreg:s20], $0x2FFFF;
	_ =	strace $0x9FFFFFFF  }
0xe7: {  	(tm) =	ssettm $0x7FFFFFFF  }
tec
execute0_lowered:
.L_overlay_start_1:
0x0: {  	(tag) =	ssettag $0x1  }
0x1: {  	s2 =	rddreg [dreg:$0x0]  }
0x2: {  	s4 =	rddreg [dreg:$0x1]  }
0x3: {  	s0 =	rddreg [dreg:$0x2];
	s3 =	stileid.u32;
	[bflag:$0x3] =	sbarrier.arrive $0xFFFF  }
0x4: {  	s1 =	simm.s32 $_size_execute1_lowered;
	s29 =	srdreg.scid;
	p0 =	sne.s32 s3, $0x0  }
0x5: {  	s1 =	sshll.u32 s1, $0x1;
	s5 =	simm.s32 @!p0 $0x1C3F;
	s6 =	simm.s32 @!p0 $0x4060  }
0x6: {  	[timem:s6], [sflag:s5] =	dma.local @!p0 [hbm:s2], s1  }
0x7: {  	s2 =	sshll.u32 s29, $0x7  }
0x8: {  	s7 =	simm.s32 $0x1;
	s3 =	sshll.u32 s3, $0x8;
	s2 =	sand.u32 $0x80, s2  }
0x9: {  	s8 =	simm.s32 $0x2;
	s9 =	simm.s32 $0x0;
	s2 =	sor.u32 s3, s2  }
0xa: {  	s12 =	simm.s32 $0x0;
	s11 =	simm.s32 $0x0;
	s30 =	ssub.s32 $0x2800, s2  }
.Ltmp0:
0xb: {  	s5 =	simm.s32 $0x1;
	s31 =	sand.u32 $0xF80, s30;
	(pc) =	sbr.rel .LBB2_1-.Ltmp0, $4  }
0xc: {  	_ =	strace $0x8000005E;
	s3 =	sadd.s32 $0x64600, s4;
	p1 =	sne.s32 s31, $0x0  }
0xd: {  	[sflag:s5] =	ssyncpa.u1 $0x0;
	s6 =	sshrl.u32 s30, $0xC;
	s7 =	simm.s32 @!p1 $0x0  }
0xe: {  	s4 =	sadd.s32 $0x8C600, s4;
	[sflag:s8] =	ssyncpa.u1 $0x0;
	s6 =	sadd.s32 s7, s6  }
0xf: {  	s8 =	simm.s32 $0x0;
	s10 =	smov.u32 s2;
	s7 =	sadd.s32 $0x1, s6  }
.LBB2_4:
0x10: {  	_ =	sdelay $0x3  }
0x11: {  	[tilespmem:v0+s14+$0xFFFFFFA0 ss:$0x1] =	vst.idx.msk $0xffff, v6  }
0x12: {  	v56 =	vld.idx.msk [tilespmem:v1+s15+$0x30 ss:$0x1], $0xffff;
	[tilespmem:v0+s14+$0xFFFFFFB0 ss:$0x1] =	vst.idx.msk $0xffff, v4  }
0x13: {  	v57 =	vld.idx.msk [tilespmem:v1+s15+$0xFFFFFFC0 ss:$0x1], $0xffff;
	[tilespmem:v0+s14+$0xFFFFFFC0 ss:$0x1] =	vst.idx.msk $0xffff, v2  }
0x14: {  	v58 =	vld.idx.msk [tilespmem:v1+s15+$0xFFFFFFD0 ss:$0x1], $0xffff;
	[tilespmem:v0+s14+$0xFFFFFFD0 ss:$0x1] =	vst.idx.msk $0xffff, v3  }
0x15: {  	v59 =	vld.idx.msk [tilespmem:v1+s15+$0xFFFFFFE0 ss:$0x1], $0xffff;
	[tilespmem:v0+s14+$0xFFFFFFE0 ss:$0x1] =	vst.idx.msk $0xffff, v5  }
0x16: {  	v60 =	vld.idx.msk [tilespmem:v1+s15+$0xFFFFFFF0 ss:$0x1], $0xffff;
	[tilespmem:v0+s14+$0xFFFFFFF0 ss:$0x1] =	vst.idx.msk $0xffff, v7;
	s12 =	sand.u32 $0x1FFFFFF, s12  }
0x17: {  	v61 =	vld.idx.msk [tilespmem:v1+s15+$0x0 ss:$0x1], $0xffff;
	s31 =	smulhi.u32 $0xCCCCCD, s12;
	[tilespmem:v0+s15+$0x0 ss:$0x1] =	vst.idx.msk $0xffff, v56  }
0x18: {  	v62 =	vld.idx.msk [tilespmem:v1+s15+$0x10 ss:$0x1], $0xffff;
	[tilespmem:v0+s15+$0xFFFFFF90 ss:$0x1] =	vst.idx.msk $0xffff, v57  }
0x19: {  	v63 =	vld.idx.msk [tilespmem:v1+s15+$0x20 ss:$0x1], $0xffff;
	s14 =	sshrl.u32 s31, $0x5;
	[tilespmem:v0+s15+$0xFFFFFFA0 ss:$0x1] =	vst.idx.msk $0xffff, v58  }
0x1a: {  	s14 =	smul.u32 $0x2800, s14;
	[tilespmem:v0+s15+$0xFFFFFFB0 ss:$0x1] =	vst.idx.msk $0xffff, v59  }
0x1b: {  	[tilespmem:v0+s15+$0xFFFFFFC0 ss:$0x1] =	vst.idx.msk $0xffff, v60  }
0x1c: {  	[tilespmem:v0+s15+$0xFFFFFFD0 ss:$0x1] =	vst.idx.msk $0xffff, v61;
	s12 =	ssub.s32 s12, s14  }
0x1d: {  	[tilespmem:v0+s15+$0xFFFFFFE0 ss:$0x1] =	vst.idx.msk $0xffff, v62;
	s12 =	sshll.u32 s12, $0x4  }
0x1e: {  	[tilespmem:v0+s15+$0xFFFFFFF0 ss:$0x1] =	vst.idx.msk $0xffff, v63;
	s12 =	sadd.s32 s4, s12  }
0x1f: {  	[hbm4b:s12+s8] =	stream.linear.scatter [tilespmem:s13], [sflag:$0x2], $0x4000, $0x38;
	[tilespmem:$0x10000] =	vst v63  }
.LBB2_5:
0x20: {  	s14 =	sadd.s32 $0x1000, s10  }
0x21: {  	p2 =	sgt.s32 s14, $0x27FF  }
0x22: {  	s14 =	smov.u32 @p2 s2;
	p2 =	sne.s32 s11, s7  }
.Ltmp1:
0x23: {  	p1 =	slt.u32 s11, $0x2;
	(pc) =	sbr.rel @!p2 .LBB2_6-.Ltmp1, $4  }
0x24: {  	s13 =	simm.s32 @!p1 $0x2  }
0x25: {  	s15 =	sadd.s32 $0x1, s11;
	_ =	swait.ge @!p1 [sflag:s13], $0x4000  }
0x26: {  	s12 =	smov.u32 s10;
	s9 =	sadd.s32 $0x4000, s9;
	[sflag:s13] =	ssyncset.done @!p1 $0x0  }
0x27: {  	s11 =	smov.u32 s15;
	s10 =	smov.u32 s14;
	[sflag:s13] =	ssyncadd.s32 @!p1 $0xFFFFC000  }
.LBB2_1:
0x28: {  	p1 =	sge.u32 s11, s6  }
0x29: {  	s13 =	sand.u32 @!p1 $0x1FFFFFF, s10  }
0x2a: {  	s14 =	smulhi.u32 @!p1 $0xCCCCCD, s13;
	_ =	sdelay $0x1  }
0x2b: {  	s14 =	sshrl.u32 @!p1 s14, $0x5  }
0x2c: {  	s14 =	smul.u32 @!p1 $0x2800, s14;
	_ =	sdelay $0x1  }
0x2d: {  	s15 =	sxor.u32 @!p1 $0xFFFFFFFF, s11;
	s13 =	ssub.s32 @!p1 s13, s14  }
0x2e: {  	s31 =	sadd.s32 $0xFFFFFFFF, s11;
	s14 =	sshll.u32 @!p1 s15, $0xE;
	s13 =	sshll.u32 @!p1 s13, $0x4  }
0x2f: {  	s15 =	simm.s32 @!p1 $0x0;
	s14 =	sand.u32 @!p1 $0x4000, s14;
	s13 =	sadd.s32 @!p1 s3, s13  }
0x30: {  	[tilespmem:s14], [sflag:$0x1] =	stream.linear.gather @!p1 [hbm4b:s13+s15], $0x4000, $0x38;
	[tilespmem:$0x10000] =	vst v63  }
0x31: {  	p1 =	sge.u32 s31, s6  }
.Ltmp2:
0x32: {  	_ = 	snop;
	(pc) =	sbr.rel @p1 .LBB2_5-.Ltmp2, $1  }
0x33: {  	_ =	sdelay $0x3  }
0x34: {  	s13 =	sand.u32 $0x4000, s9  }
0x35: {  	s14 =	sor.u32 $0x40, s13  }
0x36: {  	v1 =	vmov s14;
	_ =	sdelay $0x1  }
0x37: {  	_ =	swait.ge [sflag:s5], $0x4000  }
0x38: {  	[sflag:s5] =	ssyncset.done $0x0  }
0x39: {  	[sflag:s5] =	ssyncadd.s32 $0xFFFFC000;
	s14 =	simm.s32 $0x0  }
0x3a: {  	s13 =	sor.u32 $0x8070, s13;
	v7 =	vld.idx.msk [tilespmem:v1+s14+$0x30 ss:$0x1], $0xffff  }
0x3b: {  	v0 =	vmov s13;
	v8 =	vld.idx.msk [tilespmem:v1+s14+$0xFFFFFFC0 ss:$0x1], $0xffff  }
0x3c: {  	v6 =	vld.idx.msk [tilespmem:v1+s14+$0xFFFFFFD0 ss:$0x1], $0xffff  }
0x3d: {  	v4 =	vld.idx.msk [tilespmem:v1+s14+$0xFFFFFFE0 ss:$0x1], $0xffff  }
0x3e: {  	v2 =	vld.idx.msk [tilespmem:v1+s14+$0xFFFFFFF0 ss:$0x1], $0xffff  }
0x3f: {  	s31 =	sshll.u32 s11, $0xE;
	v3 =	vld.idx.msk [tilespmem:v1+s14+$0x0 ss:$0x1], $0xffff  }
0x40: {  	s13 =	sand.u32 $0x4000, s31;
	v5 =	vld.idx.msk [tilespmem:v1+s14+$0x10 ss:$0x1], $0xffff;
	[tilespmem:v0+s14+$0x0 ss:$0x1] =	vst.idx.msk $0xffff, v7  }
0x41: {  	s15 =	simm.s32 $0x80;
	s16 =	simm.s32 $0x400;
	s13 =	sor.u32 $0x8000, s13;
	[tilespmem:v0+s14+$0xFFFFFF90 ss:$0x1] =	vst.idx.msk $0xffff, v8;
	v7 =	vld.idx.msk [tilespmem:v1+s14+$0x20 ss:$0x1], $0xffff  }
.LBB2_3:
0x42: {  	p1 =	sne.s32 s16, $0xFE00;
	v8 =	vld.idx.msk [tilespmem:v1+s15+$0x30 ss:$0x1], $0xffff;
	[tilespmem:v0+s14+$0xFFFFFFA0 ss:$0x1] =	vst.idx.msk $0xffff, v6  }
0x43: {  	v9 =	vld.idx.msk [tilespmem:v1+s15+$0xFFFFFFC0 ss:$0x1], $0xffff;
	[tilespmem:v0+s14+$0xFFFFFFB0 ss:$0x1] =	vst.idx.msk $0xffff, v4  }
0x44: {  	v6 =	vld.idx.msk [tilespmem:v1+s15+$0xFFFFFFD0 ss:$0x1], $0xffff;
	[tilespmem:v0+s14+$0xFFFFFFC0 ss:$0x1] =	vst.idx.msk $0xffff, v2  }
.Ltmp3:
0x45: {  	v4 =	vld.idx.msk [tilespmem:v1+s15+$0xFFFFFFE0 ss:$0x1], $0xffff;
	[tilespmem:v0+s14+$0xFFFFFFD0 ss:$0x1] =	vst.idx.msk $0xffff, v3;
	(pc) =	sbr.rel @p1 .LBB2_3-.Ltmp3, $4  }
0x46: {  	v2 =	vld.idx.msk [tilespmem:v1+s15+$0xFFFFFFF0 ss:$0x1], $0xffff;
	[tilespmem:v0+s14+$0xFFFFFFE0 ss:$0x1] =	vst.idx.msk $0xffff, v5  }
0x47: {  	v3 =	vld.idx.msk [tilespmem:v1+s15+$0x0 ss:$0x1], $0xffff;
	[tilespmem:v0+s14+$0xFFFFFFF0 ss:$0x1] =	vst.idx.msk $0xffff, v7;
	s14 =	smov.u32 s15  }
0x48: {  	v5 =	vld.idx.msk [tilespmem:v1+s14+$0x10 ss:$0x1], $0xffff;
	[tilespmem:v0+s14+$0x0 ss:$0x1] =	vst.idx.msk $0xffff, v8  }
0x49: {  	s15 =	sshra.s32 s16, $0x2;
	s16 =	sadd.s32 $0x200, s16;
	[tilespmem:v0+s14+$0xFFFFFF90 ss:$0x1] =	vst.idx.msk $0xffff, v9;
	v7 =	vld.idx.msk [tilespmem:v1+s14+$0x20 ss:$0x1], $0xffff  }
.Ltmp4:
0x4a: {  	_ = 	snop;
	(pc) =	sbr.rel .LBB2_4-.Ltmp4, $1  }
0x4b: {  	_ =	sdelay $0x3  }
.LBB2_6:
0x4c: {  	_ =	sfence.sel $0x180000  }
0x4d: {  	s2 =	simm.s32 $0x1;
	[bflag:$0x0] =	sbarrier.arrive $0xFFFF  }
0x4e: {  	s31 =	simm.s32 $0x2;
	[sflag:s2] =	ssyncpa.u1 $0x1  }
0x4f: {  	[sflag:s31] =	ssyncpa.u1 $0x1  }
0x50: {  	_ =	strace $0x9000005E  }
0x51: {  	s0 =	sadd.s32 @!p0 $0x100000, s0;
	[bflag:$0x2] =	sbarrier.arrive $0xFFFF  }
0x52: {  	[sflag:s0] =	ssyncadd.tile.s32 @!p0 $0x1;
	s0 =	simm.s32 @!p0 $0x3F  }
0x53: {  	_ =	swait.ge @!p0 [sflag:s0], s1  }
0x54: {  	s1 =	ssub.s32 @!p0 $0x0, s1;
	[sflag:s0] =	ssyncset.done @!p0 $0x0  }
0x55: {  	[sflag:s0] =	ssyncadd.s32 @!p0 s1  }
0x56: {  	[bflag:$0x3] =	sbarrier.arrive $0xFFFF  }
0x57: {  	_ =	shalt  }
.Lfunc_end2:
execute1_lowered:
.L_overlay_start_2:
0x58: {  	(tag) =	ssettag $0x2  }
0x59: {  	s2 =	rddreg [dreg:$0x0]  }
0x5a: {  	s3 =	rddreg [dreg:$0x1];
	_ =	strace $0x80000061;
	s0 =	simm.s32 $0x1  }
0x5b: {  	v0 =	vimm.s32 $0x0;
	[sflag:s0] =	ssyncpa.u1 $0x0;
	s0 =	simm.s32 $0x108  }
0x5c: {  	[tilespmem:s0+$0x70] =	vst v0  }
0x5d: {  	[tilespmem:s0+$0x60] =	vst v0  }
0x5e: {  	[tilespmem:s0+$0x50] =	vst v0  }
0x5f: {  	[tilespmem:s0+$0x40] =	vst v0  }
0x60: {  	[tilespmem:s0+$0x30] =	vst v0  }
0x61: {  	s1 =	sadd.s32 $0x8C600, s2;
	s15 =	sadd.s32 $0x2B600, s2;
	s6 =	sadd.s32 $0x1792E00, s2;
	[tilespmem:s0+$0x20] =	vst v0  }
0x62: {  	s14 =	sadd.s32 $0x37600, s2;
	s5 =	sand.u32 $0x1, s3;
	s3 =	simm.s32 $0x40;
	[tilespmem:s0+$0x10] =	vst v0  }
.LBB3_1:
0x63: {  	s3 =	sadd.s32 $0x40, s3;
	[tilespmem:s0+$0x0] =	vst v0;
	s0 =	sadd.s32 $0x80, s0  }
0x64: {  	p0 =	slt.u32 s3, $0x3C40;
	[tilespmem:s0+$0x70] =	vst v0  }
0x65: {  	[tilespmem:s0+$0x60] =	vst v0  }
.Ltmp5:
0x66: {  	[tilespmem:s0+$0x50] =	vst v0;
	(pc) =	sbr.rel @p0 .LBB3_1-.Ltmp5, $4  }
0x67: {  	[tilespmem:s0+$0x40] =	vst v0  }
0x68: {  	[tilespmem:s0+$0x30] =	vst v0  }
0x69: {  	[tilespmem:s0+$0x20] =	vst v0  }
0x6a: {  	[tilespmem:s0+$0x10] =	vst v0  }
0x6b: {  	s9 =	stileid.u32  }
0x6c: {  	s2 =	smul.u32 $0x15, s9  }
0x6d: {  	s3 =	smin.u32 s9, $0x6  }
0x6e: {  	s2 =	sadd.s32 s3, s2  }
0x6f: {  	p0 =	slt.u32 s9, $0x6;
	s7 =	smul.u32 $0xF0, s2;
	s2 =	simm.s32 $0x14A0  }
0x70: {  	s2 =	simm.s32 @!p0 $0x13B0  }
0x71: {  	s2 =	sadd.s32 s2, s7  }
0x72: {  	s8 =	smin.u32 s2, $0x14000  }
0x73: {  	s2 =	ssub.s32 s8, s7  }
0x74: {  	p0 =	sgt.s32 s2, $0x0  }
0x75: {  	s29 =	simm.s32 $0x2;
	s10 =	simm.s32 $0x9;
	s2 =	simm.s32 @!p0 $0x0  }
0x76: {  	s4 =	simm.s32 $0xA;
	s11 =	simm.s32 $0xB;
	s28 =	smulhi.u32 $0x88888889, s2  }
0x77: {  	[dreg:$0x4] =	wrdreg s5;
	s31 =	smul.u32 $0x2800, s5;
	s12 =	simm.s32 $0x1  }
0x78: {  	s22 =	simm.s32 $0x0;
	s18 =	simm.s32 $0xC;
	s30 =	sshrl.u32 s28, $0x7  }
0x79: {  	s20 =	simm.s32 $0x0;
	s21 =	simm.s32 $0x0;
	s3 =	smul.u32 $0xF0, s30  }
.Ltmp6:
0x7a: {  	[tilespmem:s0+$0x0] =	vst v0;
	v0 =	vimm.s32 $0xFFFFFFFF;
	[sflag:s29] =	ssyncpa.u1 $0x0;
	s16 =	sshll.u32 s9, $0x8;
	(pc) =	sbr.rel .LBB3_3-.Ltmp6, $4  }
0x7b: {  	[tilespmem:$0xF208] =	vst v0;
	[sflag:s10] =	ssyncpa.u1 $0x0;
	p0 =	sne.s32 s2, s3;
	s2 =	simm.s32 $0x1  }
0x7c: {  	s14 =	sadd.s32 s31, s14;
	[sflag:s4] =	ssyncpa.u1 $0x0;
	s2 =	simm.s32 @!p0 $0x0  }
0x7d: {  	s15 =	sadd.s32 s31, s15;
	[sflag:s11] =	ssyncpa.u1 $0x0;
	s13 =	sadd.s32 s2, s30  }
0x7e: {  	v0 =	vlaneseq.u32;
	s19 =	smov.u32 s7;
	p0 =	por $0x0, $0x0;
	s17 =	sadd.s32 $0x1, s13  }
.LBB3_18:
0x7f: {  	s0 =	sshrl.u32 s31, $0x2  }
.LBB3_20:
0x80: {  	_ =	swait.ge [sflag:s18], s0  }
0x81: {  	s31 =	ssub.s32 $0x0, s0;
	v1 =	vmov s24;
	vm0 =	veq.s32 v0, $0x0;
	[sflag:s18] =	ssyncset.done $0x0  }
0x82: {  	vm15 =	veq.s32 v0, $0x2;
	v1 =	vsel vm0, s30, v1;
	[sflag:s18] =	ssyncadd.s32 s31  }
0x83: {  	v1 =	vsel vm15, s22, v1;
	[sflag:s18] =	ssyncpa.u1 $0x1  }
0x84: {  	[tilespmem:$0xF208] =	vst v1  }
.LBB3_21:
0x85: {  	s0 =	sadd.s32 $0xF0, s19  }
0x86: {  	s2 =	smov.u32 s7;
	p1 =	slt.s32 s0, s8  }
0x87: {  	s2 =	smov.u32 @p1 s0;
	p1 =	sne.s32 s21, s17  }
.Ltmp7:
0x88: {  	_ = 	snop;
	(pc) =	sbr.rel @!p1 .LBB3_22-.Ltmp7, $3  }
0x89: {  	_ =	sdelay $0x1  }
0x8a: {  	s22 =	smov.u32 s20;
	s31 =	sadd.s32 $0x1, s21;
	s20 =	smov.u32 s19  }
0x8b: {  	p0 =	por !p0, !p0;
	s21 =	smov.u32 s31;
	s19 =	smov.u32 s2  }
.LBB3_3:
0x8c: {  	p1 =	sge.u32 s21, s13  }
0x8d: {  	s0 =	smulhi.u32 @!p1 $0xAAAAAAAB, s21  }
0x8e: {  	s2 =	smov.u32 s19;
	p2 =	sgt.s32 @!p1 s19, $0x13F10  }
0x8f: {  	s3 =	sshra.s32 @!p1 s19, $0x1F;
	p2 =	por !p2, p1;
	s0 =	sshrl.u32 @!p1 s0, $0x1  }
0x90: {  	s3 =	sand.u32 @!p1 s3, s19;
	s2 =	simm.s32 @p2 $0x13F10;
	s0 =	smul.u32 @!p1 $0x3, s0  }
0x91: {  	s2 =	ssub.s32 @!p1 s2, s3  }
0x92: {  	s2 =	sadd.s32 @!p1 $0xFFFEC0F0, s2;
	s0 =	ssub.s32 @!p1 s21, s0  }
0x93: {  	s3 =	sshll.u32 @!p1 s2, $0x2;
	p2 =	sgt.s32 @!p1 s2, $0xEF;
	s0 =	smul.u32 @!p1 $0x3C0, s0  }
0x94: {  	s4 =	sand.u32 @!p1 $0x7, s19;
	s2 =	ssub.s32 @!p1 $0x3C0, s3;
	p2 =	por !p2, p1  }
0x95: {  	s3 =	sshrl.u32 @!p1 s19, $0x3;
	s2 =	sshrl.u32 @!p1 s2, $0x2;
	s0 =	sshrl.u32 @!p1 s0, $0x2  }
0x96: {  	s3 =	sadd.s32 @!p1 s3, s14;
	s2 =	simm.s32 @!p2 $0x0;
	s0 =	sadd.s32 @!p1 $0x10248, s0  }
0x97: {  	[tilespmem:s0], [sflag:$0xA] =	stream.linear.gather @!p1 [hbm4b:s3+s4], s2, $0x38;
	[tilespmem:$0x1F6F8] =	vst v63  }
0x98: {  	s0 =	sadd.s32 $0xFFFFFFFF, s21  }
0x99: {  	p1 =	sge.u32 s0, s13  }
0x9a: {  	p2 =	sgt.s32 @!p1 s20, $0x13F10  }
0x9b: {  	s2 =	smov.u32 s20;
	s3 =	sshra.s32 @!p1 s20, $0x1F;
	p2 =	por !p2, p1  }
0x9c: {  	s3 =	sand.u32 @!p1 s3, s20;
	s2 =	simm.s32 @p2 $0x13F10  }
0x9d: {  	s2 =	ssub.s32 @!p1 s2, s3  }
0x9e: {  	s2 =	sadd.s32 @!p1 $0xFFFEC0F0, s2  }
0x9f: {  	s4 =	sand.u32 @!p1 $0x1, s0;
	s3 =	sshll.u32 @!p1 s2, $0x2  }
0xa0: {  	p2 =	sgt.s32 @!p1 s2, $0xEF;
	s2 =	ssub.s32 @!p1 $0x3C0, s3;
	s3 =	smulhi.u32 @!p1 $0xAAAAAAAB, s0  }
0xa1: {  	s23 =	smul.u32 @!p1 $0x3C0, s4;
	p2 =	por !p2, p1;
	s2 =	sshrl.u32 @!p1 s2, $0x2  }
0xa2: {  	s5 =	simm.s32 @!p1 $0xA;
	s2 =	simm.s32 @!p2 $0x0;
	s3 =	sshrl.u32 @!p1 s3, $0x1  }
0xa3: {  	s23 =	sshrl.u32 @!p1 s23, $0x2;
	_ =	swait.ge @!p1 [sflag:s5], s2;
	s3 =	smul.u32 @!p1 $0x3, s3  }
0xa4: {  	s23 =	sadd.s32 @!p1 $0x10518, s23;
	s24 =	ssub.s32 @!p1 $0x0, s2;
	[sflag:s5] =	ssyncset.done @!p1 $0x0  }
0xa5: {  	[sflag:s5] =	ssyncadd.s32 @!p1 s24;
	s5 =	sshrl.u32 @!p1 s20, $0x3;
	s0 =	ssub.s32 @!p1 s0, s3  }
0xa6: {  	s24 =	sand.u32 @!p1 $0x7, s20;
	s5 =	sadd.s32 @!p1 s5, s15;
	s0 =	smul.u32 @!p1 $0x3C0, s0  }
0xa7: {  	[tilespmem:s23], [sflag:$0xB] =	stream.linear.gather @!p1 [hbm4b:s5+s24], s2, $0x38;
	[tilespmem:$0x1F6F8] =	vst v63  }
0xa8: {  	s3 =	ssub.s32 @!p1 $0x14000, s20;
	s2 =	smul.u32 @!p1 $0x1E000, s4  }
0xa9: {  	p2 =	slt.s32 @!p1 s3, $0xF0  }
0xaa: {  	p2 =	por !p2, p1;
	s0 =	sshrl.u32 @!p1 s0, $0x2;
	s2 =	sshrl.u32 @!p1 s2, $0x2  }
0xab: {  	s3 =	simm.s32 @p2 $0xF0;
	s0 =	sadd.s32 @!p1 $0x10248, s0;
	s2 =	sor.u32 @!p1 $0x106F8, s2  }
0xac: {  	[tilespmem:s2], [sflag:$0x9] =	stream.indirect.gather @!p1 [hbm4b:s6+s3], $0x80, s0, s3, $0xb8;
	[tilespmem:$0x1F6F8] =	vst v63  }
0xad: {  	p1 =	slt.u32 s21, $0x2  }
.Ltmp8:
0xae: {  	_ = 	snop;
	(pc) =	sbr.rel @p1 .LBB3_21-.Ltmp8, $1  }
0xaf: {  	_ =	sdelay $0x3  }
0xb0: {  	p1 =	sgt.s32 s22, $0x13F10  }
0xb1: {  	s0 =	smov.u32 s22;
	s2 =	sshra.s32 s22, $0x1F;
	s3 =	ssub.s32 $0x14000, s22  }
0xb2: {  	s0 =	simm.s32 @!p1 $0x13F10;
	s2 =	sand.u32 s2, s22;
	p1 =	slt.s32 s3, $0xF0  }
0xb3: {  	s0 =	ssub.s32 s0, s2;
	s3 =	simm.s32 @!p1 $0xF0  }
0xb4: {  	s0 =	sadd.s32 $0xFFFEC0F0, s0;
	s25 =	sshll.u32 s3, $0x7  }
0xb5: {  	s26 =	sshll.u32 s0, $0x2;
	s2 =	sand.u32 $0x3FFFFF80, s25  }
0xb6: {  	p1 =	sgt.s32 s0, $0xEF;
	s29 =	ssub.s32 $0x3C0, s26;
	_ =	swait.ge [sflag:s10], s2  }
0xb7: {  	s2 =	ssub.s32 $0x0, s2;
	[sflag:s10] =	ssyncset.done $0x0;
	s0 =	sshrl.u32 s29, $0x2  }
0xb8: {  	[sflag:s10] =	ssyncadd.s32 s2;
	s0 =	simm.s32 @p1 $0x0  }
0xb9: {  	_ =	swait.ge [sflag:s11], s0  }
0xba: {  	s0 =	ssub.s32 $0x0, s0;
	[sflag:s11] =	ssyncset.done $0x0  }
0xbb: {  	[sflag:s11] =	ssyncadd.s32 s0  }
0xbc: {  	v1 =	vld [tilespmem:$0xF208];
	_ =	sdelay $0x4  }
0xbd: {  	(v2sf) =	vpush v1, $0x0  }
0xbe: {  	(v2sf) =	vpush v1, $0x1  }
0xbf: {  	(v2sf) =	vpush v1, $0x2;
	_ =	sdelay $0x3  }
0xc0: {  	s0 =	sadd.s32 $0xF0, s22  }
0xc1: {  	s2 =	ssub.s32 $0x28000, s22;
	p1 =	slt.s32 s8, s0  }
0xc2: {  	s0 =	smov.u32 @p1 s8;
	p1 =	sgt.s32 s2, $0x0  }
0xc3: {  	s26 =	ssub.s32 s0, s22;
	s2 =	simm.s32 @!p1 $0x0  }
0xc4: {  	p1 =	slt.s32 s2, s26  }
0xc5: {  	s26 =	smov.u32 @p1 s2  }
0xc6: {  	s25 =	simm.s32 $0x1;
	p1 =	slt.s32 s26, $0x1  }
.Ltmp9:
0xc7: {  	s25 =	simm.s32 @!p0 $0x0;
	(pc) =	sbr.rel @p1 .LBB3_8-.Ltmp9, $4  }
0xc8: {  	s31 =	smul.u32 $0x3C0, s25  }
0xc9: {  	s28 =	spop (v2sf)  }
0xca: {  	s0 =	sshrl.u32 s31, $0x2;
	s30 =	spop (v2sf)  }
0xcb: {  	s23 =	sadd.s32 $0x10518, s0;
	s22 =	spop (v2sf)  }
0xcc: {  	s0 =	smin.u32 s26, $0x10  }
0xcd: {  	v1 =	vmov s0  }
0xce: {  	p2 =	sgt.s32 s26, $0x10;
	vm1 =	vgt.u32 v1, v0  }
.Ltmp10:
0xcf: {  	_ = 	snop;
	(pc) =	sbr.rel @!p2 .LBB3_7-.Ltmp10, $2  }
0xd0: {  	_ =	sdelay $0x2  }
0xd1: {  	s4 =	simm.s32 $0x10;
	s24 =	sadd.s32 $0xFFFFFFF0, s26;
	s0 =	smov.u32 s23;
	vm0 =	vmmov vm1  }
.LBB3_6:
0xd2: {  	s2 =	smin.u32 s24, $0x10;
	s4 =	sadd.s32 $0x10, s4;
	v1 =	vld.msk [tilespmem:s0+$0x0 ss:$0x1], vm1  }
0xd3: {  	v2 =	vmov s2;
	p2 =	slt.s32 s4, s26  }
0xd4: {  	vm1 =	vgt.u32 v2, v0  }
.Ltmp11:
0xd5: {  	(pc) =	sbr.rel @p2 .LBB3_6-.Ltmp11, $3  }
0xd6: {  	_ =	sdelay $0x1  }
0xd7: {  	v1 =	vshll.u32 v1, $0x4  }
0xd8: {  	s24 =	sadd.s32 $0xFFFFFFF0, s24;
	[tilespmem:s0+$0x0] =	vst.msk vm0, v1;
	s0 =	sadd.s32 $0x10, s0;
	vm0 =	vmmov vm1  }
.LBB3_7:
0xd9: {  	_ =	sdelay $0x4  }
0xda: {  	v1 =	vld.msk [tilespmem:s0+$0x0 ss:$0x1], vm1;
	_ =	sdelay $0x4  }
0xdb: {  	v1 =	vshll.u32 v1, $0x4  }
0xdc: {  	[tilespmem:s0+$0x0] =	vst.msk vm0, v1  }
.LBB3_8:
0xdd: {  	s0 =	sand.u32 $0x1, s21  }
0xde: {  	s0 =	smul.u32 $0xF0, s0  }
0xdf: {  	p2 =	sne.s32 s30, $0xFFFFFFFF  }
0xe0: {  	v1 =	vld.msk @!p2 [tilespmem:s0+$0x10518], $0x1;
	_ =	sdelay $0x4  }
0xe1: {  	(v2sf) =	vpush @!p2 v1, $0x0;
	_ =	sdelay $0xc  }
.Ltmp12:
0xe2: {  	_ = 	snop;
	(pc) =	sbr.rel @p1 .LBB3_19-.Ltmp12, $4  }
0xe3: {  	_ = 	snop  }
0xe4: {  	s29 =	spop @!p2 (v2sf)  }
0xe5: {  	s22 =	simm.s32 @!p2 $0x0;
	s24 =	smov.u32 s29  }
0xe6: {  	[sflag:s18] =	ssyncpa.u1 $0x0;
	s29 =	smov.u32 @p2 s28;
	s24 =	smov.u32 @p2 s30  }
0xe7: {  	v1 =	vld.msk [tilespmem:s23+$0x0], $0x1;
	_ =	sdelay $0x4  }
0xe8: {  	(v2sf) =	vpush v1, $0x0;
	_ =	sdelay $0xe  }
0xe9: {  	s2 =	smul.u32 $0x1E000, s25;
	s0 =	spop (v2sf)  }
0xea: {  	s26 =	ssub.s32 $0x0, s26;
	p1 =	seq.s32 s29, s0  }
0xeb: {  	s30 =	sadd.s32 $0x1, s26;
	s2 =	sshrl.u32 s2, $0x2;
	p2 =	sgt.s32 @!p1 s29, $0x0  }
0xec: {  	s25 =	sor.u32 $0x10738, s2;
	s2 =	smov.u32 s29;
	p2 =	por !p2, p1  }
0xed: {  	s2 =	simm.s32 @p2 $0x0;
	p2 =	seq.s32 s30, $0x0  }
.Ltmp13:
0xee: {  	_ = 	snop;
	(pc) =	sbr.rel @p2 .LBB3_11-.Ltmp13, $4  }
0xef: {  	_ = 	snop  }
0xf0: {  	s28 =	simm.s32 $0x0;
	s31 =	sadd.s32 $0x1, s23;
	s2 =	smin.u32 @!p1 s2, $0x27FF0  }
0xf1: {  	s4 =	simm.s32 @!p1 $0x1;
	s5 =	simm.s32 @!p1 $0x7988;
	s3 =	sand.u32 @!p1 $0x3FFF8, s2  }
0xf2: {  	s4 =	smov.u32 @p1 s28;
	s2 =	sand.u32 @!p1 $0x7, s2;
	s3 =	sadd.s32 @!p1 s1, s3  }
.LBB3_10:
0xf3: {  	s9 =	smov.u32 s4  }
0xf4: {  	[tilespmem:s5], [sflag:$0x2] =	stream.linear.gather @!p1 [hbm4b:s3+s2], $0x80, $0x38;
	[tilespmem:$0x1F6F8] =	vst v63  }
0xf5: {  	s30 =	sadd.s32 $0x1, s30;
	s2 =	smov.u32 s0;
	v1 =	vld.msk [tilespmem:s31+$0x0], $0x1  }
0xf6: {  	p2 =	seq.s32 s30, $0x0;
	_ =	sdelay $0x3  }
0xf7: {  	(v2sf) =	vpush v1, $0x0;
	_ =	sdelay $0xe  }
0xf8: {  	s0 =	spop (v2sf)  }
0xf9: {  	p1 =	seq.s32 s2, s0  }
0xfa: {  	p3 =	sgt.s32 @!p1 s2, $0x0;
	s3 =	sshll.u32 @!p1 s4, $0x9;
	s4 =	sadd.s32 @!p1 $0x1, s4  }
.Ltmp14:
0xfb: {  	p3 =	por !p3, p1;
	s3 =	sshra.s32 @!p1 s3, $0x2;
	(pc) =	sbr.rel @!p2 .LBB3_10-.Ltmp14, $4  }
0xfc: {  	s4 =	smov.u32 @p1 s9;
	s2 =	simm.s32 @p3 $0x0;
	s5 =	sadd.s32 @!p1 $0x7988, s3  }
0xfd: {  	s2 =	smin.u32 @!p1 s2, $0x27FF0  }
0xfe: {  	s3 =	sand.u32 @!p1 $0x3FFF8, s2;
	s2 =	sand.u32 @!p1 $0x7, s2  }
0xff: {  	s31 =	sadd.s32 $0x1, s31;
	s3 =	sadd.s32 @!p1 s1, s3  }
.LBB3_11:
0x100: {  	[tilespmem:s5], [sflag:$0x2] =	stream.linear.gather @!p1 [hbm4b:s3+s2], $0x80, $0x38;
	[tilespmem:$0x1F6F8] =	vst v63  }
.Ltmp15:
0x101: {  	s0 =	sshll.u32 s4, $0x7;
	(pc) =	sbr.rel .LBB3_12-.Ltmp15, $4  }
0x102: {  	s30 =	simm.s32 $0x2;
	s0 =	sand.u32 $0x3FFFFF80, s0  }
0x103: {  	_ =	swait.ge [sflag:s30], s0  }
0x104: {  	s0 =	ssub.s32 $0x0, s0;
	[sflag:s30] =	ssyncset.done $0x0  }
0x105: {  	s31 =	simm.s32 $0x0;
	[sflag:s30] =	ssyncadd.s32 s0  }
.LBB3_13:
0x106: {  	v1 =	vld [tilespmem:s25+$0xFFFFFFC0];
	_ =	sdelay $0x3  }
0x107: {  	s0 =	sshra.s32 s0, $0x2  }
0x108: {  	[tilespmem:s0+$0x108] =	vst.add.f32.msk $0xffff, v1  }
0x109: {  	v1 =	vld [tilespmem:s25+$0xFFFFFFD0];
	_ =	sdelay $0x4  }
0x10a: {  	[tilespmem:s0+$0x118] =	vst.add.f32.msk $0xffff, v1  }
0x10b: {  	v1 =	vld [tilespmem:s25+$0xFFFFFFE0];
	_ =	sdelay $0x4  }
0x10c: {  	[tilespmem:s0+$0x128] =	vst.add.f32.msk $0xffff, v1  }
0x10d: {  	v1 =	vld [tilespmem:s25+$0xFFFFFFF0];
	_ =	sdelay $0x4  }
0x10e: {  	[tilespmem:s0+$0x138] =	vst.add.f32.msk $0xffff, v1  }
0x10f: {  	v1 =	vld [tilespmem:s25+$0x0];
	_ =	sdelay $0x4  }
0x110: {  	[tilespmem:s0+$0x148] =	vst.add.f32.msk $0xffff, v1  }
0x111: {  	v1 =	vld [tilespmem:s25+$0x10];
	_ =	sdelay $0x4  }
0x112: {  	[tilespmem:s0+$0x158] =	vst.add.f32.msk $0xffff, v1  }
0x113: {  	v1 =	vld [tilespmem:s25+$0x20];
	_ =	sdelay $0x4  }
0x114: {  	[tilespmem:s0+$0x168] =	vst.add.f32.msk $0xffff, v1  }
0x115: {  	v1 =	vld [tilespmem:s25+$0x30];
	_ =	sdelay $0x4  }
0x116: {  	[tilespmem:s0+$0x178] =	vst.add.f32.msk $0xffff, v1  }
.LBB3_17:
0x117: {  	s26 =	sadd.s32 $0x1, s26  }
0x118: {  	p1 =	seq.s32 s26, $0x0  }
.Ltmp16:
0x119: {  	_ = 	snop;
	(pc) =	sbr.rel @p1 .LBB3_18-.Ltmp16, $2  }
0x11a: {  	_ =	sdelay $0x2  }
0x11b: {  	s23 =	sadd.s32 $0x1, s23;
	s25 =	sadd.s32 $0x80, s25;
	s29 =	smov.u32 s30  }
.LBB3_12:
0x11c: {  	v1 =	vld.msk [tilespmem:s23+$0x0], $0x1;
	_ =	sdelay $0x4  }
0x11d: {  	(v2sf) =	vpush v1, $0x0;
	_ =	sdelay $0xe  }
0x11e: {  	s30 =	spop (v2sf)  }
0x11f: {  	p1 =	sne.s32 s29, s30  }
.Ltmp17:
0x120: {  	_ = 	snop;
	(pc) =	sbr.rel @!p1 .LBB3_13-.Ltmp17, $2  }
0x121: {  	_ =	sdelay $0x2  }
0x122: {  	s0 =	sshll.u32 s22, $0x9  }
0x123: {  	p1 =	seq.s32 s29, s24  }
.Ltmp18:
0x124: {  	_ = 	snop;
	(pc) =	sbr.rel @!p1 .LBB3_15-.Ltmp18, $1  }
0x125: {  	_ =	sdelay $0x3  }
0x126: {  	s0 =	sshra.s32 s0, $0x2  }
.Ltmp19:
0x127: {  	s0 =	sadd.s32 $0x108, s0;
	(pc) =	sbr.rel .LBB3_16-.Ltmp19, $4  }
0x128: {  	[spmem:s16] =	stream.linear.scatter [tilespmem:s0], [sflag:$0x1], $0x80, $0x38;
	[tilespmem:$0x1F6F8] =	vst v63  }
0x129: {  	_ =	swait.ge [sflag:s12], $0x80  }
0x12a: {  	[sflag:s12] =	ssyncset.done $0x0  }
0x12b: {  	[sflag:s12] =	ssyncadd.s32 $0xFFFFFF80  }
.LBB3_15:
0x12c: {  	s2 =	sshll.u32 s28, $0x9  }
0x12d: {  	s2 =	sshra.s32 s2, $0x2  }
0x12e: {  	v1 =	vld [tilespmem:s2+$0x7988];
	_ =	sdelay $0x3  }
0x12f: {  	s0 =	sshra.s32 s0, $0x2  }
0x130: {  	[tilespmem:s0+$0x108] =	vst.add.f32.msk $0xffff, v1  }
0x131: {  	v1 =	vld [tilespmem:s2+$0x7998];
	_ =	sdelay $0x4  }
0x132: {  	[tilespmem:s0+$0x118] =	vst.add.f32.msk $0xffff, v1  }
0x133: {  	v1 =	vld [tilespmem:s2+$0x79A8];
	_ =	sdelay $0x4  }
0x134: {  	[tilespmem:s0+$0x128] =	vst.add.f32.msk $0xffff, v1  }
0x135: {  	v1 =	vld [tilespmem:s2+$0x79B8];
	_ =	sdelay $0x4  }
0x136: {  	[tilespmem:s0+$0x138] =	vst.add.f32.msk $0xffff, v1  }
0x137: {  	v1 =	vld [tilespmem:s2+$0x79C8];
	_ =	sdelay $0x4  }
0x138: {  	[tilespmem:s0+$0x148] =	vst.add.f32.msk $0xffff, v1  }
0x139: {  	v1 =	vld [tilespmem:s2+$0x79D8];
	_ =	sdelay $0x4  }
0x13a: {  	[tilespmem:s0+$0x158] =	vst.add.f32.msk $0xffff, v1  }
0x13b: {  	v1 =	vld [tilespmem:s2+$0x79E8];
	_ =	sdelay $0x4  }
0x13c: {  	[tilespmem:s0+$0x168] =	vst.add.f32.msk $0xffff, v1  }
0x13d: {  	v1 =	vld [tilespmem:s2+$0x79F8];
	_ =	sdelay $0x2  }
0x13e: {  	p1 =	sgt.u32 s29, $0x27FF0  }
0x13f: {  	s2 =	sand.u32 @!p1 $0x3FFF8, s29  }
0x140: {  	s3 =	sadd.s32 $0x108, s0;
	[tilespmem:s0+$0x178] =	vst.add.f32.msk $0xffff, v1;
	s0 =	sadd.s32 @!p1 s1, s2;
	s2 =	sand.u32 @!p1 $0x7, s29  }
0x141: {  	[hbm4b:s0+s2] =	stream.linear.scatter @!p1 [tilespmem:s3], [sflag:$0xC], $0x80, $0x38;
	[tilespmem:$0x1F6F8] =	vst v63  }
0x142: {  	s0 =	simm.s32 $0x0  }
0x143: {  	s0 =	simm.s32 @!p1 $0x200  }
0x144: {  	s31 =	sadd.s32 s0, s31  }
.LBB3_16:
0x145: {  	s0 =	sadd.s32 $0x1, s22  }
0x146: {  	s2 =	smulhi.u32 $0x88888889, s0;
	_ =	sdelay $0x1  }
0x147: {  	v1 =	vld [tilespmem:s25+$0xFFFFFFC0];
	s2 =	sshrl.u32 s2, $0x7  }
0x148: {  	s2 =	smul.u32 $0xF0, s2;
	_ =	sdelay $0x1  }
0x149: {  	s22 =	ssub.s32 s0, s2  }
0x14a: {  	s0 =	sshll.u32 s22, $0x7  }
0x14b: {  	[tilespmem:s0+$0x108] =	vst v1  }
0x14c: {  	v1 =	vld [tilespmem:s25+$0xFFFFFFD0];
	_ =	sdelay $0x4  }
0x14d: {  	[tilespmem:s0+$0x118] =	vst v1  }
0x14e: {  	v1 =	vld [tilespmem:s25+$0xFFFFFFE0];
	_ =	sdelay $0x4  }
0x14f: {  	[tilespmem:s0+$0x128] =	vst v1  }
0x150: {  	v1 =	vld [tilespmem:s25+$0xFFFFFFF0];
	_ =	sdelay $0x4  }
0x151: {  	[tilespmem:s0+$0x138] =	vst v1  }
0x152: {  	v1 =	vld [tilespmem:s25+$0x0];
	_ =	sdelay $0x4  }
0x153: {  	[tilespmem:s0+$0x148] =	vst v1  }
0x154: {  	v1 =	vld [tilespmem:s25+$0x10];
	_ =	sdelay $0x4  }
0x155: {  	[tilespmem:s0+$0x158] =	vst v1  }
0x156: {  	v1 =	vld [tilespmem:s25+$0x20];
	_ =	sdelay $0x4  }
0x157: {  	[tilespmem:s0+$0x168] =	vst v1  }
0x158: {  	v1 =	vld [tilespmem:s25+$0x30]  }
.Ltmp20:
0x159: {  	_ = 	snop;
	(pc) =	sbr.rel .LBB3_17-.Ltmp20, $2  }
0x15a: {  	_ =	sdelay $0x2  }
0x15b: {  	s28 =	sadd.s32 $0x1, s28;
	[tilespmem:s0+$0x178] =	vst v1  }
.LBB3_19:
.Ltmp21:
0x15c: {  	(pc) =	sbr.rel .LBB3_20-.Ltmp21, $4  }
0x15d: {  	_ = 	snop  }
0x15e: {  	s0 =	simm.s32 $0x2  }
0x15f: {  	_ =	swait.ge [sflag:s0], $0x0  }
0x160: {  	s30 =	smov.u32 s29;
	[sflag:s0] =	ssyncset.done $0x0;
	s0 =	simm.s32 $0x0  }
.LBB3_22:
0x161: {  	_ =	sfence.sel $0x180000  }
0x162: {  	s0 =	simm.s32 $0x9;
	[bflag:$0x0] =	sbarrier.arrive $0xFFFF  }
0x163: {  	s24 =	simm.s32 $0xA;
	[sflag:s0] =	ssyncpa.u1 $0x1  }
0x164: {  	s25 =	simm.s32 $0xB;
	[sflag:s24] =	ssyncpa.u1 $0x1  }
0x165: {  	s26 =	simm.s32 $0x2;
	[sflag:s25] =	ssyncpa.u1 $0x1  }
0x166: {  	[sflag:s26] =	ssyncpa.u1 $0x1  }
0x167: {  	v0 =	vld [tilespmem:$0xF208];
	_ =	sdelay $0x4  }
0x168: {  	(v2sf) =	vpush v0, $0x0  }
0x169: {  	(v2sf) =	vpush v0, $0x1;
	_ =	sdelay $0x1  }
0x16a: {  	(v2sf) =	vpush v0, $0x2;
	_ =	sdelay $0xb  }
0x16b: {  	s0 =	spop (v2sf)  }
0x16c: {  	s2 =	spop (v2sf)  }
0x16d: {  	s3 =	smov.u32 s0;
	p0 =	sne.s32 s0, s2  }
0x16e: {  	s4 =	spop (v2sf);
	s3 =	simm.s32 @!p0 $0xFFFFFFFF  }
0x16f: {  	v2 =	vimm.s32 $0x1;
	v3 =	vlaneseq.u32;
	p0 =	seq.s32 s4, $0xFFFFFFFF;
	v1 =	vmov s3  }
0x170: {  	s16 =	stileid.u32;
	v0 =	vperm.xlane v0, v2;
	p1 =	sne.s32 @!p0 s0, s2;
	v1 =	vperm.xlane v1, v3  }
0x171: {  	vm0 =	vcmask $0x3F04;
	s6 =	simm.s32 $0xF208;
	s0 =	simm.s32 @!p0 $0x1;
	p1 =	por !p1, p0  }
0x172: {  	s3 =	sshll.u32 s16, $0x1;
	s2 =	sshll.u32 @!p0 s4, $0x9;
	s0 =	simm.s32 @p1 $0x0;
	v0 =	vsel vm0, v1, v0  }
0x173: {  	s5 =	sor.u32 $0x1000, s3;
	s2 =	sshra.s32 @!p0 s2, $0x2;
	s0 =	sor.u32 @!p0 s0, s3;
	[tilespmem:$0xF208] =	vst v0  }
0x174: {  	[spmem:s5] =	stream.linear.scatter [tilespmem:s6], [sflag:$0x1], $0x2, $0x38;
	[tilespmem:$0x1F6F8] =	vst v63  }
0x175: {  	s2 =	sadd.s32 @!p0 $0x108, s2;
	s0 =	sshll.u32 @!p0 s0, $0x7  }
0x176: {  	[spmem:s0] =	stream.linear.scatter @!p0 [tilespmem:s2], [sflag:$0x1], $0x80, $0x38;
	[tilespmem:$0x1F6F8] =	vst v63  }
0x177: {  	s0 =	simm.s32 @!p0 $0x82  }
0x178: {  	s28 =	simm.s32 $0x1;
	s0 =	simm.s32 @p0 $0x2  }
0x179: {  	_ =	swait.ge [sflag:s28], s0  }
0x17a: {  	s0 =	ssub.s32 $0x0, s0;
	[sflag:s28] =	ssyncset.done $0x0  }
0x17b: {  	p0 =	sne.s32 s16, $0x0;
	[sflag:s28] =	ssyncadd.s32 s0  }
.Ltmp22:
0x17c: {  	_ =	sfence.stream.spmem;
	(pc) =	sbr.rel @p0 .LBB3_39-.Ltmp22, $4  }
0x17d: {  	s29 =	simm.s32 $0x3;
	[bflag:$0x0] =	sbarrier.arrive $0xFFFF  }
0x17e: {  	s30 =	simm.s32 $0x4;
	[sflag:s29] =	ssyncpa.u1 $0x1  }
0x17f: {  	s31 =	simm.s32 $0x3C;
	[sflag:s30] =	ssyncpa.u1 $0x1  }
0x180: {  	s15 =	rddreg [dreg:$0x4];
	[sflag:s31] =	ssyncpa.u1 $0x1  }
0x181: {  	_ =	sfence.stream.spmem;
	s0 =	simm.s32 $0x5  }
0x182: {  	s2 =	simm.s32 $0x1000;
	s3 =	simm.s32 $0xF218;
	[sflag:s0] =	ssyncpa.u1 $0x0  }
0x183: {  	[tilespmem:s3], [sflag:$0x5] =	stream.linear.gather [spmem:s2], $0x20, $0x38;
	[tilespmem:$0x1F6F8] =	vst v63  }
0x184: {  	s26 =	simm.s32 $0x0;
	s28 =	simm.s32 $0xF238  }
0x185: {  	[tilespmem:s28], [sflag:$0x5] =	stream.linear.gather [spmem:s26], $0x1000, $0x38;
	[tilespmem:$0x1F6F8] =	vst v63  }
0x186: {  	_ =	swait.ge [sflag:s0], $0x1020  }
0x187: {  	[sflag:s0] =	ssyncset.done $0x0  }
0x188: {  	s29 =	simm.s32 $0x0;
	[sflag:s0] =	ssyncadd.s32 $0xFFFFEFE0  }
0x189: {  	v0 =	vld.msk [tilespmem:s29+$0xF218], $0x1;
	_ =	sdelay $0x1  }
0x18a: {  	s30 =	simm.s32 $0x1  }
0x18b: {  	v1 =	vld.msk [tilespmem:s30+$0xF218], $0x1;
	_ =	sdelay $0x1  }
0x18c: {  	(v2sf) =	vpush v0, $0x0;
	_ =	sdelay $0x2  }
0x18d: {  	(v2sf) =	vpush v1, $0x0;
	_ =	sdelay $0x2  }
0x18e: {  	s31 =	simm.s32 $0x2  }
0x18f: {  	v0 =	vld.msk [tilespmem:s31+$0xF218], $0x1;
	_ =	sdelay $0x2  }
0x190: {  	s4 =	simm.s32 $0xFFFFFFFF;
	s5 =	simm.s32 $0xFFFFFFFF;
	s0 =	simm.s32 $0xC  }
.LBB3_24:
0x191: {  	s2 =	smov.u32 s5;
	s3 =	smov.u32 s4  }
0x192: {  	s4 =	sshra.s32 s0, $0x2;
	p1 =	sne.s32 s0, $0x7C;
	s0 =	sadd.s32 $0x4, s0;
	(v2sf) =	vpush v0, $0x0  }
0x193: {  	v0 =	vld.msk [tilespmem:s4+$0xF218], $0x1  }
.Ltmp23:
0x194: {  	(pc) =	sbr.rel @p1 .LBB3_24-.Ltmp23, $4  }
0x195: {  	s5 =	spop (v2sf)  }
0x196: {  	p2 =	sne.s32 s3, $0xFFFFFFFF;
	s4 =	smov.u32 s5  }
0x197: {  	p3 =	seq.s32 s5, $0xFFFFFFFF;
	s4 =	smov.u32 @p2 s3  }
0x198: {  	s5 =	smov.u32 @p3 s2;
	s4 =	smov.u32 @p3 s3  }
0x199: {  	(v2sf) =	vpush v0, $0x0;
	_ =	sdelay $0x8  }
0x19a: {  	s0 =	spop (v2sf)  }
0x19b: {  	p1 =	sne.s32 s4, $0xFFFFFFFF;
	s2 =	smov.u32 s0  }
0x19c: {  	s9 =	simm.s32 $0x6;
	p2 =	seq.s32 s0, $0xFFFFFFFF;
	s2 =	smov.u32 @p1 s4  }
0x19d: {  	s6 =	simm.s32 $0x0;
	s2 =	smov.u32 @p2 s4;
	s3 =	spop (v2sf)  }
0x19e: {  	s0 =	smov.u32 @p2 s5;
	p1 =	sne.s32 s2, $0xFFFFFFFF;
	s4 =	smov.u32 s3  }
.Ltmp24:
0x19f: {  	p2 =	seq.s32 s3, $0xFFFFFFFF;
	s4 =	smov.u32 @p1 s2;
	(pc) =	sbr.rel .LBB3_26-.Ltmp24, $4  }
0x1a0: {  	s10 =	simm.s32 $0xF188;
	s4 =	smov.u32 @p2 s2;
	s7 =	spop (v2sf)  }
0x1a1: {  	s11 =	simm.s32 $0x0;
	p1 =	sne.s32 s4, $0xFFFFFFFF;
	s8 =	smov.u32 s7  }
0x1a2: {  	s3 =	smov.u32 @p2 s0;
	p2 =	seq.s32 s7, $0xFFFFFFFF;
	s8 =	smov.u32 @p1 s4  }
0x1a3: {  	[sflag:s9] =	ssyncpa.u1 $0x0;
	s7 =	smov.u32 @p2 s3;
	s8 =	smov.u32 @p2 s4  }
.LBB3_32:
0x1a4: {  	p1 =	sgt.u32 s12, $0x27FF0  }
0x1a5: {  	p2 =	seq.s32 @!p1 s12, s8  }
0x1a6: {  	p1 =	por p1, p2  }
0x1a7: {  	p2 =	sne.s32 @!p1 s12, s7  }
0x1a8: {  	p1 =	por p1, !p2  }
0x1a9: {  	s0 =	sshll.u32 @p1 s11, $0x9  }
0x1aa: {  	s0 =	sand.u32 @!p1 $0x3FFF8, s12  }
0x1ab: {  	s2 =	sand.u32 @!p1 $0x7, s12;
	s0 =	sadd.s32 @!p1 s1, s0  }
0x1ac: {  	[tilespmem:s10], [sflag:$0x6] =	stream.linear.gather @!p1 [hbm4b:s0+s2], $0x80, $0x38;
	[tilespmem:$0x1F6F8] =	vst v63  }
0x1ad: {  	_ =	swait.ge @!p1 [sflag:s9], $0x80  }
0x1ae: {  	[sflag:s9] =	ssyncset.done @!p1 $0x0  }
0x1af: {  	[sflag:s9] =	ssyncadd.s32 @!p1 $0xFFFFFF80  }
0x1b0: {  	v1 =	vld @!p1 [tilespmem:$0xF188];
	_ =	sdelay $0x2  }
0x1b1: {  	s0 =	sshll.u32 @!p1 s11, $0x9  }
0x1b2: {  	s2 =	sshrl.u32 @!p1 s0, $0x2  }
0x1b3: {  	[tilespmem:s2+$0xF238] =	vst.add.f32.msk @!p1 $0xffff, v1  }
0x1b4: {  	v1 =	vld @!p1 [tilespmem:$0xF198];
	_ =	sdelay $0x4  }
0x1b5: {  	[tilespmem:s2+$0xF248] =	vst.add.f32.msk @!p1 $0xffff, v1  }
0x1b6: {  	v1 =	vld @!p1 [tilespmem:$0xF1A8];
	_ =	sdelay $0x4  }
0x1b7: {  	[tilespmem:s2+$0xF258] =	vst.add.f32.msk @!p1 $0xffff, v1  }
0x1b8: {  	v1 =	vld @!p1 [tilespmem:$0xF1B8];
	_ =	sdelay $0x4  }
0x1b9: {  	[tilespmem:s2+$0xF268] =	vst.add.f32.msk @!p1 $0xffff, v1  }
0x1ba: {  	v1 =	vld @!p1 [tilespmem:$0xF1C8];
	_ =	sdelay $0x4  }
0x1bb: {  	[tilespmem:s2+$0xF278] =	vst.add.f32.msk @!p1 $0xffff, v1  }
0x1bc: {  	v1 =	vld @!p1 [tilespmem:$0xF1D8];
	_ =	sdelay $0x4  }
0x1bd: {  	[tilespmem:s2+$0xF288] =	vst.add.f32.msk @!p1 $0xffff, v1  }
0x1be: {  	v1 =	vld @!p1 [tilespmem:$0xF1E8];
	_ =	sdelay $0x4  }
0x1bf: {  	[tilespmem:s2+$0xF298] =	vst.add.f32.msk @!p1 $0xffff, v1  }
0x1c0: {  	v1 =	vld @!p1 [tilespmem:$0xF1F8];
	_ =	sdelay $0x4  }
0x1c1: {  	[tilespmem:s2+$0xF2A8] =	vst.add.f32.msk @!p1 $0xffff, v1  }
0x1c2: {  	s0 =	sshrl.u32 s0, $0x2;
	[tilespmem:s6+$0xF218] =	vst.msk $0x1, v0  }
0x1c3: {  	v0 =	vld [tilespmem:s0+$0xF238];
	_ =	sdelay $0x2  }
0x1c4: {  	s31 =	sshll.u32 s6, $0x9  }
0x1c5: {  	s2 =	sshra.s32 s31, $0x2  }
0x1c6: {  	[tilespmem:s2+$0xF238] =	vst v0  }
0x1c7: {  	v0 =	vld [tilespmem:s0+$0xF248];
	_ =	sdelay $0x4  }
0x1c8: {  	[tilespmem:s2+$0xF248] =	vst v0  }
0x1c9: {  	v0 =	vld [tilespmem:s0+$0xF258];
	_ =	sdelay $0x4  }
0x1ca: {  	[tilespmem:s2+$0xF258] =	vst v0  }
0x1cb: {  	v0 =	vld [tilespmem:s0+$0xF268];
	_ =	sdelay $0x4  }
0x1cc: {  	[tilespmem:s2+$0xF268] =	vst v0  }
0x1cd: {  	v0 =	vld [tilespmem:s0+$0xF278];
	_ =	sdelay $0x4  }
0x1ce: {  	[tilespmem:s2+$0xF278] =	vst v0  }
0x1cf: {  	v0 =	vld [tilespmem:s0+$0xF288];
	_ =	sdelay $0x4  }
0x1d0: {  	[tilespmem:s2+$0xF288] =	vst v0  }
0x1d1: {  	v0 =	vld [tilespmem:s0+$0xF298];
	_ =	sdelay $0x4  }
0x1d2: {  	[tilespmem:s2+$0xF298] =	vst v0  }
0x1d3: {  	v0 =	vld [tilespmem:s0+$0xF2A8];
	_ =	sdelay $0x4  }
0x1d4: {  	s6 =	sadd.s32 $0x1, s6;
	[tilespmem:s2+$0xF2A8] =	vst v0  }
.LBB3_33:
0x1d5: {  	s11 =	sadd.s32 $0x1, s11  }
0x1d6: {  	p1 =	sne.s32 s11, $0x20  }
.Ltmp25:
0x1d7: {  	_ = 	snop;
	(pc) =	sbr.rel @!p1 .LBB3_34-.Ltmp25, $1  }
0x1d8: {  	_ =	sdelay $0x3  }
.LBB3_26:
0x1d9: {  	v0 =	vld.msk [tilespmem:s11+$0xF218], $0x1;
	_ =	sdelay $0x4  }
0x1da: {  	(v2sf) =	vpush v0, $0x0;
	_ =	sdelay $0xe  }
0x1db: {  	s12 =	spop (v2sf)  }
0x1dc: {  	p1 =	seq.s32 s12, $0xFFFFFFFF  }
.Ltmp26:
0x1dd: {  	_ = 	snop;
	(pc) =	sbr.rel @p1 .LBB3_33-.Ltmp26, $1  }
0x1de: {  	_ =	sdelay $0x3  }
0x1df: {  	p1 =	slt.s32 s6, $0x1  }
.Ltmp27:
0x1e0: {  	_ = 	snop;
	(pc) =	sbr.rel @p1 .LBB3_32-.Ltmp27, $1  }
0x1e1: {  	_ =	sdelay $0x3  }
0x1e2: {  	s13 =	simm.s32 $0xF218;
	p1 =	por $0x0, $0x0  }
0x1e3: {  	v1 =	vld.msk @!p1 [tilespmem:s13+$0x0], $0x1;
	_ =	sdelay $0x4  }
0x1e4: {  	(v2sf) =	vpush @!p1 v1, $0x0;
	_ =	sdelay $0xd  }
0x1e5: {  	p3 =	sne.s32 s6, $0x1  }
.Ltmp28:
0x1e6: {  	s0 =	spop @!p1 (v2sf);
	(pc) =	sbr.rel @!p3 .LBB3_30-.Ltmp28, $4  }
0x1e7: {  	p2 =	seq.s32 @!p1 s12, s0  }
0x1e8: {  	s14 =	simm.s32 $0x0;
	p2 =	por !p2, p1  }
0x1e9: {  	s2 =	simm.s32 $0xFFFFFFFF;
	s14 =	simm.s32 @p2 $0xFFFFFFFF  }
0x1ea: {  	s0 =	simm.s32 $0x1;
	s14 =	smov.u32 @p1 s2  }
.LBB3_29:
0x1eb: {  	s2 =	smov.u32 s14;
	p1 =	sne.s32 s14, $0xFFFFFFFF  }
0x1ec: {  	s13 =	sadd.s32 $0x1, s13;
	s14 =	smov.u32 s0;
	s0 =	sadd.s32 $0x1, s0  }
0x1ed: {  	p2 =	sne.s32 s6, s0;
	v1 =	vld.msk @!p1 [tilespmem:s13+$0x0], $0x1;
	_ =	sdelay $0x4  }
0x1ee: {  	(v2sf) =	vpush @!p1 v1, $0x0;
	_ =	sdelay $0xe  }
.Ltmp29:
0x1ef: {  	s3 =	spop @!p1 (v2sf);
	(pc) =	sbr.rel @p2 .LBB3_29-.Ltmp29, $4  }
0x1f0: {  	p3 =	seq.s32 @!p1 s12, s3  }
0x1f1: {  	p3 =	por !p3, p1  }
0x1f2: {  	s14 =	simm.s32 @p3 $0xFFFFFFFF  }
0x1f3: {  	s14 =	smov.u32 @p1 s2  }
.LBB3_30:
0x1f4: {  	p1 =	seq.s32 s14, $0xFFFFFFFF  }
.Ltmp30:
0x1f5: {  	_ = 	snop;
	(pc) =	sbr.rel @p1 .LBB3_32-.Ltmp30, $1  }
0x1f6: {  	_ =	sdelay $0x3  }
0x1f7: {  	s0 =	sshll.u32 s11, $0x7  }
0x1f8: {  	s0 =	sand.u32 $0x3FFFFF80, s0  }
0x1f9: {  	v0 =	vld [tilespmem:s0+$0xF238];
	_ =	sdelay $0x2  }
0x1fa: {  	s2 =	sshll.u32 s14, $0x9  }
0x1fb: {  	s2 =	sshra.s32 s2, $0x2  }
0x1fc: {  	[tilespmem:s2+$0xF238] =	vst.add.f32.msk $0xffff, v0  }
0x1fd: {  	v0 =	vld [tilespmem:s0+$0xF248];
	_ =	sdelay $0x4  }
0x1fe: {  	[tilespmem:s2+$0xF248] =	vst.add.f32.msk $0xffff, v0  }
0x1ff: {  	v0 =	vld [tilespmem:s0+$0xF258];
	_ =	sdelay $0x4  }
0x200: {  	[tilespmem:s2+$0xF258] =	vst.add.f32.msk $0xffff, v0  }
0x201: {  	v0 =	vld [tilespmem:s0+$0xF268];
	_ =	sdelay $0x4  }
0x202: {  	[tilespmem:s2+$0xF268] =	vst.add.f32.msk $0xffff, v0  }
0x203: {  	v0 =	vld [tilespmem:s0+$0xF278];
	_ =	sdelay $0x4  }
0x204: {  	[tilespmem:s2+$0xF278] =	vst.add.f32.msk $0xffff, v0  }
0x205: {  	v0 =	vld [tilespmem:s0+$0xF288];
	_ =	sdelay $0x4  }
0x206: {  	[tilespmem:s2+$0xF288] =	vst.add.f32.msk $0xffff, v0  }
0x207: {  	v0 =	vld [tilespmem:s0+$0xF298];
	_ =	sdelay $0x4  }
0x208: {  	[tilespmem:s2+$0xF298] =	vst.add.f32.msk $0xffff, v0  }
0x209: {  	v0 =	vld [tilespmem:s0+$0xF2A8]  }
.Ltmp31:
0x20a: {  	_ = 	snop;
	(pc) =	sbr.rel .LBB3_33-.Ltmp31, $2  }
0x20b: {  	_ =	sdelay $0x2  }
0x20c: {  	[tilespmem:s2+$0xF2A8] =	vst.add.f32.msk $0xffff, v0  }
.LBB3_34:
0x20d: {  	s0 =	simm.s32 $0x6;
	p1 =	seq.s32 s6, $0x0  }
0x20e: {  	[sflag:s0] =	ssyncpa.u1 $0x1;
	v0 =	vimm.s32 @p1 $0xFFFFFFFF  }
0x20f: {  	s9 =	sadd.s32 $0xFFFFFFFF, s6;
	[tilespmem:$0x10238] =	vst @p1 v0  }
0x210: {  	v0 =	vld.msk @!p1 [tilespmem:s9+$0xF218], $0x1;
	_ =	sdelay $0x1  }
0x211: {  	v1 =	vld.msk @!p1 [tilespmem:$0xF218], $0x1;
	_ =	sdelay $0x2  }
0x212: {  	p2 =	seq.s32 @!p1 s9, $0x0;
	v0 =	vbroadcast @!p1 v0, $0x0  }
0x213: {  	vm0 =	vmmov @!p1 $0x1;
	p2 =	por !p2, p1  }
0x214: {  	v1 =	vnsel @!p1 vm0, $0xFFFFFFFF, v1;
	vm0 =	vcmask @!p1 $0x308;
	v0 =	vpsel !p2, $0xFFFFFFFF, v0  }
0x215: {  	p2 =	sne.s32 @!p1 s8, s7;
	v0 =	vsel @!p1 vm0, v1, v0  }
0x216: {  	s0 =	simm.s32 @!p1 $0xF238;
	s2 =	simm.s32 @!p1 $0x0;
	p3 =	por !p2, p1;
	[tilespmem:$0x10238] =	vst @!p1 v0  }
0x217: {  	[spmem:s2] =	stream.linear.scatter @!p1 [tilespmem:s0], [sflag:$0x1], $0x80, $0x38;
	[tilespmem:$0x1F6F8] =	vst v63  }
0x218: {  	s0 =	sshll.u32 @!p3 s9, $0x9  }
0x219: {  	s0 =	sshra.s32 @!p3 s0, $0x2  }
0x21a: {  	s2 =	simm.s32 @!p3 $0x80;
	s0 =	sadd.s32 @!p3 $0xF238, s0  }
0x21b: {  	[spmem:s2] =	stream.linear.scatter @!p3 [tilespmem:s0], [sflag:$0x1], $0x80, $0x38;
	[tilespmem:$0x1F6F8] =	vst v63  }
0x21c: {  	s0 =	simm.s32 @!p3 $0x1  }
0x21d: {  	_ =	swait.ge @!p3 [sflag:s0], $0x100  }
0x21e: {  	p1 =	por p2, p1;
	[sflag:s0] =	ssyncset.done @!p3 $0x0  }
0x21f: {  	[sflag:s0] =	ssyncadd.s32 @!p3 $0xFFFFFF00;
	s0 =	simm.s32 @!p1 $0x1  }
0x220: {  	_ =	swait.ge @!p1 [sflag:s0], $0x80  }
0x221: {  	s29 =	simm.s32 $0x10238;
	[sflag:s0] =	ssyncset.done @!p1 $0x0  }
0x222: {  	s30 =	simm.s32 $0x1000;
	s31 =	simm.s32 $0x1;
	[sflag:s0] =	ssyncadd.s32 @!p1 $0xFFFFFF80  }
0x223: {  	[spmem:s30] =	stream.linear.scatter [tilespmem:s29], [sflag:$0x1], $0x10, $0x38;
	[tilespmem:$0x1F6F8] =	vst v63  }
0x224: {  	_ =	swait.ge [sflag:s31], $0x10  }
0x225: {  	[sflag:s31] =	ssyncset.done $0x0  }
0x226: {  	p1 =	seq.s32 s15, $0x0;
	s8 =	rddreg [dreg:$0x1];
	[sflag:s31] =	ssyncadd.s32 $0xFFFFFFF0  }
0x227: {  	s2 =	sshll.u32 @p1 s8, $0xE;
	s7 =	rddreg [dreg:$0x2]  }
0x228: {  	s0 =	sadd.s32 @p1 $0x15C3C, s2;
	s2 =	sshll.u32 @p1 s7, $0x11  }
0x229: {  	_ =	sfence.stream.spmem;
	s0 =	sor.u32 @p1 s2, s0  }
0x22a: {  	[sflag:s0] =	ssyncadd.remote.s32 @p1 $0x1;
	s0 =	simm.s32 @p1 $0x4  }
0x22b: {  	s3 =	simm.s32 @!p1 $0x3C;
	s2 =	sand.u32 $0xFFFFFFFE, s8;
	_ =	swait.ge @p1 [sflag:s0], $0x22  }
0x22c: {  	s4 =	simm.s32 @!p1 $0x0;
	s2 =	sadd.s32 @!p1 $0x4, s2;
	[sflag:s0] =	ssyncset.done @p1 $0x0  }
0x22d: {  	s5 =	simm.s32 @!p1 $0x100;
	[sflag:s0] =	ssyncadd.s32 @p1 $0xFFFFFFDE;
	s0 =	sshll.u32 @!p1 s2, $0x1A  }
0x22e: {  	s2 =	sshll.u32 @!p1 s2, $0xD;
	s0 =	sor.u32 @!p1 s0, s7;
	_ =	swait.eq @!p1 [sflag:s3], $0x1  }
0x22f: {  	s2 =	sor.u32 @!p1 $0x1C04, s2;
	s3 =	simm.s32 @!p1 $0x1C03;
	s0 =	sor.u32 @!p1 $0x80004000, s0  }
0x230: {  	[spmem:s5], [sflag:s2] =	dma.general @!p1 [spmem:s4], [sflag:s3], length:$0x20, [dreg:$0x0], stride_count:$0x0, ici_dest:s0, dma_misc:DstOpCode:WRITE  }
0x231: {  	p2 =	slt.s32 s9, $0x2;
	s4 =	simm.s32 @!p1 $0x200;
	s5 =	simm.s32 @!p1 $0x202  }
0x232: {  	[spmem:s5], [sflag:s2] =	dma.general @!p1 [spmem:s4], [sflag:s3], length:$0x2, [dreg:$0x0], stride_count:$0x0, ici_dest:s0, dma_misc:DstOpCode:WRITE  }
.Ltmp32:
0x233: {  	s0 =	simm.s32 @!p1 $0x3;
	(pc) =	sbr.rel @p2 .LBB3_38-.Ltmp32, $4  }
0x234: {  	s2 =	sshll.u32 @!p1 s8, $0xE;
	_ =	swait.ge @!p1 [sflag:s0], $0x22  }
0x235: {  	s3 =	sshll.u32 @!p1 s7, $0x11;
	s2 =	sadd.s32 @!p1 $0x11C3C, s2;
	[sflag:s0] =	ssyncset.done @!p1 $0x0  }
0x236: {  	[sflag:s0] =	ssyncadd.s32 @!p1 $0xFFFFFFDE;
	s0 =	sor.u32 @!p1 s3, s2  }
0x237: {  	[sflag:s0] =	ssyncadd.remote.s32 @!p1 $0xFFFFFFFF;
	s0 =	simm.s32 $0x0  }
0x238: {  	s0 =	simm.s32 $0xF219  }
0x239: {  	v0 =	vld.msk [tilespmem:s0+$0x0], $0x1;
	_ =	sdelay $0x4  }
0x23a: {  	(v2sf) =	vpush v0, $0x0;
	_ =	sdelay $0xb  }
0x23b: {  	s31 =	sadd.s32 $0xFFFFFFFE, s6  }
0x23c: {  	s0 =	sadd.s32 $0xFFFFFFFF, s31  }
0x23d: {  	p2 =	sne.s32 s0, $0x0  }
.Ltmp33:
0x23e: {  	s2 =	spop (v2sf);
	(pc) =	sbr.rel @!p2 .LBB3_37-.Ltmp33, $4  }
0x23f: {  	s4 =	simm.s32 $0xF2B8;
	s7 =	simm.s32 $0x0;
	p1 =	sgt.u32 s2, $0x27FF0  }
0x240: {  	s5 =	simm.s32 $0x0;
	s6 =	simm.s32 $0xF21A;
	s3 =	sand.u32 @!p1 $0x3FFF8, s2  }
0x241: {  	s2 =	sand.u32 @!p1 $0x7, s2;
	s7 =	simm.s32 @!p1 $0x200;
	s3 =	sadd.s32 @!p1 s1, s3  }
0x242: {  	[hbm4b:s3+s2] =	stream.linear.scatter @!p1 [tilespmem:s4], [sflag:$0x5], $0x80, $0x38;
	[tilespmem:$0x1F6F8] =	vst v63  }
.LBB3_36:
0x243: {  	v0 =	vld.msk [tilespmem:s6+$0x0], $0x1;
	s0 =	sadd.s32 $0xFFFFFFFF, s0;
	s5 =	sadd.s32 s5, s7  }
0x244: {  	p1 =	sne.s32 s0, $0x0;
	_ =	sdelay $0x3  }
0x245: {  	(v2sf) =	vpush v0, $0x0;
	_ =	sdelay $0xe  }
.Ltmp34:
0x246: {  	s2 =	spop (v2sf);
	(pc) =	sbr.rel @p1 .LBB3_36-.Ltmp34, $4  }
0x247: {  	s7 =	simm.s32 $0x0;
	p2 =	sgt.u32 s2, $0x27FF0  }
0x248: {  	s4 =	sadd.s32 $0x80, s4;
	s7 =	simm.s32 @!p2 $0x200;
	s3 =	sand.u32 @!p2 $0x3FFF8, s2  }
0x249: {  	s6 =	sadd.s32 $0x1, s6;
	s2 =	sand.u32 @!p2 $0x7, s2;
	s3 =	sadd.s32 @!p2 s1, s3  }
0x24a: {  	[hbm4b:s3+s2] =	stream.linear.scatter @!p2 [tilespmem:s4], [sflag:$0x5], $0x80, $0x38;
	[tilespmem:$0x1F6F8] =	vst v63  }
.LBB3_37:
0x24b: {  	s0 =	sadd.s32 s5, s7  }
0x24c: {  	s0 =	sshrl.u32 s0, $0x2  }
.LBB3_38:
0x24d: {  	s2 =	simm.s32 $0x5  }
0x24e: {  	_ =	swait.ge [sflag:s2], s0  }
0x24f: {  	s31 =	ssub.s32 $0x0, s0;
	[sflag:s2] =	ssyncset.done $0x0  }
0x250: {  	[sflag:s2] =	ssyncadd.s32 s31  }
0x251: {  	[sflag:s2] =	ssyncpa.u1 $0x1  }
.LBB3_39:
0x252: {  	s0 =	sor.u32 s15, s16  }
0x253: {  	p1 =	sne.s32 s0, $0x0  }
.Ltmp35:
0x254: {  	_ = 	snop;
	(pc) =	sbr.rel @p1 .LBB3_54-.Ltmp35, $3  }
0x255: {  	_ =	sdelay $0x1  }
0x256: {  	[bflag:$0x0] =	sbarrier.arrive $0xFFFF  }
0x257: {  	_ =	sfence  }
0x258: {  	s0 =	simm.s32 $0x7  }
0x259: {  	s2 =	simm.s32 $0x1000;
	s3 =	simm.s32 $0xF218;
	[sflag:s0] =	ssyncpa.u1 $0x0  }
0x25a: {  	[tilespmem:s3], [sflag:$0x7] =	stream.linear.gather [spmem:s2], $0x20, $0x38;
	[tilespmem:$0x1F6F8] =	vst v63  }
0x25b: {  	s30 =	simm.s32 $0xF238;
	s2 =	simm.s32 $0x0  }
0x25c: {  	[tilespmem:s30], [sflag:$0x7] =	stream.linear.gather [spmem:s2], $0x1000, $0x38;
	[tilespmem:$0x1F6F8] =	vst v63  }
.Ltmp36:
0x25d: {  	_ = 	snop;
	(pc) =	sbr.rel .LBB3_41-.Ltmp36, $4  }
0x25e: {  	_ =	swait.ge [sflag:s0], $0x1020  }
0x25f: {  	[sflag:s0] =	ssyncset.done $0x0  }
0x260: {  	s31 =	simm.s32 $0x8;
	[sflag:s0] =	ssyncadd.s32 $0xFFFFEFE0  }
0x261: {  	s3 =	simm.s32 $0x0;
	[sflag:s31] =	ssyncpa.u1 $0x0  }
.LBB3_47:
0x262: {  	p1 =	slt.u32 s4, $0x27FF1  }
0x263: {  	s0 =	sand.u32 @p1 $0x3FFF8, s4  }
0x264: {  	s4 =	sand.u32 @p1 $0x7, s4;
	s5 =	simm.s32 @p1 $0xF188;
	s0 =	sadd.s32 @p1 s1, s0  }
0x265: {  	[tilespmem:s5], [sflag:$0x8] =	stream.linear.gather @p1 [hbm4b:s0+s4], $0x80, $0x38;
	[tilespmem:$0x1F6F8] =	vst v63  }
0x266: {  	s0 =	simm.s32 @p1 $0x8  }
0x267: {  	_ =	swait.ge @p1 [sflag:s0], $0x80  }
0x268: {  	[sflag:s0] =	ssyncset.done @p1 $0x0  }
0x269: {  	[sflag:s0] =	ssyncadd.s32 @p1 $0xFFFFFF80  }
0x26a: {  	v1 =	vld @p1 [tilespmem:$0xF188];
	_ =	sdelay $0x2  }
0x26b: {  	s0 =	sshll.u32 @p1 s3, $0x9  }
0x26c: {  	s4 =	sshrl.u32 @p1 s0, $0x2  }
0x26d: {  	[tilespmem:s4+$0xF238] =	vst.add.f32.msk @p1 $0xffff, v1  }
0x26e: {  	v1 =	vld @p1 [tilespmem:$0xF198];
	_ =	sdelay $0x4  }
0x26f: {  	[tilespmem:s4+$0xF248] =	vst.add.f32.msk @p1 $0xffff, v1  }
0x270: {  	v1 =	vld @p1 [tilespmem:$0xF1A8];
	_ =	sdelay $0x4  }
0x271: {  	[tilespmem:s4+$0xF258] =	vst.add.f32.msk @p1 $0xffff, v1  }
0x272: {  	v1 =	vld @p1 [tilespmem:$0xF1B8];
	_ =	sdelay $0x4  }
0x273: {  	[tilespmem:s4+$0xF268] =	vst.add.f32.msk @p1 $0xffff, v1  }
0x274: {  	v1 =	vld @p1 [tilespmem:$0xF1C8];
	_ =	sdelay $0x4  }
0x275: {  	[tilespmem:s4+$0xF278] =	vst.add.f32.msk @p1 $0xffff, v1  }
0x276: {  	v1 =	vld @p1 [tilespmem:$0xF1D8];
	_ =	sdelay $0x4  }
0x277: {  	[tilespmem:s4+$0xF288] =	vst.add.f32.msk @p1 $0xffff, v1  }
0x278: {  	v1 =	vld @p1 [tilespmem:$0xF1E8];
	_ =	sdelay $0x4  }
0x279: {  	[tilespmem:s4+$0xF298] =	vst.add.f32.msk @p1 $0xffff, v1  }
0x27a: {  	v1 =	vld @p1 [tilespmem:$0xF1F8];
	_ =	sdelay $0x3  }
0x27b: {  	s5 =	sshll.u32 @!p1 s3, $0x9  }
0x27c: {  	s5 =	smov.u32 @p1 s0;
	[tilespmem:s4+$0xF2A8] =	vst.add.f32.msk @p1 $0xffff, v1  }
0x27d: {  	s0 =	sshrl.u32 s5, $0x2;
	[tilespmem:s2+$0xF218] =	vst.msk $0x1, v0  }
0x27e: {  	v0 =	vld [tilespmem:s0+$0xF238];
	_ =	sdelay $0x2  }
0x27f: {  	s31 =	sshll.u32 s2, $0x9  }
0x280: {  	s4 =	sshra.s32 s31, $0x2  }
0x281: {  	[tilespmem:s4+$0xF238] =	vst v0  }
0x282: {  	v0 =	vld [tilespmem:s0+$0xF248];
	_ =	sdelay $0x4  }
0x283: {  	[tilespmem:s4+$0xF248] =	vst v0  }
0x284: {  	v0 =	vld [tilespmem:s0+$0xF258];
	_ =	sdelay $0x4  }
0x285: {  	[tilespmem:s4+$0xF258] =	vst v0  }
0x286: {  	v0 =	vld [tilespmem:s0+$0xF268];
	_ =	sdelay $0x4  }
0x287: {  	[tilespmem:s4+$0xF268] =	vst v0  }
0x288: {  	v0 =	vld [tilespmem:s0+$0xF278];
	_ =	sdelay $0x4  }
0x289: {  	[tilespmem:s4+$0xF278] =	vst v0  }
0x28a: {  	v0 =	vld [tilespmem:s0+$0xF288];
	_ =	sdelay $0x4  }
0x28b: {  	[tilespmem:s4+$0xF288] =	vst v0  }
0x28c: {  	v0 =	vld [tilespmem:s0+$0xF298];
	_ =	sdelay $0x4  }
0x28d: {  	[tilespmem:s4+$0xF298] =	vst v0  }
0x28e: {  	v0 =	vld [tilespmem:s0+$0xF2A8];
	_ =	sdelay $0x4  }
0x28f: {  	s2 =	sadd.s32 $0x1, s2;
	[tilespmem:s4+$0xF2A8] =	vst v0  }
.LBB3_48:
0x290: {  	s3 =	sadd.s32 $0x1, s3  }
0x291: {  	p1 =	sne.s32 s3, $0x20  }
.Ltmp37:
0x292: {  	_ = 	snop;
	(pc) =	sbr.rel @!p1 .LBB3_49-.Ltmp37, $1  }
0x293: {  	_ =	sdelay $0x3  }
.LBB3_41:
0x294: {  	v0 =	vld.msk [tilespmem:s3+$0xF218], $0x1;
	_ =	sdelay $0x4  }
0x295: {  	(v2sf) =	vpush v0, $0x0;
	_ =	sdelay $0xe  }
0x296: {  	s4 =	spop (v2sf)  }
0x297: {  	p1 =	seq.s32 s4, $0xFFFFFFFF  }
.Ltmp38:
0x298: {  	_ = 	snop;
	(pc) =	sbr.rel @p1 .LBB3_48-.Ltmp38, $1  }
0x299: {  	_ =	sdelay $0x3  }
0x29a: {  	p1 =	slt.s32 s2, $0x1  }
.Ltmp39:
0x29b: {  	_ = 	snop;
	(pc) =	sbr.rel @p1 .LBB3_47-.Ltmp39, $1  }
0x29c: {  	_ =	sdelay $0x3  }
0x29d: {  	s5 =	simm.s32 $0xF218;
	p1 =	por $0x0, $0x0  }
0x29e: {  	v1 =	vld.msk @!p1 [tilespmem:s5+$0x0], $0x1;
	_ =	sdelay $0x4  }
0x29f: {  	(v2sf) =	vpush @!p1 v1, $0x0;
	_ =	sdelay $0xd  }
0x2a0: {  	p3 =	sne.s32 s2, $0x1  }
.Ltmp40:
0x2a1: {  	s0 =	spop @!p1 (v2sf);
	(pc) =	sbr.rel @!p3 .LBB3_45-.Ltmp40, $4  }
0x2a2: {  	p2 =	seq.s32 @!p1 s4, s0  }
0x2a3: {  	s6 =	simm.s32 $0x0;
	p2 =	por !p2, p1  }
0x2a4: {  	s7 =	simm.s32 $0xFFFFFFFF;
	s6 =	simm.s32 @p2 $0xFFFFFFFF  }
0x2a5: {  	s0 =	simm.s32 $0x1;
	s6 =	smov.u32 @p1 s7  }
.LBB3_44:
0x2a6: {  	s7 =	smov.u32 s6;
	p1 =	sne.s32 s6, $0xFFFFFFFF  }
0x2a7: {  	s5 =	sadd.s32 $0x1, s5;
	s6 =	smov.u32 s0;
	s0 =	sadd.s32 $0x1, s0  }
0x2a8: {  	p2 =	sne.s32 s2, s0;
	v1 =	vld.msk @!p1 [tilespmem:s5+$0x0], $0x1;
	_ =	sdelay $0x4  }
0x2a9: {  	(v2sf) =	vpush @!p1 v1, $0x0;
	_ =	sdelay $0xe  }
.Ltmp41:
0x2aa: {  	s8 =	spop @!p1 (v2sf);
	(pc) =	sbr.rel @p2 .LBB3_44-.Ltmp41, $4  }
0x2ab: {  	p3 =	seq.s32 @!p1 s4, s8  }
0x2ac: {  	p3 =	por !p3, p1  }
0x2ad: {  	s6 =	simm.s32 @p3 $0xFFFFFFFF  }
0x2ae: {  	s6 =	smov.u32 @p1 s7  }
.LBB3_45:
0x2af: {  	p1 =	seq.s32 s6, $0xFFFFFFFF  }
.Ltmp42:
0x2b0: {  	_ = 	snop;
	(pc) =	sbr.rel @p1 .LBB3_47-.Ltmp42, $1  }
0x2b1: {  	_ =	sdelay $0x3  }
0x2b2: {  	s0 =	sshll.u32 s3, $0x7  }
0x2b3: {  	s0 =	sand.u32 $0x3FFFFF80, s0  }
0x2b4: {  	v0 =	vld [tilespmem:s0+$0xF238];
	_ =	sdelay $0x2  }
0x2b5: {  	s4 =	sshll.u32 s6, $0x9  }
0x2b6: {  	s4 =	sshra.s32 s4, $0x2  }
0x2b7: {  	[tilespmem:s4+$0xF238] =	vst.add.f32.msk $0xffff, v0  }
0x2b8: {  	v0 =	vld [tilespmem:s0+$0xF248];
	_ =	sdelay $0x4  }
0x2b9: {  	[tilespmem:s4+$0xF248] =	vst.add.f32.msk $0xffff, v0  }
0x2ba: {  	v0 =	vld [tilespmem:s0+$0xF258];
	_ =	sdelay $0x4  }
0x2bb: {  	[tilespmem:s4+$0xF258] =	vst.add.f32.msk $0xffff, v0  }
0x2bc: {  	v0 =	vld [tilespmem:s0+$0xF268];
	_ =	sdelay $0x4  }
0x2bd: {  	[tilespmem:s4+$0xF268] =	vst.add.f32.msk $0xffff, v0  }
0x2be: {  	v0 =	vld [tilespmem:s0+$0xF278];
	_ =	sdelay $0x4  }
0x2bf: {  	[tilespmem:s4+$0xF278] =	vst.add.f32.msk $0xffff, v0  }
0x2c0: {  	v0 =	vld [tilespmem:s0+$0xF288];
	_ =	sdelay $0x4  }
0x2c1: {  	[tilespmem:s4+$0xF288] =	vst.add.f32.msk $0xffff, v0  }
0x2c2: {  	v0 =	vld [tilespmem:s0+$0xF298];
	_ =	sdelay $0x4  }
0x2c3: {  	[tilespmem:s4+$0xF298] =	vst.add.f32.msk $0xffff, v0  }
0x2c4: {  	v0 =	vld [tilespmem:s0+$0xF2A8]  }
.Ltmp43:
0x2c5: {  	_ = 	snop;
	(pc) =	sbr.rel .LBB3_48-.Ltmp43, $2  }
0x2c6: {  	_ =	sdelay $0x2  }
0x2c7: {  	[tilespmem:s4+$0xF2A8] =	vst.add.f32.msk $0xffff, v0  }
.LBB3_49:
0x2c8: {  	p1 =	slt.s32 s2, $0x1  }
.Ltmp44:
0x2c9: {  	_ = 	snop;
	(pc) =	sbr.rel @p1 .LBB3_53-.Ltmp44, $3  }
0x2ca: {  	_ =	sdelay $0x1  }
0x2cb: {  	s0 =	simm.s32 $0x8  }
0x2cc: {  	s3 =	simm.s32 $0x0;
	[sflag:s0] =	ssyncpa.u1 $0x1  }
0x2cd: {  	s0 =	simm.s32 $0xF218  }
0x2ce: {  	v0 =	vld.msk [tilespmem:s0+$0x0], $0x1;
	_ =	sdelay $0x4  }
0x2cf: {  	(v2sf) =	vpush v0, $0x0;
	_ =	sdelay $0xe  }
0x2d0: {  	s0 =	sadd.s32 $0xFFFFFFFF, s2;
	s5 =	spop (v2sf)  }
0x2d1: {  	p2 =	sne.s32 s0, $0x0;
	p1 =	sgt.u32 s5, $0x27FF0  }
.Ltmp45:
0x2d2: {  	s6 =	sand.u32 @!p1 $0x3FFF8, s5;
	(pc) =	sbr.rel @!p2 .LBB3_52-.Ltmp45, $4  }
0x2d3: {  	s4 =	simm.s32 $0xF238;
	s5 =	sand.u32 @!p1 $0x7, s5;
	s2 =	sadd.s32 @!p1 s1, s6  }
0x2d4: {  	[hbm4b:s2+s5] =	stream.linear.scatter @!p1 [tilespmem:s4], [sflag:$0x7], $0x80, $0x38;
	[tilespmem:$0x1F6F8] =	vst v63  }
0x2d5: {  	s5 =	simm.s32 $0x0  }
0x2d6: {  	s2 =	simm.s32 $0xF219;
	s5 =	simm.s32 @!p1 $0x200  }
.LBB3_51:
0x2d7: {  	v0 =	vld.msk [tilespmem:s2+$0x0], $0x1;
	s0 =	sadd.s32 $0xFFFFFFFF, s0;
	s3 =	sadd.s32 s3, s5  }
0x2d8: {  	p1 =	sne.s32 s0, $0x0;
	_ =	sdelay $0x3  }
0x2d9: {  	(v2sf) =	vpush v0, $0x0;
	_ =	sdelay $0xe  }
.Ltmp46:
0x2da: {  	s6 =	spop (v2sf);
	(pc) =	sbr.rel @p1 .LBB3_51-.Ltmp46, $4  }
0x2db: {  	s5 =	simm.s32 $0x0;
	p2 =	sgt.u32 s6, $0x27FF0  }
0x2dc: {  	s4 =	sadd.s32 $0x80, s4;
	s5 =	simm.s32 @!p2 $0x200;
	s7 =	sand.u32 @!p2 $0x3FFF8, s6  }
0x2dd: {  	s2 =	sadd.s32 $0x1, s2;
	s6 =	sand.u32 @!p2 $0x7, s6;
	s7 =	sadd.s32 @!p2 s1, s7  }
0x2de: {  	[hbm4b:s7+s6] =	stream.linear.scatter @!p2 [tilespmem:s4], [sflag:$0x7], $0x80, $0x38;
	[tilespmem:$0x1F6F8] =	vst v63  }
.LBB3_52:
0x2df: {  	s0 =	sadd.s32 s3, s5  }
0x2e0: {  	s3 =	sshrl.u32 s0, $0x2  }
.LBB3_53:
0x2e1: {  	s0 =	simm.s32 $0x7  }
0x2e2: {  	_ =	swait.ge [sflag:s0], s3  }
0x2e3: {  	s1 =	ssub.s32 $0x0, s3;
	[sflag:s0] =	ssyncset.done $0x0  }
0x2e4: {  	[sflag:s0] =	ssyncadd.s32 s1  }
0x2e5: {  	[sflag:s0] =	ssyncpa.u1 $0x1  }
.LBB3_54:
0x2e6: {  	_ =	sfence;
	s0 =	simm.s32 $0x1  }
0x2e7: {  	[sflag:s0] =	ssyncpa.u1 $0x1  }
0x2e8: {  	_ =	strace $0x90000061  }
0x2e9: {  	[bflag:$0x2] =	sbarrier.arrive $0xFFFF  }
0x2ea: {  	s0 =	rddreg [dreg:$0x3]  }
0x2eb: {  	s0 =	sadd.s32 @!p0 $0x100000, s0  }
0x2ec: {  	[sflag:s0] =	ssyncadd.tile.s32 @!p0 $0x1;
	_ =	shalt  }
.Lfunc_end3:
_tile_overlayer_lowered:
.L_overlay_start_3:
0x2ed: {  	(tag) =	ssettag $0x3  }
0x2ee: {  	s0 =	rddreg [dreg:$0x0];
	s2 =	stileid.u32  }
0x2ef: {  	s1 =	rddreg [dreg:$0x1];
	p0 =	sne.s32 s2, $0x0  }
0x2f0: {  	s3 =	rddreg [dreg:$0x2];
	[bflag:$0x3] =	sbarrier.arrive $0xFFFF;
	s2 =	simm.s32 @!p0 $0x1C01  }
0x2f1: {  	[timem:s3], [sflag:s2] =	dma.local @!p0 [hbm:s0], s1  }
0x2f2: {  	s0 =	simm.s32 @!p0 $0x1  }
0x2f3: {  	_ =	swait.ge @!p0 [sflag:s0], s1  }
0x2f4: {  	s1 =	ssub.s32 @!p0 $0x0, s1;
	[sflag:s0] =	ssyncset.done @!p0 $0x0  }
0x2f5: {  	[sflag:s0] =	ssyncadd.s32 @!p0 s1  }
0x2f6: {  	[bflag:$0x3] =	sbarrier.arrive $0xFFFF  }
0x2f7: {  	_ =	shalt  }

</sc_bundles>
